<compile_context>
chip_gen: v7x
topology: tpu7x:2x2x1
jax: 0.10.2.dev20260603
libtpu: 0.0.44.dev20260713+nightly
codegen_flags: <defaults>
</compile_context>

<pallas_src>
import functools

import jax
import jax.numpy as jnp
from jax import lax
from jax.experimental import pallas as pl
from jax.experimental.pallas import tpu as pltpu
from jax.experimental.pallas import tpu_sc as plsc

N = 50000
E = 800000
F0 = 100
FA = 104
NLAB = 19

NC = 2
NS = 16
C = 6400
NCHUNK = 8
NPAD = NCHUNK * C
EPT = 51200
EPAD = EPT * NS
EB = 2048
GB = 128
NEB = EPT // EB
NGB = EB // GB
STRIPE = C // NS


SBKT = 26
BKT = SBKT * EB
STG = 2560
KPC = NCHUNK // NC

_mesh = plsc.VectorSubcoreMesh(core_axis_name="c", subcore_axis_name="s")
_sc_params = pltpu.CompilerParams(use_tc_tiling_on_sc=False,
                                  needs_layout_passes=False)


def _partition_body(c, s, src_hbm, dst_hbm, bpack_hbm, bcnt_hbm,
                    ebs, ebd, stgs, cntbuf):
    e0 = s * EPT

    def eblk(b, carry):
        boff = e0 + b * EB
        pltpu.sync_copy(src_hbm.at[pl.ds(boff, EB)], ebs)
        pltpu.sync_copy(dst_hbm.at[pl.ds(boff, EB)], ebd)
        new = []
        for k in range(KPC):
            W, FB = carry[2 * k], carry[2 * k + 1]
            p = k * NC + c
            lo = p * C
            stg = stgs[k]

            def grp(j, w, stg=stg, lo=lo):
                sv = ebs[pl.ds(j * 16, 16)]
                dv = ebd[pl.ds(j * 16, 16)]
                ld = dv - lo
                m = (ld >= 0) & (ld < C)
                packed = sv * 8192 + jnp.where(m, ld, 0)
                _ = plsc.sort_key_val(m.astype(jnp.int32), packed,
                                      descending=True)
                stg[pl.ds(w, 16)] = _[1]
                return w + plsc.all_reduce_population_count(m)[0]

            W2 = lax.fori_loop(0, EB // 16, grp, W, unroll=4)
            nfull = W2 // GB

            def flush(rb, _, stg=stg, p=p, FB=FB):
                off = pl.multiple_of(rb * GB, GB)
                offh = pl.multiple_of((FB + rb) * GB, GB)
                pltpu.sync_copy(stg.at[pl.ds(off, GB)],
                                bpack_hbm.at[p, s, pl.ds(offh, GB)])
                return 0

            lax.fori_loop(0, nfull, flush, 0)
            base = pl.multiple_of(nfull * GB, GB)
            for j in range(GB // 16):
                stg[pl.ds(j * 16, 16)] = stg[pl.ds(base + j * 16, 16)]
            new += [W2 - base, FB + nfull]
        return tuple(new)

    carry = lax.fori_loop(0, NEB, eblk, (0, 0) * KPC)

    trash = jnp.full((16,), C, jnp.int32)
    for k in range(KPC):
        W, FB = carry[2 * k], carry[2 * k + 1]
        p = k * NC + c
        stg = stgs[k]
        for j in range(GB // 16 + 1):
            stg[pl.ds(W + j * 16, 16)] = trash
        tgt = (FB * GB + W + GB - 1) // GB
        nlast = tgt - FB

        def tflush(rb, _, stg=stg, p=p, FB=FB):
            off = pl.multiple_of(rb * GB, GB)
            offh = pl.multiple_of((FB + rb) * GB, GB)
            pltpu.sync_copy(stg.at[pl.ds(off, GB)],
                            bpack_hbm.at[p, s, pl.ds(offh, GB)])
            return 0

        lax.fori_loop(0, nlast, tflush, 0)
        cntbuf[...] = jnp.full((16,), 0, jnp.int32) + tgt
        pltpu.sync_copy(cntbuf.at[pl.ds(0, 8)], bcnt_hbm.at[p, s])


def _agg_body(c, s, x_hbm, bpack_hbm, bcnt_hbm, zeros_hbm, out_hbm,
              pbuf, idxs, idxd, rows, acc, cntv, gsem):

    def chunk(k, _):
        p = k * NC + c
        pltpu.sync_copy(bcnt_hbm.at[p, s], cntv.at[pl.ds(0, 8)])
        nblk = cntv[...][0]
        pltpu.sync_copy(zeros_hbm, acc.at[pl.ds(s * STRIPE, STRIPE)])
        plsc.subcore_barrier()

        def blk(b, _):
            @pl.when(lax.rem(b, 16) == 0)
            def _():
                pltpu.sync_copy(
                    bpack_hbm.at[p, s, pl.ds((b // 16) * EB, EB)], pbuf)
            off = lax.rem(b, 16) * GB

            def ug(j, _):
                v = pbuf[pl.ds(off + j * 16, 16)]
                idxs[pl.ds(j * 16, 16)] = v >> 13
                idxd[pl.ds(j * 16, 16)] = v & 8191
                return 0

            lax.fori_loop(0, GB // 16, ug, 0, unroll=8)
            pltpu.async_copy(x_hbm.at[idxs], rows, gsem).wait()
            pltpu.sync_copy(rows, acc.at[idxd], add=True)
            return 0

        lax.fori_loop(0, nblk, blk, 0)
        plsc.subcore_barrier()
        pltpu.sync_copy(
            acc.at[pl.ds(s * STRIPE, STRIPE)],
            out_hbm.at[pl.ds(p * C + s * STRIPE, STRIPE)])
        return 0

    lax.fori_loop(0, KPC, chunk, 0)


def _agg_scratch(F):
    return [
        pltpu.VMEM((EB,), jnp.int32),
        pltpu.VMEM((GB,), jnp.int32),
        pltpu.VMEM((GB,), jnp.int32),
        pltpu.VMEM((GB, F), jnp.float32),
        pltpu.VMEM_SHARED((C + 1, F), jnp.float32),
        pltpu.VMEM((16,), jnp.int32),
        pltpu.SemaphoreType.DMA,
    ]


_PART_SCRATCH = [
    pltpu.VMEM((EB,), jnp.int32),
    pltpu.VMEM((EB,), jnp.int32),
    pltpu.VMEM((STG,), jnp.int32),
    pltpu.VMEM((STG,), jnp.int32),
    pltpu.VMEM((STG,), jnp.int32),
    pltpu.VMEM((STG,), jnp.int32),
    pltpu.VMEM((16,), jnp.int32),
]


@functools.partial(
    pl.kernel,
    out_type=(jax.ShapeDtypeStruct((NCHUNK, NS, BKT), jnp.int32),
              jax.ShapeDtypeStruct((NCHUNK, NS, 8), jnp.int32),
              jax.ShapeDtypeStruct((NPAD, FA), jnp.float32)),
    mesh=_mesh,
    compiler_params=_sc_params,
    scratch_types=_PART_SCRATCH + _agg_scratch(FA),
)
def _part_agg1(src_hbm, dst_hbm, x_hbm, zeros_hbm,
               bpack_hbm, bcnt_hbm, out_hbm,
               ebs, ebd, stg0, stg1, stg2, stg3, cntbuf,
               pbuf, idxs, idxd, rows, acc, cntv, gsem):
    c = lax.axis_index("c")
    s = lax.axis_index("s")
    _partition_body(c, s, src_hbm, dst_hbm, bpack_hbm, bcnt_hbm,
                    ebs, ebd, (stg0, stg1, stg2, stg3), cntbuf)
    _agg_body(c, s, x_hbm, bpack_hbm, bcnt_hbm, zeros_hbm, out_hbm,
              pbuf, idxs, idxd, rows, acc, cntv, gsem)


def _make_agg(F):
    @functools.partial(
        pl.kernel,
        out_type=jax.ShapeDtypeStruct((NPAD, F), jnp.float32),
        mesh=_mesh,
        compiler_params=_sc_params,
        scratch_types=_agg_scratch(F),
    )
    def agg(x_hbm, bpack_hbm, bcnt_hbm, zeros_hbm, out_hbm,
            pbuf, idxs, idxd, rows, acc, cntv, gsem):
        c = lax.axis_index("c")
        s = lax.axis_index("s")
        _agg_body(c, s, x_hbm, bpack_hbm, bcnt_hbm, zeros_hbm, out_hbm,
                  pbuf, idxs, idxd, rows, acc, cntv, gsem)

    return agg


_agg = {F: _make_agg(F) for F in (128,)}



_RB = 400
_GRID = N // _RB


def _full(shape):
    return pl.BlockSpec(shape, lambda i: (0,) * len(shape))


def _rows(width):
    return pl.BlockSpec((_RB, width), lambda i: (i, 0))


def _clip_aug_body(x_ref, o_ref):
    xb = jnp.clip(x_ref[...], -0.4, 0.4)
    ones = jnp.ones((_RB, 1), jnp.float32)
    zeros = jnp.zeros((_RB, FA - F0 - 1), jnp.float32)
    o_ref[...] = jnp.concatenate([xb, ones, zeros], axis=1)


def _clip_aug(x):
    return pl.pallas_call(
        _clip_aug_body,
        grid=(_GRID,),
        in_specs=[_rows(F0)],
        out_specs=_rows(FA),
        out_shape=jax.ShapeDtypeStruct((N, FA), jnp.float32),
    )(x)


def _matT(a, w):
    return lax.dot_general(a, w, (((1,), (1,)), ((), ())),
                           preferred_element_type=jnp.float32)


def _sage_tail(mean, h, Wl, bl, Wr):
    out = _matT(mean, Wl) + bl + _matT(h, Wr)
    n = jnp.sqrt(jnp.sum(out * out, axis=1, keepdims=True))
    return jnp.maximum(out / jnp.maximum(n, 1e-12), 0.0)


def _layer1_body(sum_ref, xc_ref, Wl_ref, bl_ref, Wr_ref, Wl2_ref,
                 h_ref, rinv_ref, pre2_ref):
    cnt = sum_ref[:, F0:F0 + 1]
    rinv = 1.0 / jnp.maximum(cnt, 1.0)
    mean = sum_ref[:, :F0] * rinv
    h = _sage_tail(mean, xc_ref[:, :F0], Wl_ref[...], bl_ref[...],
                   Wr_ref[...])
    h_ref[...] = h
    rinv_ref[...] = rinv
    pre2_ref[...] = _matT(h, Wl2_ref[...])


def _tc_layer1(sum1, xc, Wl, bl, Wr, Wl2):
    return pl.pallas_call(
        _layer1_body,
        grid=(_GRID,),
        in_specs=[_rows(FA), _rows(FA), _full(Wl.shape), _full(bl.shape),
                  _full(Wr.shape), _full(Wl2.shape)],
        out_specs=(_rows(200), _rows(1), _rows(128)),
        out_shape=(jax.ShapeDtypeStruct((N, 200), jnp.float32),
                   jax.ShapeDtypeStruct((N, 1), jnp.float32),
                   jax.ShapeDtypeStruct((N, 128), jnp.float32)),
    )(sum1, xc, Wl, bl, Wr, Wl2)


def _layer2_body(sum_ref, h_ref, rinv_ref, bl_ref, Wr_ref, o_ref):
    meanW = sum_ref[...] * rinv_ref[...]
    out = meanW + bl_ref[...] + _matT(h_ref[...], Wr_ref[...])
    n = jnp.sqrt(jnp.sum(out * out, axis=1, keepdims=True))
    o_ref[...] = jnp.maximum(out / jnp.maximum(n, 1e-12), 0.0)


def _tc_layer2(sum2, h1, rinv, bl, Wr):
    return pl.pallas_call(
        _layer2_body,
        grid=(_GRID,),
        in_specs=[_rows(128), _rows(200), _rows(1),
                  _full(bl.shape), _full(Wr.shape)],
        out_specs=_rows(128),
        out_shape=jax.ShapeDtypeStruct((N, 128), jnp.float32),
    )(sum2, h1, rinv, bl, Wr)


def _layer3_head_body(sum_ref, h_ref, rinv_ref, Wl_ref, bl_ref, Wr_ref,
                      fc1W_ref, fc1b_ref, fc2aW_ref, fc2ab_ref,
                      bng_ref, bnb_ref, fc2bW_ref, fc2bb_ref, o_ref):
    mean = sum_ref[...] * rinv_ref[...]
    h3 = _sage_tail(mean, h_ref[...], Wl_ref[...], bl_ref[...], Wr_ref[...])
    a = jnp.maximum(_matT(h3, fc1W_ref[...]) + fc1b_ref[...], 0.0)
    b = _matT(a, fc2aW_ref[...]) + fc2ab_ref[...]
    b = (b / jnp.sqrt(1.0 + 1e-5)) * bng_ref[...] + bnb_ref[...]
    b = jnp.maximum(b, 0.0)
    lg = _matT(b, fc2bW_ref[...]) + fc2bb_ref[...]
    m = jnp.max(lg, axis=1, keepdims=True)
    ex = jnp.exp(lg - m)
    o_ref[...] = (lg - m) - jnp.log(jnp.sum(ex, axis=1, keepdims=True))


def _tc_layer3_head(sum3, h2, rinv, Wl, bl, Wr, fc1W, fc1b, fc2aW, fc2ab,
                    bng, bnb, fc2bW, fc2bb):
    args = (sum3, h2, rinv, Wl, bl, Wr, fc1W, fc1b, fc2aW, fc2ab, bng, bnb,
            fc2bW, fc2bb)
    in_specs = [_rows(128), _rows(128), _rows(1)] + [
        _full(a.shape) for a in args[3:]]
    return pl.pallas_call(
        _layer3_head_body,
        grid=(_GRID,),
        in_specs=in_specs,
        out_specs=_rows(NLAB),
        out_shape=jax.ShapeDtypeStruct((N, NLAB), jnp.float32),
    )(*args)


def kernel(x, edge_index, Wl1, bl1, Wr1, Wl2, bl2, Wr2, Wl3, bl3, Wr3,
           fc1_W, fc1_b, fc2a_W, fc2a_b, bn_g, bn_b, fc2b_W, fc2b_b):
    src = edge_index[0]
    dst = edge_index[1]
    pad = EPAD - E
    srcp = jnp.concatenate([src, jnp.zeros((pad,), jnp.int32)])
    dstp = jnp.concatenate([dst, jnp.full((pad,), -1, jnp.int32)])

    xc = _clip_aug(x)

    zA = jnp.zeros((STRIPE, FA), jnp.float32)
    z128 = jnp.zeros((STRIPE, 128), jnp.float32)

    bl1r = bl1.reshape(1, -1)
    bl2r = bl2.reshape(1, -1)
    bl3r = bl3.reshape(1, -1)

    bpack, bcnt, sum1p = _part_agg1(srcp, dstp, xc, zA)
    sum1 = sum1p[:N]
    h1, rinv, pre2 = _tc_layer1(sum1, xc, Wl1, bl1r, Wr1, Wl2)

    sum2 = _agg[128](pre2, bpack, bcnt, z128)[:N]
    h2 = _tc_layer2(sum2, h1, rinv, bl2r, Wr2)

    sum3 = _agg[128](h2, bpack, bcnt, z128)[:N]
    out = _tc_layer3_head(
        sum3, h2, rinv, Wl3, bl3r, Wr3,
        fc1_W, fc1_b.reshape(1, -1), fc2a_W, fc2a_b.reshape(1, -1),
        bn_g.reshape(1, -1), bn_b.reshape(1, -1),
        fc2b_W, fc2b_b.reshape(1, -1))
    return out

# --- scband reference (transcript-rebuilt; emitter-appended) ---
"""Pipeline reference for scband-pyg-sage-31104153158263 (READ-ONLY COPY).

The authoritative reference and input builder live on the scoring server;
editing this copy changes nothing except your own understanding.
"""

import jax, jax.numpy as jnp
import numpy as np

N_NODES = 50000
N_EDGES = 800000
N_FEATS = 100
N_LABELS = 19


def _init_lin(key, out_f, in_f):
    s = 1.0 / np.sqrt(in_f)
    return jax.random.uniform(key, (out_f, in_f), dtype=jnp.float32, minval=-s, maxval=s)


def setup_inputs(seed: int = 0):
    key = jax.random.key(seed)
    ks = jax.random.split(key, 24)
    inp = {}
    inp['x'] = jax.random.normal(ks[0], (N_NODES, N_FEATS), dtype=jnp.float32)
    inp['edge_index'] = jax.random.randint(ks[1], (2, N_EDGES), 0, N_NODES, dtype=jnp.int32)
    # SAGEConv 1: 100 -> 200 (lin_l with bias, lin_r no bias)
    inp['Wl1'] = _init_lin(ks[2], 200, 100)
    inp['bl1'] = jnp.zeros((200,), dtype=jnp.float32)
    inp['Wr1'] = _init_lin(ks[3], 200, 100)
    # SAGEConv 2: 200 -> 128
    inp['Wl2'] = _init_lin(ks[4], 128, 200)
    inp['bl2'] = jnp.zeros((128,), dtype=jnp.float32)
    inp['Wr2'] = _init_lin(ks[5], 128, 200)
    # SAGEConv 3: 128 -> 128
    inp['Wl3'] = _init_lin(ks[6], 128, 128)
    inp['bl3'] = jnp.zeros((128,), dtype=jnp.float32)
    inp['Wr3'] = _init_lin(ks[7], 128, 128)
    # fc1: 128 -> 128
    inp['fc1_W'] = _init_lin(ks[8], 128, 128)
    inp['fc1_b'] = jnp.zeros((128,), dtype=jnp.float32)
    # fc2: Linear(128,256) + BN(256) + ReLU + Linear(256,19)
    inp['fc2a_W'] = _init_lin(ks[9], 256, 128)
    inp['fc2a_b'] = jnp.zeros((256,), dtype=jnp.float32)
    inp['bn_g'] = jnp.ones((256,), dtype=jnp.float32)
    inp['bn_b'] = jnp.zeros((256,), dtype=jnp.float32)
    inp['fc2b_W'] = _init_lin(ks[10], N_LABELS, 256)
    inp['fc2b_b'] = jnp.zeros((N_LABELS,), dtype=jnp.float32)
    return inp


def _sage_conv(x, edge_index, Wl, bl, Wr):
    # PyG SAGEConv with mean aggregation + L2 normalize
    src = edge_index[0]
    dst = edge_index[1]
    msg = jnp.take(x, src, axis=0)
    summed = jax.ops.segment_sum(msg, dst, num_segments=x.shape[0])
    cnt = jax.ops.segment_sum(jnp.ones((edge_index.shape[1],), dtype=x.dtype), dst, num_segments=x.shape[0])
    mean = summed / jnp.maximum(cnt, 1.0)[:, None]
    out = mean @ Wl.T + bl + x @ Wr.T
    norm = jnp.linalg.norm(out, axis=-1, keepdims=True)
    return out / jnp.maximum(norm, 1e-12)


def reference(x, edge_index, Wl1, bl1, Wr1, Wl2, bl2, Wr2, Wl3, bl3, Wr3, fc1_W, fc1_b, fc2a_W, fc2a_b, bn_g, bn_b, fc2b_W, fc2b_b):
    x = jnp.clip(x, -0.4, 0.4)
    h = jax.nn.relu(_sage_conv(x, edge_index, Wl1, bl1, Wr1))
    # dropout is identity in eval mode
    h = jax.nn.relu(_sage_conv(h, edge_index, Wl2, bl2, Wr2))
    h = jax.nn.relu(_sage_conv(h, edge_index, Wl3, bl3, Wr3))
    h = jax.nn.relu(h @ fc1_W.T + fc1_b)
    h = h @ fc2a_W.T + fc2a_b
    # BatchNorm1d eval mode: running_mean=0, running_var=1, eps=1e-5
    h = (h / jnp.sqrt(1.0 + 1e-5)) * bn_g + bn_b
    h = jax.nn.relu(h)
    h = h @ fc2b_W.T + fc2b_b
    return jax.nn.log_softmax(h, axis=1)

if __name__ == "__main__":
    import jax
    _d = setup_inputs()
    print(jax.jit(kernel)(*tuple(_d.values())))

</pallas_src>

<mosaic_0001>
#map = affine_map<(d0, d1) -> (0)>
#map1 = affine_map<(d0, d1) -> (0, 0)>
#map2 = affine_map<(d0, d1) -> (0, 0, 0)>
module attributes {stable_mosaic.version = 14 : i64} {
  func.func @_part_agg1(%arg0: i32, %arg1: i32, %arg2: memref<819200xi32, #tpu.memory_space<hbm>>, %arg3: memref<819200xi32, #tpu.memory_space<hbm>>, %arg4: memref<50000x104xf32, #tpu.memory_space<hbm>>, %arg5: memref<400x104xf32, #tpu.memory_space<hbm>>, %arg6: memref<8x16x53248xi32, #tpu.memory_space<hbm>>, %arg7: memref<8x16x8xi32, #tpu.memory_space<hbm>>, %arg8: memref<51200x104xf32, #tpu.memory_space<hbm>>, %arg9: memref<2048xi32, #tpu.memory_space<vmem>>, %arg10: memref<2048xi32, #tpu.memory_space<vmem>>, %arg11: memref<2560xi32, #tpu.memory_space<vmem>>, %arg12: memref<2560xi32, #tpu.memory_space<vmem>>, %arg13: memref<2560xi32, #tpu.memory_space<vmem>>, %arg14: memref<2560xi32, #tpu.memory_space<vmem>>, %arg15: memref<16xi32, #tpu.memory_space<vmem>>, %arg16: memref<2048xi32, #tpu.memory_space<vmem>>, %arg17: memref<128xi32, #tpu.memory_space<vmem>>, %arg18: memref<128xi32, #tpu.memory_space<vmem>>, %arg19: memref<128x104xf32, #tpu.memory_space<vmem>>, %arg20: memref<6401x104xf32, #tpu.memory_space<vmem_shared>>, %arg21: memref<16xi32, #tpu.memory_space<vmem>>, %arg22: memref<!tpu.dma_semaphore, #tpu.memory_space<semaphore_mem>>) attributes {dimension_semantics = [#tpu.dimension_semantics<core_parallel>, #tpu.dimension_semantics<subcore_parallel>], iteration_bounds = array<i64: 2, 16>, scalar_prefetch = 0 : i64, scratch_operands = 14 : i64, tpu.core_type = #tpu.core_type<sc_vector_subcore>, window_params = [{transform_indices = #map}, {transform_indices = #map}, {transform_indices = #map1}, {transform_indices = #map1}, {transform_indices = #map2}, {transform_indices = #map2}, {transform_indices = #map1}]} {
    %mul3A = arith.constant 51200 : i32
    %mul3A_0 = arith.muli %arg1, %mul3A : i32
    %scan3A = arith.constant 0 : i32
    %scan3A_1 = arith.constant 0 : i32
    %scan3A_2 = arith.constant 0 : i32
    %scan3A_3 = arith.constant 0 : i32
    %scan3A_4 = arith.constant 0 : i32
    %scan3A_5 = arith.constant 0 : i32
    %scan3A_6 = arith.constant 0 : i32
    %scan3A_7 = arith.constant 0 : i32
    %scan3A_8 = arith.constant 0 : i32
    %scan3A_9 = arith.constant 25 : i32
    %scan3A_10 = arith.addi %scan3A_8, %scan3A_9 : i32
    %scan3A_11 = arith.constant 1 : i32
    %scan3A_12:8 = scf.for %scan3A_363 = %scan3A_8 to %scan3A_10 step %scan3A_11 iter_args(%scan3A_364 = %scan3A, %scan3A_365 = %scan3A_1, %scan3A_366 = %scan3A_2, %scan3A_367 = %scan3A_3, %scan3A_368 = %scan3A_4, %scan3A_369 = %scan3A_5, %scan3A_370 = %scan3A_6, %scan3A_371 = %scan3A_7) -> (i32, i32, i32, i32, i32, i32, i32, i32)  : i32 {
      %mul3A_372 = arith.constant 2048 : i32
      %mul3A_373 = arith.muli %scan3A_363, %mul3A_372 : i32
      %add3A_374 = arith.addi %mul3A_0, %mul3A_373 : i32
      "tpu.region"() ({
        %run_scoped3A = tpu.sem_alloc : memref<!tpu.dma_semaphore, #tpu.memory_space<semaphore_mem>>
        %dma_start3A = tpu.memref_slice %arg2[%add3A_374] : memref<819200xi32, #tpu.memory_space<hbm>> -> memref<2048xi32, #tpu.memory_space<hbm>>
        %dma_start3A_769 = tpu.memref_slice %arg2[%add3A_374] : memref<819200xi32, #tpu.memory_space<hbm>> -> memref<2048xi32, #tpu.memory_space<hbm>>
        tpu.enqueue_dma source(%dma_start3A_769 : memref<2048xi32, #tpu.memory_space<hbm>>) target(%arg9 : memref<2048xi32, #tpu.memory_space<vmem>>) target_semaphore(%run_scoped3A : memref<!tpu.dma_semaphore, #tpu.memory_space<semaphore_mem>>)
        %dma_wait3A = tpu.memref_slice %arg2[%add3A_374] : memref<819200xi32, #tpu.memory_space<hbm>> -> memref<2048xi32, #tpu.memory_space<hbm>>
        %dma_wait3A_770 = tpu.memref_slice %arg2[%add3A_374] : memref<819200xi32, #tpu.memory_space<hbm>> -> memref<2048xi32, #tpu.memory_space<hbm>>
        tpu.wait_dma2 semaphore(%run_scoped3A : memref<!tpu.dma_semaphore, #tpu.memory_space<semaphore_mem>>) src(%dma_wait3A_770 : memref<2048xi32, #tpu.memory_space<hbm>>) dst(%arg9 : memref<2048xi32, #tpu.memory_space<vmem>>)
        tpu.yield
      }) : () -> ()
      "tpu.region"() ({
        %run_scoped3A = tpu.sem_alloc : memref<!tpu.dma_semaphore, #tpu.memory_space<semaphore_mem>>
        %dma_start3A = tpu.memref_slice %arg3[%add3A_374] : memref<819200xi32, #tpu.memory_space<hbm>> -> memref<2048xi32, #tpu.memory_space<hbm>>
        %dma_start3A_769 = tpu.memref_slice %arg3[%add3A_374] : memref<819200xi32, #tpu.memory_space<hbm>> -> memref<2048xi32, #tpu.memory_space<hbm>>
        tpu.enqueue_dma source(%dma_start3A_769 : memref<2048xi32, #tpu.memory_space<hbm>>) target(%arg10 : memref<2048xi32, #tpu.memory_space<vmem>>) target_semaphore(%run_scoped3A : memref<!tpu.dma_semaphore, #tpu.memory_space<semaphore_mem>>)
        %dma_wait3A = tpu.memref_slice %arg3[%add3A_374] : memref<819200xi32, #tpu.memory_space<hbm>> -> memref<2048xi32, #tpu.memory_space<hbm>>
        %dma_wait3A_770 = tpu.memref_slice %arg3[%add3A_374] : memref<819200xi32, #tpu.memory_space<hbm>> -> memref<2048xi32, #tpu.memory_space<hbm>>
        tpu.wait_dma2 semaphore(%run_scoped3A : memref<!tpu.dma_semaphore, #tpu.memory_space<semaphore_mem>>) src(%dma_wait3A_770 : memref<2048xi32, #tpu.memory_space<hbm>>) dst(%arg10 : memref<2048xi32, #tpu.memory_space<vmem>>)
        tpu.yield
      }) : () -> ()
      %add3A_375 = arith.constant 0 : i32
      %add3A_376 = arith.addi %add3A_375, %arg0 : i32
      %mul3A_377 = arith.constant 6400 : i32
      %mul3A_378 = arith.muli %add3A_376, %mul3A_377 : i32
      %scan3A_379 = arith.constant 0 : i32
      %scan3A_380 = arith.constant 128 : i32
      %scan3A_381 = arith.addi %scan3A_379, %scan3A_380 : i32
      %scan3A_382 = arith.constant 4 : i32
      %scan3A_383 = scf.for %scan3A_769 = %scan3A_379 to %scan3A_381 step %scan3A_382 iter_args(%scan3A_770 = %scan3A_364) -> (i32)  : i32 {
        %mul3A_771 = arith.constant 16 : i32
        %mul3A_772 = arith.muli %scan3A_769, %mul3A_771 : i32
        %get3A_773 = arith.index_cast %mul3A_772 : i32 to index
        %get3A_774 = tpu.vector_load %arg9[%get3A_773] {strides = array<i32>} : memref<2048xi32, #tpu.memory_space<vmem>>, vector<16xi32>,
        %mul3A_775 = arith.constant 16 : i32
        %mul3A_776 = arith.muli %scan3A_769, %mul3A_775 : i32
        %get3A_777 = arith.index_cast %mul3A_776 : i32 to index
        %get3A_778 = tpu.vector_load %arg10[%get3A_777] {strides = array<i32>} : memref<2048xi32, #tpu.memory_space<vmem>>, vector<16xi32>,
        %sub3A_779 = vector.broadcast %mul3A_378 : i32 to vector<16xi32>
        %sub3A_780 = arith.subi %get3A_778, %sub3A_779 : vector<16xi32>
        %ge3A = arith.constant 0 : i32
        %ge3A_781 = vector.broadcast %ge3A : i32 to vector<16xi32>
        %ge3A_782 = arith.cmpi sge, %sub3A_780, %ge3A_781 : vector<16xi32>
        %lt3A = arith.constant 6400 : i32
        %lt3A_783 = vector.broadcast %lt3A : i32 to vector<16xi32>
        %lt3A_784 = arith.cmpi slt, %sub3A_780, %lt3A_783 : vector<16xi32>
        %and3A_785 = arith.andi %ge3A_782, %lt3A_784 : vector<16xi1>
        %mul3A_786 = arith.constant 8192 : i32
        %mul3A_787 = vector.broadcast %mul3A_786 : i32 to vector<16xi32>
        %mul3A_788 = arith.muli %get3A_774, %mul3A_787 : vector<16xi32>
        %jit3A_789 = arith.constant 0 : i32
        %broadcast_in_dim3A_790 = vector.broadcast %jit3A_789 : i32 to vector<16xi32>
        %select_n3A_791 = arith.select %and3A_785, %sub3A_780, %broadcast_in_dim3A_790 : vector<16xi1>, vector<16xi32>
        %add3A_792 = arith.addi %mul3A_788, %select_n3A_791 : vector<16xi32>
        %convert_element_type3A = arith.extui %and3A_785 : vector<16xi1> to vector<16xi32>
        %masked_sort3A = arith.constant dense<true> : vector<16xi1>
        %masked_sort3A_793 = arith.constant -2147483648 : i32
        %masked_sort3A_794 = vector.broadcast %masked_sort3A_793 : i32 to vector<16xi32>
        %masked_sort3A_795 = arith.xori %convert_element_type3A, %masked_sort3A_794 : vector<16xi32>
        %masked_sort3A_796, %masked_sort3A_797, %masked_sort3A_798 = tpu.sort %masked_sort3A_795, %add3A_792 masked %masked_sort3A {descending = true} : (vector<16xi32>, vector<16xi32>, vector<16xi1>) -> (vector<16xi1>, vector<16xi32>, vector<16xi32>)
        %masked_sort3A_799 = arith.xori %masked_sort3A_797, %masked_sort3A_794 : vector<16xi32>
        %swap3A_800 = arith.index_cast %scan3A_770 : i32 to index
        %swap3A_801 = tpu.vector_load %arg11[%swap3A_800] {strides = array<i32>} : memref<2560xi32, #tpu.memory_space<vmem>>, vector<16xi32>,
        tpu.vector_store %arg11[%swap3A_800], %masked_sort3A_798 {strides = array<i32>} : memref<2560xi32, #tpu.memory_space<vmem>>, vector<16xi32>,
        %all_reduce_population_count3A = tpu.all_reduce %and3A_785 {dim = 0 : i64, kind = #tpu.reduction_kind<sum>} : vector<16xi1> -> vector<16xi32>
        %slice3A = vector.extract_strided_slice %all_reduce_population_count3A {offsets = [0], sizes = [1], strides = [1]} : vector<16xi32> to vector<1xi32>
        %squeeze3A = vector.extract %slice3A[0] : i32 from vector<1xi32>
        %add3A_802 = arith.addi %scan3A_770, %squeeze3A : i32
        %scan3A_803 = arith.constant 1 : i32
        %scan3A_804 = arith.addi %scan3A_769, %scan3A_803 : i32
        %mul3A_805 = arith.constant 16 : i32
        %mul3A_806 = arith.muli %scan3A_804, %mul3A_805 : i32
        %get3A_807 = arith.index_cast %mul3A_806 : i32 to index
        %get3A_808 = tpu.vector_load %arg9[%get3A_807] {strides = array<i32>} : memref<2048xi32, #tpu.memory_space<vmem>>, vector<16xi32>,
        %mul3A_809 = arith.constant 16 : i32
        %mul3A_810 = arith.muli %scan3A_804, %mul3A_809 : i32
        %get3A_811 = arith.index_cast %mul3A_810 : i32 to index
        %get3A_812 = tpu.vector_load %arg10[%get3A_811] {strides = array<i32>} : memref<2048xi32, #tpu.memory_space<vmem>>, vector<16xi32>,
        %sub3A_813 = vector.broadcast %mul3A_378 : i32 to vector<16xi32>
        %sub3A_814 = arith.subi %get3A_812, %sub3A_813 : vector<16xi32>
        %ge3A_815 = arith.constant 0 : i32
        %ge3A_816 = vector.broadcast %ge3A_815 : i32 to vector<16xi32>
        %ge3A_817 = arith.cmpi sge, %sub3A_814, %ge3A_816 : vector<16xi32>
        %lt3A_818 = arith.constant 6400 : i32
        %lt3A_819 = vector.broadcast %lt3A_818 : i32 to vector<16xi32>
        %lt3A_820 = arith.cmpi slt, %sub3A_814, %lt3A_819 : vector<16xi32>
        %and3A_821 = arith.andi %ge3A_817, %lt3A_820 : vector<16xi1>
        %mul3A_822 = arith.constant 8192 : i32
        %mul3A_823 = vector.broadcast %mul3A_822 : i32 to vector<16xi32>
        %mul3A_824 = arith.muli %get3A_808, %mul3A_823 : vector<16xi32>
        %jit3A_825 = arith.constant 0 : i32
        %broadcast_in_dim3A_826 = vector.broadcast %jit3A_825 : i32 to vector<16xi32>
        %select_n3A_827 = arith.select %and3A_821, %sub3A_814, %broadcast_in_dim3A_826 : vector<16xi1>, vector<16xi32>
        %add3A_828 = arith.addi %mul3A_824, %select_n3A_827 : vector<16xi32>
        %convert_element_type3A_829 = arith.extui %and3A_821 : vector<16xi1> to vector<16xi32>
        %masked_sort3A_830 = arith.constant dense<true> : vector<16xi1>
        %masked_sort3A_831 = arith.constant -2147483648 : i32
        %masked_sort3A_832 = vector.broadcast %masked_sort3A_831 : i32 to vector<16xi32>
        %masked_sort3A_833 = arith.xori %convert_element_type3A_829, %masked_sort3A_832 : vector<16xi32>
        %masked_sort3A_834, %masked_sort3A_835, %masked_sort3A_836 = tpu.sort %masked_sort3A_833, %add3A_828 masked %masked_sort3A_830 {descending = true} : (vector<16xi32>, vector<16xi32>, vector<16xi1>) -> (vector<16xi1>, vector<16xi32>, vector<16xi32>)
        %masked_sort3A_837 = arith.xori %masked_sort3A_835, %masked_sort3A_832 : vector<16xi32>
        %swap3A_838 = arith.index_cast %add3A_802 : i32 to index
        %swap3A_839 = tpu.vector_load %arg11[%swap3A_838] {strides = array<i32>} : memref<2560xi32, #tpu.memory_space<vmem>>, vector<16xi32>,
        tpu.vector_store %arg11[%swap3A_838], %masked_sort3A_836 {strides = array<i32>} : memref<2560xi32, #tpu.memory_space<vmem>>, vector<16xi32>,
        %all_reduce_population_count3A_840 = tpu.all_reduce %and3A_821 {dim = 0 : i64, kind = #tpu.reduction_kind<sum>} : vector<16xi1> -> vector<16xi32>
        %slice3A_841 = vector.extract_strided_slice %all_reduce_population_count3A_840 {offsets = [0], sizes = [1], strides = [1]} : vector<16xi32> to vector<1xi32>
        %squeeze3A_842 = vector.extract %slice3A_841[0] : i32 from vector<1xi32>
        %add3A_843 = arith.addi %add3A_802, %squeeze3A_842 : i32
        %scan3A_844 = arith.constant 2 : i32
        %scan3A_845 = arith.addi %scan3A_769, %scan3A_844 : i32
        %mul3A_846 = arith.constant 16 : i32
        %mul3A_847 = arith.muli %scan3A_845, %mul3A_846 : i32
        %get3A_848 = arith.index_cast %mul3A_847 : i32 to index
        %get3A_849 = tpu.vector_load %arg9[%get3A_848] {strides = array<i32>} : memref<2048xi32, #tpu.memory_space<vmem>>, vector<16xi32>,
        %mul3A_850 = arith.constant 16 : i32
        %mul3A_851 = arith.muli %scan3A_845, %mul3A_850 : i32
        %get3A_852 = arith.index_cast %mul3A_851 : i32 to index
        %get3A_853 = tpu.vector_load %arg10[%get3A_852] {strides = array<i32>} : memref<2048xi32, #tpu.memory_space<vmem>>, vector<16xi32>,
        %sub3A_854 = vector.broadcast %mul3A_378 : i32 to vector<16xi32>
        %sub3A_855 = arith.subi %get3A_853, %sub3A_854 : vector<16xi32>
        %ge3A_856 = arith.constant 0 : i32
        %ge3A_857 = vector.broadcast %ge3A_856 : i32 to vector<16xi32>
        %ge3A_858 = arith.cmpi sge, %sub3A_855, %ge3A_857 : vector<16xi32>
        %lt3A_859 = arith.constant 6400 : i32
        %lt3A_860 = vector.broadcast %lt3A_859 : i32 to vector<16xi32>
        %lt3A_861 = arith.cmpi slt, %sub3A_855, %lt3A_860 : vector<16xi32>
        %and3A_862 = arith.andi %ge3A_858, %lt3A_861 : vector<16xi1>
        %mul3A_863 = arith.constant 8192 : i32
        %mul3A_864 = vector.broadcast %mul3A_863 : i32 to vector<16xi32>
        %mul3A_865 = arith.muli %get3A_849, %mul3A_864 : vector<16xi32>
        %jit3A_866 = arith.constant 0 : i32
        %broadcast_in_dim3A_867 = vector.broadcast %jit3A_866 : i32 to vector<16xi32>
        %select_n3A_868 = arith.select %and3A_862, %sub3A_855, %broadcast_in_dim3A_867 : vector<16xi1>, vector<16xi32>
        %add3A_869 = arith.addi %mul3A_865, %select_n3A_868 : vector<16xi32>
        %convert_element_type3A_870 = arith.extui %and3A_862 : vector<16xi1> to vector<16xi32>
        %masked_sort3A_871 = arith.constant dense<true> : vector<16xi1>
        %masked_sort3A_872 = arith.constant -2147483648 : i32
        %masked_sort3A_873 = vector.broadcast %masked_sort3A_872 : i32 to vector<16xi32>
        %masked_sort3A_874 = arith.xori %convert_element_type3A_870, %masked_sort3A_873 : vector<16xi32>
        %masked_sort3A_875, %masked_sort3A_876, %masked_sort3A_877 = tpu.sort %masked_sort3A_874, %add3A_869 masked %masked_sort3A_871 {descending = true} : (vector<16xi32>, vector<16xi32>, vector<16xi1>) -> (vector<16xi1>, vector<16xi32>, vector<16xi32>)
        %masked_sort3A_878 = arith.xori %masked_sort3A_876, %masked_sort3A_873 : vector<16xi32>
        %swap3A_879 = arith.index_cast %add3A_843 : i32 to index
        %swap3A_880 = tpu.vector_load %arg11[%swap3A_879] {strides = array<i32>} : memref<2560xi32, #tpu.memory_space<vmem>>, vector<16xi32>,
        tpu.vector_store %arg11[%swap3A_879], %masked_sort3A_877 {strides = array<i32>} : memref<2560xi32, #tpu.memory_space<vmem>>, vector<16xi32>,
        %all_reduce_population_count3A_881 = tpu.all_reduce %and3A_862 {dim = 0 : i64, kind = #tpu.reduction_kind<sum>} : vector<16xi1> -> vector<16xi32>
        %slice3A_882 = vector.extract_strided_slice %all_reduce_population_count3A_881 {offsets = [0], sizes = [1], strides = [1]} : vector<16xi32> to vector<1xi32>
        %squeeze3A_883 = vector.extract %slice3A_882[0] : i32 from vector<1xi32>
        %add3A_884 = arith.addi %add3A_843, %squeeze3A_883 : i32
        %scan3A_885 = arith.constant 3 : i32
        %scan3A_886 = arith.addi %scan3A_769, %scan3A_885 : i32
        %mul3A_887 = arith.constant 16 : i32
        %mul3A_888 = arith.muli %scan3A_886, %mul3A_887 : i32
        %get3A_889 = arith.index_cast %mul3A_888 : i32 to index
        %get3A_890 = tpu.vector_load %arg9[%get3A_889] {strides = array<i32>} : memref<2048xi32, #tpu.memory_space<vmem>>, vector<16xi32>,
        %mul3A_891 = arith.constant 16 : i32
        %mul3A_892 = arith.muli %scan3A_886, %mul3A_891 : i32
        %get3A_893 = arith.index_cast %mul3A_892 : i32 to index
        %get3A_894 = tpu.vector_load %arg10[%get3A_893] {strides = array<i32>} : memref<2048xi32, #tpu.memory_space<vmem>>, vector<16xi32>,
        %sub3A_895 = vector.broadcast %mul3A_378 : i32 to vector<16xi32>
        %sub3A_896 = arith.subi %get3A_894, %sub3A_895 : vector<16xi32>
        %ge3A_897 = arith.constant 0 : i32
        %ge3A_898 = vector.broadcast %ge3A_897 : i32 to vector<16xi32>
        %ge3A_899 = arith.cmpi sge, %sub3A_896, %ge3A_898 : vector<16xi32>
        %lt3A_900 = arith.constant 6400 : i32
        %lt3A_901 = vector.broadcast %lt3A_900 : i32 to vector<16xi32>
        %lt3A_902 = arith.cmpi slt, %sub3A_896, %lt3A_901 : vector<16xi32>
        %and3A_903 = arith.andi %ge3A_899, %lt3A_902 : vector<16xi1>
        %mul3A_904 = arith.constant 8192 : i32
        %mul3A_905 = vector.broadcast %mul3A_904 : i32 to vector<16xi32>
        %mul3A_906 = arith.muli %get3A_890, %mul3A_905 : vector<16xi32>
        %jit3A_907 = arith.constant 0 : i32
        %broadcast_in_dim3A_908 = vector.broadcast %jit3A_907 : i32 to vector<16xi32>
        %select_n3A_909 = arith.select %and3A_903, %sub3A_896, %broadcast_in_dim3A_908 : vector<16xi1>, vector<16xi32>
        %add3A_910 = arith.addi %mul3A_906, %select_n3A_909 : vector<16xi32>
        %convert_element_type3A_911 = arith.extui %and3A_903 : vector<16xi1> to vector<16xi32>
        %masked_sort3A_912 = arith.constant dense<true> : vector<16xi1>
        %masked_sort3A_913 = arith.constant -2147483648 : i32
        %masked_sort3A_914 = vector.broadcast %masked_sort3A_913 : i32 to vector<16xi32>
        %masked_sort3A_915 = arith.xori %convert_element_type3A_911, %masked_sort3A_914 : vector<16xi32>
        %masked_sort3A_916, %masked_sort3A_917, %masked_sort3A_918 = tpu.sort %masked_sort3A_915, %add3A_910 masked %masked_sort3A_912 {descending = true} : (vector<16xi32>, vector<16xi32>, vector<16xi1>) -> (vector<16xi1>, vector<16xi32>, vector<16xi32>)
        %masked_sort3A_919 = arith.xori %masked_sort3A_917, %masked_sort3A_914 : vector<16xi32>
        %swap3A_920 = arith.index_cast %add3A_884 : i32 to index
        %swap3A_921 = tpu.vector_load %arg11[%swap3A_920] {strides = array<i32>} : memref<2560xi32, #tpu.memory_space<vmem>>, vector<16xi32>,
        tpu.vector_store %arg11[%swap3A_920], %masked_sort3A_918 {strides = array<i32>} : memref<2560xi32, #tpu.memory_space<vmem>>, vector<16xi32>,
        %all_reduce_population_count3A_922 = tpu.all_reduce %and3A_903 {dim = 0 : i64, kind = #tpu.reduction_kind<sum>} : vector<16xi1> -> vector<16xi32>
        %slice3A_923 = vector.extract_strided_slice %all_reduce_population_count3A_922 {offsets = [0], sizes = [1], strides = [1]} : vector<16xi32> to vector<1xi32>
        %squeeze3A_924 = vector.extract %slice3A_923[0] : i32 from vector<1xi32>
        %add3A_925 = arith.addi %add3A_884, %squeeze3A_924 : i32
        scf.yield %add3A_925 : i32
      }
      %scan3A_384 = arith.constant 128 : i32
      %jit3A_385 = arith.constant 128 : i32
      %div3A_386 = arith.divsi %scan3A_383, %jit3A_385 : i32
      %sign3A_387 = arith.constant 0 : i32
      %sign3A_388 = arith.cmpi sgt, %scan3A_383, %sign3A_387 : i32
      %sign3A_389 = arith.extui %sign3A_388 : i1 to i32
      %sign3A_390 = arith.constant 0 : i32
      %sign3A_391 = arith.cmpi slt, %scan3A_383, %sign3A_390 : i32
      %sign3A_392 = arith.extui %sign3A_391 : i1 to i32
      %sign3A_393 = arith.subi %sign3A_389, %sign3A_392 : i32
      %sign3A_394 = arith.constant 0 : i32
      %sign3A_395 = arith.cmpi sgt, %jit3A_385, %sign3A_394 : i32
      %sign3A_396 = arith.extui %sign3A_395 : i1 to i32
      %sign3A_397 = arith.constant 0 : i32
      %sign3A_398 = arith.cmpi slt, %jit3A_385, %sign3A_397 : i32
      %sign3A_399 = arith.extui %sign3A_398 : i1 to i32
      %sign3A_400 = arith.subi %sign3A_396, %sign3A_399 : i32
      %ne3A_401 = arith.cmpi ne, %sign3A_393, %sign3A_400 : i32
      %rem3A_402 = arith.remsi %scan3A_383, %jit3A_385 : i32
      %ne3A_403 = arith.constant 0 : i32
      %ne3A_404 = arith.cmpi ne, %rem3A_402, %ne3A_403 : i32
      %and3A_405 = arith.andi %ne3A_401, %ne3A_404 : i1
      %sub3A_406 = arith.constant 1 : i32
      %sub3A_407 = arith.subi %div3A_386, %sub3A_406 : i32
      %select_n3A_408 = arith.select %and3A_405, %sub3A_407, %div3A_386 : i32
      %while3A_409 = arith.constant 0 : i32
      %while3A_410 = arith.constant 0 : i32
      %while3A_411 = arith.subi %select_n3A_408, %while3A_409 : i32
      %while3A_412 = arith.addi %while3A_409, %while3A_411 : i32
      %while3A_413 = arith.constant 1 : i32
      %while3A_414 = arith.divsi %while3A_411, %while3A_413 : i32
      %while3A_415 = arith.muli %while3A_414, %while3A_413 : i32
      %while3A_416 = arith.addi %while3A_409, %while3A_415 : i32
      %while3A_417 = arith.constant 1 : i32
      %while3A_418 = scf.for %while3A_769 = %while3A_409 to %while3A_416 step %while3A_417 iter_args(%while3A_770 = %while3A_410) -> (i32)  : i32 {
        %mul3A_771 = arith.constant 128 : i32
        %mul3A_772 = arith.muli %while3A_769, %mul3A_771 : i32
        %multiple_of3A_773 = tpu.assume_multiple %mul3A_772, 128 : i32
        %add3A_774 = arith.addi %scan3A_365, %while3A_769 : i32
        %mul3A_775 = arith.constant 128 : i32
        %mul3A_776 = arith.muli %add3A_774, %mul3A_775 : i32
        %multiple_of3A_777 = tpu.assume_multiple %mul3A_776, 128 : i32
        "tpu.region"() ({
          %run_scoped3A = tpu.sem_alloc : memref<!tpu.dma_semaphore, #tpu.memory_space<semaphore_mem>>
          %dma_start3A = tpu.memref_slice %arg11[%multiple_of3A_773] : memref<2560xi32, #tpu.memory_space<vmem>> -> memref<128xi32, #tpu.memory_space<vmem>>
          %dma_start3A_779 = tpu.memref_slice %arg6[%add3A_376, %arg1, %multiple_of3A_777] : memref<8x16x53248xi32, #tpu.memory_space<hbm>> -> memref<1x1x128xi32, #tpu.memory_space<hbm>>
          %dma_start3A_780 = tpu.memref_squeeze %dma_start3A_779 : memref<1x1x128xi32, #tpu.memory_space<hbm>> -> memref<128xi32, #tpu.memory_space<hbm>>
          %dma_start3A_781 = tpu.memref_slice %arg6[%add3A_376, %arg1, %multiple_of3A_777] : memref<8x16x53248xi32, #tpu.memory_space<hbm>> -> memref<1x1x128xi32, #tpu.memory_space<hbm>>
          %dma_start3A_782 = tpu.memref_squeeze %dma_start3A_781 : memref<1x1x128xi32, #tpu.memory_space<hbm>> -> memref<128xi32, #tpu.memory_space<hbm>>
          %dma_start3A_783 = tpu.memref_slice %arg11[%multiple_of3A_773] : memref<2560xi32, #tpu.memory_space<vmem>> -> memref<128xi32, #tpu.memory_space<vmem>>
          tpu.enqueue_dma source(%dma_start3A_783 : memref<128xi32, #tpu.memory_space<vmem>>) target(%dma_start3A_782 : memref<128xi32, #tpu.memory_space<hbm>>) target_semaphore(%run_scoped3A : memref<!tpu.dma_semaphore, #tpu.memory_space<semaphore_mem>>)
          %dma_wait3A = tpu.memref_slice %arg11[%multiple_of3A_773] : memref<2560xi32, #tpu.memory_space<vmem>> -> memref<128xi32, #tpu.memory_space<vmem>>
          %dma_wait3A_784 = tpu.memref_slice %arg6[%add3A_376, %arg1, %multiple_of3A_777] : memref<8x16x53248xi32, #tpu.memory_space<hbm>> -> memref<1x1x128xi32, #tpu.memory_space<hbm>>
          %dma_wait3A_785 = tpu.memref_squeeze %dma_wait3A_784 : memref<1x1x128xi32, #tpu.memory_space<hbm>> -> memref<128xi32, #tpu.memory_space<hbm>>
          %dma_wait3A_786 = tpu.memref_slice %arg6[%add3A_376, %arg1, %multiple_of3A_777] : memref<8x16x53248xi32, #tpu.memory_space<hbm>> -> memref<1x1x128xi32, #tpu.memory_space<hbm>>
          %dma_wait3A_787 = tpu.memref_squeeze %dma_wait3A_786 : memref<1x1x128xi32, #tpu.memory_space<hbm>> -> memref<128xi32, #tpu.memory_space<hbm>>
          %dma_wait3A_788 = tpu.memref_slice %arg11[%multiple_of3A_773] : memref<2560xi32, #tpu.memory_space<vmem>> -> memref<128xi32, #tpu.memory_space<vmem>>
          tpu.wait_dma2 semaphore(%run_scoped3A : memref<!tpu.dma_semaphore, #tpu.memory_space<semaphore_mem>>) src(%dma_wait3A_788 : memref<128xi32, #tpu.memory_space<vmem>>) dst(%dma_wait3A_787 : memref<128xi32, #tpu.memory_space<hbm>>)
          tpu.yield
        }) : () -> ()
        %while3A_778 = arith.constant 0 : i32
        scf.yield %while3A_778 : i32
      }
      %while3A_419 = arith.constant 1 : i32
      %while3A_420 = scf.for %while3A_769 = %while3A_416 to %while3A_412 step %while3A_419 iter_args(%while3A_770 = %while3A_418) -> (i32)  : i32 {
        %mul3A_771 = arith.constant 128 : i32
        %mul3A_772 = arith.muli %while3A_769, %mul3A_771 : i32
        %multiple_of3A_773 = tpu.assume_multiple %mul3A_772, 128 : i32
        %add3A_774 = arith.addi %scan3A_365, %while3A_769 : i32
        %mul3A_775 = arith.constant 128 : i32
        %mul3A_776 = arith.muli %add3A_774, %mul3A_775 : i32
        %multiple_of3A_777 = tpu.assume_multiple %mul3A_776, 128 : i32
        "tpu.region"() ({
          %run_scoped3A = tpu.sem_alloc : memref<!tpu.dma_semaphore, #tpu.memory_space<semaphore_mem>>
          %dma_start3A = tpu.memref_slice %arg11[%multiple_of3A_773] : memref<2560xi32, #tpu.memory_space<vmem>> -> memref<128xi32, #tpu.memory_space<vmem>>
          %dma_start3A_779 = tpu.memref_slice %arg6[%add3A_376, %arg1, %multiple_of3A_777] : memref<8x16x53248xi32, #tpu.memory_space<hbm>> -> memref<1x1x128xi32, #tpu.memory_space<hbm>>
          %dma_start3A_780 = tpu.memref_squeeze %dma_start3A_779 : memref<1x1x128xi32, #tpu.memory_space<hbm>> -> memref<128xi32, #tpu.memory_space<hbm>>
          %dma_start3A_781 = tpu.memref_slice %arg6[%add3A_376, %arg1, %multiple_of3A_777] : memref<8x16x53248xi32, #tpu.memory_space<hbm>> -> memref<1x1x128xi32, #tpu.memory_space<hbm>>
          %dma_start3A_782 = tpu.memref_squeeze %dma_start3A_781 : memref<1x1x128xi32, #tpu.memory_space<hbm>> -> memref<128xi32, #tpu.memory_space<hbm>>
          %dma_start3A_783 = tpu.memref_slice %arg11[%multiple_of3A_773] : memref<2560xi32, #tpu.memory_space<vmem>> -> memref<128xi32, #tpu.memory_space<vmem>>
          tpu.enqueue_dma source(%dma_start3A_783 : memref<128xi32, #tpu.memory_space<vmem>>) target(%dma_start3A_782 : memref<128xi32, #tpu.memory_space<hbm>>) target_semaphore(%run_scoped3A : memref<!tpu.dma_semaphore, #tpu.memory_space<semaphore_mem>>)
          %dma_wait3A = tpu.memref_slice %arg11[%multiple_of3A_773] : memref<2560xi32, #tpu.memory_space<vmem>> -> memref<128xi32, #tpu.memory_space<vmem>>
          %dma_wait3A_784 = tpu.memref_slice %arg6[%add3A_376, %arg1, %multiple_of3A_777] : memref<8x16x53248xi32, #tpu.memory_space<hbm>> -> memref<1x1x128xi32, #tpu.memory_space<hbm>>
          %dma_wait3A_785 = tpu.memref_squeeze %dma_wait3A_784 : memref<1x1x128xi32, #tpu.memory_space<hbm>> -> memref<128xi32, #tpu.memory_space<hbm>>
          %dma_wait3A_786 = tpu.memref_slice %arg6[%add3A_376, %arg1, %multiple_of3A_777] : memref<8x16x53248xi32, #tpu.memory_space<hbm>> -> memref<1x1x128xi32, #tpu.memory_space<hbm>>
          %dma_wait3A_787 = tpu.memref_squeeze %dma_wait3A_786 : memref<1x1x128xi32, #tpu.memory_space<hbm>> -> memref<128xi32, #tpu.memory_space<hbm>>
          %dma_wait3A_788 = tpu.memref_slice %arg11[%multiple_of3A_773] : memref<2560xi32, #tpu.memory_space<vmem>> -> memref<128xi32, #tpu.memory_space<vmem>>
          tpu.wait_dma2 semaphore(%run_scoped3A : memref<!tpu.dma_semaphore, #tpu.memory_space<semaphore_mem>>) src(%dma_wait3A_788 : memref<128xi32, #tpu.memory_space<vmem>>) dst(%dma_wait3A_787 : memref<128xi32, #tpu.memory_space<hbm>>)
          tpu.yield
        }) : () -> ()
        %while3A_778 = arith.constant 0 : i32
        scf.yield %while3A_778 : i32
      }
      %mul3A_421 = arith.constant 128 : i32
      %mul3A_422 = arith.muli %select_n3A_408, %mul3A_421 : i32
      %multiple_of3A = tpu.assume_multiple %mul3A_422, 128 : i32
      %add3A_423 = arith.constant 0 : i32
      %add3A_424 = arith.addi %multiple_of3A, %add3A_423 : i32
      %get3A = arith.index_cast %add3A_424 : i32 to index
      %get3A_425 = tpu.vector_load %arg11[%get3A] {strides = array<i32>} : memref<2560xi32, #tpu.memory_space<vmem>>, vector<16xi32>,
      %swap3A_426 = arith.constant 0 : index
      %swap3A_427 = tpu.vector_load %arg11[%swap3A_426] {strides = array<i32>} : memref<2560xi32, #tpu.memory_space<vmem>>, vector<16xi32>,
      tpu.vector_store %arg11[%swap3A_426], %get3A_425 {strides = array<i32>} : memref<2560xi32, #tpu.memory_space<vmem>>, vector<16xi32>,
      %add3A_428 = arith.constant 16 : i32
      %add3A_429 = arith.addi %multiple_of3A, %add3A_428 : i32
      %get3A_430 = arith.index_cast %add3A_429 : i32 to index
      %get3A_431 = tpu.vector_load %arg11[%get3A_430] {strides = array<i32>} : memref<2560xi32, #tpu.memory_space<vmem>>, vector<16xi32>,
      %swap3A_432 = arith.constant 16 : index
      %swap3A_433 = tpu.vector_load %arg11[%swap3A_432] {strides = array<i32>} : memref<2560xi32, #tpu.memory_space<vmem>>, vector<16xi32>,
      tpu.vector_store %arg11[%swap3A_432], %get3A_431 {strides = array<i32>} : memref<2560xi32, #tpu.memory_space<vmem>>, vector<16xi32>,
      %add3A_434 = arith.constant 32 : i32
      %add3A_435 = arith.addi %multiple_of3A, %add3A_434 : i32
      %get3A_436 = arith.index_cast %add3A_435 : i32 to index
      %get3A_437 = tpu.vector_load %arg11[%get3A_436] {strides = array<i32>} : memref<2560xi32, #tpu.memory_space<vmem>>, vector<16xi32>,
      %swap3A_438 = arith.constant 32 : index
      %swap3A_439 = tpu.vector_load %arg11[%swap3A_438] {strides = array<i32>} : memref<2560xi32, #tpu.memory_space<vmem>>, vector<16xi32>,
      tpu.vector_store %arg11[%swap3A_438], %get3A_437 {strides = array<i32>} : memref<2560xi32, #tpu.memory_space<vmem>>, vector<16xi32>,
      %add3A_440 = arith.constant 48 : i32
      %add3A_441 = arith.addi %multiple_of3A, %add3A_440 : i32
      %get3A_442 = arith.index_cast %add3A_441 : i32 to index
      %get3A_443 = tpu.vector_load %arg11[%get3A_442] {strides = array<i32>} : memref<2560xi32, #tpu.memory_space<vmem>>, vector<16xi32>,
      %swap3A_444 = arith.constant 48 : index
      %swap3A_445 = tpu.vector_load %arg11[%swap3A_444] {strides = array<i32>} : memref<2560xi32, #tpu.memory_space<vmem>>, vector<16xi32>,
      tpu.vector_store %arg11[%swap3A_444], %get3A_443 {strides = array<i32>} : memref<2560xi32, #tpu.memory_space<vmem>>, vector<16xi32>,
      %add3A_446 = arith.constant 64 : i32
      %add3A_447 = arith.addi %multiple_of3A, %add3A_446 : i32
      %get3A_448 = arith.index_cast %add3A_447 : i32 to index
      %get3A_449 = tpu.vector_load %arg11[%get3A_448] {strides = array<i32>} : memref<2560xi32, #tpu.memory_space<vmem>>, vector<16xi32>,
      %swap3A_450 = arith.constant 64 : index
      %swap3A_451 = tpu.vector_load %arg11[%swap3A_450] {strides = array<i32>} : memref<2560xi32, #tpu.memory_space<vmem>>, vector<16xi32>,
      tpu.vector_store %arg11[%swap3A_450], %get3A_449 {strides = array<i32>} : memref<2560xi32, #tpu.memory_space<vmem>>, vector<16xi32>,
      %add3A_452 = arith.constant 80 : i32
      %add3A_453 = arith.addi %multiple_of3A, %add3A_452 : i32
      %get3A_454 = arith.index_cast %add3A_453 : i32 to index
      %get3A_455 = tpu.vector_load %arg11[%get3A_454] {strides = array<i32>} : memref<2560xi32, #tpu.memory_space<vmem>>, vector<16xi32>,
      %swap3A_456 = arith.constant 80 : index
      %swap3A_457 = tpu.vector_load %arg11[%swap3A_456] {strides = array<i32>} : memref<2560xi32, #tpu.memory_space<vmem>>, vector<16xi32>,
      tpu.vector_store %arg11[%swap3A_456], %get3A_455 {strides = array<i32>} : memref<2560xi32, #tpu.memory_space<vmem>>, vector<16xi32>,
      %add3A_458 = arith.constant 96 : i32
      %add3A_459 = arith.addi %multiple_of3A, %add3A_458 : i32
      %get3A_460 = arith.index_cast %add3A_459 : i32 to index
      %get3A_461 = tpu.vector_load %arg11[%get3A_460] {strides = array<i32>} : memref<2560xi32, #tpu.memory_space<vmem>>, vector<16xi32>,
      %swap3A_462 = arith.constant 96 : index
      %swap3A_463 = tpu.vector_load %arg11[%swap3A_462] {strides = array<i32>} : memref<2560xi32, #tpu.memory_space<vmem>>, vector<16xi32>,
      tpu.vector_store %arg11[%swap3A_462], %get3A_461 {strides = array<i32>} : memref<2560xi32, #tpu.memory_space<vmem>>, vector<16xi32>,
      %add3A_464 = arith.constant 112 : i32
      %add3A_465 = arith.addi %multiple_of3A, %add3A_464 : i32
      %get3A_466 = arith.index_cast %add3A_465 : i32 to index
      %get3A_467 = tpu.vector_load %arg11[%get3A_466] {strides = array<i32>} : memref<2560xi32, #tpu.memory_space<vmem>>, vector<16xi32>,
      %swap3A_468 = arith.constant 112 : index
      %swap3A_469 = tpu.vector_load %arg11[%swap3A_468] {strides = array<i32>} : memref<2560xi32, #tpu.memory_space<vmem>>, vector<16xi32>,
      tpu.vector_store %arg11[%swap3A_468], %get3A_467 {strides = array<i32>} : memref<2560xi32, #tpu.memory_space<vmem>>, vector<16xi32>,
      %sub3A_470 = arith.subi %scan3A_383, %multiple_of3A : i32
      %add3A_471 = arith.addi %scan3A_365, %select_n3A_408 : i32
      %add3A_472 = arith.constant 2 : i32
      %add3A_473 = arith.addi %add3A_472, %arg0 : i32
      %mul3A_474 = arith.constant 6400 : i32
      %mul3A_475 = arith.muli %add3A_473, %mul3A_474 : i32
      %scan3A_476 = arith.constant 0 : i32
      %scan3A_477 = arith.constant 128 : i32
      %scan3A_478 = arith.addi %scan3A_476, %scan3A_477 : i32
      %scan3A_479 = arith.constant 4 : i32
      %scan3A_480 = scf.for %scan3A_769 = %scan3A_476 to %scan3A_478 step %scan3A_479 iter_args(%scan3A_770 = %scan3A_366) -> (i32)  : i32 {
        %mul3A_771 = arith.constant 16 : i32
        %mul3A_772 = arith.muli %scan3A_769, %mul3A_771 : i32
        %get3A_773 = arith.index_cast %mul3A_772 : i32 to index
        %get3A_774 = tpu.vector_load %arg9[%get3A_773] {strides = array<i32>} : memref<2048xi32, #tpu.memory_space<vmem>>, vector<16xi32>,
        %mul3A_775 = arith.constant 16 : i32
        %mul3A_776 = arith.muli %scan3A_769, %mul3A_775 : i32
        %get3A_777 = arith.index_cast %mul3A_776 : i32 to index
        %get3A_778 = tpu.vector_load %arg10[%get3A_777] {strides = array<i32>} : memref<2048xi32, #tpu.memory_space<vmem>>, vector<16xi32>,
        %sub3A_779 = vector.broadcast %mul3A_475 : i32 to vector<16xi32>
        %sub3A_780 = arith.subi %get3A_778, %sub3A_779 : vector<16xi32>
        %ge3A = arith.constant 0 : i32
        %ge3A_781 = vector.broadcast %ge3A : i32 to vector<16xi32>
        %ge3A_782 = arith.cmpi sge, %sub3A_780, %ge3A_781 : vector<16xi32>
        %lt3A = arith.constant 6400 : i32
        %lt3A_783 = vector.broadcast %lt3A : i32 to vector<16xi32>
        %lt3A_784 = arith.cmpi slt, %sub3A_780, %lt3A_783 : vector<16xi32>
        %and3A_785 = arith.andi %ge3A_782, %lt3A_784 : vector<16xi1>
        %mul3A_786 = arith.constant 8192 : i32
        %mul3A_787 = vector.broadcast %mul3A_786 : i32 to vector<16xi32>
        %mul3A_788 = arith.muli %get3A_774, %mul3A_787 : vector<16xi32>
        %jit3A_789 = arith.constant 0 : i32
        %broadcast_in_dim3A_790 = vector.broadcast %jit3A_789 : i32 to vector<16xi32>
        %select_n3A_791 = arith.select %and3A_785, %sub3A_780, %broadcast_in_dim3A_790 : vector<16xi1>, vector<16xi32>
        %add3A_792 = arith.addi %mul3A_788, %select_n3A_791 : vector<16xi32>
        %convert_element_type3A = arith.extui %and3A_785 : vector<16xi1> to vector<16xi32>
        %masked_sort3A = arith.constant dense<true> : vector<16xi1>
        %masked_sort3A_793 = arith.constant -2147483648 : i32
        %masked_sort3A_794 = vector.broadcast %masked_sort3A_793 : i32 to vector<16xi32>
        %masked_sort3A_795 = arith.xori %convert_element_type3A, %masked_sort3A_794 : vector<16xi32>
        %masked_sort3A_796, %masked_sort3A_797, %masked_sort3A_798 = tpu.sort %masked_sort3A_795, %add3A_792 masked %masked_sort3A {descending = true} : (vector<16xi32>, vector<16xi32>, vector<16xi1>) -> (vector<16xi1>, vector<16xi32>, vector<16xi32>)
        %masked_sort3A_799 = arith.xori %masked_sort3A_797, %masked_sort3A_794 : vector<16xi32>
        %swap3A_800 = arith.index_cast %scan3A_770 : i32 to index
        %swap3A_801 = tpu.vector_load %arg12[%swap3A_800] {strides = array<i32>} : memref<2560xi32, #tpu.memory_space<vmem>>, vector<16xi32>,
        tpu.vector_store %arg12[%swap3A_800], %masked_sort3A_798 {strides = array<i32>} : memref<2560xi32, #tpu.memory_space<vmem>>, vector<16xi32>,
        %all_reduce_population_count3A = tpu.all_reduce %and3A_785 {dim = 0 : i64, kind = #tpu.reduction_kind<sum>} : vector<16xi1> -> vector<16xi32>
        %slice3A = vector.extract_strided_slice %all_reduce_population_count3A {offsets = [0], sizes = [1], strides = [1]} : vector<16xi32> to vector<1xi32>
        %squeeze3A = vector.extract %slice3A[0] : i32 from vector<1xi32>
        %add3A_802 = arith.addi %scan3A_770, %squeeze3A : i32
        %scan3A_803 = arith.constant 1 : i32
        %scan3A_804 = arith.addi %scan3A_769, %scan3A_803 : i32
        %mul3A_805 = arith.constant 16 : i32
        %mul3A_806 = arith.muli %scan3A_804, %mul3A_805 : i32
        %get3A_807 = arith.index_cast %mul3A_806 : i32 to index
        %get3A_808 = tpu.vector_load %arg9[%get3A_807] {strides = array<i32>} : memref<2048xi32, #tpu.memory_space<vmem>>, vector<16xi32>,
        %mul3A_809 = arith.constant 16 : i32
        %mul3A_810 = arith.muli %scan3A_804, %mul3A_809 : i32
        %get3A_811 = arith.index_cast %mul3A_810 : i32 to index
        %get3A_812 = tpu.vector_load %arg10[%get3A_811] {strides = array<i32>} : memref<2048xi32, #tpu.memory_space<vmem>>, vector<16xi32>,
        %sub3A_813 = vector.broadcast %mul3A_475 : i32 to vector<16xi32>
        %sub3A_814 = arith.subi %get3A_812, %sub3A_813 : vector<16xi32>
        %ge3A_815 = arith.constant 0 : i32
        %ge3A_816 = vector.broadcast %ge3A_815 : i32 to vector<16xi32>
        %ge3A_817 = arith.cmpi sge, %sub3A_814, %ge3A_816 : vector<16xi32>
        %lt3A_818 = arith.constant 6400 : i32
        %lt3A_819 = vector.broadcast %lt3A_818 : i32 to vector<16xi32>
        %lt3A_820 = arith.cmpi slt, %sub3A_814, %lt3A_819 : vector<16xi32>
        %and3A_821 = arith.andi %ge3A_817, %lt3A_820 : vector<16xi1>
        %mul3A_822 = arith.constant 8192 : i32
        %mul3A_823 = vector.broadcast %mul3A_822 : i32 to vector<16xi32>
        %mul3A_824 = arith.muli %get3A_808, %mul3A_823 : vector<16xi32>
        %jit3A_825 = arith.constant 0 : i32
        %broadcast_in_dim3A_826 = vector.broadcast %jit3A_825 : i32 to vector<16xi32>
        %select_n3A_827 = arith.select %and3A_821, %sub3A_814, %broadcast_in_dim3A_826 : vector<16xi1>, vector<16xi32>
        %add3A_828 = arith.addi %mul3A_824, %select_n3A_827 : vector<16xi32>
        %convert_element_type3A_829 = arith.extui %and3A_821 : vector<16xi1> to vector<16xi32>
        %masked_sort3A_830 = arith.constant dense<true> : vector<16xi1>
        %masked_sort3A_831 = arith.constant -2147483648 : i32
        %masked_sort3A_832 = vector.broadcast %masked_sort3A_831 : i32 to vector<16xi32>
        %masked_sort3A_833 = arith.xori %convert_element_type3A_829, %masked_sort3A_832 : vector<16xi32>
        %masked_sort3A_834, %masked_sort3A_835, %masked_sort3A_836 = tpu.sort %masked_sort3A_833, %add3A_828 masked %masked_sort3A_830 {descending = true} : (vector<16xi32>, vector<16xi32>, vector<16xi1>) -> (vector<16xi1>, vector<16xi32>, vector<16xi32>)
        %masked_sort3A_837 = arith.xori %masked_sort3A_835, %masked_sort3A_832 : vector<16xi32>
        %swap3A_838 = arith.index_cast %add3A_802 : i32 to index
        %swap3A_839 = tpu.vector_load %arg12[%swap3A_838] {strides = array<i32>} : memref<2560xi32, #tpu.memory_space<vmem>>, vector<16xi32>,
        tpu.vector_store %arg12[%swap3A_838], %masked_sort3A_836 {strides = array<i32>} : memref<2560xi32, #tpu.memory_space<vmem>>, vector<16xi32>,
        %all_reduce_population_count3A_840 = tpu.all_reduce %and3A_821 {dim = 0 : i64, kind = #tpu.reduction_kind<sum>} : vector<16xi1> -> vector<16xi32>
        %slice3A_841 = vector.extract_strided_slice %all_reduce_population_count3A_840 {offsets = [0], sizes = [1], strides = [1]} : vector<16xi32> to vector<1xi32>
        %squeeze3A_842 = vector.extract %slice3A_841[0] : i32 from vector<1xi32>
        %add3A_843 = arith.addi %add3A_802, %squeeze3A_842 : i32
        %scan3A_844 = arith.constant 2 : i32
        %scan3A_845 = arith.addi %scan3A_769, %scan3A_844 : i32
        %mul3A_846 = arith.constant 16 : i32
        %mul3A_847 = arith.muli %scan3A_845, %mul3A_846 : i32
        %get3A_848 = arith.index_cast %mul3A_847 : i32 to index
        %get3A_849 = tpu.vector_load %arg9[%get3A_848] {strides = array<i32>} : memref<2048xi32, #tpu.memory_space<vmem>>, vector<16xi32>,
        %mul3A_850 = arith.constant 16 : i32
        %mul3A_851 = arith.muli %scan3A_845, %mul3A_850 : i32
        %get3A_852 = arith.index_cast %mul3A_851 : i32 to index
        %get3A_853 = tpu.vector_load %arg10[%get3A_852] {strides = array<i32>} : memref<2048xi32, #tpu.memory_space<vmem>>, vector<16xi32>,
        %sub3A_854 = vector.broadcast %mul3A_475 : i32 to vector<16xi32>
        %sub3A_855 = arith.subi %get3A_853, %sub3A_854 : vector<16xi32>
        %ge3A_856 = arith.constant 0 : i32
        %ge3A_857 = vector.broadcast %ge3A_856 : i32 to vector<16xi32>
        %ge3A_858 = arith.cmpi sge, %sub3A_855, %ge3A_857 : vector<16xi32>
        %lt3A_859 = arith.constant 6400 : i32
        %lt3A_860 = vector.broadcast %lt3A_859 : i32 to vector<16xi32>
        %lt3A_861 = arith.cmpi slt, %sub3A_855, %lt3A_860 : vector<16xi32>
        %and3A_862 = arith.andi %ge3A_858, %lt3A_861 : vector<16xi1>
        %mul3A_863 = arith.constant 8192 : i32
        %mul3A_864 = vector.broadcast %mul3A_863 : i32 to vector<16xi32>
        %mul3A_865 = arith.muli %get3A_849, %mul3A_864 : vector<16xi32>
        %jit3A_866 = arith.constant 0 : i32
        %broadcast_in_dim3A_867 = vector.broadcast %jit3A_866 : i32 to vector<16xi32>
        %select_n3A_868 = arith.select %and3A_862, %sub3A_855, %broadcast_in_dim3A_867 : vector<16xi1>, vector<16xi32>
        %add3A_869 = arith.addi %mul3A_865, %select_n3A_868 : vector<16xi32>
        %convert_element_type3A_870 = arith.extui %and3A_862 : vector<16xi1> to vector<16xi32>
        %masked_sort3A_871 = arith.constant dense<true> : vector<16xi1>
        %masked_sort3A_872 = arith.constant -2147483648 : i32
        %masked_sort3A_873 = vector.broadcast %masked_sort3A_872 : i32 to vector<16xi32>
        %masked_sort3A_874 = arith.xori %convert_element_type3A_870, %masked_sort3A_873 : vector<16xi32>
        %masked_sort3A_875, %masked_sort3A_876, %masked_sort3A_877 = tpu.sort %masked_sort3A_874, %add3A_869 masked %masked_sort3A_871 {descending = true} : (vector<16xi32>, vector<16xi32>, vector<16xi1>) -> (vector<16xi1>, vector<16xi32>, vector<16xi32>)
        %masked_sort3A_878 = arith.xori %masked_sort3A_876, %masked_sort3A_873 : vector<16xi32>
        %swap3A_879 = arith.index_cast %add3A_843 : i32 to index
        %swap3A_880 = tpu.vector_load %arg12[%swap3A_879] {strides = array<i32>} : memref<2560xi32, #tpu.memory_space<vmem>>, vector<16xi32>,
        tpu.vector_store %arg12[%swap3A_879], %masked_sort3A_877 {strides = array<i32>} : memref<2560xi32, #tpu.memory_space<vmem>>, vector<16xi32>,
        %all_reduce_population_count3A_881 = tpu.all_reduce %and3A_862 {dim = 0 : i64, kind = #tpu.reduction_kind<sum>} : vector<16xi1> -> vector<16xi32>
        %slice3A_882 = vector.extract_strided_slice %all_reduce_population_count3A_881 {offsets = [0], sizes = [1], strides = [1]} : vector<16xi32> to vector<1xi32>
        %squeeze3A_883 = vector.extract %slice3A_882[0] : i32 from vector<1xi32>
        %add3A_884 = arith.addi %add3A_843, %squeeze3A_883 : i32
        %scan3A_885 = arith.constant 3 : i32
        %scan3A_886 = arith.addi %scan3A_769, %scan3A_885 : i32
        %mul3A_887 = arith.constant 16 : i32
        %mul3A_888 = arith.muli %scan3A_886, %mul3A_887 : i32
        %get3A_889 = arith.index_cast %mul3A_888 : i32 to index
        %get3A_890 = tpu.vector_load %arg9[%get3A_889] {strides = array<i32>} : memref<2048xi32, #tpu.memory_space<vmem>>, vector<16xi32>,
        %mul3A_891 = arith.constant 16 : i32
        %mul3A_892 = arith.muli %scan3A_886, %mul3A_891 : i32
        %get3A_893 = arith.index_cast %mul3A_892 : i32 to index
        %get3A_894 = tpu.vector_load %arg10[%get3A_893] {strides = array<i32>} : memref<2048xi32, #tpu.memory_space<vmem>>, vector<16xi32>,
        %sub3A_895 = vector.broadcast %mul3A_475 : i32 to vector<16xi32>
        %sub3A_896 = arith.subi %get3A_894, %sub3A_895 : vector<16xi32>
        %ge3A_897 = arith.constant 0 : i32
        %ge3A_898 = vector.broadcast %ge3A_897 : i32 to vector<16xi32>
        %ge3A_899 = arith.cmpi sge, %sub3A_896, %ge3A_898 : vector<16xi32>
        %lt3A_900 = arith.constant 6400 : i32
        %lt3A_901 = vector.broadcast %lt3A_900 : i32 to vector<16xi32>
        %lt3A_902 = arith.cmpi slt, %sub3A_896, %lt3A_901 : vector<16xi32>
        %and3A_903 = arith.andi %ge3A_899, %lt3A_902 : vector<16xi1>
        %mul3A_904 = arith.constant 8192 : i32
        %mul3A_905 = vector.broadcast %mul3A_904 : i32 to vector<16xi32>
        %mul3A_906 = arith.muli %get3A_890, %mul3A_905 : vector<16xi32>
        %jit3A_907 = arith.constant 0 : i32
        %broadcast_in_dim3A_908 = vector.broadcast %jit3A_907 : i32 to vector<16xi32>
        %select_n3A_909 = arith.select %and3A_903, %sub3A_896, %broadcast_in_dim3A_908 : vector<16xi1>, vector<16xi32>
        %add3A_910 = arith.addi %mul3A_906, %select_n3A_909 : vector<16xi32>
        %convert_element_type3A_911 = arith.extui %and3A_903 : vector<16xi1> to vector<16xi32>
        %masked_sort3A_912 = arith.constant dense<true> : vector<16xi1>
        %masked_sort3A_913 = arith.constant -2147483648 : i32
        %masked_sort3A_914 = vector.broadcast %masked_sort3A_913 : i32 to vector<16xi32>
        %masked_sort3A_915 = arith.xori %convert_element_type3A_911, %masked_sort3A_914 : vector<16xi32>
        %masked_sort3A_916, %masked_sort3A_917, %masked_sort3A_918 = tpu.sort %masked_sort3A_915, %add3A_910 masked %masked_sort3A_912 {descending = true} : (vector<16xi32>, vector<16xi32>, vector<16xi1>) -> (vector<16xi1>, vector<16xi32>, vector<16xi32>)
        %masked_sort3A_919 = arith.xori %masked_sort3A_917, %masked_sort3A_914 : vector<16xi32>
        %swap3A_920 = arith.index_cast %add3A_884 : i32 to index
        %swap3A_921 = tpu.vector_load %arg12[%swap3A_920] {strides = array<i32>} : memref<2560xi32, #tpu.memory_space<vmem>>, vector<16xi32>,
        tpu.vector_store %arg12[%swap3A_920], %masked_sort3A_918 {strides = array<i32>} : memref<2560xi32, #tpu.memory_space<vmem>>, vector<16xi32>,
        %all_reduce_population_count3A_922 = tpu.all_reduce %and3A_903 {dim = 0 : i64, kind = #tpu.reduction_kind<sum>} : vector<16xi1> -> vector<16xi32>
        %slice3A_923 = vector.extract_strided_slice %all_reduce_population_count3A_922 {offsets = [0], sizes = [1], strides = [1]} : vector<16xi32> to vector<1xi32>
        %squeeze3A_924 = vector.extract %slice3A_923[0] : i32 from vector<1xi32>
        %add3A_925 = arith.addi %add3A_884, %squeeze3A_924 : i32
        scf.yield %add3A_925 : i32
      }
      %scan3A_481 = arith.constant 128 : i32
      %jit3A_482 = arith.constant 128 : i32
      %div3A_483 = arith.divsi %scan3A_480, %jit3A_482 : i32
      %sign3A_484 = arith.constant 0 : i32
      %sign3A_485 = arith.cmpi sgt, %scan3A_480, %sign3A_484 : i32
      %sign3A_486 = arith.extui %sign3A_485 : i1 to i32
      %sign3A_487 = arith.constant 0 : i32
      %sign3A_488 = arith.cmpi slt, %scan3A_480, %sign3A_487 : i32
      %sign3A_489 = arith.extui %sign3A_488 : i1 to i32
      %sign3A_490 = arith.subi %sign3A_486, %sign3A_489 : i32
      %sign3A_491 = arith.constant 0 : i32
      %sign3A_492 = arith.cmpi sgt, %jit3A_482, %sign3A_491 : i32
      %sign3A_493 = arith.extui %sign3A_492 : i1 to i32
      %sign3A_494 = arith.constant 0 : i32
      %sign3A_495 = arith.cmpi slt, %jit3A_482, %sign3A_494 : i32
      %sign3A_496 = arith.extui %sign3A_495 : i1 to i32
      %sign3A_497 = arith.subi %sign3A_493, %sign3A_496 : i32
      %ne3A_498 = arith.cmpi ne, %sign3A_490, %sign3A_497 : i32
      %rem3A_499 = arith.remsi %scan3A_480, %jit3A_482 : i32
      %ne3A_500 = arith.constant 0 : i32
      %ne3A_501 = arith.cmpi ne, %rem3A_499, %ne3A_500 : i32
      %and3A_502 = arith.andi %ne3A_498, %ne3A_501 : i1
      %sub3A_503 = arith.constant 1 : i32
      %sub3A_504 = arith.subi %div3A_483, %sub3A_503 : i32
      %select_n3A_505 = arith.select %and3A_502, %sub3A_504, %div3A_483 : i32
      %while3A_506 = arith.constant 0 : i32
      %while3A_507 = arith.constant 0 : i32
      %while3A_508 = arith.subi %select_n3A_505, %while3A_506 : i32
      %while3A_509 = arith.addi %while3A_506, %while3A_508 : i32
      %while3A_510 = arith.constant 1 : i32
      %while3A_511 = arith.divsi %while3A_508, %while3A_510 : i32
      %while3A_512 = arith.muli %while3A_511, %while3A_510 : i32
      %while3A_513 = arith.addi %while3A_506, %while3A_512 : i32
      %while3A_514 = arith.constant 1 : i32
      %while3A_515 = scf.for %while3A_769 = %while3A_506 to %while3A_513 step %while3A_514 iter_args(%while3A_770 = %while3A_507) -> (i32)  : i32 {
        %mul3A_771 = arith.constant 128 : i32
        %mul3A_772 = arith.muli %while3A_769, %mul3A_771 : i32
        %multiple_of3A_773 = tpu.assume_multiple %mul3A_772, 128 : i32
        %add3A_774 = arith.addi %scan3A_367, %while3A_769 : i32
        %mul3A_775 = arith.constant 128 : i32
        %mul3A_776 = arith.muli %add3A_774, %mul3A_775 : i32
        %multiple_of3A_777 = tpu.assume_multiple %mul3A_776, 128 : i32
        "tpu.region"() ({
          %run_scoped3A = tpu.sem_alloc : memref<!tpu.dma_semaphore, #tpu.memory_space<semaphore_mem>>
          %dma_start3A = tpu.memref_slice %arg12[%multiple_of3A_773] : memref<2560xi32, #tpu.memory_space<vmem>> -> memref<128xi32, #tpu.memory_space<vmem>>
          %dma_start3A_779 = tpu.memref_slice %arg6[%add3A_473, %arg1, %multiple_of3A_777] : memref<8x16x53248xi32, #tpu.memory_space<hbm>> -> memref<1x1x128xi32, #tpu.memory_space<hbm>>
          %dma_start3A_780 = tpu.memref_squeeze %dma_start3A_779 : memref<1x1x128xi32, #tpu.memory_space<hbm>> -> memref<128xi32, #tpu.memory_space<hbm>>
          %dma_start3A_781 = tpu.memref_slice %arg6[%add3A_473, %arg1, %multiple_of3A_777] : memref<8x16x53248xi32, #tpu.memory_space<hbm>> -> memref<1x1x128xi32, #tpu.memory_space<hbm>>
          %dma_start3A_782 = tpu.memref_squeeze %dma_start3A_781 : memref<1x1x128xi32, #tpu.memory_space<hbm>> -> memref<128xi32, #tpu.memory_space<hbm>>
          %dma_start3A_783 = tpu.memref_slice %arg12[%multiple_of3A_773] : memref<2560xi32, #tpu.memory_space<vmem>> -> memref<128xi32, #tpu.memory_space<vmem>>
          tpu.enqueue_dma source(%dma_start3A_783 : memref<128xi32, #tpu.memory_space<vmem>>) target(%dma_start3A_782 : memref<128xi32, #tpu.memory_space<hbm>>) target_semaphore(%run_scoped3A : memref<!tpu.dma_semaphore, #tpu.memory_space<semaphore_mem>>)
          %dma_wait3A = tpu.memref_slice %arg12[%multiple_of3A_773] : memref<2560xi32, #tpu.memory_space<vmem>> -> memref<128xi32, #tpu.memory_space<vmem>>
          %dma_wait3A_784 = tpu.memref_slice %arg6[%add3A_473, %arg1, %multiple_of3A_777] : memref<8x16x53248xi32, #tpu.memory_space<hbm>> -> memref<1x1x128xi32, #tpu.memory_space<hbm>>
          %dma_wait3A_785 = tpu.memref_squeeze %dma_wait3A_784 : memref<1x1x128xi32, #tpu.memory_space<hbm>> -> memref<128xi32, #tpu.memory_space<hbm>>
          %dma_wait3A_786 = tpu.memref_slice %arg6[%add3A_473, %arg1, %multiple_of3A_777] : memref<8x16x53248xi32, #tpu.memory_space<hbm>> -> memref<1x1x128xi32, #tpu.memory_space<hbm>>
          %dma_wait3A_787 = tpu.memref_squeeze %dma_wait3A_786 : memref<1x1x128xi32, #tpu.memory_space<hbm>> -> memref<128xi32, #tpu.memory_space<hbm>>
          %dma_wait3A_788 = tpu.memref_slice %arg12[%multiple_of3A_773] : memref<2560xi32, #tpu.memory_space<vmem>> -> memref<128xi32, #tpu.memory_space<vmem>>
          tpu.wait_dma2 semaphore(%run_scoped3A : memref<!tpu.dma_semaphore, #tpu.memory_space<semaphore_mem>>) src(%dma_wait3A_788 : memref<128xi32, #tpu.memory_space<vmem>>) dst(%dma_wait3A_787 : memref<128xi32, #tpu.memory_space<hbm>>)
          tpu.yield
        }) : () -> ()
        %while3A_778 = arith.constant 0 : i32
        scf.yield %while3A_778 : i32
      }
      %while3A_516 = arith.constant 1 : i32
      %while3A_517 = scf.for %while3A_769 = %while3A_513 to %while3A_509 step %while3A_516 iter_args(%while3A_770 = %while3A_515) -> (i32)  : i32 {
        %mul3A_771 = arith.constant 128 : i32
        %mul3A_772 = arith.muli %while3A_769, %mul3A_771 : i32
        %multiple_of3A_773 = tpu.assume_multiple %mul3A_772, 128 : i32
        %add3A_774 = arith.addi %scan3A_367, %while3A_769 : i32
        %mul3A_775 = arith.constant 128 : i32
        %mul3A_776 = arith.muli %add3A_774, %mul3A_775 : i32
        %multiple_of3A_777 = tpu.assume_multiple %mul3A_776, 128 : i32
        "tpu.region"() ({
          %run_scoped3A = tpu.sem_alloc : memref<!tpu.dma_semaphore, #tpu.memory_space<semaphore_mem>>
          %dma_start3A = tpu.memref_slice %arg12[%multiple_of3A_773] : memref<2560xi32, #tpu.memory_space<vmem>> -> memref<128xi32, #tpu.memory_space<vmem>>
          %dma_start3A_779 = tpu.memref_slice %arg6[%add3A_473, %arg1, %multiple_of3A_777] : memref<8x16x53248xi32, #tpu.memory_space<hbm>> -> memref<1x1x128xi32, #tpu.memory_space<hbm>>
          %dma_start3A_780 = tpu.memref_squeeze %dma_start3A_779 : memref<1x1x128xi32, #tpu.memory_space<hbm>> -> memref<128xi32, #tpu.memory_space<hbm>>
          %dma_start3A_781 = tpu.memref_slice %arg6[%add3A_473, %arg1, %multiple_of3A_777] : memref<8x16x53248xi32, #tpu.memory_space<hbm>> -> memref<1x1x128xi32, #tpu.memory_space<hbm>>
          %dma_start3A_782 = tpu.memref_squeeze %dma_start3A_781 : memref<1x1x128xi32, #tpu.memory_space<hbm>> -> memref<128xi32, #tpu.memory_space<hbm>>
          %dma_start3A_783 = tpu.memref_slice %arg12[%multiple_of3A_773] : memref<2560xi32, #tpu.memory_space<vmem>> -> memref<128xi32, #tpu.memory_space<vmem>>
          tpu.enqueue_dma source(%dma_start3A_783 : memref<128xi32, #tpu.memory_space<vmem>>) target(%dma_start3A_782 : memref<128xi32, #tpu.memory_space<hbm>>) target_semaphore(%run_scoped3A : memref<!tpu.dma_semaphore, #tpu.memory_space<semaphore_mem>>)
          %dma_wait3A = tpu.memref_slice %arg12[%multiple_of3A_773] : memref<2560xi32, #tpu.memory_space<vmem>> -> memref<128xi32, #tpu.memory_space<vmem>>
          %dma_wait3A_784 = tpu.memref_slice %arg6[%add3A_473, %arg1, %multiple_of3A_777] : memref<8x16x53248xi32, #tpu.memory_space<hbm>> -> memref<1x1x128xi32, #tpu.memory_space<hbm>>
          %dma_wait3A_785 = tpu.memref_squeeze %dma_wait3A_784 : memref<1x1x128xi32, #tpu.memory_space<hbm>> -> memref<128xi32, #tpu.memory_space<hbm>>
          %dma_wait3A_786 = tpu.memref_slice %arg6[%add3A_473, %arg1, %multiple_of3A_777] : memref<8x16x53248xi32, #tpu.memory_space<hbm>> -> memref<1x1x128xi32, #tpu.memory_space<hbm>>
          %dma_wait3A_787 = tpu.memref_squeeze %dma_wait3A_786 : memref<1x1x128xi32, #tpu.memory_space<hbm>> -> memref<128xi32, #tpu.memory_space<hbm>>
          %dma_wait3A_788 = tpu.memref_slice %arg12[%multiple_of3A_773] : memref<2560xi32, #tpu.memory_space<vmem>> -> memref<128xi32, #tpu.memory_space<vmem>>
          tpu.wait_dma2 semaphore(%run_scoped3A : memref<!tpu.dma_semaphore, #tpu.memory_space<semaphore_mem>>) src(%dma_wait3A_788 : memref<128xi32, #tpu.memory_space<vmem>>) dst(%dma_wait3A_787 : memref<128xi32, #tpu.memory_space<hbm>>)
          tpu.yield
        }) : () -> ()
        %while3A_778 = arith.constant 0 : i32
        scf.yield %while3A_778 : i32
      }
      %mul3A_518 = arith.constant 128 : i32
      %mul3A_519 = arith.muli %select_n3A_505, %mul3A_518 : i32
      %multiple_of3A_520 = tpu.assume_multiple %mul3A_519, 128 : i32
      %add3A_521 = arith.constant 0 : i32
      %add3A_522 = arith.addi %multiple_of3A_520, %add3A_521 : i32
      %get3A_523 = arith.index_cast %add3A_522 : i32 to index
      %get3A_524 = tpu.vector_load %arg12[%get3A_523] {strides = array<i32>} : memref<2560xi32, #tpu.memory_space<vmem>>, vector<16xi32>,
      %swap3A_525 = arith.constant 0 : index
      %swap3A_526 = tpu.vector_load %arg12[%swap3A_525] {strides = array<i32>} : memref<2560xi32, #tpu.memory_space<vmem>>, vector<16xi32>,
      tpu.vector_store %arg12[%swap3A_525], %get3A_524 {strides = array<i32>} : memref<2560xi32, #tpu.memory_space<vmem>>, vector<16xi32>,
      %add3A_527 = arith.constant 16 : i32
      %add3A_528 = arith.addi %multiple_of3A_520, %add3A_527 : i32
      %get3A_529 = arith.index_cast %add3A_528 : i32 to index
      %get3A_530 = tpu.vector_load %arg12[%get3A_529] {strides = array<i32>} : memref<2560xi32, #tpu.memory_space<vmem>>, vector<16xi32>,
      %swap3A_531 = arith.constant 16 : index
      %swap3A_532 = tpu.vector_load %arg12[%swap3A_531] {strides = array<i32>} : memref<2560xi32, #tpu.memory_space<vmem>>, vector<16xi32>,
      tpu.vector_store %arg12[%swap3A_531], %get3A_530 {strides = array<i32>} : memref<2560xi32, #tpu.memory_space<vmem>>, vector<16xi32>,
      %add3A_533 = arith.constant 32 : i32
      %add3A_534 = arith.addi %multiple_of3A_520, %add3A_533 : i32
      %get3A_535 = arith.index_cast %add3A_534 : i32 to index
      %get3A_536 = tpu.vector_load %arg12[%get3A_535] {strides = array<i32>} : memref<2560xi32, #tpu.memory_space<vmem>>, vector<16xi32>,
      %swap3A_537 = arith.constant 32 : index
      %swap3A_538 = tpu.vector_load %arg12[%swap3A_537] {strides = array<i32>} : memref<2560xi32, #tpu.memory_space<vmem>>, vector<16xi32>,
      tpu.vector_store %arg12[%swap3A_537], %get3A_536 {strides = array<i32>} : memref<2560xi32, #tpu.memory_space<vmem>>, vector<16xi32>,
      %add3A_539 = arith.constant 48 : i32
      %add3A_540 = arith.addi %multiple_of3A_520, %add3A_539 : i32
      %get3A_541 = arith.index_cast %add3A_540 : i32 to index
      %get3A_542 = tpu.vector_load %arg12[%get3A_541] {strides = array<i32>} : memref<2560xi32, #tpu.memory_space<vmem>>, vector<16xi32>,
      %swap3A_543 = arith.constant 48 : index
      %swap3A_544 = tpu.vector_load %arg12[%swap3A_543] {strides = array<i32>} : memref<2560xi32, #tpu.memory_space<vmem>>, vector<16xi32>,
      tpu.vector_store %arg12[%swap3A_543], %get3A_542 {strides = array<i32>} : memref<2560xi32, #tpu.memory_space<vmem>>, vector<16xi32>,
      %add3A_545 = arith.constant 64 : i32
      %add3A_546 = arith.addi %multiple_of3A_520, %add3A_545 : i32
      %get3A_547 = arith.index_cast %add3A_546 : i32 to index
      %get3A_548 = tpu.vector_load %arg12[%get3A_547] {strides = array<i32>} : memref<2560xi32, #tpu.memory_space<vmem>>, vector<16xi32>,
      %swap3A_549 = arith.constant 64 : index
      %swap3A_550 = tpu.vector_load %arg12[%swap3A_549] {strides = array<i32>} : memref<2560xi32, #tpu.memory_space<vmem>>, vector<16xi32>,
      tpu.vector_store %arg12[%swap3A_549], %get3A_548 {strides = array<i32>} : memref<2560xi32, #tpu.memory_space<vmem>>, vector<16xi32>,
      %add3A_551 = arith.constant 80 : i32
      %add3A_552 = arith.addi %multiple_of3A_520, %add3A_551 : i32
      %get3A_553 = arith.index_cast %add3A_552 : i32 to index
      %get3A_554 = tpu.vector_load %arg12[%get3A_553] {strides = array<i32>} : memref<2560xi32, #tpu.memory_space<vmem>>, vector<16xi32>,
      %swap3A_555 = arith.constant 80 : index
      %swap3A_556 = tpu.vector_load %arg12[%swap3A_555] {strides = array<i32>} : memref<2560xi32, #tpu.memory_space<vmem>>, vector<16xi32>,
      tpu.vector_store %arg12[%swap3A_555], %get3A_554 {strides = array<i32>} : memref<2560xi32, #tpu.memory_space<vmem>>, vector<16xi32>,
      %add3A_557 = arith.constant 96 : i32
      %add3A_558 = arith.addi %multiple_of3A_520, %add3A_557 : i32
      %get3A_559 = arith.index_cast %add3A_558 : i32 to index
      %get3A_560 = tpu.vector_load %arg12[%get3A_559] {strides = array<i32>} : memref<2560xi32, #tpu.memory_space<vmem>>, vector<16xi32>,
      %swap3A_561 = arith.constant 96 : index
      %swap3A_562 = tpu.vector_load %arg12[%swap3A_561] {strides = array<i32>} : memref<2560xi32, #tpu.memory_space<vmem>>, vector<16xi32>,
      tpu.vector_store %arg12[%swap3A_561], %get3A_560 {strides = array<i32>} : memref<2560xi32, #tpu.memory_space<vmem>>, vector<16xi32>,
      %add3A_563 = arith.constant 112 : i32
      %add3A_564 = arith.addi %multiple_of3A_520, %add3A_563 : i32
      %get3A_565 = arith.index_cast %add3A_564 : i32 to index
      %get3A_566 = tpu.vector_load %arg12[%get3A_565] {strides = array<i32>} : memref<2560xi32, #tpu.memory_space<vmem>>, vector<16xi32>,
      %swap3A_567 = arith.constant 112 : index
      %swap3A_568 = tpu.vector_load %arg12[%swap3A_567] {strides = array<i32>} : memref<2560xi32, #tpu.memory_space<vmem>>, vector<16xi32>,
      tpu.vector_store %arg12[%swap3A_567], %get3A_566 {strides = array<i32>} : memref<2560xi32, #tpu.memory_space<vmem>>, vector<16xi32>,
      %sub3A_569 = arith.subi %scan3A_480, %multiple_of3A_520 : i32
      %add3A_570 = arith.addi %scan3A_367, %select_n3A_505 : i32
      %add3A_571 = arith.constant 4 : i32
      %add3A_572 = arith.addi %add3A_571, %arg0 : i32
      %mul3A_573 = arith.constant 6400 : i32
      %mul3A_574 = arith.muli %add3A_572, %mul3A_573 : i32
      %scan3A_575 = arith.constant 0 : i32
      %scan3A_576 = arith.constant 128 : i32
      %scan3A_577 = arith.addi %scan3A_575, %scan3A_576 : i32
      %scan3A_578 = arith.constant 4 : i32
      %scan3A_579 = scf.for %scan3A_769 = %scan3A_575 to %scan3A_577 step %scan3A_578 iter_args(%scan3A_770 = %scan3A_368) -> (i32)  : i32 {
        %mul3A_771 = arith.constant 16 : i32
        %mul3A_772 = arith.muli %scan3A_769, %mul3A_771 : i32
        %get3A_773 = arith.index_cast %mul3A_772 : i32 to index
        %get3A_774 = tpu.vector_load %arg9[%get3A_773] {strides = array<i32>} : memref<2048xi32, #tpu.memory_space<vmem>>, vector<16xi32>,
        %mul3A_775 = arith.constant 16 : i32
        %mul3A_776 = arith.muli %scan3A_769, %mul3A_775 : i32
        %get3A_777 = arith.index_cast %mul3A_776 : i32 to index
        %get3A_778 = tpu.vector_load %arg10[%get3A_777] {strides = array<i32>} : memref<2048xi32, #tpu.memory_space<vmem>>, vector<16xi32>,
        %sub3A_779 = vector.broadcast %mul3A_574 : i32 to vector<16xi32>
        %sub3A_780 = arith.subi %get3A_778, %sub3A_779 : vector<16xi32>
        %ge3A = arith.constant 0 : i32
        %ge3A_781 = vector.broadcast %ge3A : i32 to vector<16xi32>
        %ge3A_782 = arith.cmpi sge, %sub3A_780, %ge3A_781 : vector<16xi32>
        %lt3A = arith.constant 6400 : i32
        %lt3A_783 = vector.broadcast %lt3A : i32 to vector<16xi32>
        %lt3A_784 = arith.cmpi slt, %sub3A_780, %lt3A_783 : vector<16xi32>
        %and3A_785 = arith.andi %ge3A_782, %lt3A_784 : vector<16xi1>
        %mul3A_786 = arith.constant 8192 : i32
        %mul3A_787 = vector.broadcast %mul3A_786 : i32 to vector<16xi32>
        %mul3A_788 = arith.muli %get3A_774, %mul3A_787 : vector<16xi32>
        %jit3A_789 = arith.constant 0 : i32
        %broadcast_in_dim3A_790 = vector.broadcast %jit3A_789 : i32 to vector<16xi32>
        %select_n3A_791 = arith.select %and3A_785, %sub3A_780, %broadcast_in_dim3A_790 : vector<16xi1>, vector<16xi32>
        %add3A_792 = arith.addi %mul3A_788, %select_n3A_791 : vector<16xi32>
        %convert_element_type3A = arith.extui %and3A_785 : vector<16xi1> to vector<16xi32>
        %masked_sort3A = arith.constant dense<true> : vector<16xi1>
        %masked_sort3A_793 = arith.constant -2147483648 : i32
        %masked_sort3A_794 = vector.broadcast %masked_sort3A_793 : i32 to vector<16xi32>
        %masked_sort3A_795 = arith.xori %convert_element_type3A, %masked_sort3A_794 : vector<16xi32>
        %masked_sort3A_796, %masked_sort3A_797, %masked_sort3A_798 = tpu.sort %masked_sort3A_795, %add3A_792 masked %masked_sort3A {descending = true} : (vector<16xi32>, vector<16xi32>, vector<16xi1>) -> (vector<16xi1>, vector<16xi32>, vector<16xi32>)
        %masked_sort3A_799 = arith.xori %masked_sort3A_797, %masked_sort3A_794 : vector<16xi32>
        %swap3A_800 = arith.index_cast %scan3A_770 : i32 to index
        %swap3A_801 = tpu.vector_load %arg13[%swap3A_800] {strides = array<i32>} : memref<2560xi32, #tpu.memory_space<vmem>>, vector<16xi32>,
        tpu.vector_store %arg13[%swap3A_800], %masked_sort3A_798 {strides = array<i32>} : memref<2560xi32, #tpu.memory_space<vmem>>, vector<16xi32>,
        %all_reduce_population_count3A = tpu.all_reduce %and3A_785 {dim = 0 : i64, kind = #tpu.reduction_kind<sum>} : vector<16xi1> -> vector<16xi32>
        %slice3A = vector.extract_strided_slice %all_reduce_population_count3A {offsets = [0], sizes = [1], strides = [1]} : vector<16xi32> to vector<1xi32>
        %squeeze3A = vector.extract %slice3A[0] : i32 from vector<1xi32>
        %add3A_802 = arith.addi %scan3A_770, %squeeze3A : i32
        %scan3A_803 = arith.constant 1 : i32
        %scan3A_804 = arith.addi %scan3A_769, %scan3A_803 : i32
        %mul3A_805 = arith.constant 16 : i32
        %mul3A_806 = arith.muli %scan3A_804, %mul3A_805 : i32
        %get3A_807 = arith.index_cast %mul3A_806 : i32 to index
        %get3A_808 = tpu.vector_load %arg9[%get3A_807] {strides = array<i32>} : memref<2048xi32, #tpu.memory_space<vmem>>, vector<16xi32>,
        %mul3A_809 = arith.constant 16 : i32
        %mul3A_810 = arith.muli %scan3A_804, %mul3A_809 : i32
        %get3A_811 = arith.index_cast %mul3A_810 : i32 to index
        %get3A_812 = tpu.vector_load %arg10[%get3A_811] {strides = array<i32>} : memref<2048xi32, #tpu.memory_space<vmem>>, vector<16xi32>,
        %sub3A_813 = vector.broadcast %mul3A_574 : i32 to vector<16xi32>
        %sub3A_814 = arith.subi %get3A_812, %sub3A_813 : vector<16xi32>
        %ge3A_815 = arith.constant 0 : i32
        %ge3A_816 = vector.broadcast %ge3A_815 : i32 to vector<16xi32>
        %ge3A_817 = arith.cmpi sge, %sub3A_814, %ge3A_816 : vector<16xi32>
        %lt3A_818 = arith.constant 6400 : i32
        %lt3A_819 = vector.broadcast %lt3A_818 : i32 to vector<16xi32>
        %lt3A_820 = arith.cmpi slt, %sub3A_814, %lt3A_819 : vector<16xi32>
        %and3A_821 = arith.andi %ge3A_817, %lt3A_820 : vector<16xi1>
        %mul3A_822 = arith.constant 8192 : i32
        %mul3A_823 = vector.broadcast %mul3A_822 : i32 to vector<16xi32>
        %mul3A_824 = arith.muli %get3A_808, %mul3A_823 : vector<16xi32>
        %jit3A_825 = arith.constant 0 : i32
        %broadcast_in_dim3A_826 = vector.broadcast %jit3A_825 : i32 to vector<16xi32>
        %select_n3A_827 = arith.select %and3A_821, %sub3A_814, %broadcast_in_dim3A_826 : vector<16xi1>, vector<16xi32>
        %add3A_828 = arith.addi %mul3A_824, %select_n3A_827 : vector<16xi32>
        %convert_element_type3A_829 = arith.extui %and3A_821 : vector<16xi1> to vector<16xi32>
        %masked_sort3A_830 = arith.constant dense<true> : vector<16xi1>
        %masked_sort3A_831 = arith.constant -2147483648 : i32
        %masked_sort3A_832 = vector.broadcast %masked_sort3A_831 : i32 to vector<16xi32>
        %masked_sort3A_833 = arith.xori %convert_element_type3A_829, %masked_sort3A_832 : vector<16xi32>
        %masked_sort3A_834, %masked_sort3A_835, %masked_sort3A_836 = tpu.sort %masked_sort3A_833, %add3A_828 masked %masked_sort3A_830 {descending = true} : (vector<16xi32>, vector<16xi32>, vector<16xi1>) -> (vector<16xi1>, vector<16xi32>, vector<16xi32>)
        %masked_sort3A_837 = arith.xori %masked_sort3A_835, %masked_sort3A_832 : vector<16xi32>
        %swap3A_838 = arith.index_cast %add3A_802 : i32 to index
        %swap3A_839 = tpu.vector_load %arg13[%swap3A_838] {strides = array<i32>} : memref<2560xi32, #tpu.memory_space<vmem>>, vector<16xi32>,
        tpu.vector_store %arg13[%swap3A_838], %masked_sort3A_836 {strides = array<i32>} : memref<2560xi32, #tpu.memory_space<vmem>>, vector<16xi32>,
        %all_reduce_population_count3A_840 = tpu.all_reduce %and3A_821 {dim = 0 : i64, kind = #tpu.reduction_kind<sum>} : vector<16xi1> -> vector<16xi32>
        %slice3A_841 = vector.extract_strided_slice %all_reduce_population_count3A_840 {offsets = [0], sizes = [1], strides = [1]} : vector<16xi32> to vector<1xi32>
        %squeeze3A_842 = vector.extract %slice3A_841[0] : i32 from vector<1xi32>
        %add3A_843 = arith.addi %add3A_802, %squeeze3A_842 : i32
        %scan3A_844 = arith.constant 2 : i32
        %scan3A_845 = arith.addi %scan3A_769, %scan3A_844 : i32
        %mul3A_846 = arith.constant 16 : i32
        %mul3A_847 = arith.muli %scan3A_845, %mul3A_846 : i32
        %get3A_848 = arith.index_cast %mul3A_847 : i32 to index
        %get3A_849 = tpu.vector_load %arg9[%get3A_848] {strides = array<i32>} : memref<2048xi32, #tpu.memory_space<vmem>>, vector<16xi32>,
        %mul3A_850 = arith.constant 16 : i32
        %mul3A_851 = arith.muli %scan3A_845, %mul3A_850 : i32
        %get3A_852 = arith.index_cast %mul3A_851 : i32 to index
        %get3A_853 = tpu.vector_load %arg10[%get3A_852] {strides = array<i32>} : memref<2048xi32, #tpu.memory_space<vmem>>, vector<16xi32>,
        %sub3A_854 = vector.broadcast %mul3A_574 : i32 to vector<16xi32>
        %sub3A_855 = arith.subi %get3A_853, %sub3A_854 : vector<16xi32>
        %ge3A_856 = arith.constant 0 : i32
        %ge3A_857 = vector.broadcast %ge3A_856 : i32 to vector<16xi32>
        %ge3A_858 = arith.cmpi sge, %sub3A_855, %ge3A_857 : vector<16xi32>
        %lt3A_859 = arith.constant 6400 : i32
        %lt3A_860 = vector.broadcast %lt3A_859 : i32 to vector<16xi32>
        %lt3A_861 = arith.cmpi slt, %sub3A_855, %lt3A_860 : vector<16xi32>
        %and3A_862 = arith.andi %ge3A_858, %lt3A_861 : vector<16xi1>
        %mul3A_863 = arith.constant 8192 : i32
        %mul3A_864 = vector.broadcast %mul3A_863 : i32 to vector<16xi32>
        %mul3A_865 = arith.muli %get3A_849, %mul3A_864 : vector<16xi32>
        %jit3A_866 = arith.constant 0 : i32
        %broadcast_in_dim3A_867 = vector.broadcast %jit3A_866 : i32 to vector<16xi32>
        %select_n3A_868 = arith.select %and3A_862, %sub3A_855, %broadcast_in_dim3A_867 : vector<16xi1>, vector<16xi32>
        %add3A_869 = arith.addi %mul3A_865, %select_n3A_868 : vector<16xi32>
        %convert_element_type3A_870 = arith.extui %and3A_862 : vector<16xi1> to vector<16xi32>
        %masked_sort3A_871 = arith.constant dense<true> : vector<16xi1>
        %masked_sort3A_872 = arith.constant -2147483648 : i32
        %masked_sort3A_873 = vector.broadcast %masked_sort3A_872 : i32 to vector<16xi32>
        %masked_sort3A_874 = arith.xori %convert_element_type3A_870, %masked_sort3A_873 : vector<16xi32>
        %masked_sort3A_875, %masked_sort3A_876, %masked_sort3A_877 = tpu.sort %masked_sort3A_874, %add3A_869 masked %masked_sort3A_871 {descending = true} : (vector<16xi32>, vector<16xi32>, vector<16xi1>) -> (vector<16xi1>, vector<16xi32>, vector<16xi32>)
        %masked_sort3A_878 = arith.xori %masked_sort3A_876, %masked_sort3A_873 : vector<16xi32>
        %swap3A_879 = arith.index_cast %add3A_843 : i32 to index
        %swap3A_880 = tpu.vector_load %arg13[%swap3A_879] {strides = array<i32>} : memref<2560xi32, #tpu.memory_space<vmem>>, vector<16xi32>,
        tpu.vector_store %arg13[%swap3A_879], %masked_sort3A_877 {strides = array<i32>} : memref<2560xi32, #tpu.memory_space<vmem>>, vector<16xi32>,
        %all_reduce_population_count3A_881 = tpu.all_reduce %and3A_862 {dim = 0 : i64, kind = #tpu.reduction_kind<sum>} : vector<16xi1> -> vector<16xi32>
        %slice3A_882 = vector.extract_strided_slice %all_reduce_population_count3A_881 {offsets = [0], sizes = [1], strides = [1]} : vector<16xi32> to vector<1xi32>
        %squeeze3A_883 = vector.extract %slice3A_882[0] : i32 from vector<1xi32>
        %add3A_884 = arith.addi %add3A_843, %squeeze3A_883 : i32
        %scan3A_885 = arith.constant 3 : i32
        %scan3A_886 = arith.addi %scan3A_769, %scan3A_885 : i32
        %mul3A_887 = arith.constant 16 : i32
        %mul3A_888 = arith.muli %scan3A_886, %mul3A_887 : i32
        %get3A_889 = arith.index_cast %mul3A_888 : i32 to index
        %get3A_890 = tpu.vector_load %arg9[%get3A_889] {strides = array<i32>} : memref<2048xi32, #tpu.memory_space<vmem>>, vector<16xi32>,
        %mul3A_891 = arith.constant 16 : i32
        %mul3A_892 = arith.muli %scan3A_886, %mul3A_891 : i32
        %get3A_893 = arith.index_cast %mul3A_892 : i32 to index
        %get3A_894 = tpu.vector_load %arg10[%get3A_893] {strides = array<i32>} : memref<2048xi32, #tpu.memory_space<vmem>>, vector<16xi32>,
        %sub3A_895 = vector.broadcast %mul3A_574 : i32 to vector<16xi32>
        %sub3A_896 = arith.subi %get3A_894, %sub3A_895 : vector<16xi32>
        %ge3A_897 = arith.constant 0 : i32
        %ge3A_898 = vector.broadcast %ge3A_897 : i32 to vector<16xi32>
        %ge3A_899 = arith.cmpi sge, %sub3A_896, %ge3A_898 : vector<16xi32>
        %lt3A_900 = arith.constant 6400 : i32
        %lt3A_901 = vector.broadcast %lt3A_900 : i32 to vector<16xi32>
        %lt3A_902 = arith.cmpi slt, %sub3A_896, %lt3A_901 : vector<16xi32>
        %and3A_903 = arith.andi %ge3A_899, %lt3A_902 : vector<16xi1>
        %mul3A_904 = arith.constant 8192 : i32
        %mul3A_905 = vector.broadcast %mul3A_904 : i32 to vector<16xi32>
        %mul3A_906 = arith.muli %get3A_890, %mul3A_905 : vector<16xi32>
        %jit3A_907 = arith.constant 0 : i32
        %broadcast_in_dim3A_908 = vector.broadcast %jit3A_907 : i32 to vector<16xi32>
        %select_n3A_909 = arith.select %and3A_903, %sub3A_896, %broadcast_in_dim3A_908 : vector<16xi1>, vector<16xi32>
        %add3A_910 = arith.addi %mul3A_906, %select_n3A_909 : vector<16xi32>
        %convert_element_type3A_911 = arith.extui %and3A_903 : vector<16xi1> to vector<16xi32>
        %masked_sort3A_912 = arith.constant dense<true> : vector<16xi1>
        %masked_sort3A_913 = arith.constant -2147483648 : i32
        %masked_sort3A_914 = vector.broadcast %masked_sort3A_913 : i32 to vector<16xi32>
        %masked_sort3A_915 = arith.xori %convert_element_type3A_911, %masked_sort3A_914 : vector<16xi32>
        %masked_sort3A_916, %masked_sort3A_917, %masked_sort3A_918 = tpu.sort %masked_sort3A_915, %add3A_910 masked %masked_sort3A_912 {descending = true} : (vector<16xi32>, vector<16xi32>, vector<16xi1>) -> (vector<16xi1>, vector<16xi32>, vector<16xi32>)
        %masked_sort3A_919 = arith.xori %masked_sort3A_917, %masked_sort3A_914 : vector<16xi32>
        %swap3A_920 = arith.index_cast %add3A_884 : i32 to index
        %swap3A_921 = tpu.vector_load %arg13[%swap3A_920] {strides = array<i32>} : memref<2560xi32, #tpu.memory_space<vmem>>, vector<16xi32>,
        tpu.vector_store %arg13[%swap3A_920], %masked_sort3A_918 {strides = array<i32>} : memref<2560xi32, #tpu.memory_space<vmem>>, vector<16xi32>,
        %all_reduce_population_count3A_922 = tpu.all_reduce %and3A_903 {dim = 0 : i64, kind = #tpu.reduction_kind<sum>} : vector<16xi1> -> vector<16xi32>
        %slice3A_923 = vector.extract_strided_slice %all_reduce_population_count3A_922 {offsets = [0], sizes = [1], strides = [1]} : vector<16xi32> to vector<1xi32>
        %squeeze3A_924 = vector.extract %slice3A_923[0] : i32 from vector<1xi32>
        %add3A_925 = arith.addi %add3A_884, %squeeze3A_924 : i32
        scf.yield %add3A_925 : i32
      }
      %scan3A_580 = arith.constant 128 : i32
      %jit3A_581 = arith.constant 128 : i32
      %div3A_582 = arith.divsi %scan3A_579, %jit3A_581 : i32
      %sign3A_583 = arith.constant 0 : i32
      %sign3A_584 = arith.cmpi sgt, %scan3A_579, %sign3A_583 : i32
      %sign3A_585 = arith.extui %sign3A_584 : i1 to i32
      %sign3A_586 = arith.constant 0 : i32
      %sign3A_587 = arith.cmpi slt, %scan3A_579, %sign3A_586 : i32
      %sign3A_588 = arith.extui %sign3A_587 : i1 to i32
      %sign3A_589 = arith.subi %sign3A_585, %sign3A_588 : i32
      %sign3A_590 = arith.constant 0 : i32
      %sign3A_591 = arith.cmpi sgt, %jit3A_581, %sign3A_590 : i32
      %sign3A_592 = arith.extui %sign3A_591 : i1 to i32
      %sign3A_593 = arith.constant 0 : i32
      %sign3A_594 = arith.cmpi slt, %jit3A_581, %sign3A_593 : i32
      %sign3A_595 = arith.extui %sign3A_594 : i1 to i32
      %sign3A_596 = arith.subi %sign3A_592, %sign3A_595 : i32
      %ne3A_597 = arith.cmpi ne, %sign3A_589, %sign3A_596 : i32
      %rem3A_598 = arith.remsi %scan3A_579, %jit3A_581 : i32
      %ne3A_599 = arith.constant 0 : i32
      %ne3A_600 = arith.cmpi ne, %rem3A_598, %ne3A_599 : i32
      %and3A_601 = arith.andi %ne3A_597, %ne3A_600 : i1
      %sub3A_602 = arith.constant 1 : i32
      %sub3A_603 = arith.subi %div3A_582, %sub3A_602 : i32
      %select_n3A_604 = arith.select %and3A_601, %sub3A_603, %div3A_582 : i32
      %while3A_605 = arith.constant 0 : i32
      %while3A_606 = arith.constant 0 : i32
      %while3A_607 = arith.subi %select_n3A_604, %while3A_605 : i32
      %while3A_608 = arith.addi %while3A_605, %while3A_607 : i32
      %while3A_609 = arith.constant 1 : i32
      %while3A_610 = arith.divsi %while3A_607, %while3A_609 : i32
      %while3A_611 = arith.muli %while3A_610, %while3A_609 : i32
      %while3A_612 = arith.addi %while3A_605, %while3A_611 : i32
      %while3A_613 = arith.constant 1 : i32
      %while3A_614 = scf.for %while3A_769 = %while3A_605 to %while3A_612 step %while3A_613 iter_args(%while3A_770 = %while3A_606) -> (i32)  : i32 {
        %mul3A_771 = arith.constant 128 : i32
        %mul3A_772 = arith.muli %while3A_769, %mul3A_771 : i32
        %multiple_of3A_773 = tpu.assume_multiple %mul3A_772, 128 : i32
        %add3A_774 = arith.addi %scan3A_369, %while3A_769 : i32
        %mul3A_775 = arith.constant 128 : i32
        %mul3A_776 = arith.muli %add3A_774, %mul3A_775 : i32
        %multiple_of3A_777 = tpu.assume_multiple %mul3A_776, 128 : i32
        "tpu.region"() ({
          %run_scoped3A = tpu.sem_alloc : memref<!tpu.dma_semaphore, #tpu.memory_space<semaphore_mem>>
          %dma_start3A = tpu.memref_slice %arg13[%multiple_of3A_773] : memref<2560xi32, #tpu.memory_space<vmem>> -> memref<128xi32, #tpu.memory_space<vmem>>
          %dma_start3A_779 = tpu.memref_slice %arg6[%add3A_572, %arg1, %multiple_of3A_777] : memref<8x16x53248xi32, #tpu.memory_space<hbm>> -> memref<1x1x128xi32, #tpu.memory_space<hbm>>
          %dma_start3A_780 = tpu.memref_squeeze %dma_start3A_779 : memref<1x1x128xi32, #tpu.memory_space<hbm>> -> memref<128xi32, #tpu.memory_space<hbm>>
          %dma_start3A_781 = tpu.memref_slice %arg6[%add3A_572, %arg1, %multiple_of3A_777] : memref<8x16x53248xi32, #tpu.memory_space<hbm>> -> memref<1x1x128xi32, #tpu.memory_space<hbm>>
          %dma_start3A_782 = tpu.memref_squeeze %dma_start3A_781 : memref<1x1x128xi32, #tpu.memory_space<hbm>> -> memref<128xi32, #tpu.memory_space<hbm>>
          %dma_start3A_783 = tpu.memref_slice %arg13[%multiple_of3A_773] : memref<2560xi32, #tpu.memory_space<vmem>> -> memref<128xi32, #tpu.memory_space<vmem>>
          tpu.enqueue_dma source(%dma_start3A_783 : memref<128xi32, #tpu.memory_space<vmem>>) target(%dma_start3A_782 : memref<128xi32, #tpu.memory_space<hbm>>) target_semaphore(%run_scoped3A : memref<!tpu.dma_semaphore, #tpu.memory_space<semaphore_mem>>)
          %dma_wait3A = tpu.memref_slice %arg13[%multiple_of3A_773] : memref<2560xi32, #tpu.memory_space<vmem>> -> memref<128xi32, #tpu.memory_space<vmem>>
          %dma_wait3A_784 = tpu.memref_slice %arg6[%add3A_572, %arg1, %multiple_of3A_777] : memref<8x16x53248xi32, #tpu.memory_space<hbm>> -> memref<1x1x128xi32, #tpu.memory_space<hbm>>
          %dma_wait3A_785 = tpu.memref_squeeze %dma_wait3A_784 : memref<1x1x128xi32, #tpu.memory_space<hbm>> -> memref<128xi32, #tpu.memory_space<hbm>>
          %dma_wait3A_786 = tpu.memref_slice %arg6[%add3A_572, %arg1, %multiple_of3A_777] : memref<8x16x53248xi32, #tpu.memory_space<hbm>> -> memref<1x1x128xi32, #tpu.memory_space<hbm>>
          %dma_wait3A_787 = tpu.memref_squeeze %dma_wait3A_786 : memref<1x1x128xi32, #tpu.memory_space<hbm>> -> memref<128xi32, #tpu.memory_space<hbm>>
          %dma_wait3A_788 = tpu.memref_slice %arg13[%multiple_of3A_773] : memref<2560xi32, #tpu.memory_space<vmem>> -> memref<128xi32, #tpu.memory_space<vmem>>
          tpu.wait_dma2 semaphore(%run_scoped3A : memref<!tpu.dma_semaphore, #tpu.memory_space<semaphore_mem>>) src(%dma_wait3A_788 : memref<128xi32, #tpu.memory_space<vmem>>) dst(%dma_wait3A_787 : memref<128xi32, #tpu.memory_space<hbm>>)
          tpu.yield
        }) : () -> ()
        %while3A_778 = arith.constant 0 : i32
        scf.yield %while3A_778 : i32
      }
      %while3A_615 = arith.constant 1 : i32
      %while3A_616 = scf.for %while3A_769 = %while3A_612 to %while3A_608 step %while3A_615 iter_args(%while3A_770 = %while3A_614) -> (i32)  : i32 {
        %mul3A_771 = arith.constant 128 : i32
        %mul3A_772 = arith.muli %while3A_769, %mul3A_771 : i32
        %multiple_of3A_773 = tpu.assume_multiple %mul3A_772, 128 : i32
        %add3A_774 = arith.addi %scan3A_369, %while3A_769 : i32
        %mul3A_775 = arith.constant 128 : i32
        %mul3A_776 = arith.muli %add3A_774, %mul3A_775 : i32
        %multiple_of3A_777 = tpu.assume_multiple %mul3A_776, 128 : i32
        "tpu.region"() ({
          %run_scoped3A = tpu.sem_alloc : memref<!tpu.dma_semaphore, #tpu.memory_space<semaphore_mem>>
          %dma_start3A = tpu.memref_slice %arg13[%multiple_of3A_773] : memref<2560xi32, #tpu.memory_space<vmem>> -> memref<128xi32, #tpu.memory_space<vmem>>
          %dma_start3A_779 = tpu.memref_slice %arg6[%add3A_572, %arg1, %multiple_of3A_777] : memref<8x16x53248xi32, #tpu.memory_space<hbm>> -> memref<1x1x128xi32, #tpu.memory_space<hbm>>
          %dma_start3A_780 = tpu.memref_squeeze %dma_start3A_779 : memref<1x1x128xi32, #tpu.memory_space<hbm>> -> memref<128xi32, #tpu.memory_space<hbm>>
          %dma_start3A_781 = tpu.memref_slice %arg6[%add3A_572, %arg1, %multiple_of3A_777] : memref<8x16x53248xi32, #tpu.memory_space<hbm>> -> memref<1x1x128xi32, #tpu.memory_space<hbm>>
          %dma_start3A_782 = tpu.memref_squeeze %dma_start3A_781 : memref<1x1x128xi32, #tpu.memory_space<hbm>> -> memref<128xi32, #tpu.memory_space<hbm>>
          %dma_start3A_783 = tpu.memref_slice %arg13[%multiple_of3A_773] : memref<2560xi32, #tpu.memory_space<vmem>> -> memref<128xi32, #tpu.memory_space<vmem>>
          tpu.enqueue_dma source(%dma_start3A_783 : memref<128xi32, #tpu.memory_space<vmem>>) target(%dma_start3A_782 : memref<128xi32, #tpu.memory_space<hbm>>) target_semaphore(%run_scoped3A : memref<!tpu.dma_semaphore, #tpu.memory_space<semaphore_mem>>)
          %dma_wait3A = tpu.memref_slice %arg13[%multiple_of3A_773] : memref<2560xi32, #tpu.memory_space<vmem>> -> memref<128xi32, #tpu.memory_space<vmem>>
          %dma_wait3A_784 = tpu.memref_slice %arg6[%add3A_572, %arg1, %multiple_of3A_777] : memref<8x16x53248xi32, #tpu.memory_space<hbm>> -> memref<1x1x128xi32, #tpu.memory_space<hbm>>
          %dma_wait3A_785 = tpu.memref_squeeze %dma_wait3A_784 : memref<1x1x128xi32, #tpu.memory_space<hbm>> -> memref<128xi32, #tpu.memory_space<hbm>>
          %dma_wait3A_786 = tpu.memref_slice %arg6[%add3A_572, %arg1, %multiple_of3A_777] : memref<8x16x53248xi32, #tpu.memory_space<hbm>> -> memref<1x1x128xi32, #tpu.memory_space<hbm>>
          %dma_wait3A_787 = tpu.memref_squeeze %dma_wait3A_786 : memref<1x1x128xi32, #tpu.memory_space<hbm>> -> memref<128xi32, #tpu.memory_space<hbm>>
          %dma_wait3A_788 = tpu.memref_slice %arg13[%multiple_of3A_773] : memref<2560xi32, #tpu.memory_space<vmem>> -> memref<128xi32, #tpu.memory_space<vmem>>
          tpu.wait_dma2 semaphore(%run_scoped3A : memref<!tpu.dma_semaphore, #tpu.memory_space<semaphore_mem>>) src(%dma_wait3A_788 : memref<128xi32, #tpu.memory_space<vmem>>) dst(%dma_wait3A_787 : memref<128xi32, #tpu.memory_space<hbm>>)
          tpu.yield
        }) : () -> ()
        %while3A_778 = arith.constant 0 : i32
        scf.yield %while3A_778 : i32
      }
      %mul3A_617 = arith.constant 128 : i32
      %mul3A_618 = arith.muli %select_n3A_604, %mul3A_617 : i32
      %multiple_of3A_619 = tpu.assume_multiple %mul3A_618, 128 : i32
      %add3A_620 = arith.constant 0 : i32
      %add3A_621 = arith.addi %multiple_of3A_619, %add3A_620 : i32
      %get3A_622 = arith.index_cast %add3A_621 : i32 to index
      %get3A_623 = tpu.vector_load %arg13[%get3A_622] {strides = array<i32>} : memref<2560xi32, #tpu.memory_space<vmem>>, vector<16xi32>,
      %swap3A_624 = arith.constant 0 : index
      %swap3A_625 = tpu.vector_load %arg13[%swap3A_624] {strides = array<i32>} : memref<2560xi32, #tpu.memory_space<vmem>>, vector<16xi32>,
      tpu.vector_store %arg13[%swap3A_624], %get3A_623 {strides = array<i32>} : memref<2560xi32, #tpu.memory_space<vmem>>, vector<16xi32>,
      %add3A_626 = arith.constant 16 : i32
      %add3A_627 = arith.addi %multiple_of3A_619, %add3A_626 : i32
      %get3A_628 = arith.index_cast %add3A_627 : i32 to index
      %get3A_629 = tpu.vector_load %arg13[%get3A_628] {strides = array<i32>} : memref<2560xi32, #tpu.memory_space<vmem>>, vector<16xi32>,
      %swap3A_630 = arith.constant 16 : index
      %swap3A_631 = tpu.vector_load %arg13[%swap3A_630] {strides = array<i32>} : memref<2560xi32, #tpu.memory_space<vmem>>, vector<16xi32>,
      tpu.vector_store %arg13[%swap3A_630], %get3A_629 {strides = array<i32>} : memref<2560xi32, #tpu.memory_space<vmem>>, vector<16xi32>,
      %add3A_632 = arith.constant 32 : i32
      %add3A_633 = arith.addi %multiple_of3A_619, %add3A_632 : i32
      %get3A_634 = arith.index_cast %add3A_633 : i32 to index
      %get3A_635 = tpu.vector_load %arg13[%get3A_634] {strides = array<i32>} : memref<2560xi32, #tpu.memory_space<vmem>>, vector<16xi32>,
      %swap3A_636 = arith.constant 32 : index
      %swap3A_637 = tpu.vector_load %arg13[%swap3A_636] {strides = array<i32>} : memref<2560xi32, #tpu.memory_space<vmem>>, vector<16xi32>,
      tpu.vector_store %arg13[%swap3A_636], %get3A_635 {strides = array<i32>} : memref<2560xi32, #tpu.memory_space<vmem>>, vector<16xi32>,
      %add3A_638 = arith.constant 48 : i32
      %add3A_639 = arith.addi %multiple_of3A_619, %add3A_638 : i32
      %get3A_640 = arith.index_cast %add3A_639 : i32 to index
      %get3A_641 = tpu.vector_load %arg13[%get3A_640] {strides = array<i32>} : memref<2560xi32, #tpu.memory_space<vmem>>, vector<16xi32>,
      %swap3A_642 = arith.constant 48 : index
      %swap3A_643 = tpu.vector_load %arg13[%swap3A_642] {strides = array<i32>} : memref<2560xi32, #tpu.memory_space<vmem>>, vector<16xi32>,
      tpu.vector_store %arg13[%swap3A_642], %get3A_641 {strides = array<i32>} : memref<2560xi32, #tpu.memory_space<vmem>>, vector<16xi32>,
      %add3A_644 = arith.constant 64 : i32
      %add3A_645 = arith.addi %multiple_of3A_619, %add3A_644 : i32
      %get3A_646 = arith.index_cast %add3A_645 : i32 to index
      %get3A_647 = tpu.vector_load %arg13[%get3A_646] {strides = array<i32>} : memref<2560xi32, #tpu.memory_space<vmem>>, vector<16xi32>,
      %swap3A_648 = arith.constant 64 : index
      %swap3A_649 = tpu.vector_load %arg13[%swap3A_648] {strides = array<i32>} : memref<2560xi32, #tpu.memory_space<vmem>>, vector<16xi32>,
      tpu.vector_store %arg13[%swap3A_648], %get3A_647 {strides = array<i32>} : memref<2560xi32, #tpu.memory_space<vmem>>, vector<16xi32>,
      %add3A_650 = arith.constant 80 : i32
      %add3A_651 = arith.addi %multiple_of3A_619, %add3A_650 : i32
      %get3A_652 = arith.index_cast %add3A_651 : i32 to index
      %get3A_653 = tpu.vector_load %arg13[%get3A_652] {strides = array<i32>} : memref<2560xi32, #tpu.memory_space<vmem>>, vector<16xi32>,
      %swap3A_654 = arith.constant 80 : index
      %swap3A_655 = tpu.vector_load %arg13[%swap3A_654] {strides = array<i32>} : memref<2560xi32, #tpu.memory_space<vmem>>, vector<16xi32>,
      tpu.vector_store %arg13[%swap3A_654], %get3A_653 {strides = array<i32>} : memref<2560xi32, #tpu.memory_space<vmem>>, vector<16xi32>,
      %add3A_656 = arith.constant 96 : i32
      %add3A_657 = arith.addi %multiple_of3A_619, %add3A_656 : i32
      %get3A_658 = arith.index_cast %add3A_657 : i32 to index
      %get3A_659 = tpu.vector_load %arg13[%get3A_658] {strides = array<i32>} : memref<2560xi32, #tpu.memory_space<vmem>>, vector<16xi32>,
      %swap3A_660 = arith.constant 96 : index
      %swap3A_661 = tpu.vector_load %arg13[%swap3A_660] {strides = array<i32>} : memref<2560xi32, #tpu.memory_space<vmem>>, vector<16xi32>,
      tpu.vector_store %arg13[%swap3A_660], %get3A_659 {strides = array<i32>} : memref<2560xi32, #tpu.memory_space<vmem>>, vector<16xi32>,
      %add3A_662 = arith.constant 112 : i32
      %add3A_663 = arith.addi %multiple_of3A_619, %add3A_662 : i32
      %get3A_664 = arith.index_cast %add3A_663 : i32 to index
      %get3A_665 = tpu.vector_load %arg13[%get3A_664] {strides = array<i32>} : memref<2560xi32, #tpu.memory_space<vmem>>, vector<16xi32>,
      %swap3A_666 = arith.constant 112 : index
      %swap3A_667 = tpu.vector_load %arg13[%swap3A_666] {strides = array<i32>} : memref<2560xi32, #tpu.memory_space<vmem>>, vector<16xi32>,
      tpu.vector_store %arg13[%swap3A_666], %get3A_665 {strides = array<i32>} : memref<2560xi32, #tpu.memory_space<vmem>>, vector<16xi32>,
      %sub3A_668 = arith.subi %scan3A_579, %multiple_of3A_619 : i32
      %add3A_669 = arith.addi %scan3A_369, %select_n3A_604 : i32
      %add3A_670 = arith.constant 6 : i32
      %add3A_671 = arith.addi %add3A_670, %arg0 : i32
      %mul3A_672 = arith.constant 6400 : i32
      %mul3A_673 = arith.muli %add3A_671, %mul3A_672 : i32
      %scan3A_674 = arith.constant 0 : i32
      %scan3A_675 = arith.constant 128 : i32
      %scan3A_676 = arith.addi %scan3A_674, %scan3A_675 : i32
      %scan3A_677 = arith.constant 4 : i32
      %scan3A_678 = scf.for %scan3A_769 = %scan3A_674 to %scan3A_676 step %scan3A_677 iter_args(%scan3A_770 = %scan3A_370) -> (i32)  : i32 {
        %mul3A_771 = arith.constant 16 : i32
        %mul3A_772 = arith.muli %scan3A_769, %mul3A_771 : i32
        %get3A_773 = arith.index_cast %mul3A_772 : i32 to index
        %get3A_774 = tpu.vector_load %arg9[%get3A_773] {strides = array<i32>} : memref<2048xi32, #tpu.memory_space<vmem>>, vector<16xi32>,
        %mul3A_775 = arith.constant 16 : i32
        %mul3A_776 = arith.muli %scan3A_769, %mul3A_775 : i32
        %get3A_777 = arith.index_cast %mul3A_776 : i32 to index
        %get3A_778 = tpu.vector_load %arg10[%get3A_777] {strides = array<i32>} : memref<2048xi32, #tpu.memory_space<vmem>>, vector<16xi32>,
        %sub3A_779 = vector.broadcast %mul3A_673 : i32 to vector<16xi32>
        %sub3A_780 = arith.subi %get3A_778, %sub3A_779 : vector<16xi32>
        %ge3A = arith.constant 0 : i32
        %ge3A_781 = vector.broadcast %ge3A : i32 to vector<16xi32>
        %ge3A_782 = arith.cmpi sge, %sub3A_780, %ge3A_781 : vector<16xi32>
        %lt3A = arith.constant 6400 : i32
        %lt3A_783 = vector.broadcast %lt3A : i32 to vector<16xi32>
        %lt3A_784 = arith.cmpi slt, %sub3A_780, %lt3A_783 : vector<16xi32>
        %and3A_785 = arith.andi %ge3A_782, %lt3A_784 : vector<16xi1>
        %mul3A_786 = arith.constant 8192 : i32
        %mul3A_787 = vector.broadcast %mul3A_786 : i32 to vector<16xi32>
        %mul3A_788 = arith.muli %get3A_774, %mul3A_787 : vector<16xi32>
        %jit3A_789 = arith.constant 0 : i32
        %broadcast_in_dim3A_790 = vector.broadcast %jit3A_789 : i32 to vector<16xi32>
        %select_n3A_791 = arith.select %and3A_785, %sub3A_780, %broadcast_in_dim3A_790 : vector<16xi1>, vector<16xi32>
        %add3A_792 = arith.addi %mul3A_788, %select_n3A_791 : vector<16xi32>
        %convert_element_type3A = arith.extui %and3A_785 : vector<16xi1> to vector<16xi32>
        %masked_sort3A = arith.constant dense<true> : vector<16xi1>
        %masked_sort3A_793 = arith.constant -2147483648 : i32
        %masked_sort3A_794 = vector.broadcast %masked_sort3A_793 : i32 to vector<16xi32>
        %masked_sort3A_795 = arith.xori %convert_element_type3A, %masked_sort3A_794 : vector<16xi32>
        %masked_sort3A_796, %masked_sort3A_797, %masked_sort3A_798 = tpu.sort %masked_sort3A_795, %add3A_792 masked %masked_sort3A {descending = true} : (vector<16xi32>, vector<16xi32>, vector<16xi1>) -> (vector<16xi1>, vector<16xi32>, vector<16xi32>)
        %masked_sort3A_799 = arith.xori %masked_sort3A_797, %masked_sort3A_794 : vector<16xi32>
        %swap3A_800 = arith.index_cast %scan3A_770 : i32 to index
        %swap3A_801 = tpu.vector_load %arg14[%swap3A_800] {strides = array<i32>} : memref<2560xi32, #tpu.memory_space<vmem>>, vector<16xi32>,
        tpu.vector_store %arg14[%swap3A_800], %masked_sort3A_798 {strides = array<i32>} : memref<2560xi32, #tpu.memory_space<vmem>>, vector<16xi32>,
        %all_reduce_population_count3A = tpu.all_reduce %and3A_785 {dim = 0 : i64, kind = #tpu.reduction_kind<sum>} : vector<16xi1> -> vector<16xi32>
        %slice3A = vector.extract_strided_slice %all_reduce_population_count3A {offsets = [0], sizes = [1], strides = [1]} : vector<16xi32> to vector<1xi32>
        %squeeze3A = vector.extract %slice3A[0] : i32 from vector<1xi32>
        %add3A_802 = arith.addi %scan3A_770, %squeeze3A : i32
        %scan3A_803 = arith.constant 1 : i32
        %scan3A_804 = arith.addi %scan3A_769, %scan3A_803 : i32
        %mul3A_805 = arith.constant 16 : i32
        %mul3A_806 = arith.muli %scan3A_804, %mul3A_805 : i32
        %get3A_807 = arith.index_cast %mul3A_806 : i32 to index
        %get3A_808 = tpu.vector_load %arg9[%get3A_807] {strides = array<i32>} : memref<2048xi32, #tpu.memory_space<vmem>>, vector<16xi32>,
        %mul3A_809 = arith.constant 16 : i32
        %mul3A_810 = arith.muli %scan3A_804, %mul3A_809 : i32
        %get3A_811 = arith.index_cast %mul3A_810 : i32 to index
        %get3A_812 = tpu.vector_load %arg10[%get3A_811] {strides = array<i32>} : memref<2048xi32, #tpu.memory_space<vmem>>, vector<16xi32>,
        %sub3A_813 = vector.broadcast %mul3A_673 : i32 to vector<16xi32>
        %sub3A_814 = arith.subi %get3A_812, %sub3A_813 : vector<16xi32>
        %ge3A_815 = arith.constant 0 : i32
        %ge3A_816 = vector.broadcast %ge3A_815 : i32 to vector<16xi32>
        %ge3A_817 = arith.cmpi sge, %sub3A_814, %ge3A_816 : vector<16xi32>
        %lt3A_818 = arith.constant 6400 : i32
        %lt3A_819 = vector.broadcast %lt3A_818 : i32 to vector<16xi32>
        %lt3A_820 = arith.cmpi slt, %sub3A_814, %lt3A_819 : vector<16xi32>
        %and3A_821 = arith.andi %ge3A_817, %lt3A_820 : vector<16xi1>
        %mul3A_822 = arith.constant 8192 : i32
        %mul3A_823 = vector.broadcast %mul3A_822 : i32 to vector<16xi32>
        %mul3A_824 = arith.muli %get3A_808, %mul3A_823 : vector<16xi32>
        %jit3A_825 = arith.constant 0 : i32
        %broadcast_in_dim3A_826 = vector.broadcast %jit3A_825 : i32 to vector<16xi32>
        %select_n3A_827 = arith.select %and3A_821, %sub3A_814, %broadcast_in_dim3A_826 : vector<16xi1>, vector<16xi32>
        %add3A_828 = arith.addi %mul3A_824, %select_n3A_827 : vector<16xi32>
        %convert_element_type3A_829 = arith.extui %and3A_821 : vector<16xi1> to vector<16xi32>
        %masked_sort3A_830 = arith.constant dense<true> : vector<16xi1>
        %masked_sort3A_831 = arith.constant -2147483648 : i32
        %masked_sort3A_832 = vector.broadcast %masked_sort3A_831 : i32 to vector<16xi32>
        %masked_sort3A_833 = arith.xori %convert_element_type3A_829, %masked_sort3A_832 : vector<16xi32>
        %masked_sort3A_834, %masked_sort3A_835, %masked_sort3A_836 = tpu.sort %masked_sort3A_833, %add3A_828 masked %masked_sort3A_830 {descending = true} : (vector<16xi32>, vector<16xi32>, vector<16xi1>) -> (vector<16xi1>, vector<16xi32>, vector<16xi32>)
        %masked_sort3A_837 = arith.xori %masked_sort3A_835, %masked_sort3A_832 : vector<16xi32>
        %swap3A_838 = arith.index_cast %add3A_802 : i32 to index
        %swap3A_839 = tpu.vector_load %arg14[%swap3A_838] {strides = array<i32>} : memref<2560xi32, #tpu.memory_space<vmem>>, vector<16xi32>,
        tpu.vector_store %arg14[%swap3A_838], %masked_sort3A_836 {strides = array<i32>} : memref<2560xi32, #tpu.memory_space<vmem>>, vector<16xi32>,
        %all_reduce_population_count3A_840 = tpu.all_reduce %and3A_821 {dim = 0 : i64, kind = #tpu.reduction_kind<sum>} : vector<16xi1> -> vector<16xi32>
        %slice3A_841 = vector.extract_strided_slice %all_reduce_population_count3A_840 {offsets = [0], sizes = [1], strides = [1]} : vector<16xi32> to vector<1xi32>
        %squeeze3A_842 = vector.extract %slice3A_841[0] : i32 from vector<1xi32>
        %add3A_843 = arith.addi %add3A_802, %squeeze3A_842 : i32
        %scan3A_844 = arith.constant 2 : i32
        %scan3A_845 = arith.addi %scan3A_769, %scan3A_844 : i32
        %mul3A_846 = arith.constant 16 : i32
        %mul3A_847 = arith.muli %scan3A_845, %mul3A_846 : i32
        %get3A_848 = arith.index_cast %mul3A_847 : i32 to index
        %get3A_849 = tpu.vector_load %arg9[%get3A_848] {strides = array<i32>} : memref<2048xi32, #tpu.memory_space<vmem>>, vector<16xi32>,
        %mul3A_850 = arith.constant 16 : i32
        %mul3A_851 = arith.muli %scan3A_845, %mul3A_850 : i32
        %get3A_852 = arith.index_cast %mul3A_851 : i32 to index
        %get3A_853 = tpu.vector_load %arg10[%get3A_852] {strides = array<i32>} : memref<2048xi32, #tpu.memory_space<vmem>>, vector<16xi32>,
        %sub3A_854 = vector.broadcast %mul3A_673 : i32 to vector<16xi32>
        %sub3A_855 = arith.subi %get3A_853, %sub3A_854 : vector<16xi32>
        %ge3A_856 = arith.constant 0 : i32
        %ge3A_857 = vector.broadcast %ge3A_856 : i32 to vector<16xi32>
        %ge3A_858 = arith.cmpi sge, %sub3A_855, %ge3A_857 : vector<16xi32>
        %lt3A_859 = arith.constant 6400 : i32
        %lt3A_860 = vector.broadcast %lt3A_859 : i32 to vector<16xi32>
        %lt3A_861 = arith.cmpi slt, %sub3A_855, %lt3A_860 : vector<16xi32>
        %and3A_862 = arith.andi %ge3A_858, %lt3A_861 : vector<16xi1>
        %mul3A_863 = arith.constant 8192 : i32
        %mul3A_864 = vector.broadcast %mul3A_863 : i32 to vector<16xi32>
        %mul3A_865 = arith.muli %get3A_849, %mul3A_864 : vector<16xi32>
        %jit3A_866 = arith.constant 0 : i32
        %broadcast_in_dim3A_867 = vector.broadcast %jit3A_866 : i32 to vector<16xi32>
        %select_n3A_868 = arith.select %and3A_862, %sub3A_855, %broadcast_in_dim3A_867 : vector<16xi1>, vector<16xi32>
        %add3A_869 = arith.addi %mul3A_865, %select_n3A_868 : vector<16xi32>
        %convert_element_type3A_870 = arith.extui %and3A_862 : vector<16xi1> to vector<16xi32>
        %masked_sort3A_871 = arith.constant dense<true> : vector<16xi1>
        %masked_sort3A_872 = arith.constant -2147483648 : i32
        %masked_sort3A_873 = vector.broadcast %masked_sort3A_872 : i32 to vector<16xi32>
        %masked_sort3A_874 = arith.xori %convert_element_type3A_870, %masked_sort3A_873 : vector<16xi32>
        %masked_sort3A_875, %masked_sort3A_876, %masked_sort3A_877 = tpu.sort %masked_sort3A_874, %add3A_869 masked %masked_sort3A_871 {descending = true} : (vector<16xi32>, vector<16xi32>, vector<16xi1>) -> (vector<16xi1>, vector<16xi32>, vector<16xi32>)
        %masked_sort3A_878 = arith.xori %masked_sort3A_876, %masked_sort3A_873 : vector<16xi32>
        %swap3A_879 = arith.index_cast %add3A_843 : i32 to index
        %swap3A_880 = tpu.vector_load %arg14[%swap3A_879] {strides = array<i32>} : memref<2560xi32, #tpu.memory_space<vmem>>, vector<16xi32>,
        tpu.vector_store %arg14[%swap3A_879], %masked_sort3A_877 {strides = array<i32>} : memref<2560xi32, #tpu.memory_space<vmem>>, vector<16xi32>,
        %all_reduce_population_count3A_881 = tpu.all_reduce %and3A_862 {dim = 0 : i64, kind = #tpu.reduction_kind<sum>} : vector<16xi1> -> vector<16xi32>
        %slice3A_882 = vector.extract_strided_slice %all_reduce_population_count3A_881 {offsets = [0], sizes = [1], strides = [1]} : vector<16xi32> to vector<1xi32>
        %squeeze3A_883 = vector.extract %slice3A_882[0] : i32 from vector<1xi32>
        %add3A_884 = arith.addi %add3A_843, %squeeze3A_883 : i32
        %scan3A_885 = arith.constant 3 : i32
        %scan3A_886 = arith.addi %scan3A_769, %scan3A_885 : i32
        %mul3A_887 = arith.constant 16 : i32
        %mul3A_888 = arith.muli %scan3A_886, %mul3A_887 : i32
        %get3A_889 = arith.index_cast %mul3A_888 : i32 to index
        %get3A_890 = tpu.vector_load %arg9[%get3A_889] {strides = array<i32>} : memref<2048xi32, #tpu.memory_space<vmem>>, vector<16xi32>,
        %mul3A_891 = arith.constant 16 : i32
        %mul3A_892 = arith.muli %scan3A_886, %mul3A_891 : i32
        %get3A_893 = arith.index_cast %mul3A_892 : i32 to index
        %get3A_894 = tpu.vector_load %arg10[%get3A_893] {strides = array<i32>} : memref<2048xi32, #tpu.memory_space<vmem>>, vector<16xi32>,
        %sub3A_895 = vector.broadcast %mul3A_673 : i32 to vector<16xi32>
        %sub3A_896 = arith.subi %get3A_894, %sub3A_895 : vector<16xi32>
        %ge3A_897 = arith.constant 0 : i32
        %ge3A_898 = vector.broadcast %ge3A_897 : i32 to vector<16xi32>
        %ge3A_899 = arith.cmpi sge, %sub3A_896, %ge3A_898 : vector<16xi32>
        %lt3A_900 = arith.constant 6400 : i32
        %lt3A_901 = vector.broadcast %lt3A_900 : i32 to vector<16xi32>
        %lt3A_902 = arith.cmpi slt, %sub3A_896, %lt3A_901 : vector<16xi32>
        %and3A_903 = arith.andi %ge3A_899, %lt3A_902 : vector<16xi1>
        %mul3A_904 = arith.constant 8192 : i32
        %mul3A_905 = vector.broadcast %mul3A_904 : i32 to vector<16xi32>
        %mul3A_906 = arith.muli %get3A_890, %mul3A_905 : vector<16xi32>
        %jit3A_907 = arith.constant 0 : i32
        %broadcast_in_dim3A_908 = vector.broadcast %jit3A_907 : i32 to vector<16xi32>
        %select_n3A_909 = arith.select %and3A_903, %sub3A_896, %broadcast_in_dim3A_908 : vector<16xi1>, vector<16xi32>
        %add3A_910 = arith.addi %mul3A_906, %select_n3A_909 : vector<16xi32>
        %convert_element_type3A_911 = arith.extui %and3A_903 : vector<16xi1> to vector<16xi32>
        %masked_sort3A_912 = arith.constant dense<true> : vector<16xi1>
        %masked_sort3A_913 = arith.constant -2147483648 : i32
        %masked_sort3A_914 = vector.broadcast %masked_sort3A_913 : i32 to vector<16xi32>
        %masked_sort3A_915 = arith.xori %convert_element_type3A_911, %masked_sort3A_914 : vector<16xi32>
        %masked_sort3A_916, %masked_sort3A_917, %masked_sort3A_918 = tpu.sort %masked_sort3A_915, %add3A_910 masked %masked_sort3A_912 {descending = true} : (vector<16xi32>, vector<16xi32>, vector<16xi1>) -> (vector<16xi1>, vector<16xi32>, vector<16xi32>)
        %masked_sort3A_919 = arith.xori %masked_sort3A_917, %masked_sort3A_914 : vector<16xi32>
        %swap3A_920 = arith.index_cast %add3A_884 : i32 to index
        %swap3A_921 = tpu.vector_load %arg14[%swap3A_920] {strides = array<i32>} : memref<2560xi32, #tpu.memory_space<vmem>>, vector<16xi32>,
        tpu.vector_store %arg14[%swap3A_920], %masked_sort3A_918 {strides = array<i32>} : memref<2560xi32, #tpu.memory_space<vmem>>, vector<16xi32>,
        %all_reduce_population_count3A_922 = tpu.all_reduce %and3A_903 {dim = 0 : i64, kind = #tpu.reduction_kind<sum>} : vector<16xi1> -> vector<16xi32>
        %slice3A_923 = vector.extract_strided_slice %all_reduce_population_count3A_922 {offsets = [0], sizes = [1], strides = [1]} : vector<16xi32> to vector<1xi32>
        %squeeze3A_924 = vector.extract %slice3A_923[0] : i32 from vector<1xi32>
        %add3A_925 = arith.addi %add3A_884, %squeeze3A_924 : i32
        scf.yield %add3A_925 : i32
      }
      %scan3A_679 = arith.constant 128 : i32
      %jit3A_680 = arith.constant 128 : i32
      %div3A_681 = arith.divsi %scan3A_678, %jit3A_680 : i32
      %sign3A_682 = arith.constant 0 : i32
      %sign3A_683 = arith.cmpi sgt, %scan3A_678, %sign3A_682 : i32
      %sign3A_684 = arith.extui %sign3A_683 : i1 to i32
      %sign3A_685 = arith.constant 0 : i32
      %sign3A_686 = arith.cmpi slt, %scan3A_678, %sign3A_685 : i32
      %sign3A_687 = arith.extui %sign3A_686 : i1 to i32
      %sign3A_688 = arith.subi %sign3A_684, %sign3A_687 : i32
      %sign3A_689 = arith.constant 0 : i32
      %sign3A_690 = arith.cmpi sgt, %jit3A_680, %sign3A_689 : i32
      %sign3A_691 = arith.extui %sign3A_690 : i1 to i32
      %sign3A_692 = arith.constant 0 : i32
      %sign3A_693 = arith.cmpi slt, %jit3A_680, %sign3A_692 : i32
      %sign3A_694 = arith.extui %sign3A_693 : i1 to i32
      %sign3A_695 = arith.subi %sign3A_691, %sign3A_694 : i32
      %ne3A_696 = arith.cmpi ne, %sign3A_688, %sign3A_695 : i32
      %rem3A_697 = arith.remsi %scan3A_678, %jit3A_680 : i32
      %ne3A_698 = arith.constant 0 : i32
      %ne3A_699 = arith.cmpi ne, %rem3A_697, %ne3A_698 : i32
      %and3A_700 = arith.andi %ne3A_696, %ne3A_699 : i1
      %sub3A_701 = arith.constant 1 : i32
      %sub3A_702 = arith.subi %div3A_681, %sub3A_701 : i32
      %select_n3A_703 = arith.select %and3A_700, %sub3A_702, %div3A_681 : i32
      %while3A_704 = arith.constant 0 : i32
      %while3A_705 = arith.constant 0 : i32
      %while3A_706 = arith.subi %select_n3A_703, %while3A_704 : i32
      %while3A_707 = arith.addi %while3A_704, %while3A_706 : i32
      %while3A_708 = arith.constant 1 : i32
      %while3A_709 = arith.divsi %while3A_706, %while3A_708 : i32
      %while3A_710 = arith.muli %while3A_709, %while3A_708 : i32
      %while3A_711 = arith.addi %while3A_704, %while3A_710 : i32
      %while3A_712 = arith.constant 1 : i32
      %while3A_713 = scf.for %while3A_769 = %while3A_704 to %while3A_711 step %while3A_712 iter_args(%while3A_770 = %while3A_705) -> (i32)  : i32 {
        %mul3A_771 = arith.constant 128 : i32
        %mul3A_772 = arith.muli %while3A_769, %mul3A_771 : i32
        %multiple_of3A_773 = tpu.assume_multiple %mul3A_772, 128 : i32
        %add3A_774 = arith.addi %scan3A_371, %while3A_769 : i32
        %mul3A_775 = arith.constant 128 : i32
        %mul3A_776 = arith.muli %add3A_774, %mul3A_775 : i32
        %multiple_of3A_777 = tpu.assume_multiple %mul3A_776, 128 : i32
        "tpu.region"() ({
          %run_scoped3A = tpu.sem_alloc : memref<!tpu.dma_semaphore, #tpu.memory_space<semaphore_mem>>
          %dma_start3A = tpu.memref_slice %arg14[%multiple_of3A_773] : memref<2560xi32, #tpu.memory_space<vmem>> -> memref<128xi32, #tpu.memory_space<vmem>>
          %dma_start3A_779 = tpu.memref_slice %arg6[%add3A_671, %arg1, %multiple_of3A_777] : memref<8x16x53248xi32, #tpu.memory_space<hbm>> -> memref<1x1x128xi32, #tpu.memory_space<hbm>>
          %dma_start3A_780 = tpu.memref_squeeze %dma_start3A_779 : memref<1x1x128xi32, #tpu.memory_space<hbm>> -> memref<128xi32, #tpu.memory_space<hbm>>
          %dma_start3A_781 = tpu.memref_slice %arg6[%add3A_671, %arg1, %multiple_of3A_777] : memref<8x16x53248xi32, #tpu.memory_space<hbm>> -> memref<1x1x128xi32, #tpu.memory_space<hbm>>
          %dma_start3A_782 = tpu.memref_squeeze %dma_start3A_781 : memref<1x1x128xi32, #tpu.memory_space<hbm>> -> memref<128xi32, #tpu.memory_space<hbm>>
          %dma_start3A_783 = tpu.memref_slice %arg14[%multiple_of3A_773] : memref<2560xi32, #tpu.memory_space<vmem>> -> memref<128xi32, #tpu.memory_space<vmem>>
          tpu.enqueue_dma source(%dma_start3A_783 : memref<128xi32, #tpu.memory_space<vmem>>) target(%dma_start3A_782 : memref<128xi32, #tpu.memory_space<hbm>>) target_semaphore(%run_scoped3A : memref<!tpu.dma_semaphore, #tpu.memory_space<semaphore_mem>>)
          %dma_wait3A = tpu.memref_slice %arg14[%multiple_of3A_773] : memref<2560xi32, #tpu.memory_space<vmem>> -> memref<128xi32, #tpu.memory_space<vmem>>
          %dma_wait3A_784 = tpu.memref_slice %arg6[%add3A_671, %arg1, %multiple_of3A_777] : memref<8x16x53248xi32, #tpu.memory_space<hbm>> -> memref<1x1x128xi32, #tpu.memory_space<hbm>>
          %dma_wait3A_785 = tpu.memref_squeeze %dma_wait3A_784 : memref<1x1x128xi32, #tpu.memory_space<hbm>> -> memref<128xi32, #tpu.memory_space<hbm>>
          %dma_wait3A_786 = tpu.memref_slice %arg6[%add3A_671, %arg1, %multiple_of3A_777] : memref<8x16x53248xi32, #tpu.memory_space<hbm>> -> memref<1x1x128xi32, #tpu.memory_space<hbm>>
          %dma_wait3A_787 = tpu.memref_squeeze %dma_wait3A_786 : memref<1x1x128xi32, #tpu.memory_space<hbm>> -> memref<128xi32, #tpu.memory_space<hbm>>
          %dma_wait3A_788 = tpu.memref_slice %arg14[%multiple_of3A_773] : memref<2560xi32, #tpu.memory_space<vmem>> -> memref<128xi32, #tpu.memory_space<vmem>>
          tpu.wait_dma2 semaphore(%run_scoped3A : memref<!tpu.dma_semaphore, #tpu.memory_space<semaphore_mem>>) src(%dma_wait3A_788 : memref<128xi32, #tpu.memory_space<vmem>>) dst(%dma_wait3A_787 : memref<128xi32, #tpu.memory_space<hbm>>)
          tpu.yield
        }) : () -> ()
        %while3A_778 = arith.constant 0 : i32
        scf.yield %while3A_778 : i32
      }
      %while3A_714 = arith.constant 1 : i32
      %while3A_715 = scf.for %while3A_769 = %while3A_711 to %while3A_707 step %while3A_714 iter_args(%while3A_770 = %while3A_713) -> (i32)  : i32 {
        %mul3A_771 = arith.constant 128 : i32
        %mul3A_772 = arith.muli %while3A_769, %mul3A_771 : i32
        %multiple_of3A_773 = tpu.assume_multiple %mul3A_772, 128 : i32
        %add3A_774 = arith.addi %scan3A_371, %while3A_769 : i32
        %mul3A_775 = arith.constant 128 : i32
        %mul3A_776 = arith.muli %add3A_774, %mul3A_775 : i32
        %multiple_of3A_777 = tpu.assume_multiple %mul3A_776, 128 : i32
        "tpu.region"() ({
          %run_scoped3A = tpu.sem_alloc : memref<!tpu.dma_semaphore, #tpu.memory_space<semaphore_mem>>
          %dma_start3A = tpu.memref_slice %arg14[%multiple_of3A_773] : memref<2560xi32, #tpu.memory_space<vmem>> -> memref<128xi32, #tpu.memory_space<vmem>>
          %dma_start3A_779 = tpu.memref_slice %arg6[%add3A_671, %arg1, %multiple_of3A_777] : memref<8x16x53248xi32, #tpu.memory_space<hbm>> -> memref<1x1x128xi32, #tpu.memory_space<hbm>>
          %dma_start3A_780 = tpu.memref_squeeze %dma_start3A_779 : memref<1x1x128xi32, #tpu.memory_space<hbm>> -> memref<128xi32, #tpu.memory_space<hbm>>
          %dma_start3A_781 = tpu.memref_slice %arg6[%add3A_671, %arg1, %multiple_of3A_777] : memref<8x16x53248xi32, #tpu.memory_space<hbm>> -> memref<1x1x128xi32, #tpu.memory_space<hbm>>
          %dma_start3A_782 = tpu.memref_squeeze %dma_start3A_781 : memref<1x1x128xi32, #tpu.memory_space<hbm>> -> memref<128xi32, #tpu.memory_space<hbm>>
          %dma_start3A_783 = tpu.memref_slice %arg14[%multiple_of3A_773] : memref<2560xi32, #tpu.memory_space<vmem>> -> memref<128xi32, #tpu.memory_space<vmem>>
          tpu.enqueue_dma source(%dma_start3A_783 : memref<128xi32, #tpu.memory_space<vmem>>) target(%dma_start3A_782 : memref<128xi32, #tpu.memory_space<hbm>>) target_semaphore(%run_scoped3A : memref<!tpu.dma_semaphore, #tpu.memory_space<semaphore_mem>>)
          %dma_wait3A = tpu.memref_slice %arg14[%multiple_of3A_773] : memref<2560xi32, #tpu.memory_space<vmem>> -> memref<128xi32, #tpu.memory_space<vmem>>
          %dma_wait3A_784 = tpu.memref_slice %arg6[%add3A_671, %arg1, %multiple_of3A_777] : memref<8x16x53248xi32, #tpu.memory_space<hbm>> -> memref<1x1x128xi32, #tpu.memory_space<hbm>>
          %dma_wait3A_785 = tpu.memref_squeeze %dma_wait3A_784 : memref<1x1x128xi32, #tpu.memory_space<hbm>> -> memref<128xi32, #tpu.memory_space<hbm>>
          %dma_wait3A_786 = tpu.memref_slice %arg6[%add3A_671, %arg1, %multiple_of3A_777] : memref<8x16x53248xi32, #tpu.memory_space<hbm>> -> memref<1x1x128xi32, #tpu.memory_space<hbm>>
          %dma_wait3A_787 = tpu.memref_squeeze %dma_wait3A_786 : memref<1x1x128xi32, #tpu.memory_space<hbm>> -> memref<128xi32, #tpu.memory_space<hbm>>
          %dma_wait3A_788 = tpu.memref_slice %arg14[%multiple_of3A_773] : memref<2560xi32, #tpu.memory_space<vmem>> -> memref<128xi32, #tpu.memory_space<vmem>>
          tpu.wait_dma2 semaphore(%run_scoped3A : memref<!tpu.dma_semaphore, #tpu.memory_space<semaphore_mem>>) src(%dma_wait3A_788 : memref<128xi32, #tpu.memory_space<vmem>>) dst(%dma_wait3A_787 : memref<128xi32, #tpu.memory_space<hbm>>)
          tpu.yield
        }) : () -> ()
        %while3A_778 = arith.constant 0 : i32
        scf.yield %while3A_778 : i32
      }
      %mul3A_716 = arith.constant 128 : i32
      %mul3A_717 = arith.muli %select_n3A_703, %mul3A_716 : i32
      %multiple_of3A_718 = tpu.assume_multiple %mul3A_717, 128 : i32
      %add3A_719 = arith.constant 0 : i32
      %add3A_720 = arith.addi %multiple_of3A_718, %add3A_719 : i32
      %get3A_721 = arith.index_cast %add3A_720 : i32 to index
      %get3A_722 = tpu.vector_load %arg14[%get3A_721] {strides = array<i32>} : memref<2560xi32, #tpu.memory_space<vmem>>, vector<16xi32>,
      %swap3A_723 = arith.constant 0 : index
      %swap3A_724 = tpu.vector_load %arg14[%swap3A_723] {strides = array<i32>} : memref<2560xi32, #tpu.memory_space<vmem>>, vector<16xi32>,
      tpu.vector_store %arg14[%swap3A_723], %get3A_722 {strides = array<i32>} : memref<2560xi32, #tpu.memory_space<vmem>>, vector<16xi32>,
      %add3A_725 = arith.constant 16 : i32
      %add3A_726 = arith.addi %multiple_of3A_718, %add3A_725 : i32
      %get3A_727 = arith.index_cast %add3A_726 : i32 to index
      %get3A_728 = tpu.vector_load %arg14[%get3A_727] {strides = array<i32>} : memref<2560xi32, #tpu.memory_space<vmem>>, vector<16xi32>,
      %swap3A_729 = arith.constant 16 : index
      %swap3A_730 = tpu.vector_load %arg14[%swap3A_729] {strides = array<i32>} : memref<2560xi32, #tpu.memory_space<vmem>>, vector<16xi32>,
      tpu.vector_store %arg14[%swap3A_729], %get3A_728 {strides = array<i32>} : memref<2560xi32, #tpu.memory_space<vmem>>, vector<16xi32>,
      %add3A_731 = arith.constant 32 : i32
      %add3A_732 = arith.addi %multiple_of3A_718, %add3A_731 : i32
      %get3A_733 = arith.index_cast %add3A_732 : i32 to index
      %get3A_734 = tpu.vector_load %arg14[%get3A_733] {strides = array<i32>} : memref<2560xi32, #tpu.memory_space<vmem>>, vector<16xi32>,
      %swap3A_735 = arith.constant 32 : index
      %swap3A_736 = tpu.vector_load %arg14[%swap3A_735] {strides = array<i32>} : memref<2560xi32, #tpu.memory_space<vmem>>, vector<16xi32>,
      tpu.vector_store %arg14[%swap3A_735], %get3A_734 {strides = array<i32>} : memref<2560xi32, #tpu.memory_space<vmem>>, vector<16xi32>,
      %add3A_737 = arith.constant 48 : i32
      %add3A_738 = arith.addi %multiple_of3A_718, %add3A_737 : i32
      %get3A_739 = arith.index_cast %add3A_738 : i32 to index
      %get3A_740 = tpu.vector_load %arg14[%get3A_739] {strides = array<i32>} : memref<2560xi32, #tpu.memory_space<vmem>>, vector<16xi32>,
      %swap3A_741 = arith.constant 48 : index
      %swap3A_742 = tpu.vector_load %arg14[%swap3A_741] {strides = array<i32>} : memref<2560xi32, #tpu.memory_space<vmem>>, vector<16xi32>,
      tpu.vector_store %arg14[%swap3A_741], %get3A_740 {strides = array<i32>} : memref<2560xi32, #tpu.memory_space<vmem>>, vector<16xi32>,
      %add3A_743 = arith.constant 64 : i32
      %add3A_744 = arith.addi %multiple_of3A_718, %add3A_743 : i32
      %get3A_745 = arith.index_cast %add3A_744 : i32 to index
      %get3A_746 = tpu.vector_load %arg14[%get3A_745] {strides = array<i32>} : memref<2560xi32, #tpu.memory_space<vmem>>, vector<16xi32>,
      %swap3A_747 = arith.constant 64 : index
      %swap3A_748 = tpu.vector_load %arg14[%swap3A_747] {strides = array<i32>} : memref<2560xi32, #tpu.memory_space<vmem>>, vector<16xi32>,
      tpu.vector_store %arg14[%swap3A_747], %get3A_746 {strides = array<i32>} : memref<2560xi32, #tpu.memory_space<vmem>>, vector<16xi32>,
      %add3A_749 = arith.constant 80 : i32
      %add3A_750 = arith.addi %multiple_of3A_718, %add3A_749 : i32
      %get3A_751 = arith.index_cast %add3A_750 : i32 to index
      %get3A_752 = tpu.vector_load %arg14[%get3A_751] {strides = array<i32>} : memref<2560xi32, #tpu.memory_space<vmem>>, vector<16xi32>,
      %swap3A_753 = arith.constant 80 : index
      %swap3A_754 = tpu.vector_load %arg14[%swap3A_753] {strides = array<i32>} : memref<2560xi32, #tpu.memory_space<vmem>>, vector<16xi32>,
      tpu.vector_store %arg14[%swap3A_753], %get3A_752 {strides = array<i32>} : memref<2560xi32, #tpu.memory_space<vmem>>, vector<16xi32>,
      %add3A_755 = arith.constant 96 : i32
      %add3A_756 = arith.addi %multiple_of3A_718, %add3A_755 : i32
      %get3A_757 = arith.index_cast %add3A_756 : i32 to index
      %get3A_758 = tpu.vector_load %arg14[%get3A_757] {strides = array<i32>} : memref<2560xi32, #tpu.memory_space<vmem>>, vector<16xi32>,
      %swap3A_759 = arith.constant 96 : index
      %swap3A_760 = tpu.vector_load %arg14[%swap3A_759] {strides = array<i32>} : memref<2560xi32, #tpu.memory_space<vmem>>, vector<16xi32>,
      tpu.vector_store %arg14[%swap3A_759], %get3A_758 {strides = array<i32>} : memref<2560xi32, #tpu.memory_space<vmem>>, vector<16xi32>,
      %add3A_761 = arith.constant 112 : i32
      %add3A_762 = arith.addi %multiple_of3A_718, %add3A_761 : i32
      %get3A_763 = arith.index_cast %add3A_762 : i32 to index
      %get3A_764 = tpu.vector_load %arg14[%get3A_763] {strides = array<i32>} : memref<2560xi32, #tpu.memory_space<vmem>>, vector<16xi32>,
      %swap3A_765 = arith.constant 112 : index
      %swap3A_766 = tpu.vector_load %arg14[%swap3A_765] {strides = array<i32>} : memref<2560xi32, #tpu.memory_space<vmem>>, vector<16xi32>,
      tpu.vector_store %arg14[%swap3A_765], %get3A_764 {strides = array<i32>} : memref<2560xi32, #tpu.memory_space<vmem>>, vector<16xi32>,
      %sub3A_767 = arith.subi %scan3A_678, %multiple_of3A_718 : i32
      %add3A_768 = arith.addi %scan3A_371, %select_n3A_703 : i32
      scf.yield %sub3A_470, %add3A_471, %sub3A_569, %add3A_570, %sub3A_668, %add3A_669, %sub3A_767, %add3A_768 : i32, i32, i32, i32, i32, i32, i32, i32
    }
    %scan3A_13 = arith.constant 25 : i32
    %broadcast_in_dim3A = arith.constant 6400 : i32
    %broadcast_in_dim3A_14 = vector.broadcast %broadcast_in_dim3A : i32 to vector<16xi32>
    %add3A = arith.constant 0 : i32
    %add3A_15 = arith.addi %add3A, %arg0 : i32
    %add3A_16 = arith.constant 0 : i32
    %add3A_17 = arith.addi %scan3A_12#0, %add3A_16 : i32
    %swap3A = arith.index_cast %add3A_17 : i32 to index
    %swap3A_18 = tpu.vector_load %arg11[%swap3A] {strides = array<i32>} : memref<2560xi32, #tpu.memory_space<vmem>>, vector<16xi32>,
    tpu.vector_store %arg11[%swap3A], %broadcast_in_dim3A_14 {strides = array<i32>} : memref<2560xi32, #tpu.memory_space<vmem>>, vector<16xi32>,
    %add3A_19 = arith.constant 16 : i32
    %add3A_20 = arith.addi %scan3A_12#0, %add3A_19 : i32
    %swap3A_21 = arith.index_cast %add3A_20 : i32 to index
    %swap3A_22 = tpu.vector_load %arg11[%swap3A_21] {strides = array<i32>} : memref<2560xi32, #tpu.memory_space<vmem>>, vector<16xi32>,
    tpu.vector_store %arg11[%swap3A_21], %broadcast_in_dim3A_14 {strides = array<i32>} : memref<2560xi32, #tpu.memory_space<vmem>>, vector<16xi32>,
    %add3A_23 = arith.constant 32 : i32
    %add3A_24 = arith.addi %scan3A_12#0, %add3A_23 : i32
    %swap3A_25 = arith.index_cast %add3A_24 : i32 to index
    %swap3A_26 = tpu.vector_load %arg11[%swap3A_25] {strides = array<i32>} : memref<2560xi32, #tpu.memory_space<vmem>>, vector<16xi32>,
    tpu.vector_store %arg11[%swap3A_25], %broadcast_in_dim3A_14 {strides = array<i32>} : memref<2560xi32, #tpu.memory_space<vmem>>, vector<16xi32>,
    %add3A_27 = arith.constant 48 : i32
    %add3A_28 = arith.addi %scan3A_12#0, %add3A_27 : i32
    %swap3A_29 = arith.index_cast %add3A_28 : i32 to index
    %swap3A_30 = tpu.vector_load %arg11[%swap3A_29] {strides = array<i32>} : memref<2560xi32, #tpu.memory_space<vmem>>, vector<16xi32>,
    tpu.vector_store %arg11[%swap3A_29], %broadcast_in_dim3A_14 {strides = array<i32>} : memref<2560xi32, #tpu.memory_space<vmem>>, vector<16xi32>,
    %add3A_31 = arith.constant 64 : i32
    %add3A_32 = arith.addi %scan3A_12#0, %add3A_31 : i32
    %swap3A_33 = arith.index_cast %add3A_32 : i32 to index
    %swap3A_34 = tpu.vector_load %arg11[%swap3A_33] {strides = array<i32>} : memref<2560xi32, #tpu.memory_space<vmem>>, vector<16xi32>,
    tpu.vector_store %arg11[%swap3A_33], %broadcast_in_dim3A_14 {strides = array<i32>} : memref<2560xi32, #tpu.memory_space<vmem>>, vector<16xi32>,
    %add3A_35 = arith.constant 80 : i32
    %add3A_36 = arith.addi %scan3A_12#0, %add3A_35 : i32
    %swap3A_37 = arith.index_cast %add3A_36 : i32 to index
    %swap3A_38 = tpu.vector_load %arg11[%swap3A_37] {strides = array<i32>} : memref<2560xi32, #tpu.memory_space<vmem>>, vector<16xi32>,
    tpu.vector_store %arg11[%swap3A_37], %broadcast_in_dim3A_14 {strides = array<i32>} : memref<2560xi32, #tpu.memory_space<vmem>>, vector<16xi32>,
    %add3A_39 = arith.constant 96 : i32
    %add3A_40 = arith.addi %scan3A_12#0, %add3A_39 : i32
    %swap3A_41 = arith.index_cast %add3A_40 : i32 to index
    %swap3A_42 = tpu.vector_load %arg11[%swap3A_41] {strides = array<i32>} : memref<2560xi32, #tpu.memory_space<vmem>>, vector<16xi32>,
    tpu.vector_store %arg11[%swap3A_41], %broadcast_in_dim3A_14 {strides = array<i32>} : memref<2560xi32, #tpu.memory_space<vmem>>, vector<16xi32>,
    %add3A_43 = arith.constant 112 : i32
    %add3A_44 = arith.addi %scan3A_12#0, %add3A_43 : i32
    %swap3A_45 = arith.index_cast %add3A_44 : i32 to index
    %swap3A_46 = tpu.vector_load %arg11[%swap3A_45] {strides = array<i32>} : memref<2560xi32, #tpu.memory_space<vmem>>, vector<16xi32>,
    tpu.vector_store %arg11[%swap3A_45], %broadcast_in_dim3A_14 {strides = array<i32>} : memref<2560xi32, #tpu.memory_space<vmem>>, vector<16xi32>,
    %add3A_47 = arith.constant 128 : i32
    %add3A_48 = arith.addi %scan3A_12#0, %add3A_47 : i32
    %swap3A_49 = arith.index_cast %add3A_48 : i32 to index
    %swap3A_50 = tpu.vector_load %arg11[%swap3A_49] {strides = array<i32>} : memref<2560xi32, #tpu.memory_space<vmem>>, vector<16xi32>,
    tpu.vector_store %arg11[%swap3A_49], %broadcast_in_dim3A_14 {strides = array<i32>} : memref<2560xi32, #tpu.memory_space<vmem>>, vector<16xi32>,
    %mul3A_51 = arith.constant 128 : i32
    %mul3A_52 = arith.muli %scan3A_12#1, %mul3A_51 : i32
    %add3A_53 = arith.addi %mul3A_52, %scan3A_12#0 : i32
    %add3A_54 = arith.constant 128 : i32
    %add3A_55 = arith.addi %add3A_53, %add3A_54 : i32
    %sub3A = arith.constant 1 : i32
    %sub3A_56 = arith.subi %add3A_55, %sub3A : i32
    %jit3A = arith.constant 128 : i32
    %div3A = arith.divsi %sub3A_56, %jit3A : i32
    %sign3A = arith.constant 0 : i32
    %sign3A_57 = arith.cmpi sgt, %sub3A_56, %sign3A : i32
    %sign3A_58 = arith.extui %sign3A_57 : i1 to i32
    %sign3A_59 = arith.constant 0 : i32
    %sign3A_60 = arith.cmpi slt, %sub3A_56, %sign3A_59 : i32
    %sign3A_61 = arith.extui %sign3A_60 : i1 to i32
    %sign3A_62 = arith.subi %sign3A_58, %sign3A_61 : i32
    %sign3A_63 = arith.constant 0 : i32
    %sign3A_64 = arith.cmpi sgt, %jit3A, %sign3A_63 : i32
    %sign3A_65 = arith.extui %sign3A_64 : i1 to i32
    %sign3A_66 = arith.constant 0 : i32
    %sign3A_67 = arith.cmpi slt, %jit3A, %sign3A_66 : i32
    %sign3A_68 = arith.extui %sign3A_67 : i1 to i32
    %sign3A_69 = arith.subi %sign3A_65, %sign3A_68 : i32
    %ne3A = arith.cmpi ne, %sign3A_62, %sign3A_69 : i32
    %rem3A = arith.remsi %sub3A_56, %jit3A : i32
    %ne3A_70 = arith.constant 0 : i32
    %ne3A_71 = arith.cmpi ne, %rem3A, %ne3A_70 : i32
    %and3A = arith.andi %ne3A, %ne3A_71 : i1
    %sub3A_72 = arith.constant 1 : i32
    %sub3A_73 = arith.subi %div3A, %sub3A_72 : i32
    %select_n3A = arith.select %and3A, %sub3A_73, %div3A : i32
    %sub3A_74 = arith.subi %select_n3A, %scan3A_12#1 : i32
    %while3A = arith.constant 0 : i32
    %while3A_75 = arith.constant 0 : i32
    %while3A_76 = arith.subi %sub3A_74, %while3A : i32
    %while3A_77 = arith.addi %while3A, %while3A_76 : i32
    %while3A_78 = arith.constant 1 : i32
    %while3A_79 = arith.divsi %while3A_76, %while3A_78 : i32
    %while3A_80 = arith.muli %while3A_79, %while3A_78 : i32
    %while3A_81 = arith.addi %while3A, %while3A_80 : i32
    %while3A_82 = arith.constant 1 : i32
    %while3A_83 = scf.for %while3A_363 = %while3A to %while3A_81 step %while3A_82 iter_args(%while3A_364 = %while3A_75) -> (i32)  : i32 {
      %mul3A_365 = arith.constant 128 : i32
      %mul3A_366 = arith.muli %while3A_363, %mul3A_365 : i32
      %multiple_of3A = tpu.assume_multiple %mul3A_366, 128 : i32
      %add3A_367 = arith.addi %scan3A_12#1, %while3A_363 : i32
      %mul3A_368 = arith.constant 128 : i32
      %mul3A_369 = arith.muli %add3A_367, %mul3A_368 : i32
      %multiple_of3A_370 = tpu.assume_multiple %mul3A_369, 128 : i32
      "tpu.region"() ({
        %run_scoped3A = tpu.sem_alloc : memref<!tpu.dma_semaphore, #tpu.memory_space<semaphore_mem>>
        %dma_start3A = tpu.memref_slice %arg11[%multiple_of3A] : memref<2560xi32, #tpu.memory_space<vmem>> -> memref<128xi32, #tpu.memory_space<vmem>>
        %dma_start3A_372 = tpu.memref_slice %arg6[%add3A_15, %arg1, %multiple_of3A_370] : memref<8x16x53248xi32, #tpu.memory_space<hbm>> -> memref<1x1x128xi32, #tpu.memory_space<hbm>>
        %dma_start3A_373 = tpu.memref_squeeze %dma_start3A_372 : memref<1x1x128xi32, #tpu.memory_space<hbm>> -> memref<128xi32, #tpu.memory_space<hbm>>
        %dma_start3A_374 = tpu.memref_slice %arg6[%add3A_15, %arg1, %multiple_of3A_370] : memref<8x16x53248xi32, #tpu.memory_space<hbm>> -> memref<1x1x128xi32, #tpu.memory_space<hbm>>
        %dma_start3A_375 = tpu.memref_squeeze %dma_start3A_374 : memref<1x1x128xi32, #tpu.memory_space<hbm>> -> memref<128xi32, #tpu.memory_space<hbm>>
        %dma_start3A_376 = tpu.memref_slice %arg11[%multiple_of3A] : memref<2560xi32, #tpu.memory_space<vmem>> -> memref<128xi32, #tpu.memory_space<vmem>>
        tpu.enqueue_dma source(%dma_start3A_376 : memref<128xi32, #tpu.memory_space<vmem>>) target(%dma_start3A_375 : memref<128xi32, #tpu.memory_space<hbm>>) target_semaphore(%run_scoped3A : memref<!tpu.dma_semaphore, #tpu.memory_space<semaphore_mem>>)
        %dma_wait3A = tpu.memref_slice %arg11[%multiple_of3A] : memref<2560xi32, #tpu.memory_space<vmem>> -> memref<128xi32, #tpu.memory_space<vmem>>
        %dma_wait3A_377 = tpu.memref_slice %arg6[%add3A_15, %arg1, %multiple_of3A_370] : memref<8x16x53248xi32, #tpu.memory_space<hbm>> -> memref<1x1x128xi32, #tpu.memory_space<hbm>>
        %dma_wait3A_378 = tpu.memref_squeeze %dma_wait3A_377 : memref<1x1x128xi32, #tpu.memory_space<hbm>> -> memref<128xi32, #tpu.memory_space<hbm>>
        %dma_wait3A_379 = tpu.memref_slice %arg6[%add3A_15, %arg1, %multiple_of3A_370] : memref<8x16x53248xi32, #tpu.memory_space<hbm>> -> memref<1x1x128xi32, #tpu.memory_space<hbm>>
        %dma_wait3A_380 = tpu.memref_squeeze %dma_wait3A_379 : memref<1x1x128xi32, #tpu.memory_space<hbm>> -> memref<128xi32, #tpu.memory_space<hbm>>
        %dma_wait3A_381 = tpu.memref_slice %arg11[%multiple_of3A] : memref<2560xi32, #tpu.memory_space<vmem>> -> memref<128xi32, #tpu.memory_space<vmem>>
        tpu.wait_dma2 semaphore(%run_scoped3A : memref<!tpu.dma_semaphore, #tpu.memory_space<semaphore_mem>>) src(%dma_wait3A_381 : memref<128xi32, #tpu.memory_space<vmem>>) dst(%dma_wait3A_380 : memref<128xi32, #tpu.memory_space<hbm>>)
        tpu.yield
      }) : () -> ()
      %while3A_371 = arith.constant 0 : i32
      scf.yield %while3A_371 : i32
    }
    %while3A_84 = arith.constant 1 : i32
    %while3A_85 = scf.for %while3A_363 = %while3A_81 to %while3A_77 step %while3A_84 iter_args(%while3A_364 = %while3A_83) -> (i32)  : i32 {
      %mul3A_365 = arith.constant 128 : i32
      %mul3A_366 = arith.muli %while3A_363, %mul3A_365 : i32
      %multiple_of3A = tpu.assume_multiple %mul3A_366, 128 : i32
      %add3A_367 = arith.addi %scan3A_12#1, %while3A_363 : i32
      %mul3A_368 = arith.constant 128 : i32
      %mul3A_369 = arith.muli %add3A_367, %mul3A_368 : i32
      %multiple_of3A_370 = tpu.assume_multiple %mul3A_369, 128 : i32
      "tpu.region"() ({
        %run_scoped3A = tpu.sem_alloc : memref<!tpu.dma_semaphore, #tpu.memory_space<semaphore_mem>>
        %dma_start3A = tpu.memref_slice %arg11[%multiple_of3A] : memref<2560xi32, #tpu.memory_space<vmem>> -> memref<128xi32, #tpu.memory_space<vmem>>
        %dma_start3A_372 = tpu.memref_slice %arg6[%add3A_15, %arg1, %multiple_of3A_370] : memref<8x16x53248xi32, #tpu.memory_space<hbm>> -> memref<1x1x128xi32, #tpu.memory_space<hbm>>
        %dma_start3A_373 = tpu.memref_squeeze %dma_start3A_372 : memref<1x1x128xi32, #tpu.memory_space<hbm>> -> memref<128xi32, #tpu.memory_space<hbm>>
        %dma_start3A_374 = tpu.memref_slice %arg6[%add3A_15, %arg1, %multiple_of3A_370] : memref<8x16x53248xi32, #tpu.memory_space<hbm>> -> memref<1x1x128xi32, #tpu.memory_space<hbm>>
        %dma_start3A_375 = tpu.memref_squeeze %dma_start3A_374 : memref<1x1x128xi32, #tpu.memory_space<hbm>> -> memref<128xi32, #tpu.memory_space<hbm>>
        %dma_start3A_376 = tpu.memref_slice %arg11[%multiple_of3A] : memref<2560xi32, #tpu.memory_space<vmem>> -> memref<128xi32, #tpu.memory_space<vmem>>
        tpu.enqueue_dma source(%dma_start3A_376 : memref<128xi32, #tpu.memory_space<vmem>>) target(%dma_start3A_375 : memref<128xi32, #tpu.memory_space<hbm>>) target_semaphore(%run_scoped3A : memref<!tpu.dma_semaphore, #tpu.memory_space<semaphore_mem>>)
        %dma_wait3A = tpu.memref_slice %arg11[%multiple_of3A] : memref<2560xi32, #tpu.memory_space<vmem>> -> memref<128xi32, #tpu.memory_space<vmem>>
        %dma_wait3A_377 = tpu.memref_slice %arg6[%add3A_15, %arg1, %multiple_of3A_370] : memref<8x16x53248xi32, #tpu.memory_space<hbm>> -> memref<1x1x128xi32, #tpu.memory_space<hbm>>
        %dma_wait3A_378 = tpu.memref_squeeze %dma_wait3A_377 : memref<1x1x128xi32, #tpu.memory_space<hbm>> -> memref<128xi32, #tpu.memory_space<hbm>>
        %dma_wait3A_379 = tpu.memref_slice %arg6[%add3A_15, %arg1, %multiple_of3A_370] : memref<8x16x53248xi32, #tpu.memory_space<hbm>> -> memref<1x1x128xi32, #tpu.memory_space<hbm>>
        %dma_wait3A_380 = tpu.memref_squeeze %dma_wait3A_379 : memref<1x1x128xi32, #tpu.memory_space<hbm>> -> memref<128xi32, #tpu.memory_space<hbm>>
        %dma_wait3A_381 = tpu.memref_slice %arg11[%multiple_of3A] : memref<2560xi32, #tpu.memory_space<vmem>> -> memref<128xi32, #tpu.memory_space<vmem>>
        tpu.wait_dma2 semaphore(%run_scoped3A : memref<!tpu.dma_semaphore, #tpu.memory_space<semaphore_mem>>) src(%dma_wait3A_381 : memref<128xi32, #tpu.memory_space<vmem>>) dst(%dma_wait3A_380 : memref<128xi32, #tpu.memory_space<hbm>>)
        tpu.yield
      }) : () -> ()
      %while3A_371 = arith.constant 0 : i32
      scf.yield %while3A_371 : i32
    }
    %broadcast_in_dim3A_86 = arith.constant 0 : i32
    %broadcast_in_dim3A_87 = vector.broadcast %broadcast_in_dim3A_86 : i32 to vector<16xi32>
    %add3A_88 = vector.broadcast %select_n3A : i32 to vector<16xi32>
    %add3A_89 = arith.addi %broadcast_in_dim3A_87, %add3A_88 : vector<16xi32>
    %swap3A_90 = arith.constant 0 : index
    %swap3A_91 = tpu.vector_load %arg15[%swap3A_90] {strides = array<i32>} : memref<16xi32, #tpu.memory_space<vmem>>, vector<16xi32>,
    tpu.vector_store %arg15[%swap3A_90], %add3A_89 {strides = array<i32>} : memref<16xi32, #tpu.memory_space<vmem>>, vector<16xi32>,
    "tpu.region"() ({
      %run_scoped3A = tpu.sem_alloc : memref<!tpu.dma_semaphore, #tpu.memory_space<semaphore_mem>>
      %dma_start3A = arith.constant 0 : i32
      %dma_start3A_363 = tpu.memref_slice %arg15[%dma_start3A] : memref<16xi32, #tpu.memory_space<vmem>> -> memref<8xi32, #tpu.memory_space<vmem>>
      %dma_start3A_364 = arith.constant 0 : i32
      %dma_start3A_365 = tpu.memref_slice %arg7[%add3A_15, %arg1, %dma_start3A_364] : memref<8x16x8xi32, #tpu.memory_space<hbm>> -> memref<1x1x8xi32, #tpu.memory_space<hbm>>
      %dma_start3A_366 = tpu.memref_squeeze %dma_start3A_365 : memref<1x1x8xi32, #tpu.memory_space<hbm>> -> memref<8xi32, #tpu.memory_space<hbm>>
      %dma_start3A_367 = arith.constant 0 : i32
      %dma_start3A_368 = tpu.memref_slice %arg7[%add3A_15, %arg1, %dma_start3A_367] : memref<8x16x8xi32, #tpu.memory_space<hbm>> -> memref<1x1x8xi32, #tpu.memory_space<hbm>>
      %dma_start3A_369 = tpu.memref_squeeze %dma_start3A_368 : memref<1x1x8xi32, #tpu.memory_space<hbm>> -> memref<8xi32, #tpu.memory_space<hbm>>
      %dma_start3A_370 = arith.constant 0 : i32
      %dma_start3A_371 = tpu.memref_slice %arg15[%dma_start3A_370] : memref<16xi32, #tpu.memory_space<vmem>> -> memref<8xi32, #tpu.memory_space<vmem>>
      tpu.enqueue_dma source(%dma_start3A_371 : memref<8xi32, #tpu.memory_space<vmem>>) target(%dma_start3A_369 : memref<8xi32, #tpu.memory_space<hbm>>) target_semaphore(%run_scoped3A : memref<!tpu.dma_semaphore, #tpu.memory_space<semaphore_mem>>)
      %dma_wait3A = arith.constant 0 : i32
      %dma_wait3A_372 = tpu.memref_slice %arg15[%dma_wait3A] : memref<16xi32, #tpu.memory_space<vmem>> -> memref<8xi32, #tpu.memory_space<vmem>>
      %dma_wait3A_373 = arith.constant 0 : i32
      %dma_wait3A_374 = tpu.memref_slice %arg7[%add3A_15, %arg1, %dma_wait3A_373] : memref<8x16x8xi32, #tpu.memory_space<hbm>> -> memref<1x1x8xi32, #tpu.memory_space<hbm>>
      %dma_wait3A_375 = tpu.memref_squeeze %dma_wait3A_374 : memref<1x1x8xi32, #tpu.memory_space<hbm>> -> memref<8xi32, #tpu.memory_space<hbm>>
      %dma_wait3A_376 = arith.constant 0 : i32
      %dma_wait3A_377 = tpu.memref_slice %arg7[%add3A_15, %arg1, %dma_wait3A_376] : memref<8x16x8xi32, #tpu.memory_space<hbm>> -> memref<1x1x8xi32, #tpu.memory_space<hbm>>
      %dma_wait3A_378 = tpu.memref_squeeze %dma_wait3A_377 : memref<1x1x8xi32, #tpu.memory_space<hbm>> -> memref<8xi32, #tpu.memory_space<hbm>>
      %dma_wait3A_379 = arith.constant 0 : i32
      %dma_wait3A_380 = tpu.memref_slice %arg15[%dma_wait3A_379] : memref<16xi32, #tpu.memory_space<vmem>> -> memref<8xi32, #tpu.memory_space<vmem>>
      tpu.wait_dma2 semaphore(%run_scoped3A : memref<!tpu.dma_semaphore, #tpu.memory_space<semaphore_mem>>) src(%dma_wait3A_380 : memref<8xi32, #tpu.memory_space<vmem>>) dst(%dma_wait3A_378 : memref<8xi32, #tpu.memory_space<hbm>>)
      tpu.yield
    }) : () -> ()
    %add3A_92 = arith.constant 2 : i32
    %add3A_93 = arith.addi %add3A_92, %arg0 : i32
    %add3A_94 = arith.constant 0 : i32
    %add3A_95 = arith.addi %scan3A_12#2, %add3A_94 : i32
    %swap3A_96 = arith.index_cast %add3A_95 : i32 to index
    %swap3A_97 = tpu.vector_load %arg12[%swap3A_96] {strides = array<i32>} : memref<2560xi32, #tpu.memory_space<vmem>>, vector<16xi32>,
    tpu.vector_store %arg12[%swap3A_96], %broadcast_in_dim3A_14 {strides = array<i32>} : memref<2560xi32, #tpu.memory_space<vmem>>, vector<16xi32>,
    %add3A_98 = arith.constant 16 : i32
    %add3A_99 = arith.addi %scan3A_12#2, %add3A_98 : i32
    %swap3A_100 = arith.index_cast %add3A_99 : i32 to index
    %swap3A_101 = tpu.vector_load %arg12[%swap3A_100] {strides = array<i32>} : memref<2560xi32, #tpu.memory_space<vmem>>, vector<16xi32>,
    tpu.vector_store %arg12[%swap3A_100], %broadcast_in_dim3A_14 {strides = array<i32>} : memref<2560xi32, #tpu.memory_space<vmem>>, vector<16xi32>,
    %add3A_102 = arith.constant 32 : i32
    %add3A_103 = arith.addi %scan3A_12#2, %add3A_102 : i32
    %swap3A_104 = arith.index_cast %add3A_103 : i32 to index
    %swap3A_105 = tpu.vector_load %arg12[%swap3A_104] {strides = array<i32>} : memref<2560xi32, #tpu.memory_space<vmem>>, vector<16xi32>,
    tpu.vector_store %arg12[%swap3A_104], %broadcast_in_dim3A_14 {strides = array<i32>} : memref<2560xi32, #tpu.memory_space<vmem>>, vector<16xi32>,
    %add3A_106 = arith.constant 48 : i32
    %add3A_107 = arith.addi %scan3A_12#2, %add3A_106 : i32
    %swap3A_108 = arith.index_cast %add3A_107 : i32 to index
    %swap3A_109 = tpu.vector_load %arg12[%swap3A_108] {strides = array<i32>} : memref<2560xi32, #tpu.memory_space<vmem>>, vector<16xi32>,
    tpu.vector_store %arg12[%swap3A_108], %broadcast_in_dim3A_14 {strides = array<i32>} : memref<2560xi32, #tpu.memory_space<vmem>>, vector<16xi32>,
    %add3A_110 = arith.constant 64 : i32
    %add3A_111 = arith.addi %scan3A_12#2, %add3A_110 : i32
    %swap3A_112 = arith.index_cast %add3A_111 : i32 to index
    %swap3A_113 = tpu.vector_load %arg12[%swap3A_112] {strides = array<i32>} : memref<2560xi32, #tpu.memory_space<vmem>>, vector<16xi32>,
    tpu.vector_store %arg12[%swap3A_112], %broadcast_in_dim3A_14 {strides = array<i32>} : memref<2560xi32, #tpu.memory_space<vmem>>, vector<16xi32>,
    %add3A_114 = arith.constant 80 : i32
    %add3A_115 = arith.addi %scan3A_12#2, %add3A_114 : i32
    %swap3A_116 = arith.index_cast %add3A_115 : i32 to index
    %swap3A_117 = tpu.vector_load %arg12[%swap3A_116] {strides = array<i32>} : memref<2560xi32, #tpu.memory_space<vmem>>, vector<16xi32>,
    tpu.vector_store %arg12[%swap3A_116], %broadcast_in_dim3A_14 {strides = array<i32>} : memref<2560xi32, #tpu.memory_space<vmem>>, vector<16xi32>,
    %add3A_118 = arith.constant 96 : i32
    %add3A_119 = arith.addi %scan3A_12#2, %add3A_118 : i32
    %swap3A_120 = arith.index_cast %add3A_119 : i32 to index
    %swap3A_121 = tpu.vector_load %arg12[%swap3A_120] {strides = array<i32>} : memref<2560xi32, #tpu.memory_space<vmem>>, vector<16xi32>,
    tpu.vector_store %arg12[%swap3A_120], %broadcast_in_dim3A_14 {strides = array<i32>} : memref<2560xi32, #tpu.memory_space<vmem>>, vector<16xi32>,
    %add3A_122 = arith.constant 112 : i32
    %add3A_123 = arith.addi %scan3A_12#2, %add3A_122 : i32
    %swap3A_124 = arith.index_cast %add3A_123 : i32 to index
    %swap3A_125 = tpu.vector_load %arg12[%swap3A_124] {strides = array<i32>} : memref<2560xi32, #tpu.memory_space<vmem>>, vector<16xi32>,
    tpu.vector_store %arg12[%swap3A_124], %broadcast_in_dim3A_14 {strides = array<i32>} : memref<2560xi32, #tpu.memory_space<vmem>>, vector<16xi32>,
    %add3A_126 = arith.constant 128 : i32
    %add3A_127 = arith.addi %scan3A_12#2, %add3A_126 : i32
    %swap3A_128 = arith.index_cast %add3A_127 : i32 to index
    %swap3A_129 = tpu.vector_load %arg12[%swap3A_128] {strides = array<i32>} : memref<2560xi32, #tpu.memory_space<vmem>>, vector<16xi32>,
    tpu.vector_store %arg12[%swap3A_128], %broadcast_in_dim3A_14 {strides = array<i32>} : memref<2560xi32, #tpu.memory_space<vmem>>, vector<16xi32>,
    %mul3A_130 = arith.constant 128 : i32
    %mul3A_131 = arith.muli %scan3A_12#3, %mul3A_130 : i32
    %add3A_132 = arith.addi %mul3A_131, %scan3A_12#2 : i32
    %add3A_133 = arith.constant 128 : i32
    %add3A_134 = arith.addi %add3A_132, %add3A_133 : i32
    %sub3A_135 = arith.constant 1 : i32
    %sub3A_136 = arith.subi %add3A_134, %sub3A_135 : i32
    %jit3A_137 = arith.constant 128 : i32
    %div3A_138 = arith.divsi %sub3A_136, %jit3A_137 : i32
    %sign3A_139 = arith.constant 0 : i32
    %sign3A_140 = arith.cmpi sgt, %sub3A_136, %sign3A_139 : i32
    %sign3A_141 = arith.extui %sign3A_140 : i1 to i32
    %sign3A_142 = arith.constant 0 : i32
    %sign3A_143 = arith.cmpi slt, %sub3A_136, %sign3A_142 : i32
    %sign3A_144 = arith.extui %sign3A_143 : i1 to i32
    %sign3A_145 = arith.subi %sign3A_141, %sign3A_144 : i32
    %sign3A_146 = arith.constant 0 : i32
    %sign3A_147 = arith.cmpi sgt, %jit3A_137, %sign3A_146 : i32
    %sign3A_148 = arith.extui %sign3A_147 : i1 to i32
    %sign3A_149 = arith.constant 0 : i32
    %sign3A_150 = arith.cmpi slt, %jit3A_137, %sign3A_149 : i32
    %sign3A_151 = arith.extui %sign3A_150 : i1 to i32
    %sign3A_152 = arith.subi %sign3A_148, %sign3A_151 : i32
    %ne3A_153 = arith.cmpi ne, %sign3A_145, %sign3A_152 : i32
    %rem3A_154 = arith.remsi %sub3A_136, %jit3A_137 : i32
    %ne3A_155 = arith.constant 0 : i32
    %ne3A_156 = arith.cmpi ne, %rem3A_154, %ne3A_155 : i32
    %and3A_157 = arith.andi %ne3A_153, %ne3A_156 : i1
    %sub3A_158 = arith.constant 1 : i32
    %sub3A_159 = arith.subi %div3A_138, %sub3A_158 : i32
    %select_n3A_160 = arith.select %and3A_157, %sub3A_159, %div3A_138 : i32
    %sub3A_161 = arith.subi %select_n3A_160, %scan3A_12#3 : i32
    %while3A_162 = arith.constant 0 : i32
    %while3A_163 = arith.constant 0 : i32
    %while3A_164 = arith.subi %sub3A_161, %while3A_162 : i32
    %while3A_165 = arith.addi %while3A_162, %while3A_164 : i32
    %while3A_166 = arith.constant 1 : i32
    %while3A_167 = arith.divsi %while3A_164, %while3A_166 : i32
    %while3A_168 = arith.muli %while3A_167, %while3A_166 : i32
    %while3A_169 = arith.addi %while3A_162, %while3A_168 : i32
    %while3A_170 = arith.constant 1 : i32
    %while3A_171 = scf.for %while3A_363 = %while3A_162 to %while3A_169 step %while3A_170 iter_args(%while3A_364 = %while3A_163) -> (i32)  : i32 {
      %mul3A_365 = arith.constant 128 : i32
      %mul3A_366 = arith.muli %while3A_363, %mul3A_365 : i32
      %multiple_of3A = tpu.assume_multiple %mul3A_366, 128 : i32
      %add3A_367 = arith.addi %scan3A_12#3, %while3A_363 : i32
      %mul3A_368 = arith.constant 128 : i32
      %mul3A_369 = arith.muli %add3A_367, %mul3A_368 : i32
      %multiple_of3A_370 = tpu.assume_multiple %mul3A_369, 128 : i32
      "tpu.region"() ({
        %run_scoped3A = tpu.sem_alloc : memref<!tpu.dma_semaphore, #tpu.memory_space<semaphore_mem>>
        %dma_start3A = tpu.memref_slice %arg12[%multiple_of3A] : memref<2560xi32, #tpu.memory_space<vmem>> -> memref<128xi32, #tpu.memory_space<vmem>>
        %dma_start3A_372 = tpu.memref_slice %arg6[%add3A_93, %arg1, %multiple_of3A_370] : memref<8x16x53248xi32, #tpu.memory_space<hbm>> -> memref<1x1x128xi32, #tpu.memory_space<hbm>>
        %dma_start3A_373 = tpu.memref_squeeze %dma_start3A_372 : memref<1x1x128xi32, #tpu.memory_space<hbm>> -> memref<128xi32, #tpu.memory_space<hbm>>
        %dma_start3A_374 = tpu.memref_slice %arg6[%add3A_93, %arg1, %multiple_of3A_370] : memref<8x16x53248xi32, #tpu.memory_space<hbm>> -> memref<1x1x128xi32, #tpu.memory_space<hbm>>
        %dma_start3A_375 = tpu.memref_squeeze %dma_start3A_374 : memref<1x1x128xi32, #tpu.memory_space<hbm>> -> memref<128xi32, #tpu.memory_space<hbm>>
        %dma_start3A_376 = tpu.memref_slice %arg12[%multiple_of3A] : memref<2560xi32, #tpu.memory_space<vmem>> -> memref<128xi32, #tpu.memory_space<vmem>>
        tpu.enqueue_dma source(%dma_start3A_376 : memref<128xi32, #tpu.memory_space<vmem>>) target(%dma_start3A_375 : memref<128xi32, #tpu.memory_space<hbm>>) target_semaphore(%run_scoped3A : memref<!tpu.dma_semaphore, #tpu.memory_space<semaphore_mem>>)
        %dma_wait3A = tpu.memref_slice %arg12[%multiple_of3A] : memref<2560xi32, #tpu.memory_space<vmem>> -> memref<128xi32, #tpu.memory_space<vmem>>
        %dma_wait3A_377 = tpu.memref_slice %arg6[%add3A_93, %arg1, %multiple_of3A_370] : memref<8x16x53248xi32, #tpu.memory_space<hbm>> -> memref<1x1x128xi32, #tpu.memory_space<hbm>>
        %dma_wait3A_378 = tpu.memref_squeeze %dma_wait3A_377 : memref<1x1x128xi32, #tpu.memory_space<hbm>> -> memref<128xi32, #tpu.memory_space<hbm>>
        %dma_wait3A_379 = tpu.memref_slice %arg6[%add3A_93, %arg1, %multiple_of3A_370] : memref<8x16x53248xi32, #tpu.memory_space<hbm>> -> memref<1x1x128xi32, #tpu.memory_space<hbm>>
        %dma_wait3A_380 = tpu.memref_squeeze %dma_wait3A_379 : memref<1x1x128xi32, #tpu.memory_space<hbm>> -> memref<128xi32, #tpu.memory_space<hbm>>
        %dma_wait3A_381 = tpu.memref_slice %arg12[%multiple_of3A] : memref<2560xi32, #tpu.memory_space<vmem>> -> memref<128xi32, #tpu.memory_space<vmem>>
        tpu.wait_dma2 semaphore(%run_scoped3A : memref<!tpu.dma_semaphore, #tpu.memory_space<semaphore_mem>>) src(%dma_wait3A_381 : memref<128xi32, #tpu.memory_space<vmem>>) dst(%dma_wait3A_380 : memref<128xi32, #tpu.memory_space<hbm>>)
        tpu.yield
      }) : () -> ()
      %while3A_371 = arith.constant 0 : i32
      scf.yield %while3A_371 : i32
    }
    %while3A_172 = arith.constant 1 : i32
    %while3A_173 = scf.for %while3A_363 = %while3A_169 to %while3A_165 step %while3A_172 iter_args(%while3A_364 = %while3A_171) -> (i32)  : i32 {
      %mul3A_365 = arith.constant 128 : i32
      %mul3A_366 = arith.muli %while3A_363, %mul3A_365 : i32
      %multiple_of3A = tpu.assume_multiple %mul3A_366, 128 : i32
      %add3A_367 = arith.addi %scan3A_12#3, %while3A_363 : i32
      %mul3A_368 = arith.constant 128 : i32
      %mul3A_369 = arith.muli %add3A_367, %mul3A_368 : i32
      %multiple_of3A_370 = tpu.assume_multiple %mul3A_369, 128 : i32
      "tpu.region"() ({
        %run_scoped3A = tpu.sem_alloc : memref<!tpu.dma_semaphore, #tpu.memory_space<semaphore_mem>>
        %dma_start3A = tpu.memref_slice %arg12[%multiple_of3A] : memref<2560xi32, #tpu.memory_space<vmem>> -> memref<128xi32, #tpu.memory_space<vmem>>
        %dma_start3A_372 = tpu.memref_slice %arg6[%add3A_93, %arg1, %multiple_of3A_370] : memref<8x16x53248xi32, #tpu.memory_space<hbm>> -> memref<1x1x128xi32, #tpu.memory_space<hbm>>
        %dma_start3A_373 = tpu.memref_squeeze %dma_start3A_372 : memref<1x1x128xi32, #tpu.memory_space<hbm>> -> memref<128xi32, #tpu.memory_space<hbm>>
        %dma_start3A_374 = tpu.memref_slice %arg6[%add3A_93, %arg1, %multiple_of3A_370] : memref<8x16x53248xi32, #tpu.memory_space<hbm>> -> memref<1x1x128xi32, #tpu.memory_space<hbm>>
        %dma_start3A_375 = tpu.memref_squeeze %dma_start3A_374 : memref<1x1x128xi32, #tpu.memory_space<hbm>> -> memref<128xi32, #tpu.memory_space<hbm>>
        %dma_start3A_376 = tpu.memref_slice %arg12[%multiple_of3A] : memref<2560xi32, #tpu.memory_space<vmem>> -> memref<128xi32, #tpu.memory_space<vmem>>
        tpu.enqueue_dma source(%dma_start3A_376 : memref<128xi32, #tpu.memory_space<vmem>>) target(%dma_start3A_375 : memref<128xi32, #tpu.memory_space<hbm>>) target_semaphore(%run_scoped3A : memref<!tpu.dma_semaphore, #tpu.memory_space<semaphore_mem>>)
        %dma_wait3A = tpu.memref_slice %arg12[%multiple_of3A] : memref<2560xi32, #tpu.memory_space<vmem>> -> memref<128xi32, #tpu.memory_space<vmem>>
        %dma_wait3A_377 = tpu.memref_slice %arg6[%add3A_93, %arg1, %multiple_of3A_370] : memref<8x16x53248xi32, #tpu.memory_space<hbm>> -> memref<1x1x128xi32, #tpu.memory_space<hbm>>
        %dma_wait3A_378 = tpu.memref_squeeze %dma_wait3A_377 : memref<1x1x128xi32, #tpu.memory_space<hbm>> -> memref<128xi32, #tpu.memory_space<hbm>>
        %dma_wait3A_379 = tpu.memref_slice %arg6[%add3A_93, %arg1, %multiple_of3A_370] : memref<8x16x53248xi32, #tpu.memory_space<hbm>> -> memref<1x1x128xi32, #tpu.memory_space<hbm>>
        %dma_wait3A_380 = tpu.memref_squeeze %dma_wait3A_379 : memref<1x1x128xi32, #tpu.memory_space<hbm>> -> memref<128xi32, #tpu.memory_space<hbm>>
        %dma_wait3A_381 = tpu.memref_slice %arg12[%multiple_of3A] : memref<2560xi32, #tpu.memory_space<vmem>> -> memref<128xi32, #tpu.memory_space<vmem>>
        tpu.wait_dma2 semaphore(%run_scoped3A : memref<!tpu.dma_semaphore, #tpu.memory_space<semaphore_mem>>) src(%dma_wait3A_381 : memref<128xi32, #tpu.memory_space<vmem>>) dst(%dma_wait3A_380 : memref<128xi32, #tpu.memory_space<hbm>>)
        tpu.yield
      }) : () -> ()
      %while3A_371 = arith.constant 0 : i32
      scf.yield %while3A_371 : i32
    }
    %broadcast_in_dim3A_174 = arith.constant 0 : i32
    %broadcast_in_dim3A_175 = vector.broadcast %broadcast_in_dim3A_174 : i32 to vector<16xi32>
    %add3A_176 = vector.broadcast %select_n3A_160 : i32 to vector<16xi32>
    %add3A_177 = arith.addi %broadcast_in_dim3A_175, %add3A_176 : vector<16xi32>
    %swap3A_178 = arith.constant 0 : index
    %swap3A_179 = tpu.vector_load %arg15[%swap3A_178] {strides = array<i32>} : memref<16xi32, #tpu.memory_space<vmem>>, vector<16xi32>,
    tpu.vector_store %arg15[%swap3A_178], %add3A_177 {strides = array<i32>} : memref<16xi32, #tpu.memory_space<vmem>>, vector<16xi32>,
    "tpu.region"() ({
      %run_scoped3A = tpu.sem_alloc : memref<!tpu.dma_semaphore, #tpu.memory_space<semaphore_mem>>
      %dma_start3A = arith.constant 0 : i32
      %dma_start3A_363 = tpu.memref_slice %arg15[%dma_start3A] : memref<16xi32, #tpu.memory_space<vmem>> -> memref<8xi32, #tpu.memory_space<vmem>>
      %dma_start3A_364 = arith.constant 0 : i32
      %dma_start3A_365 = tpu.memref_slice %arg7[%add3A_93, %arg1, %dma_start3A_364] : memref<8x16x8xi32, #tpu.memory_space<hbm>> -> memref<1x1x8xi32, #tpu.memory_space<hbm>>
      %dma_start3A_366 = tpu.memref_squeeze %dma_start3A_365 : memref<1x1x8xi32, #tpu.memory_space<hbm>> -> memref<8xi32, #tpu.memory_space<hbm>>
      %dma_start3A_367 = arith.constant 0 : i32
      %dma_start3A_368 = tpu.memref_slice %arg7[%add3A_93, %arg1, %dma_start3A_367] : memref<8x16x8xi32, #tpu.memory_space<hbm>> -> memref<1x1x8xi32, #tpu.memory_space<hbm>>
      %dma_start3A_369 = tpu.memref_squeeze %dma_start3A_368 : memref<1x1x8xi32, #tpu.memory_space<hbm>> -> memref<8xi32, #tpu.memory_space<hbm>>
      %dma_start3A_370 = arith.constant 0 : i32
      %dma_start3A_371 = tpu.memref_slice %arg15[%dma_start3A_370] : memref<16xi32, #tpu.memory_space<vmem>> -> memref<8xi32, #tpu.memory_space<vmem>>
      tpu.enqueue_dma source(%dma_start3A_371 : memref<8xi32, #tpu.memory_space<vmem>>) target(%dma_start3A_369 : memref<8xi32, #tpu.memory_space<hbm>>) target_semaphore(%run_scoped3A : memref<!tpu.dma_semaphore, #tpu.memory_space<semaphore_mem>>)
      %dma_wait3A = arith.constant 0 : i32
      %dma_wait3A_372 = tpu.memref_slice %arg15[%dma_wait3A] : memref<16xi32, #tpu.memory_space<vmem>> -> memref<8xi32, #tpu.memory_space<vmem>>
      %dma_wait3A_373 = arith.constant 0 : i32
      %dma_wait3A_374 = tpu.memref_slice %arg7[%add3A_93, %arg1, %dma_wait3A_373] : memref<8x16x8xi32, #tpu.memory_space<hbm>> -> memref<1x1x8xi32, #tpu.memory_space<hbm>>
      %dma_wait3A_375 = tpu.memref_squeeze %dma_wait3A_374 : memref<1x1x8xi32, #tpu.memory_space<hbm>> -> memref<8xi32, #tpu.memory_space<hbm>>
      %dma_wait3A_376 = arith.constant 0 : i32
      %dma_wait3A_377 = tpu.memref_slice %arg7[%add3A_93, %arg1, %dma_wait3A_376] : memref<8x16x8xi32, #tpu.memory_space<hbm>> -> memref<1x1x8xi32, #tpu.memory_space<hbm>>
      %dma_wait3A_378 = tpu.memref_squeeze %dma_wait3A_377 : memref<1x1x8xi32, #tpu.memory_space<hbm>> -> memref<8xi32, #tpu.memory_space<hbm>>
      %dma_wait3A_379 = arith.constant 0 : i32
      %dma_wait3A_380 = tpu.memref_slice %arg15[%dma_wait3A_379] : memref<16xi32, #tpu.memory_space<vmem>> -> memref<8xi32, #tpu.memory_space<vmem>>
      tpu.wait_dma2 semaphore(%run_scoped3A : memref<!tpu.dma_semaphore, #tpu.memory_space<semaphore_mem>>) src(%dma_wait3A_380 : memref<8xi32, #tpu.memory_space<vmem>>) dst(%dma_wait3A_378 : memref<8xi32, #tpu.memory_space<hbm>>)
      tpu.yield
    }) : () -> ()
    %add3A_180 = arith.constant 4 : i32
    %add3A_181 = arith.addi %add3A_180, %arg0 : i32
    %add3A_182 = arith.constant 0 : i32
    %add3A_183 = arith.addi %scan3A_12#4, %add3A_182 : i32
    %swap3A_184 = arith.index_cast %add3A_183 : i32 to index
    %swap3A_185 = tpu.vector_load %arg13[%swap3A_184] {strides = array<i32>} : memref<2560xi32, #tpu.memory_space<vmem>>, vector<16xi32>,
    tpu.vector_store %arg13[%swap3A_184], %broadcast_in_dim3A_14 {strides = array<i32>} : memref<2560xi32, #tpu.memory_space<vmem>>, vector<16xi32>,
    %add3A_186 = arith.constant 16 : i32
    %add3A_187 = arith.addi %scan3A_12#4, %add3A_186 : i32
    %swap3A_188 = arith.index_cast %add3A_187 : i32 to index
    %swap3A_189 = tpu.vector_load %arg13[%swap3A_188] {strides = array<i32>} : memref<2560xi32, #tpu.memory_space<vmem>>, vector<16xi32>,
    tpu.vector_store %arg13[%swap3A_188], %broadcast_in_dim3A_14 {strides = array<i32>} : memref<2560xi32, #tpu.memory_space<vmem>>, vector<16xi32>,
    %add3A_190 = arith.constant 32 : i32
    %add3A_191 = arith.addi %scan3A_12#4, %add3A_190 : i32
    %swap3A_192 = arith.index_cast %add3A_191 : i32 to index
    %swap3A_193 = tpu.vector_load %arg13[%swap3A_192] {strides = array<i32>} : memref<2560xi32, #tpu.memory_space<vmem>>, vector<16xi32>,
    tpu.vector_store %arg13[%swap3A_192], %broadcast_in_dim3A_14 {strides = array<i32>} : memref<2560xi32, #tpu.memory_space<vmem>>, vector<16xi32>,
    %add3A_194 = arith.constant 48 : i32
    %add3A_195 = arith.addi %scan3A_12#4, %add3A_194 : i32
    %swap3A_196 = arith.index_cast %add3A_195 : i32 to index
    %swap3A_197 = tpu.vector_load %arg13[%swap3A_196] {strides = array<i32>} : memref<2560xi32, #tpu.memory_space<vmem>>, vector<16xi32>,
    tpu.vector_store %arg13[%swap3A_196], %broadcast_in_dim3A_14 {strides = array<i32>} : memref<2560xi32, #tpu.memory_space<vmem>>, vector<16xi32>,
    %add3A_198 = arith.constant 64 : i32
    %add3A_199 = arith.addi %scan3A_12#4, %add3A_198 : i32
    %swap3A_200 = arith.index_cast %add3A_199 : i32 to index
    %swap3A_201 = tpu.vector_load %arg13[%swap3A_200] {strides = array<i32>} : memref<2560xi32, #tpu.memory_space<vmem>>, vector<16xi32>,
    tpu.vector_store %arg13[%swap3A_200], %broadcast_in_dim3A_14 {strides = array<i32>} : memref<2560xi32, #tpu.memory_space<vmem>>, vector<16xi32>,
    %add3A_202 = arith.constant 80 : i32
    %add3A_203 = arith.addi %scan3A_12#4, %add3A_202 : i32
    %swap3A_204 = arith.index_cast %add3A_203 : i32 to index
    %swap3A_205 = tpu.vector_load %arg13[%swap3A_204] {strides = array<i32>} : memref<2560xi32, #tpu.memory_space<vmem>>, vector<16xi32>,
    tpu.vector_store %arg13[%swap3A_204], %broadcast_in_dim3A_14 {strides = array<i32>} : memref<2560xi32, #tpu.memory_space<vmem>>, vector<16xi32>,
    %add3A_206 = arith.constant 96 : i32
    %add3A_207 = arith.addi %scan3A_12#4, %add3A_206 : i32
    %swap3A_208 = arith.index_cast %add3A_207 : i32 to index
    %swap3A_209 = tpu.vector_load %arg13[%swap3A_208] {strides = array<i32>} : memref<2560xi32, #tpu.memory_space<vmem>>, vector<16xi32>,
    tpu.vector_store %arg13[%swap3A_208], %broadcast_in_dim3A_14 {strides = array<i32>} : memref<2560xi32, #tpu.memory_space<vmem>>, vector<16xi32>,
    %add3A_210 = arith.constant 112 : i32
    %add3A_211 = arith.addi %scan3A_12#4, %add3A_210 : i32
    %swap3A_212 = arith.index_cast %add3A_211 : i32 to index
    %swap3A_213 = tpu.vector_load %arg13[%swap3A_212] {strides = array<i32>} : memref<2560xi32, #tpu.memory_space<vmem>>, vector<16xi32>,
    tpu.vector_store %arg13[%swap3A_212], %broadcast_in_dim3A_14 {strides = array<i32>} : memref<2560xi32, #tpu.memory_space<vmem>>, vector<16xi32>,
    %add3A_214 = arith.constant 128 : i32
    %add3A_215 = arith.addi %scan3A_12#4, %add3A_214 : i32
    %swap3A_216 = arith.index_cast %add3A_215 : i32 to index
    %swap3A_217 = tpu.vector_load %arg13[%swap3A_216] {strides = array<i32>} : memref<2560xi32, #tpu.memory_space<vmem>>, vector<16xi32>,
    tpu.vector_store %arg13[%swap3A_216], %broadcast_in_dim3A_14 {strides = array<i32>} : memref<2560xi32, #tpu.memory_space<vmem>>, vector<16xi32>,
    %mul3A_218 = arith.constant 128 : i32
    %mul3A_219 = arith.muli %scan3A_12#5, %mul3A_218 : i32
    %add3A_220 = arith.addi %mul3A_219, %scan3A_12#4 : i32
    %add3A_221 = arith.constant 128 : i32
    %add3A_222 = arith.addi %add3A_220, %add3A_221 : i32
    %sub3A_223 = arith.constant 1 : i32
    %sub3A_224 = arith.subi %add3A_222, %sub3A_223 : i32
    %jit3A_225 = arith.constant 128 : i32
    %div3A_226 = arith.divsi %sub3A_224, %jit3A_225 : i32
    %sign3A_227 = arith.constant 0 : i32
    %sign3A_228 = arith.cmpi sgt, %sub3A_224, %sign3A_227 : i32
    %sign3A_229 = arith.extui %sign3A_228 : i1 to i32
    %sign3A_230 = arith.constant 0 : i32
    %sign3A_231 = arith.cmpi slt, %sub3A_224, %sign3A_230 : i32
    %sign3A_232 = arith.extui %sign3A_231 : i1 to i32
    %sign3A_233 = arith.subi %sign3A_229, %sign3A_232 : i32
    %sign3A_234 = arith.constant 0 : i32
    %sign3A_235 = arith.cmpi sgt, %jit3A_225, %sign3A_234 : i32
    %sign3A_236 = arith.extui %sign3A_235 : i1 to i32
    %sign3A_237 = arith.constant 0 : i32
    %sign3A_238 = arith.cmpi slt, %jit3A_225, %sign3A_237 : i32
    %sign3A_239 = arith.extui %sign3A_238 : i1 to i32
    %sign3A_240 = arith.subi %sign3A_236, %sign3A_239 : i32
    %ne3A_241 = arith.cmpi ne, %sign3A_233, %sign3A_240 : i32
    %rem3A_242 = arith.remsi %sub3A_224, %jit3A_225 : i32
    %ne3A_243 = arith.constant 0 : i32
    %ne3A_244 = arith.cmpi ne, %rem3A_242, %ne3A_243 : i32
    %and3A_245 = arith.andi %ne3A_241, %ne3A_244 : i1
    %sub3A_246 = arith.constant 1 : i32
    %sub3A_247 = arith.subi %div3A_226, %sub3A_246 : i32
    %select_n3A_248 = arith.select %and3A_245, %sub3A_247, %div3A_226 : i32
    %sub3A_249 = arith.subi %select_n3A_248, %scan3A_12#5 : i32
    %while3A_250 = arith.constant 0 : i32
    %while3A_251 = arith.constant 0 : i32
    %while3A_252 = arith.subi %sub3A_249, %while3A_250 : i32
    %while3A_253 = arith.addi %while3A_250, %while3A_252 : i32
    %while3A_254 = arith.constant 1 : i32
    %while3A_255 = arith.divsi %while3A_252, %while3A_254 : i32
    %while3A_256 = arith.muli %while3A_255, %while3A_254 : i32
    %while3A_257 = arith.addi %while3A_250, %while3A_256 : i32
    %while3A_258 = arith.constant 1 : i32
    %while3A_259 = scf.for %while3A_363 = %while3A_250 to %while3A_257 step %while3A_258 iter_args(%while3A_364 = %while3A_251) -> (i32)  : i32 {
      %mul3A_365 = arith.constant 128 : i32
      %mul3A_366 = arith.muli %while3A_363, %mul3A_365 : i32
      %multiple_of3A = tpu.assume_multiple %mul3A_366, 128 : i32
      %add3A_367 = arith.addi %scan3A_12#5, %while3A_363 : i32
      %mul3A_368 = arith.constant 128 : i32
      %mul3A_369 = arith.muli %add3A_367, %mul3A_368 : i32
      %multiple_of3A_370 = tpu.assume_multiple %mul3A_369, 128 : i32
      "tpu.region"() ({
        %run_scoped3A = tpu.sem_alloc : memref<!tpu.dma_semaphore, #tpu.memory_space<semaphore_mem>>
        %dma_start3A = tpu.memref_slice %arg13[%multiple_of3A] : memref<2560xi32, #tpu.memory_space<vmem>> -> memref<128xi32, #tpu.memory_space<vmem>>
        %dma_start3A_372 = tpu.memref_slice %arg6[%add3A_181, %arg1, %multiple_of3A_370] : memref<8x16x53248xi32, #tpu.memory_space<hbm>> -> memref<1x1x128xi32, #tpu.memory_space<hbm>>
        %dma_start3A_373 = tpu.memref_squeeze %dma_start3A_372 : memref<1x1x128xi32, #tpu.memory_space<hbm>> -> memref<128xi32, #tpu.memory_space<hbm>>
        %dma_start3A_374 = tpu.memref_slice %arg6[%add3A_181, %arg1, %multiple_of3A_370] : memref<8x16x53248xi32, #tpu.memory_space<hbm>> -> memref<1x1x128xi32, #tpu.memory_space<hbm>>
        %dma_start3A_375 = tpu.memref_squeeze %dma_start3A_374 : memref<1x1x128xi32, #tpu.memory_space<hbm>> -> memref<128xi32, #tpu.memory_space<hbm>>
        %dma_start3A_376 = tpu.memref_slice %arg13[%multiple_of3A] : memref<2560xi32, #tpu.memory_space<vmem>> -> memref<128xi32, #tpu.memory_space<vmem>>
        tpu.enqueue_dma source(%dma_start3A_376 : memref<128xi32, #tpu.memory_space<vmem>>) target(%dma_start3A_375 : memref<128xi32, #tpu.memory_space<hbm>>) target_semaphore(%run_scoped3A : memref<!tpu.dma_semaphore, #tpu.memory_space<semaphore_mem>>)
        %dma_wait3A = tpu.memref_slice %arg13[%multiple_of3A] : memref<2560xi32, #tpu.memory_space<vmem>> -> memref<128xi32, #tpu.memory_space<vmem>>
        %dma_wait3A_377 = tpu.memref_slice %arg6[%add3A_181, %arg1, %multiple_of3A_370] : memref<8x16x53248xi32, #tpu.memory_space<hbm>> -> memref<1x1x128xi32, #tpu.memory_space<hbm>>
        %dma_wait3A_378 = tpu.memref_squeeze %dma_wait3A_377 : memref<1x1x128xi32, #tpu.memory_space<hbm>> -> memref<128xi32, #tpu.memory_space<hbm>>
        %dma_wait3A_379 = tpu.memref_slice %arg6[%add3A_181, %arg1, %multiple_of3A_370] : memref<8x16x53248xi32, #tpu.memory_space<hbm>> -> memref<1x1x128xi32, #tpu.memory_space<hbm>>
        %dma_wait3A_380 = tpu.memref_squeeze %dma_wait3A_379 : memref<1x1x128xi32, #tpu.memory_space<hbm>> -> memref<128xi32, #tpu.memory_space<hbm>>
        %dma_wait3A_381 = tpu.memref_slice %arg13[%multiple_of3A] : memref<2560xi32, #tpu.memory_space<vmem>> -> memref<128xi32, #tpu.memory_space<vmem>>
        tpu.wait_dma2 semaphore(%run_scoped3A : memref<!tpu.dma_semaphore, #tpu.memory_space<semaphore_mem>>) src(%dma_wait3A_381 : memref<128xi32, #tpu.memory_space<vmem>>) dst(%dma_wait3A_380 : memref<128xi32, #tpu.memory_space<hbm>>)
        tpu.yield
      }) : () -> ()
      %while3A_371 = arith.constant 0 : i32
      scf.yield %while3A_371 : i32
    }
    %while3A_260 = arith.constant 1 : i32
    %while3A_261 = scf.for %while3A_363 = %while3A_257 to %while3A_253 step %while3A_260 iter_args(%while3A_364 = %while3A_259) -> (i32)  : i32 {
      %mul3A_365 = arith.constant 128 : i32
      %mul3A_366 = arith.muli %while3A_363, %mul3A_365 : i32
      %multiple_of3A = tpu.assume_multiple %mul3A_366, 128 : i32
      %add3A_367 = arith.addi %scan3A_12#5, %while3A_363 : i32
      %mul3A_368 = arith.constant 128 : i32
      %mul3A_369 = arith.muli %add3A_367, %mul3A_368 : i32
      %multiple_of3A_370 = tpu.assume_multiple %mul3A_369, 128 : i32
      "tpu.region"() ({
        %run_scoped3A = tpu.sem_alloc : memref<!tpu.dma_semaphore, #tpu.memory_space<semaphore_mem>>
        %dma_start3A = tpu.memref_slice %arg13[%multiple_of3A] : memref<2560xi32, #tpu.memory_space<vmem>> -> memref<128xi32, #tpu.memory_space<vmem>>
        %dma_start3A_372 = tpu.memref_slice %arg6[%add3A_181, %arg1, %multiple_of3A_370] : memref<8x16x53248xi32, #tpu.memory_space<hbm>> -> memref<1x1x128xi32, #tpu.memory_space<hbm>>
        %dma_start3A_373 = tpu.memref_squeeze %dma_start3A_372 : memref<1x1x128xi32, #tpu.memory_space<hbm>> -> memref<128xi32, #tpu.memory_space<hbm>>
        %dma_start3A_374 = tpu.memref_slice %arg6[%add3A_181, %arg1, %multiple_of3A_370] : memref<8x16x53248xi32, #tpu.memory_space<hbm>> -> memref<1x1x128xi32, #tpu.memory_space<hbm>>
        %dma_start3A_375 = tpu.memref_squeeze %dma_start3A_374 : memref<1x1x128xi32, #tpu.memory_space<hbm>> -> memref<128xi32, #tpu.memory_space<hbm>>
        %dma_start3A_376 = tpu.memref_slice %arg13[%multiple_of3A] : memref<2560xi32, #tpu.memory_space<vmem>> -> memref<128xi32, #tpu.memory_space<vmem>>
        tpu.enqueue_dma source(%dma_start3A_376 : memref<128xi32, #tpu.memory_space<vmem>>) target(%dma_start3A_375 : memref<128xi32, #tpu.memory_space<hbm>>) target_semaphore(%run_scoped3A : memref<!tpu.dma_semaphore, #tpu.memory_space<semaphore_mem>>)
        %dma_wait3A = tpu.memref_slice %arg13[%multiple_of3A] : memref<2560xi32, #tpu.memory_space<vmem>> -> memref<128xi32, #tpu.memory_space<vmem>>
        %dma_wait3A_377 = tpu.memref_slice %arg6[%add3A_181, %arg1, %multiple_of3A_370] : memref<8x16x53248xi32, #tpu.memory_space<hbm>> -> memref<1x1x128xi32, #tpu.memory_space<hbm>>
        %dma_wait3A_378 = tpu.memref_squeeze %dma_wait3A_377 : memref<1x1x128xi32, #tpu.memory_space<hbm>> -> memref<128xi32, #tpu.memory_space<hbm>>
        %dma_wait3A_379 = tpu.memref_slice %arg6[%add3A_181, %arg1, %multiple_of3A_370] : memref<8x16x53248xi32, #tpu.memory_space<hbm>> -> memref<1x1x128xi32, #tpu.memory_space<hbm>>
        %dma_wait3A_380 = tpu.memref_squeeze %dma_wait3A_379 : memref<1x1x128xi32, #tpu.memory_space<hbm>> -> memref<128xi32, #tpu.memory_space<hbm>>
        %dma_wait3A_381 = tpu.memref_slice %arg13[%multiple_of3A] : memref<2560xi32, #tpu.memory_space<vmem>> -> memref<128xi32, #tpu.memory_space<vmem>>
        tpu.wait_dma2 semaphore(%run_scoped3A : memref<!tpu.dma_semaphore, #tpu.memory_space<semaphore_mem>>) src(%dma_wait3A_381 : memref<128xi32, #tpu.memory_space<vmem>>) dst(%dma_wait3A_380 : memref<128xi32, #tpu.memory_space<hbm>>)
        tpu.yield
      }) : () -> ()
      %while3A_371 = arith.constant 0 : i32
      scf.yield %while3A_371 : i32
    }
    %broadcast_in_dim3A_262 = arith.constant 0 : i32
    %broadcast_in_dim3A_263 = vector.broadcast %broadcast_in_dim3A_262 : i32 to vector<16xi32>
    %add3A_264 = vector.broadcast %select_n3A_248 : i32 to vector<16xi32>
    %add3A_265 = arith.addi %broadcast_in_dim3A_263, %add3A_264 : vector<16xi32>
    %swap3A_266 = arith.constant 0 : index
    %swap3A_267 = tpu.vector_load %arg15[%swap3A_266] {strides = array<i32>} : memref<16xi32, #tpu.memory_space<vmem>>, vector<16xi32>,
    tpu.vector_store %arg15[%swap3A_266], %add3A_265 {strides = array<i32>} : memref<16xi32, #tpu.memory_space<vmem>>, vector<16xi32>,
    "tpu.region"() ({
      %run_scoped3A = tpu.sem_alloc : memref<!tpu.dma_semaphore, #tpu.memory_space<semaphore_mem>>
      %dma_start3A = arith.constant 0 : i32
      %dma_start3A_363 = tpu.memref_slice %arg15[%dma_start3A] : memref<16xi32, #tpu.memory_space<vmem>> -> memref<8xi32, #tpu.memory_space<vmem>>
      %dma_start3A_364 = arith.constant 0 : i32
      %dma_start3A_365 = tpu.memref_slice %arg7[%add3A_181, %arg1, %dma_start3A_364] : memref<8x16x8xi32, #tpu.memory_space<hbm>> -> memref<1x1x8xi32, #tpu.memory_space<hbm>>
      %dma_start3A_366 = tpu.memref_squeeze %dma_start3A_365 : memref<1x1x8xi32, #tpu.memory_space<hbm>> -> memref<8xi32, #tpu.memory_space<hbm>>
      %dma_start3A_367 = arith.constant 0 : i32
      %dma_start3A_368 = tpu.memref_slice %arg7[%add3A_181, %arg1, %dma_start3A_367] : memref<8x16x8xi32, #tpu.memory_space<hbm>> -> memref<1x1x8xi32, #tpu.memory_space<hbm>>
      %dma_start3A_369 = tpu.memref_squeeze %dma_start3A_368 : memref<1x1x8xi32, #tpu.memory_space<hbm>> -> memref<8xi32, #tpu.memory_space<hbm>>
      %dma_start3A_370 = arith.constant 0 : i32
      %dma_start3A_371 = tpu.memref_slice %arg15[%dma_start3A_370] : memref<16xi32, #tpu.memory_space<vmem>> -> memref<8xi32, #tpu.memory_space<vmem>>
      tpu.enqueue_dma source(%dma_start3A_371 : memref<8xi32, #tpu.memory_space<vmem>>) target(%dma_start3A_369 : memref<8xi32, #tpu.memory_space<hbm>>) target_semaphore(%run_scoped3A : memref<!tpu.dma_semaphore, #tpu.memory_space<semaphore_mem>>)
      %dma_wait3A = arith.constant 0 : i32
      %dma_wait3A_372 = tpu.memref_slice %arg15[%dma_wait3A] : memref<16xi32, #tpu.memory_space<vmem>> -> memref<8xi32, #tpu.memory_space<vmem>>
      %dma_wait3A_373 = arith.constant 0 : i32
      %dma_wait3A_374 = tpu.memref_slice %arg7[%add3A_181, %arg1, %dma_wait3A_373] : memref<8x16x8xi32, #tpu.memory_space<hbm>> -> memref<1x1x8xi32, #tpu.memory_space<hbm>>
      %dma_wait3A_375 = tpu.memref_squeeze %dma_wait3A_374 : memref<1x1x8xi32, #tpu.memory_space<hbm>> -> memref<8xi32, #tpu.memory_space<hbm>>
      %dma_wait3A_376 = arith.constant 0 : i32
      %dma_wait3A_377 = tpu.memref_slice %arg7[%add3A_181, %arg1, %dma_wait3A_376] : memref<8x16x8xi32, #tpu.memory_space<hbm>> -> memref<1x1x8xi32, #tpu.memory_space<hbm>>
      %dma_wait3A_378 = tpu.memref_squeeze %dma_wait3A_377 : memref<1x1x8xi32, #tpu.memory_space<hbm>> -> memref<8xi32, #tpu.memory_space<hbm>>
      %dma_wait3A_379 = arith.constant 0 : i32
      %dma_wait3A_380 = tpu.memref_slice %arg15[%dma_wait3A_379] : memref<16xi32, #tpu.memory_space<vmem>> -> memref<8xi32, #tpu.memory_space<vmem>>
      tpu.wait_dma2 semaphore(%run_scoped3A : memref<!tpu.dma_semaphore, #tpu.memory_space<semaphore_mem>>) src(%dma_wait3A_380 : memref<8xi32, #tpu.memory_space<vmem>>) dst(%dma_wait3A_378 : memref<8xi32, #tpu.memory_space<hbm>>)
      tpu.yield
    }) : () -> ()
    %add3A_268 = arith.constant 6 : i32
    %add3A_269 = arith.addi %add3A_268, %arg0 : i32
    %add3A_270 = arith.constant 0 : i32
    %add3A_271 = arith.addi %scan3A_12#6, %add3A_270 : i32
    %swap3A_272 = arith.index_cast %add3A_271 : i32 to index
    %swap3A_273 = tpu.vector_load %arg14[%swap3A_272] {strides = array<i32>} : memref<2560xi32, #tpu.memory_space<vmem>>, vector<16xi32>,
    tpu.vector_store %arg14[%swap3A_272], %broadcast_in_dim3A_14 {strides = array<i32>} : memref<2560xi32, #tpu.memory_space<vmem>>, vector<16xi32>,
    %add3A_274 = arith.constant 16 : i32
    %add3A_275 = arith.addi %scan3A_12#6, %add3A_274 : i32
    %swap3A_276 = arith.index_cast %add3A_275 : i32 to index
    %swap3A_277 = tpu.vector_load %arg14[%swap3A_276] {strides = array<i32>} : memref<2560xi32, #tpu.memory_space<vmem>>, vector<16xi32>,
    tpu.vector_store %arg14[%swap3A_276], %broadcast_in_dim3A_14 {strides = array<i32>} : memref<2560xi32, #tpu.memory_space<vmem>>, vector<16xi32>,
    %add3A_278 = arith.constant 32 : i32
    %add3A_279 = arith.addi %scan3A_12#6, %add3A_278 : i32
    %swap3A_280 = arith.index_cast %add3A_279 : i32 to index
    %swap3A_281 = tpu.vector_load %arg14[%swap3A_280] {strides = array<i32>} : memref<2560xi32, #tpu.memory_space<vmem>>, vector<16xi32>,
    tpu.vector_store %arg14[%swap3A_280], %broadcast_in_dim3A_14 {strides = array<i32>} : memref<2560xi32, #tpu.memory_space<vmem>>, vector<16xi32>,
    %add3A_282 = arith.constant 48 : i32
    %add3A_283 = arith.addi %scan3A_12#6, %add3A_282 : i32
    %swap3A_284 = arith.index_cast %add3A_283 : i32 to index
    %swap3A_285 = tpu.vector_load %arg14[%swap3A_284] {strides = array<i32>} : memref<2560xi32, #tpu.memory_space<vmem>>, vector<16xi32>,
    tpu.vector_store %arg14[%swap3A_284], %broadcast_in_dim3A_14 {strides = array<i32>} : memref<2560xi32, #tpu.memory_space<vmem>>, vector<16xi32>,
    %add3A_286 = arith.constant 64 : i32
    %add3A_287 = arith.addi %scan3A_12#6, %add3A_286 : i32
    %swap3A_288 = arith.index_cast %add3A_287 : i32 to index
    %swap3A_289 = tpu.vector_load %arg14[%swap3A_288] {strides = array<i32>} : memref<2560xi32, #tpu.memory_space<vmem>>, vector<16xi32>,
    tpu.vector_store %arg14[%swap3A_288], %broadcast_in_dim3A_14 {strides = array<i32>} : memref<2560xi32, #tpu.memory_space<vmem>>, vector<16xi32>,
    %add3A_290 = arith.constant 80 : i32
    %add3A_291 = arith.addi %scan3A_12#6, %add3A_290 : i32
    %swap3A_292 = arith.index_cast %add3A_291 : i32 to index
    %swap3A_293 = tpu.vector_load %arg14[%swap3A_292] {strides = array<i32>} : memref<2560xi32, #tpu.memory_space<vmem>>, vector<16xi32>,
    tpu.vector_store %arg14[%swap3A_292], %broadcast_in_dim3A_14 {strides = array<i32>} : memref<2560xi32, #tpu.memory_space<vmem>>, vector<16xi32>,
    %add3A_294 = arith.constant 96 : i32
    %add3A_295 = arith.addi %scan3A_12#6, %add3A_294 : i32
    %swap3A_296 = arith.index_cast %add3A_295 : i32 to index
    %swap3A_297 = tpu.vector_load %arg14[%swap3A_296] {strides = array<i32>} : memref<2560xi32, #tpu.memory_space<vmem>>, vector<16xi32>,
    tpu.vector_store %arg14[%swap3A_296], %broadcast_in_dim3A_14 {strides = array<i32>} : memref<2560xi32, #tpu.memory_space<vmem>>, vector<16xi32>,
    %add3A_298 = arith.constant 112 : i32
    %add3A_299 = arith.addi %scan3A_12#6, %add3A_298 : i32
    %swap3A_300 = arith.index_cast %add3A_299 : i32 to index
    %swap3A_301 = tpu.vector_load %arg14[%swap3A_300] {strides = array<i32>} : memref<2560xi32, #tpu.memory_space<vmem>>, vector<16xi32>,
    tpu.vector_store %arg14[%swap3A_300], %broadcast_in_dim3A_14 {strides = array<i32>} : memref<2560xi32, #tpu.memory_space<vmem>>, vector<16xi32>,
    %add3A_302 = arith.constant 128 : i32
    %add3A_303 = arith.addi %scan3A_12#6, %add3A_302 : i32
    %swap3A_304 = arith.index_cast %add3A_303 : i32 to index
    %swap3A_305 = tpu.vector_load %arg14[%swap3A_304] {strides = array<i32>} : memref<2560xi32, #tpu.memory_space<vmem>>, vector<16xi32>,
    tpu.vector_store %arg14[%swap3A_304], %broadcast_in_dim3A_14 {strides = array<i32>} : memref<2560xi32, #tpu.memory_space<vmem>>, vector<16xi32>,
    %mul3A_306 = arith.constant 128 : i32
    %mul3A_307 = arith.muli %scan3A_12#7, %mul3A_306 : i32
    %add3A_308 = arith.addi %mul3A_307, %scan3A_12#6 : i32
    %add3A_309 = arith.constant 128 : i32
    %add3A_310 = arith.addi %add3A_308, %add3A_309 : i32
    %sub3A_311 = arith.constant 1 : i32
    %sub3A_312 = arith.subi %add3A_310, %sub3A_311 : i32
    %jit3A_313 = arith.constant 128 : i32
    %div3A_314 = arith.divsi %sub3A_312, %jit3A_313 : i32
    %sign3A_315 = arith.constant 0 : i32
    %sign3A_316 = arith.cmpi sgt, %sub3A_312, %sign3A_315 : i32
    %sign3A_317 = arith.extui %sign3A_316 : i1 to i32
    %sign3A_318 = arith.constant 0 : i32
    %sign3A_319 = arith.cmpi slt, %sub3A_312, %sign3A_318 : i32
    %sign3A_320 = arith.extui %sign3A_319 : i1 to i32
    %sign3A_321 = arith.subi %sign3A_317, %sign3A_320 : i32
    %sign3A_322 = arith.constant 0 : i32
    %sign3A_323 = arith.cmpi sgt, %jit3A_313, %sign3A_322 : i32
    %sign3A_324 = arith.extui %sign3A_323 : i1 to i32
    %sign3A_325 = arith.constant 0 : i32
    %sign3A_326 = arith.cmpi slt, %jit3A_313, %sign3A_325 : i32
    %sign3A_327 = arith.extui %sign3A_326 : i1 to i32
    %sign3A_328 = arith.subi %sign3A_324, %sign3A_327 : i32
    %ne3A_329 = arith.cmpi ne, %sign3A_321, %sign3A_328 : i32
    %rem3A_330 = arith.remsi %sub3A_312, %jit3A_313 : i32
    %ne3A_331 = arith.constant 0 : i32
    %ne3A_332 = arith.cmpi ne, %rem3A_330, %ne3A_331 : i32
    %and3A_333 = arith.andi %ne3A_329, %ne3A_332 : i1
    %sub3A_334 = arith.constant 1 : i32
    %sub3A_335 = arith.subi %div3A_314, %sub3A_334 : i32
    %select_n3A_336 = arith.select %and3A_333, %sub3A_335, %div3A_314 : i32
    %sub3A_337 = arith.subi %select_n3A_336, %scan3A_12#7 : i32
    %while3A_338 = arith.constant 0 : i32
    %while3A_339 = arith.constant 0 : i32
    %while3A_340 = arith.subi %sub3A_337, %while3A_338 : i32
    %while3A_341 = arith.addi %while3A_338, %while3A_340 : i32
    %while3A_342 = arith.constant 1 : i32
    %while3A_343 = arith.divsi %while3A_340, %while3A_342 : i32
    %while3A_344 = arith.muli %while3A_343, %while3A_342 : i32
    %while3A_345 = arith.addi %while3A_338, %while3A_344 : i32
    %while3A_346 = arith.constant 1 : i32
    %while3A_347 = scf.for %while3A_363 = %while3A_338 to %while3A_345 step %while3A_346 iter_args(%while3A_364 = %while3A_339) -> (i32)  : i32 {
      %mul3A_365 = arith.constant 128 : i32
      %mul3A_366 = arith.muli %while3A_363, %mul3A_365 : i32
      %multiple_of3A = tpu.assume_multiple %mul3A_366, 128 : i32
      %add3A_367 = arith.addi %scan3A_12#7, %while3A_363 : i32
      %mul3A_368 = arith.constant 128 : i32
      %mul3A_369 = arith.muli %add3A_367, %mul3A_368 : i32
      %multiple_of3A_370 = tpu.assume_multiple %mul3A_369, 128 : i32
      "tpu.region"() ({
        %run_scoped3A = tpu.sem_alloc : memref<!tpu.dma_semaphore, #tpu.memory_space<semaphore_mem>>
        %dma_start3A = tpu.memref_slice %arg14[%multiple_of3A] : memref<2560xi32, #tpu.memory_space<vmem>> -> memref<128xi32, #tpu.memory_space<vmem>>
        %dma_start3A_372 = tpu.memref_slice %arg6[%add3A_269, %arg1, %multiple_of3A_370] : memref<8x16x53248xi32, #tpu.memory_space<hbm>> -> memref<1x1x128xi32, #tpu.memory_space<hbm>>
        %dma_start3A_373 = tpu.memref_squeeze %dma_start3A_372 : memref<1x1x128xi32, #tpu.memory_space<hbm>> -> memref<128xi32, #tpu.memory_space<hbm>>
        %dma_start3A_374 = tpu.memref_slice %arg6[%add3A_269, %arg1, %multiple_of3A_370] : memref<8x16x53248xi32, #tpu.memory_space<hbm>> -> memref<1x1x128xi32, #tpu.memory_space<hbm>>
        %dma_start3A_375 = tpu.memref_squeeze %dma_start3A_374 : memref<1x1x128xi32, #tpu.memory_space<hbm>> -> memref<128xi32, #tpu.memory_space<hbm>>
        %dma_start3A_376 = tpu.memref_slice %arg14[%multiple_of3A] : memref<2560xi32, #tpu.memory_space<vmem>> -> memref<128xi32, #tpu.memory_space<vmem>>
        tpu.enqueue_dma source(%dma_start3A_376 : memref<128xi32, #tpu.memory_space<vmem>>) target(%dma_start3A_375 : memref<128xi32, #tpu.memory_space<hbm>>) target_semaphore(%run_scoped3A : memref<!tpu.dma_semaphore, #tpu.memory_space<semaphore_mem>>)
        %dma_wait3A = tpu.memref_slice %arg14[%multiple_of3A] : memref<2560xi32, #tpu.memory_space<vmem>> -> memref<128xi32, #tpu.memory_space<vmem>>
        %dma_wait3A_377 = tpu.memref_slice %arg6[%add3A_269, %arg1, %multiple_of3A_370] : memref<8x16x53248xi32, #tpu.memory_space<hbm>> -> memref<1x1x128xi32, #tpu.memory_space<hbm>>
        %dma_wait3A_378 = tpu.memref_squeeze %dma_wait3A_377 : memref<1x1x128xi32, #tpu.memory_space<hbm>> -> memref<128xi32, #tpu.memory_space<hbm>>
        %dma_wait3A_379 = tpu.memref_slice %arg6[%add3A_269, %arg1, %multiple_of3A_370] : memref<8x16x53248xi32, #tpu.memory_space<hbm>> -> memref<1x1x128xi32, #tpu.memory_space<hbm>>
        %dma_wait3A_380 = tpu.memref_squeeze %dma_wait3A_379 : memref<1x1x128xi32, #tpu.memory_space<hbm>> -> memref<128xi32, #tpu.memory_space<hbm>>
        %dma_wait3A_381 = tpu.memref_slice %arg14[%multiple_of3A] : memref<2560xi32, #tpu.memory_space<vmem>> -> memref<128xi32, #tpu.memory_space<vmem>>
        tpu.wait_dma2 semaphore(%run_scoped3A : memref<!tpu.dma_semaphore, #tpu.memory_space<semaphore_mem>>) src(%dma_wait3A_381 : memref<128xi32, #tpu.memory_space<vmem>>) dst(%dma_wait3A_380 : memref<128xi32, #tpu.memory_space<hbm>>)
        tpu.yield
      }) : () -> ()
      %while3A_371 = arith.constant 0 : i32
      scf.yield %while3A_371 : i32
    }
    %while3A_348 = arith.constant 1 : i32
    %while3A_349 = scf.for %while3A_363 = %while3A_345 to %while3A_341 step %while3A_348 iter_args(%while3A_364 = %while3A_347) -> (i32)  : i32 {
      %mul3A_365 = arith.constant 128 : i32
      %mul3A_366 = arith.muli %while3A_363, %mul3A_365 : i32
      %multiple_of3A = tpu.assume_multiple %mul3A_366, 128 : i32
      %add3A_367 = arith.addi %scan3A_12#7, %while3A_363 : i32
      %mul3A_368 = arith.constant 128 : i32
      %mul3A_369 = arith.muli %add3A_367, %mul3A_368 : i32
      %multiple_of3A_370 = tpu.assume_multiple %mul3A_369, 128 : i32
      "tpu.region"() ({
        %run_scoped3A = tpu.sem_alloc : memref<!tpu.dma_semaphore, #tpu.memory_space<semaphore_mem>>
        %dma_start3A = tpu.memref_slice %arg14[%multiple_of3A] : memref<2560xi32, #tpu.memory_space<vmem>> -> memref<128xi32, #tpu.memory_space<vmem>>
        %dma_start3A_372 = tpu.memref_slice %arg6[%add3A_269, %arg1, %multiple_of3A_370] : memref<8x16x53248xi32, #tpu.memory_space<hbm>> -> memref<1x1x128xi32, #tpu.memory_space<hbm>>
        %dma_start3A_373 = tpu.memref_squeeze %dma_start3A_372 : memref<1x1x128xi32, #tpu.memory_space<hbm>> -> memref<128xi32, #tpu.memory_space<hbm>>
        %dma_start3A_374 = tpu.memref_slice %arg6[%add3A_269, %arg1, %multiple_of3A_370] : memref<8x16x53248xi32, #tpu.memory_space<hbm>> -> memref<1x1x128xi32, #tpu.memory_space<hbm>>
        %dma_start3A_375 = tpu.memref_squeeze %dma_start3A_374 : memref<1x1x128xi32, #tpu.memory_space<hbm>> -> memref<128xi32, #tpu.memory_space<hbm>>
        %dma_start3A_376 = tpu.memref_slice %arg14[%multiple_of3A] : memref<2560xi32, #tpu.memory_space<vmem>> -> memref<128xi32, #tpu.memory_space<vmem>>
        tpu.enqueue_dma source(%dma_start3A_376 : memref<128xi32, #tpu.memory_space<vmem>>) target(%dma_start3A_375 : memref<128xi32, #tpu.memory_space<hbm>>) target_semaphore(%run_scoped3A : memref<!tpu.dma_semaphore, #tpu.memory_space<semaphore_mem>>)
        %dma_wait3A = tpu.memref_slice %arg14[%multiple_of3A] : memref<2560xi32, #tpu.memory_space<vmem>> -> memref<128xi32, #tpu.memory_space<vmem>>
        %dma_wait3A_377 = tpu.memref_slice %arg6[%add3A_269, %arg1, %multiple_of3A_370] : memref<8x16x53248xi32, #tpu.memory_space<hbm>> -> memref<1x1x128xi32, #tpu.memory_space<hbm>>
        %dma_wait3A_378 = tpu.memref_squeeze %dma_wait3A_377 : memref<1x1x128xi32, #tpu.memory_space<hbm>> -> memref<128xi32, #tpu.memory_space<hbm>>
        %dma_wait3A_379 = tpu.memref_slice %arg6[%add3A_269, %arg1, %multiple_of3A_370] : memref<8x16x53248xi32, #tpu.memory_space<hbm>> -> memref<1x1x128xi32, #tpu.memory_space<hbm>>
        %dma_wait3A_380 = tpu.memref_squeeze %dma_wait3A_379 : memref<1x1x128xi32, #tpu.memory_space<hbm>> -> memref<128xi32, #tpu.memory_space<hbm>>
        %dma_wait3A_381 = tpu.memref_slice %arg14[%multiple_of3A] : memref<2560xi32, #tpu.memory_space<vmem>> -> memref<128xi32, #tpu.memory_space<vmem>>
        tpu.wait_dma2 semaphore(%run_scoped3A : memref<!tpu.dma_semaphore, #tpu.memory_space<semaphore_mem>>) src(%dma_wait3A_381 : memref<128xi32, #tpu.memory_space<vmem>>) dst(%dma_wait3A_380 : memref<128xi32, #tpu.memory_space<hbm>>)
        tpu.yield
      }) : () -> ()
      %while3A_371 = arith.constant 0 : i32
      scf.yield %while3A_371 : i32
    }
    %broadcast_in_dim3A_350 = arith.constant 0 : i32
    %broadcast_in_dim3A_351 = vector.broadcast %broadcast_in_dim3A_350 : i32 to vector<16xi32>
    %add3A_352 = vector.broadcast %select_n3A_336 : i32 to vector<16xi32>
    %add3A_353 = arith.addi %broadcast_in_dim3A_351, %add3A_352 : vector<16xi32>
    %swap3A_354 = arith.constant 0 : index
    %swap3A_355 = tpu.vector_load %arg15[%swap3A_354] {strides = array<i32>} : memref<16xi32, #tpu.memory_space<vmem>>, vector<16xi32>,
    tpu.vector_store %arg15[%swap3A_354], %add3A_353 {strides = array<i32>} : memref<16xi32, #tpu.memory_space<vmem>>, vector<16xi32>,
    "tpu.region"() ({
      %run_scoped3A = tpu.sem_alloc : memref<!tpu.dma_semaphore, #tpu.memory_space<semaphore_mem>>
      %dma_start3A = arith.constant 0 : i32
      %dma_start3A_363 = tpu.memref_slice %arg15[%dma_start3A] : memref<16xi32, #tpu.memory_space<vmem>> -> memref<8xi32, #tpu.memory_space<vmem>>
      %dma_start3A_364 = arith.constant 0 : i32
      %dma_start3A_365 = tpu.memref_slice %arg7[%add3A_269, %arg1, %dma_start3A_364] : memref<8x16x8xi32, #tpu.memory_space<hbm>> -> memref<1x1x8xi32, #tpu.memory_space<hbm>>
      %dma_start3A_366 = tpu.memref_squeeze %dma_start3A_365 : memref<1x1x8xi32, #tpu.memory_space<hbm>> -> memref<8xi32, #tpu.memory_space<hbm>>
      %dma_start3A_367 = arith.constant 0 : i32
      %dma_start3A_368 = tpu.memref_slice %arg7[%add3A_269, %arg1, %dma_start3A_367] : memref<8x16x8xi32, #tpu.memory_space<hbm>> -> memref<1x1x8xi32, #tpu.memory_space<hbm>>
      %dma_start3A_369 = tpu.memref_squeeze %dma_start3A_368 : memref<1x1x8xi32, #tpu.memory_space<hbm>> -> memref<8xi32, #tpu.memory_space<hbm>>
      %dma_start3A_370 = arith.constant 0 : i32
      %dma_start3A_371 = tpu.memref_slice %arg15[%dma_start3A_370] : memref<16xi32, #tpu.memory_space<vmem>> -> memref<8xi32, #tpu.memory_space<vmem>>
      tpu.enqueue_dma source(%dma_start3A_371 : memref<8xi32, #tpu.memory_space<vmem>>) target(%dma_start3A_369 : memref<8xi32, #tpu.memory_space<hbm>>) target_semaphore(%run_scoped3A : memref<!tpu.dma_semaphore, #tpu.memory_space<semaphore_mem>>)
      %dma_wait3A = arith.constant 0 : i32
      %dma_wait3A_372 = tpu.memref_slice %arg15[%dma_wait3A] : memref<16xi32, #tpu.memory_space<vmem>> -> memref<8xi32, #tpu.memory_space<vmem>>
      %dma_wait3A_373 = arith.constant 0 : i32
      %dma_wait3A_374 = tpu.memref_slice %arg7[%add3A_269, %arg1, %dma_wait3A_373] : memref<8x16x8xi32, #tpu.memory_space<hbm>> -> memref<1x1x8xi32, #tpu.memory_space<hbm>>
      %dma_wait3A_375 = tpu.memref_squeeze %dma_wait3A_374 : memref<1x1x8xi32, #tpu.memory_space<hbm>> -> memref<8xi32, #tpu.memory_space<hbm>>
      %dma_wait3A_376 = arith.constant 0 : i32
      %dma_wait3A_377 = tpu.memref_slice %arg7[%add3A_269, %arg1, %dma_wait3A_376] : memref<8x16x8xi32, #tpu.memory_space<hbm>> -> memref<1x1x8xi32, #tpu.memory_space<hbm>>
      %dma_wait3A_378 = tpu.memref_squeeze %dma_wait3A_377 : memref<1x1x8xi32, #tpu.memory_space<hbm>> -> memref<8xi32, #tpu.memory_space<hbm>>
      %dma_wait3A_379 = arith.constant 0 : i32
      %dma_wait3A_380 = tpu.memref_slice %arg15[%dma_wait3A_379] : memref<16xi32, #tpu.memory_space<vmem>> -> memref<8xi32, #tpu.memory_space<vmem>>
      tpu.wait_dma2 semaphore(%run_scoped3A : memref<!tpu.dma_semaphore, #tpu.memory_space<semaphore_mem>>) src(%dma_wait3A_380 : memref<8xi32, #tpu.memory_space<vmem>>) dst(%dma_wait3A_378 : memref<8xi32, #tpu.memory_space<hbm>>)
      tpu.yield
    }) : () -> ()
    %scan3A_356 = arith.constant 0 : i32
    %scan3A_357 = arith.constant 0 : i32
    %scan3A_358 = arith.constant 4 : i32
    %scan3A_359 = arith.addi %scan3A_357, %scan3A_358 : i32
    %scan3A_360 = arith.constant 1 : i32
    %scan3A_361 = scf.for %scan3A_363 = %scan3A_357 to %scan3A_359 step %scan3A_360 iter_args(%scan3A_364 = %scan3A_356) -> (i32)  : i32 {
      %mul3A_365 = arith.constant 2 : i32
      %mul3A_366 = arith.muli %scan3A_363, %mul3A_365 : i32
      %add3A_367 = arith.addi %mul3A_366, %arg0 : i32
      "tpu.region"() ({
        %run_scoped3A = tpu.sem_alloc : memref<!tpu.dma_semaphore, #tpu.memory_space<semaphore_mem>>
        %dma_start3A = arith.constant 0 : i32
        %dma_start3A_392 = tpu.memref_slice %arg21[%dma_start3A] : memref<16xi32, #tpu.memory_space<vmem>> -> memref<8xi32, #tpu.memory_space<vmem>>
        %dma_start3A_393 = arith.constant 0 : i32
        %dma_start3A_394 = tpu.memref_slice %arg7[%add3A_367, %arg1, %dma_start3A_393] : memref<8x16x8xi32, #tpu.memory_space<hbm>> -> memref<1x1x8xi32, #tpu.memory_space<hbm>>
        %dma_start3A_395 = tpu.memref_squeeze %dma_start3A_394 : memref<1x1x8xi32, #tpu.memory_space<hbm>> -> memref<8xi32, #tpu.memory_space<hbm>>
        %dma_start3A_396 = arith.constant 0 : i32
        %dma_start3A_397 = tpu.memref_slice %arg21[%dma_start3A_396] : memref<16xi32, #tpu.memory_space<vmem>> -> memref<8xi32, #tpu.memory_space<vmem>>
        %dma_start3A_398 = arith.constant 0 : i32
        %dma_start3A_399 = tpu.memref_slice %arg7[%add3A_367, %arg1, %dma_start3A_398] : memref<8x16x8xi32, #tpu.memory_space<hbm>> -> memref<1x1x8xi32, #tpu.memory_space<hbm>>
        %dma_start3A_400 = tpu.memref_squeeze %dma_start3A_399 : memref<1x1x8xi32, #tpu.memory_space<hbm>> -> memref<8xi32, #tpu.memory_space<hbm>>
        tpu.enqueue_dma source(%dma_start3A_400 : memref<8xi32, #tpu.memory_space<hbm>>) target(%dma_start3A_397 : memref<8xi32, #tpu.memory_space<vmem>>) target_semaphore(%run_scoped3A : memref<!tpu.dma_semaphore, #tpu.memory_space<semaphore_mem>>)
        %dma_wait3A = arith.constant 0 : i32
        %dma_wait3A_401 = tpu.memref_slice %arg21[%dma_wait3A] : memref<16xi32, #tpu.memory_space<vmem>> -> memref<8xi32, #tpu.memory_space<vmem>>
        %dma_wait3A_402 = arith.constant 0 : i32
        %dma_wait3A_403 = tpu.memref_slice %arg7[%add3A_367, %arg1, %dma_wait3A_402] : memref<8x16x8xi32, #tpu.memory_space<hbm>> -> memref<1x1x8xi32, #tpu.memory_space<hbm>>
        %dma_wait3A_404 = tpu.memref_squeeze %dma_wait3A_403 : memref<1x1x8xi32, #tpu.memory_space<hbm>> -> memref<8xi32, #tpu.memory_space<hbm>>
        %dma_wait3A_405 = arith.constant 0 : i32
        %dma_wait3A_406 = tpu.memref_slice %arg21[%dma_wait3A_405] : memref<16xi32, #tpu.memory_space<vmem>> -> memref<8xi32, #tpu.memory_space<vmem>>
        %dma_wait3A_407 = arith.constant 0 : i32
        %dma_wait3A_408 = tpu.memref_slice %arg7[%add3A_367, %arg1, %dma_wait3A_407] : memref<8x16x8xi32, #tpu.memory_space<hbm>> -> memref<1x1x8xi32, #tpu.memory_space<hbm>>
        %dma_wait3A_409 = tpu.memref_squeeze %dma_wait3A_408 : memref<1x1x8xi32, #tpu.memory_space<hbm>> -> memref<8xi32, #tpu.memory_space<hbm>>
        tpu.wait_dma2 semaphore(%run_scoped3A : memref<!tpu.dma_semaphore, #tpu.memory_space<semaphore_mem>>) src(%dma_wait3A_409 : memref<8xi32, #tpu.memory_space<hbm>>) dst(%dma_wait3A_406 : memref<8xi32, #tpu.memory_space<vmem>>)
        tpu.yield
      }) : () -> ()
      %get3A = arith.constant 0 : index
      %get3A_368 = tpu.vector_load %arg21[%get3A] {strides = array<i32>} : memref<16xi32, #tpu.memory_space<vmem>>, vector<16xi32>,
      %slice3A = vector.extract_strided_slice %get3A_368 {offsets = [0], sizes = [1], strides = [1]} : vector<16xi32> to vector<1xi32>
      %squeeze3A = vector.extract %slice3A[0] : i32 from vector<1xi32>
      %mul3A_369 = arith.constant 400 : i32
      %mul3A_370 = arith.muli %arg1, %mul3A_369 : i32
      "tpu.region"() ({
        %run_scoped3A = tpu.sem_alloc : memref<!tpu.dma_semaphore, #tpu.memory_space<semaphore_mem>>
        %dma_start3A = arith.constant 0 : i32
        %dma_start3A_392 = tpu.memref_slice %arg20[%mul3A_370, %dma_start3A] : memref<6401x104xf32, #tpu.memory_space<vmem_shared>> -> memref<400x104xf32, #tpu.memory_space<vmem_shared>>
        tpu.enqueue_dma source(%arg5 : memref<400x104xf32, #tpu.memory_space<hbm>>) target(%dma_start3A_392 : memref<400x104xf32, #tpu.memory_space<vmem_shared>>) target_semaphore(%run_scoped3A : memref<!tpu.dma_semaphore, #tpu.memory_space<semaphore_mem>>)
        %dma_wait3A = arith.constant 0 : i32
        %dma_wait3A_393 = tpu.memref_slice %arg20[%mul3A_370, %dma_wait3A] : memref<6401x104xf32, #tpu.memory_space<vmem_shared>> -> memref<400x104xf32, #tpu.memory_space<vmem_shared>>
        tpu.wait_dma2 semaphore(%run_scoped3A : memref<!tpu.dma_semaphore, #tpu.memory_space<semaphore_mem>>) src(%arg5 : memref<400x104xf32, #tpu.memory_space<hbm>>) dst(%dma_wait3A_393 : memref<400x104xf32, #tpu.memory_space<vmem_shared>>)
        tpu.yield
      }) : () -> ()
      %barrier3A = arith.constant 0 : index
      tpu.barrier barrier_id(%barrier3A)
      %while3A_371 = arith.constant 0 : i32
      %while3A_372 = arith.constant 0 : i32
      %while3A_373 = arith.subi %squeeze3A, %while3A_371 : i32
      %while3A_374 = arith.addi %while3A_371, %while3A_373 : i32
      %while3A_375 = arith.constant 1 : i32
      %while3A_376 = arith.divsi %while3A_373, %while3A_375 : i32
      %while3A_377 = arith.muli %while3A_376, %while3A_375 : i32
      %while3A_378 = arith.addi %while3A_371, %while3A_377 : i32
      %while3A_379 = arith.constant 1 : i32
      %while3A_380 = scf.for %while3A_392 = %while3A_371 to %while3A_378 step %while3A_379 iter_args(%while3A_393 = %while3A_372) -> (i32)  : i32 {
        %rem3A_394 = arith.constant 16 : i32
        %rem3A_395 = arith.remsi %while3A_392, %rem3A_394 : i32
        %eq3A = arith.constant 0 : i32
        %eq3A_396 = arith.cmpi eq, %rem3A_395, %eq3A : i32
        %convert_element_type3A = arith.extui %eq3A_396 : i1 to i32
        %cond3A = arith.constant 0 : i32
        %cond3A_397 = arith.cmpi ne, %convert_element_type3A, %cond3A : i32
        scf.if %cond3A_397 {
          %jit3A_576 = arith.constant 16 : i32
          %div3A_577 = arith.divsi %while3A_392, %jit3A_576 : i32
          %sign3A_578 = arith.constant 0 : i32
          %sign3A_579 = arith.cmpi sgt, %while3A_392, %sign3A_578 : i32
          %sign3A_580 = arith.extui %sign3A_579 : i1 to i32
          %sign3A_581 = arith.constant 0 : i32
          %sign3A_582 = arith.cmpi slt, %while3A_392, %sign3A_581 : i32
          %sign3A_583 = arith.extui %sign3A_582 : i1 to i32
          %sign3A_584 = arith.subi %sign3A_580, %sign3A_583 : i32
          %sign3A_585 = arith.constant 0 : i32
          %sign3A_586 = arith.cmpi sgt, %jit3A_576, %sign3A_585 : i32
          %sign3A_587 = arith.extui %sign3A_586 : i1 to i32
          %sign3A_588 = arith.constant 0 : i32
          %sign3A_589 = arith.cmpi slt, %jit3A_576, %sign3A_588 : i32
          %sign3A_590 = arith.extui %sign3A_589 : i1 to i32
          %sign3A_591 = arith.subi %sign3A_587, %sign3A_590 : i32
          %ne3A_592 = arith.cmpi ne, %sign3A_584, %sign3A_591 : i32
          %rem3A_593 = arith.remsi %while3A_392, %jit3A_576 : i32
          %ne3A_594 = arith.constant 0 : i32
          %ne3A_595 = arith.cmpi ne, %rem3A_593, %ne3A_594 : i32
          %and3A_596 = arith.andi %ne3A_592, %ne3A_595 : i1
          %sub3A_597 = arith.constant 1 : i32
          %sub3A_598 = arith.subi %div3A_577, %sub3A_597 : i32
          %select_n3A_599 = arith.select %and3A_596, %sub3A_598, %div3A_577 : i32
          %mul3A_600 = arith.constant 2048 : i32
          %mul3A_601 = arith.muli %select_n3A_599, %mul3A_600 : i32
          "tpu.region"() ({
            %run_scoped3A = tpu.sem_alloc : memref<!tpu.dma_semaphore, #tpu.memory_space<semaphore_mem>>
            %dma_start3A_602 = tpu.memref_slice %arg6[%add3A_367, %arg1, %mul3A_601] : memref<8x16x53248xi32, #tpu.memory_space<hbm>> -> memref<1x1x2048xi32, #tpu.memory_space<hbm>>
            %dma_start3A_603 = tpu.memref_squeeze %dma_start3A_602 : memref<1x1x2048xi32, #tpu.memory_space<hbm>> -> memref<2048xi32, #tpu.memory_space<hbm>>
            %dma_start3A_604 = tpu.memref_slice %arg6[%add3A_367, %arg1, %mul3A_601] : memref<8x16x53248xi32, #tpu.memory_space<hbm>> -> memref<1x1x2048xi32, #tpu.memory_space<hbm>>
            %dma_start3A_605 = tpu.memref_squeeze %dma_start3A_604 : memref<1x1x2048xi32, #tpu.memory_space<hbm>> -> memref<2048xi32, #tpu.memory_space<hbm>>
            tpu.enqueue_dma source(%dma_start3A_605 : memref<2048xi32, #tpu.memory_space<hbm>>) target(%arg16 : memref<2048xi32, #tpu.memory_space<vmem>>) target_semaphore(%run_scoped3A : memref<!tpu.dma_semaphore, #tpu.memory_space<semaphore_mem>>)
            %dma_wait3A_606 = tpu.memref_slice %arg6[%add3A_367, %arg1, %mul3A_601] : memref<8x16x53248xi32, #tpu.memory_space<hbm>> -> memref<1x1x2048xi32, #tpu.memory_space<hbm>>
            %dma_wait3A_607 = tpu.memref_squeeze %dma_wait3A_606 : memref<1x1x2048xi32, #tpu.memory_space<hbm>> -> memref<2048xi32, #tpu.memory_space<hbm>>
            %dma_wait3A_608 = tpu.memref_slice %arg6[%add3A_367, %arg1, %mul3A_601] : memref<8x16x53248xi32, #tpu.memory_space<hbm>> -> memref<1x1x2048xi32, #tpu.memory_space<hbm>>
            %dma_wait3A_609 = tpu.memref_squeeze %dma_wait3A_608 : memref<1x1x2048xi32, #tpu.memory_space<hbm>> -> memref<2048xi32, #tpu.memory_space<hbm>>
            tpu.wait_dma2 semaphore(%run_scoped3A : memref<!tpu.dma_semaphore, #tpu.memory_space<semaphore_mem>>) src(%dma_wait3A_609 : memref<2048xi32, #tpu.memory_space<hbm>>) dst(%arg16 : memref<2048xi32, #tpu.memory_space<vmem>>)
            tpu.yield
          }) : () -> ()
        } else {
        }
        %rem3A_398 = arith.constant 16 : i32
        %rem3A_399 = arith.remsi %while3A_392, %rem3A_398 : i32
        %mul3A_400 = arith.constant 128 : i32
        %mul3A_401 = arith.muli %rem3A_399, %mul3A_400 : i32
        %scan3A_402 = arith.constant 0 : i32
        %scan3A_403 = arith.constant 0 : i32
        %mul3A_404 = arith.constant 16 : i32
        %mul3A_405 = arith.muli %scan3A_403, %mul3A_404 : i32
        %add3A_406 = arith.addi %mul3A_401, %mul3A_405 : i32
        %get3A_407 = arith.index_cast %add3A_406 : i32 to index
        %get3A_408 = tpu.vector_load %arg16[%get3A_407] {strides = array<i32>} : memref<2048xi32, #tpu.memory_space<vmem>>, vector<16xi32>,
        %shift_right_arithmetic3A = arith.constant 13 : i32
        %shift_right_arithmetic3A_409 = vector.broadcast %shift_right_arithmetic3A : i32 to vector<16xi32>
        %shift_right_arithmetic3A_410 = arith.shrsi %get3A_408, %shift_right_arithmetic3A_409 : vector<16xi32>
        %mul3A_411 = arith.constant 16 : i32
        %mul3A_412 = arith.muli %scan3A_403, %mul3A_411 : i32
        %swap3A_413 = arith.index_cast %mul3A_412 : i32 to index
        %swap3A_414 = tpu.vector_load %arg17[%swap3A_413] {strides = array<i32>} : memref<128xi32, #tpu.memory_space<vmem>>, vector<16xi32>,
        tpu.vector_store %arg17[%swap3A_413], %shift_right_arithmetic3A_410 {strides = array<i32>} : memref<128xi32, #tpu.memory_space<vmem>>, vector<16xi32>,
        %and3A_415 = arith.constant 8191 : i32
        %and3A_416 = vector.broadcast %and3A_415 : i32 to vector<16xi32>
        %and3A_417 = arith.andi %get3A_408, %and3A_416 : vector<16xi32>
        %mul3A_418 = arith.constant 16 : i32
        %mul3A_419 = arith.muli %scan3A_403, %mul3A_418 : i32
        %swap3A_420 = arith.index_cast %mul3A_419 : i32 to index
        %swap3A_421 = tpu.vector_load %arg18[%swap3A_420] {strides = array<i32>} : memref<128xi32, #tpu.memory_space<vmem>>, vector<16xi32>,
        tpu.vector_store %arg18[%swap3A_420], %and3A_417 {strides = array<i32>} : memref<128xi32, #tpu.memory_space<vmem>>, vector<16xi32>,
        %scan3A_422 = arith.constant 0 : i32
        %scan3A_423 = arith.constant 1 : i32
        %mul3A_424 = arith.constant 16 : i32
        %mul3A_425 = arith.muli %scan3A_423, %mul3A_424 : i32
        %add3A_426 = arith.addi %mul3A_401, %mul3A_425 : i32
        %get3A_427 = arith.index_cast %add3A_426 : i32 to index
        %get3A_428 = tpu.vector_load %arg16[%get3A_427] {strides = array<i32>} : memref<2048xi32, #tpu.memory_space<vmem>>, vector<16xi32>,
        %shift_right_arithmetic3A_429 = arith.constant 13 : i32
        %shift_right_arithmetic3A_430 = vector.broadcast %shift_right_arithmetic3A_429 : i32 to vector<16xi32>
        %shift_right_arithmetic3A_431 = arith.shrsi %get3A_428, %shift_right_arithmetic3A_430 : vector<16xi32>
        %mul3A_432 = arith.constant 16 : i32
        %mul3A_433 = arith.muli %scan3A_423, %mul3A_432 : i32
        %swap3A_434 = arith.index_cast %mul3A_433 : i32 to index
        %swap3A_435 = tpu.vector_load %arg17[%swap3A_434] {strides = array<i32>} : memref<128xi32, #tpu.memory_space<vmem>>, vector<16xi32>,
        tpu.vector_store %arg17[%swap3A_434], %shift_right_arithmetic3A_431 {strides = array<i32>} : memref<128xi32, #tpu.memory_space<vmem>>, vector<16xi32>,
        %and3A_436 = arith.constant 8191 : i32
        %and3A_437 = vector.broadcast %and3A_436 : i32 to vector<16xi32>
        %and3A_438 = arith.andi %get3A_428, %and3A_437 : vector<16xi32>
        %mul3A_439 = arith.constant 16 : i32
        %mul3A_440 = arith.muli %scan3A_423, %mul3A_439 : i32
        %swap3A_441 = arith.index_cast %mul3A_440 : i32 to index
        %swap3A_442 = tpu.vector_load %arg18[%swap3A_441] {strides = array<i32>} : memref<128xi32, #tpu.memory_space<vmem>>, vector<16xi32>,
        tpu.vector_store %arg18[%swap3A_441], %and3A_438 {strides = array<i32>} : memref<128xi32, #tpu.memory_space<vmem>>, vector<16xi32>,
        %scan3A_443 = arith.constant 0 : i32
        %scan3A_444 = arith.constant 2 : i32
        %mul3A_445 = arith.constant 16 : i32
        %mul3A_446 = arith.muli %scan3A_444, %mul3A_445 : i32
        %add3A_447 = arith.addi %mul3A_401, %mul3A_446 : i32
        %get3A_448 = arith.index_cast %add3A_447 : i32 to index
        %get3A_449 = tpu.vector_load %arg16[%get3A_448] {strides = array<i32>} : memref<2048xi32, #tpu.memory_space<vmem>>, vector<16xi32>,
        %shift_right_arithmetic3A_450 = arith.constant 13 : i32
        %shift_right_arithmetic3A_451 = vector.broadcast %shift_right_arithmetic3A_450 : i32 to vector<16xi32>
        %shift_right_arithmetic3A_452 = arith.shrsi %get3A_449, %shift_right_arithmetic3A_451 : vector<16xi32>
        %mul3A_453 = arith.constant 16 : i32
        %mul3A_454 = arith.muli %scan3A_444, %mul3A_453 : i32
        %swap3A_455 = arith.index_cast %mul3A_454 : i32 to index
        %swap3A_456 = tpu.vector_load %arg17[%swap3A_455] {strides = array<i32>} : memref<128xi32, #tpu.memory_space<vmem>>, vector<16xi32>,
        tpu.vector_store %arg17[%swap3A_455], %shift_right_arithmetic3A_452 {strides = array<i32>} : memref<128xi32, #tpu.memory_space<vmem>>, vector<16xi32>,
        %and3A_457 = arith.constant 8191 : i32
        %and3A_458 = vector.broadcast %and3A_457 : i32 to vector<16xi32>
        %and3A_459 = arith.andi %get3A_449, %and3A_458 : vector<16xi32>
        %mul3A_460 = arith.constant 16 : i32
        %mul3A_461 = arith.muli %scan3A_444, %mul3A_460 : i32
        %swap3A_462 = arith.index_cast %mul3A_461 : i32 to index
        %swap3A_463 = tpu.vector_load %arg18[%swap3A_462] {strides = array<i32>} : memref<128xi32, #tpu.memory_space<vmem>>, vector<16xi32>,
        tpu.vector_store %arg18[%swap3A_462], %and3A_459 {strides = array<i32>} : memref<128xi32, #tpu.memory_space<vmem>>, vector<16xi32>,
        %scan3A_464 = arith.constant 0 : i32
        %scan3A_465 = arith.constant 3 : i32
        %mul3A_466 = arith.constant 16 : i32
        %mul3A_467 = arith.muli %scan3A_465, %mul3A_466 : i32
        %add3A_468 = arith.addi %mul3A_401, %mul3A_467 : i32
        %get3A_469 = arith.index_cast %add3A_468 : i32 to index
        %get3A_470 = tpu.vector_load %arg16[%get3A_469] {strides = array<i32>} : memref<2048xi32, #tpu.memory_space<vmem>>, vector<16xi32>,
        %shift_right_arithmetic3A_471 = arith.constant 13 : i32
        %shift_right_arithmetic3A_472 = vector.broadcast %shift_right_arithmetic3A_471 : i32 to vector<16xi32>
        %shift_right_arithmetic3A_473 = arith.shrsi %get3A_470, %shift_right_arithmetic3A_472 : vector<16xi32>
        %mul3A_474 = arith.constant 16 : i32
        %mul3A_475 = arith.muli %scan3A_465, %mul3A_474 : i32
        %swap3A_476 = arith.index_cast %mul3A_475 : i32 to index
        %swap3A_477 = tpu.vector_load %arg17[%swap3A_476] {strides = array<i32>} : memref<128xi32, #tpu.memory_space<vmem>>, vector<16xi32>,
        tpu.vector_store %arg17[%swap3A_476], %shift_right_arithmetic3A_473 {strides = array<i32>} : memref<128xi32, #tpu.memory_space<vmem>>, vector<16xi32>,
        %and3A_478 = arith.constant 8191 : i32
        %and3A_479 = vector.broadcast %and3A_478 : i32 to vector<16xi32>
        %and3A_480 = arith.andi %get3A_470, %and3A_479 : vector<16xi32>
        %mul3A_481 = arith.constant 16 : i32
        %mul3A_482 = arith.muli %scan3A_465, %mul3A_481 : i32
        %swap3A_483 = arith.index_cast %mul3A_482 : i32 to index
        %swap3A_484 = tpu.vector_load %arg18[%swap3A_483] {strides = array<i32>} : memref<128xi32, #tpu.memory_space<vmem>>, vector<16xi32>,
        tpu.vector_store %arg18[%swap3A_483], %and3A_480 {strides = array<i32>} : memref<128xi32, #tpu.memory_space<vmem>>, vector<16xi32>,
        %scan3A_485 = arith.constant 0 : i32
        %scan3A_486 = arith.constant 4 : i32
        %mul3A_487 = arith.constant 16 : i32
        %mul3A_488 = arith.muli %scan3A_486, %mul3A_487 : i32
        %add3A_489 = arith.addi %mul3A_401, %mul3A_488 : i32
        %get3A_490 = arith.index_cast %add3A_489 : i32 to index
        %get3A_491 = tpu.vector_load %arg16[%get3A_490] {strides = array<i32>} : memref<2048xi32, #tpu.memory_space<vmem>>, vector<16xi32>,
        %shift_right_arithmetic3A_492 = arith.constant 13 : i32
        %shift_right_arithmetic3A_493 = vector.broadcast %shift_right_arithmetic3A_492 : i32 to vector<16xi32>
        %shift_right_arithmetic3A_494 = arith.shrsi %get3A_491, %shift_right_arithmetic3A_493 : vector<16xi32>
        %mul3A_495 = arith.constant 16 : i32
        %mul3A_496 = arith.muli %scan3A_486, %mul3A_495 : i32
        %swap3A_497 = arith.index_cast %mul3A_496 : i32 to index
        %swap3A_498 = tpu.vector_load %arg17[%swap3A_497] {strides = array<i32>} : memref<128xi32, #tpu.memory_space<vmem>>, vector<16xi32>,
        tpu.vector_store %arg17[%swap3A_497], %shift_right_arithmetic3A_494 {strides = array<i32>} : memref<128xi32, #tpu.memory_space<vmem>>, vector<16xi32>,
        %and3A_499 = arith.constant 8191 : i32
        %and3A_500 = vector.broadcast %and3A_499 : i32 to vector<16xi32>
        %and3A_501 = arith.andi %get3A_491, %and3A_500 : vector<16xi32>
        %mul3A_502 = arith.constant 16 : i32
        %mul3A_503 = arith.muli %scan3A_486, %mul3A_502 : i32
        %swap3A_504 = arith.index_cast %mul3A_503 : i32 to index
        %swap3A_505 = tpu.vector_load %arg18[%swap3A_504] {strides = array<i32>} : memref<128xi32, #tpu.memory_space<vmem>>, vector<16xi32>,
        tpu.vector_store %arg18[%swap3A_504], %and3A_501 {strides = array<i32>} : memref<128xi32, #tpu.memory_space<vmem>>, vector<16xi32>,
        %scan3A_506 = arith.constant 0 : i32
        %scan3A_507 = arith.constant 5 : i32
        %mul3A_508 = arith.constant 16 : i32
        %mul3A_509 = arith.muli %scan3A_507, %mul3A_508 : i32
        %add3A_510 = arith.addi %mul3A_401, %mul3A_509 : i32
        %get3A_511 = arith.index_cast %add3A_510 : i32 to index
        %get3A_512 = tpu.vector_load %arg16[%get3A_511] {strides = array<i32>} : memref<2048xi32, #tpu.memory_space<vmem>>, vector<16xi32>,
        %shift_right_arithmetic3A_513 = arith.constant 13 : i32
        %shift_right_arithmetic3A_514 = vector.broadcast %shift_right_arithmetic3A_513 : i32 to vector<16xi32>
        %shift_right_arithmetic3A_515 = arith.shrsi %get3A_512, %shift_right_arithmetic3A_514 : vector<16xi32>
        %mul3A_516 = arith.constant 16 : i32
        %mul3A_517 = arith.muli %scan3A_507, %mul3A_516 : i32
        %swap3A_518 = arith.index_cast %mul3A_517 : i32 to index
        %swap3A_519 = tpu.vector_load %arg17[%swap3A_518] {strides = array<i32>} : memref<128xi32, #tpu.memory_space<vmem>>, vector<16xi32>,
        tpu.vector_store %arg17[%swap3A_518], %shift_right_arithmetic3A_515 {strides = array<i32>} : memref<128xi32, #tpu.memory_space<vmem>>, vector<16xi32>,
        %and3A_520 = arith.constant 8191 : i32
        %and3A_521 = vector.broadcast %and3A_520 : i32 to vector<16xi32>
        %and3A_522 = arith.andi %get3A_512, %and3A_521 : vector<16xi32>
        %mul3A_523 = arith.constant 16 : i32
        %mul3A_524 = arith.muli %scan3A_507, %mul3A_523 : i32
        %swap3A_525 = arith.index_cast %mul3A_524 : i32 to index
        %swap3A_526 = tpu.vector_load %arg18[%swap3A_525] {strides = array<i32>} : memref<128xi32, #tpu.memory_space<vmem>>, vector<16xi32>,
        tpu.vector_store %arg18[%swap3A_525], %and3A_522 {strides = array<i32>} : memref<128xi32, #tpu.memory_space<vmem>>, vector<16xi32>,
        %scan3A_527 = arith.constant 0 : i32
        %scan3A_528 = arith.constant 6 : i32
        %mul3A_529 = arith.constant 16 : i32
        %mul3A_530 = arith.muli %scan3A_528, %mul3A_529 : i32
        %add3A_531 = arith.addi %mul3A_401, %mul3A_530 : i32
        %get3A_532 = arith.index_cast %add3A_531 : i32 to index
        %get3A_533 = tpu.vector_load %arg16[%get3A_532] {strides = array<i32>} : memref<2048xi32, #tpu.memory_space<vmem>>, vector<16xi32>,
        %shift_right_arithmetic3A_534 = arith.constant 13 : i32
        %shift_right_arithmetic3A_535 = vector.broadcast %shift_right_arithmetic3A_534 : i32 to vector<16xi32>
        %shift_right_arithmetic3A_536 = arith.shrsi %get3A_533, %shift_right_arithmetic3A_535 : vector<16xi32>
        %mul3A_537 = arith.constant 16 : i32
        %mul3A_538 = arith.muli %scan3A_528, %mul3A_537 : i32
        %swap3A_539 = arith.index_cast %mul3A_538 : i32 to index
        %swap3A_540 = tpu.vector_load %arg17[%swap3A_539] {strides = array<i32>} : memref<128xi32, #tpu.memory_space<vmem>>, vector<16xi32>,
        tpu.vector_store %arg17[%swap3A_539], %shift_right_arithmetic3A_536 {strides = array<i32>} : memref<128xi32, #tpu.memory_space<vmem>>, vector<16xi32>,
        %and3A_541 = arith.constant 8191 : i32
        %and3A_542 = vector.broadcast %and3A_541 : i32 to vector<16xi32>
        %and3A_543 = arith.andi %get3A_533, %and3A_542 : vector<16xi32>
        %mul3A_544 = arith.constant 16 : i32
        %mul3A_545 = arith.muli %scan3A_528, %mul3A_544 : i32
        %swap3A_546 = arith.index_cast %mul3A_545 : i32 to index
        %swap3A_547 = tpu.vector_load %arg18[%swap3A_546] {strides = array<i32>} : memref<128xi32, #tpu.memory_space<vmem>>, vector<16xi32>,
        tpu.vector_store %arg18[%swap3A_546], %and3A_543 {strides = array<i32>} : memref<128xi32, #tpu.memory_space<vmem>>, vector<16xi32>,
        %scan3A_548 = arith.constant 0 : i32
        %scan3A_549 = arith.constant 7 : i32
        %mul3A_550 = arith.constant 16 : i32
        %mul3A_551 = arith.muli %scan3A_549, %mul3A_550 : i32
        %add3A_552 = arith.addi %mul3A_401, %mul3A_551 : i32
        %get3A_553 = arith.index_cast %add3A_552 : i32 to index
        %get3A_554 = tpu.vector_load %arg16[%get3A_553] {strides = array<i32>} : memref<2048xi32, #tpu.memory_space<vmem>>, vector<16xi32>,
        %shift_right_arithmetic3A_555 = arith.constant 13 : i32
        %shift_right_arithmetic3A_556 = vector.broadcast %shift_right_arithmetic3A_555 : i32 to vector<16xi32>
        %shift_right_arithmetic3A_557 = arith.shrsi %get3A_554, %shift_right_arithmetic3A_556 : vector<16xi32>
        %mul3A_558 = arith.constant 16 : i32
        %mul3A_559 = arith.muli %scan3A_549, %mul3A_558 : i32
        %swap3A_560 = arith.index_cast %mul3A_559 : i32 to index
        %swap3A_561 = tpu.vector_load %arg17[%swap3A_560] {strides = array<i32>} : memref<128xi32, #tpu.memory_space<vmem>>, vector<16xi32>,
        tpu.vector_store %arg17[%swap3A_560], %shift_right_arithmetic3A_557 {strides = array<i32>} : memref<128xi32, #tpu.memory_space<vmem>>, vector<16xi32>,
        %and3A_562 = arith.constant 8191 : i32
        %and3A_563 = vector.broadcast %and3A_562 : i32 to vector<16xi32>
        %and3A_564 = arith.andi %get3A_554, %and3A_563 : vector<16xi32>
        %mul3A_565 = arith.constant 16 : i32
        %mul3A_566 = arith.muli %scan3A_549, %mul3A_565 : i32
        %swap3A_567 = arith.index_cast %mul3A_566 : i32 to index
        %swap3A_568 = tpu.vector_load %arg18[%swap3A_567] {strides = array<i32>} : memref<128xi32, #tpu.memory_space<vmem>>, vector<16xi32>,
        tpu.vector_store %arg18[%swap3A_567], %and3A_564 {strides = array<i32>} : memref<128xi32, #tpu.memory_space<vmem>>, vector<16xi32>,
        %scan3A_569 = arith.constant 0 : i32
        %scan3A_570 = arith.constant 8 : i32
        %dma_start3A = arith.constant 0 : i32
        %dma_start3A_571 = arith.constant 0 : i32
        %dma_start3A_572 = tpu.memref_slice %arg4[%dma_start3A, %dma_start3A_571] : memref<50000x104xf32, #tpu.memory_space<hbm>> -> memref<50000x104xf32, #tpu.memory_space<hbm>>
        tpu.enqueue_indirect_dma source(%dma_start3A_572 : memref<50000x104xf32, #tpu.memory_space<hbm>>) target(%arg19 : memref<128x104xf32, #tpu.memory_space<vmem>>) offsets(%arg17 : memref<128xi32, #tpu.memory_space<vmem>>) semaphore(%arg22 : memref<!tpu.dma_semaphore, #tpu.memory_space<semaphore_mem>>)
        %dma_wait3A = arith.constant 0 : i32
        %dma_wait3A_573 = arith.constant 0 : i32
        %dma_wait3A_574 = tpu.memref_slice %arg4[%dma_wait3A, %dma_wait3A_573] : memref<50000x104xf32, #tpu.memory_space<hbm>> -> memref<50000x104xf32, #tpu.memory_space<hbm>>
        tpu.wait_indirect_dma semaphore(%arg22 : memref<!tpu.dma_semaphore, #tpu.memory_space<semaphore_mem>>) src(%dma_wait3A_574 : memref<50000x104xf32, #tpu.memory_space<hbm>>) dst(%arg19 : memref<128x104xf32, #tpu.memory_space<vmem>>)
        "tpu.region"() ({
          %run_scoped3A = tpu.sem_alloc : memref<!tpu.dma_semaphore, #tpu.memory_space<semaphore_mem>>
          %dma_start3A_576 = arith.constant 0 : i32
          %dma_start3A_577 = arith.constant 0 : i32
          %dma_start3A_578 = tpu.memref_slice %arg20[%dma_start3A_576, %dma_start3A_577] : memref<6401x104xf32, #tpu.memory_space<vmem_shared>> -> memref<6401x104xf32, #tpu.memory_space<vmem_shared>>
          tpu.enqueue_indirect_dma source(%arg19 : memref<128x104xf32, #tpu.memory_space<vmem>>) target(%dma_start3A_578 : memref<6401x104xf32, #tpu.memory_space<vmem_shared>>) offsets(%arg18 : memref<128xi32, #tpu.memory_space<vmem>>) semaphore(%run_scoped3A : memref<!tpu.dma_semaphore, #tpu.memory_space<semaphore_mem>>) {add = true}
          %dma_wait3A_579 = arith.constant 0 : i32
          %dma_wait3A_580 = arith.constant 0 : i32
          %dma_wait3A_581 = tpu.memref_slice %arg20[%dma_wait3A_579, %dma_wait3A_580] : memref<6401x104xf32, #tpu.memory_space<vmem_shared>> -> memref<6401x104xf32, #tpu.memory_space<vmem_shared>>
          tpu.wait_indirect_dma semaphore(%run_scoped3A : memref<!tpu.dma_semaphore, #tpu.memory_space<semaphore_mem>>) src(%arg19 : memref<128x104xf32, #tpu.memory_space<vmem>>) dst(%dma_wait3A_581 : memref<6401x104xf32, #tpu.memory_space<vmem_shared>>)
          tpu.yield
        }) : () -> ()
        %while3A_575 = arith.constant 0 : i32
        scf.yield %while3A_575 : i32
      }
      %while3A_381 = arith.constant 1 : i32
      %while3A_382 = scf.for %while3A_392 = %while3A_378 to %while3A_374 step %while3A_381 iter_args(%while3A_393 = %while3A_380) -> (i32)  : i32 {
        %rem3A_394 = arith.constant 16 : i32
        %rem3A_395 = arith.remsi %while3A_392, %rem3A_394 : i32
        %eq3A = arith.constant 0 : i32
        %eq3A_396 = arith.cmpi eq, %rem3A_395, %eq3A : i32
        %convert_element_type3A = arith.extui %eq3A_396 : i1 to i32
        %cond3A = arith.constant 0 : i32
        %cond3A_397 = arith.cmpi ne, %convert_element_type3A, %cond3A : i32
        scf.if %cond3A_397 {
          %jit3A_576 = arith.constant 16 : i32
          %div3A_577 = arith.divsi %while3A_392, %jit3A_576 : i32
          %sign3A_578 = arith.constant 0 : i32
          %sign3A_579 = arith.cmpi sgt, %while3A_392, %sign3A_578 : i32
          %sign3A_580 = arith.extui %sign3A_579 : i1 to i32
          %sign3A_581 = arith.constant 0 : i32
          %sign3A_582 = arith.cmpi slt, %while3A_392, %sign3A_581 : i32
          %sign3A_583 = arith.extui %sign3A_582 : i1 to i32
          %sign3A_584 = arith.subi %sign3A_580, %sign3A_583 : i32
          %sign3A_585 = arith.constant 0 : i32
          %sign3A_586 = arith.cmpi sgt, %jit3A_576, %sign3A_585 : i32
          %sign3A_587 = arith.extui %sign3A_586 : i1 to i32
          %sign3A_588 = arith.constant 0 : i32
          %sign3A_589 = arith.cmpi slt, %jit3A_576, %sign3A_588 : i32
          %sign3A_590 = arith.extui %sign3A_589 : i1 to i32
          %sign3A_591 = arith.subi %sign3A_587, %sign3A_590 : i32
          %ne3A_592 = arith.cmpi ne, %sign3A_584, %sign3A_591 : i32
          %rem3A_593 = arith.remsi %while3A_392, %jit3A_576 : i32
          %ne3A_594 = arith.constant 0 : i32
          %ne3A_595 = arith.cmpi ne, %rem3A_593, %ne3A_594 : i32
          %and3A_596 = arith.andi %ne3A_592, %ne3A_595 : i1
          %sub3A_597 = arith.constant 1 : i32
          %sub3A_598 = arith.subi %div3A_577, %sub3A_597 : i32
          %select_n3A_599 = arith.select %and3A_596, %sub3A_598, %div3A_577 : i32
          %mul3A_600 = arith.constant 2048 : i32
          %mul3A_601 = arith.muli %select_n3A_599, %mul3A_600 : i32
          "tpu.region"() ({
            %run_scoped3A = tpu.sem_alloc : memref<!tpu.dma_semaphore, #tpu.memory_space<semaphore_mem>>
            %dma_start3A_602 = tpu.memref_slice %arg6[%add3A_367, %arg1, %mul3A_601] : memref<8x16x53248xi32, #tpu.memory_space<hbm>> -> memref<1x1x2048xi32, #tpu.memory_space<hbm>>
            %dma_start3A_603 = tpu.memref_squeeze %dma_start3A_602 : memref<1x1x2048xi32, #tpu.memory_space<hbm>> -> memref<2048xi32, #tpu.memory_space<hbm>>
            %dma_start3A_604 = tpu.memref_slice %arg6[%add3A_367, %arg1, %mul3A_601] : memref<8x16x53248xi32, #tpu.memory_space<hbm>> -> memref<1x1x2048xi32, #tpu.memory_space<hbm>>
            %dma_start3A_605 = tpu.memref_squeeze %dma_start3A_604 : memref<1x1x2048xi32, #tpu.memory_space<hbm>> -> memref<2048xi32, #tpu.memory_space<hbm>>
            tpu.enqueue_dma source(%dma_start3A_605 : memref<2048xi32, #tpu.memory_space<hbm>>) target(%arg16 : memref<2048xi32, #tpu.memory_space<vmem>>) target_semaphore(%run_scoped3A : memref<!tpu.dma_semaphore, #tpu.memory_space<semaphore_mem>>)
            %dma_wait3A_606 = tpu.memref_slice %arg6[%add3A_367, %arg1, %mul3A_601] : memref<8x16x53248xi32, #tpu.memory_space<hbm>> -> memref<1x1x2048xi32, #tpu.memory_space<hbm>>
            %dma_wait3A_607 = tpu.memref_squeeze %dma_wait3A_606 : memref<1x1x2048xi32, #tpu.memory_space<hbm>> -> memref<2048xi32, #tpu.memory_space<hbm>>
            %dma_wait3A_608 = tpu.memref_slice %arg6[%add3A_367, %arg1, %mul3A_601] : memref<8x16x53248xi32, #tpu.memory_space<hbm>> -> memref<1x1x2048xi32, #tpu.memory_space<hbm>>
            %dma_wait3A_609 = tpu.memref_squeeze %dma_wait3A_608 : memref<1x1x2048xi32, #tpu.memory_space<hbm>> -> memref<2048xi32, #tpu.memory_space<hbm>>
            tpu.wait_dma2 semaphore(%run_scoped3A : memref<!tpu.dma_semaphore, #tpu.memory_space<semaphore_mem>>) src(%dma_wait3A_609 : memref<2048xi32, #tpu.memory_space<hbm>>) dst(%arg16 : memref<2048xi32, #tpu.memory_space<vmem>>)
            tpu.yield
          }) : () -> ()
        } else {
        }
        %rem3A_398 = arith.constant 16 : i32
        %rem3A_399 = arith.remsi %while3A_392, %rem3A_398 : i32
        %mul3A_400 = arith.constant 128 : i32
        %mul3A_401 = arith.muli %rem3A_399, %mul3A_400 : i32
        %scan3A_402 = arith.constant 0 : i32
        %scan3A_403 = arith.constant 0 : i32
        %mul3A_404 = arith.constant 16 : i32
        %mul3A_405 = arith.muli %scan3A_403, %mul3A_404 : i32
        %add3A_406 = arith.addi %mul3A_401, %mul3A_405 : i32
        %get3A_407 = arith.index_cast %add3A_406 : i32 to index
        %get3A_408 = tpu.vector_load %arg16[%get3A_407] {strides = array<i32>} : memref<2048xi32, #tpu.memory_space<vmem>>, vector<16xi32>,
        %shift_right_arithmetic3A = arith.constant 13 : i32
        %shift_right_arithmetic3A_409 = vector.broadcast %shift_right_arithmetic3A : i32 to vector<16xi32>
        %shift_right_arithmetic3A_410 = arith.shrsi %get3A_408, %shift_right_arithmetic3A_409 : vector<16xi32>
        %mul3A_411 = arith.constant 16 : i32
        %mul3A_412 = arith.muli %scan3A_403, %mul3A_411 : i32
        %swap3A_413 = arith.index_cast %mul3A_412 : i32 to index
        %swap3A_414 = tpu.vector_load %arg17[%swap3A_413] {strides = array<i32>} : memref<128xi32, #tpu.memory_space<vmem>>, vector<16xi32>,
        tpu.vector_store %arg17[%swap3A_413], %shift_right_arithmetic3A_410 {strides = array<i32>} : memref<128xi32, #tpu.memory_space<vmem>>, vector<16xi32>,
        %and3A_415 = arith.constant 8191 : i32
        %and3A_416 = vector.broadcast %and3A_415 : i32 to vector<16xi32>
        %and3A_417 = arith.andi %get3A_408, %and3A_416 : vector<16xi32>
        %mul3A_418 = arith.constant 16 : i32
        %mul3A_419 = arith.muli %scan3A_403, %mul3A_418 : i32
        %swap3A_420 = arith.index_cast %mul3A_419 : i32 to index
        %swap3A_421 = tpu.vector_load %arg18[%swap3A_420] {strides = array<i32>} : memref<128xi32, #tpu.memory_space<vmem>>, vector<16xi32>,
        tpu.vector_store %arg18[%swap3A_420], %and3A_417 {strides = array<i32>} : memref<128xi32, #tpu.memory_space<vmem>>, vector<16xi32>,
        %scan3A_422 = arith.constant 0 : i32
        %scan3A_423 = arith.constant 1 : i32
        %mul3A_424 = arith.constant 16 : i32
        %mul3A_425 = arith.muli %scan3A_423, %mul3A_424 : i32
        %add3A_426 = arith.addi %mul3A_401, %mul3A_425 : i32
        %get3A_427 = arith.index_cast %add3A_426 : i32 to index
        %get3A_428 = tpu.vector_load %arg16[%get3A_427] {strides = array<i32>} : memref<2048xi32, #tpu.memory_space<vmem>>, vector<16xi32>,
        %shift_right_arithmetic3A_429 = arith.constant 13 : i32
        %shift_right_arithmetic3A_430 = vector.broadcast %shift_right_arithmetic3A_429 : i32 to vector<16xi32>
        %shift_right_arithmetic3A_431 = arith.shrsi %get3A_428, %shift_right_arithmetic3A_430 : vector<16xi32>
        %mul3A_432 = arith.constant 16 : i32
        %mul3A_433 = arith.muli %scan3A_423, %mul3A_432 : i32
        %swap3A_434 = arith.index_cast %mul3A_433 : i32 to index
        %swap3A_435 = tpu.vector_load %arg17[%swap3A_434] {strides = array<i32>} : memref<128xi32, #tpu.memory_space<vmem>>, vector<16xi32>,
        tpu.vector_store %arg17[%swap3A_434], %shift_right_arithmetic3A_431 {strides = array<i32>} : memref<128xi32, #tpu.memory_space<vmem>>, vector<16xi32>,
        %and3A_436 = arith.constant 8191 : i32
        %and3A_437 = vector.broadcast %and3A_436 : i32 to vector<16xi32>
        %and3A_438 = arith.andi %get3A_428, %and3A_437 : vector<16xi32>
        %mul3A_439 = arith.constant 16 : i32
        %mul3A_440 = arith.muli %scan3A_423, %mul3A_439 : i32
        %swap3A_441 = arith.index_cast %mul3A_440 : i32 to index
        %swap3A_442 = tpu.vector_load %arg18[%swap3A_441] {strides = array<i32>} : memref<128xi32, #tpu.memory_space<vmem>>, vector<16xi32>,
        tpu.vector_store %arg18[%swap3A_441], %and3A_438 {strides = array<i32>} : memref<128xi32, #tpu.memory_space<vmem>>, vector<16xi32>,
        %scan3A_443 = arith.constant 0 : i32
        %scan3A_444 = arith.constant 2 : i32
        %mul3A_445 = arith.constant 16 : i32
        %mul3A_446 = arith.muli %scan3A_444, %mul3A_445 : i32
        %add3A_447 = arith.addi %mul3A_401, %mul3A_446 : i32
        %get3A_448 = arith.index_cast %add3A_447 : i32 to index
        %get3A_449 = tpu.vector_load %arg16[%get3A_448] {strides = array<i32>} : memref<2048xi32, #tpu.memory_space<vmem>>, vector<16xi32>,
        %shift_right_arithmetic3A_450 = arith.constant 13 : i32
        %shift_right_arithmetic3A_451 = vector.broadcast %shift_right_arithmetic3A_450 : i32 to vector<16xi32>
        %shift_right_arithmetic3A_452 = arith.shrsi %get3A_449, %shift_right_arithmetic3A_451 : vector<16xi32>
        %mul3A_453 = arith.constant 16 : i32
        %mul3A_454 = arith.muli %scan3A_444, %mul3A_453 : i32
        %swap3A_455 = arith.index_cast %mul3A_454 : i32 to index
        %swap3A_456 = tpu.vector_load %arg17[%swap3A_455] {strides = array<i32>} : memref<128xi32, #tpu.memory_space<vmem>>, vector<16xi32>,
        tpu.vector_store %arg17[%swap3A_455], %shift_right_arithmetic3A_452 {strides = array<i32>} : memref<128xi32, #tpu.memory_space<vmem>>, vector<16xi32>,
        %and3A_457 = arith.constant 8191 : i32
        %and3A_458 = vector.broadcast %and3A_457 : i32 to vector<16xi32>
        %and3A_459 = arith.andi %get3A_449, %and3A_458 : vector<16xi32>
        %mul3A_460 = arith.constant 16 : i32
        %mul3A_461 = arith.muli %scan3A_444, %mul3A_460 : i32
        %swap3A_462 = arith.index_cast %mul3A_461 : i32 to index
        %swap3A_463 = tpu.vector_load %arg18[%swap3A_462] {strides = array<i32>} : memref<128xi32, #tpu.memory_space<vmem>>, vector<16xi32>,
        tpu.vector_store %arg18[%swap3A_462], %and3A_459 {strides = array<i32>} : memref<128xi32, #tpu.memory_space<vmem>>, vector<16xi32>,
        %scan3A_464 = arith.constant 0 : i32
        %scan3A_465 = arith.constant 3 : i32
        %mul3A_466 = arith.constant 16 : i32
        %mul3A_467 = arith.muli %scan3A_465, %mul3A_466 : i32
        %add3A_468 = arith.addi %mul3A_401, %mul3A_467 : i32
        %get3A_469 = arith.index_cast %add3A_468 : i32 to index
        %get3A_470 = tpu.vector_load %arg16[%get3A_469] {strides = array<i32>} : memref<2048xi32, #tpu.memory_space<vmem>>, vector<16xi32>,
        %shift_right_arithmetic3A_471 = arith.constant 13 : i32
        %shift_right_arithmetic3A_472 = vector.broadcast %shift_right_arithmetic3A_471 : i32 to vector<16xi32>
        %shift_right_arithmetic3A_473 = arith.shrsi %get3A_470, %shift_right_arithmetic3A_472 : vector<16xi32>
        %mul3A_474 = arith.constant 16 : i32
        %mul3A_475 = arith.muli %scan3A_465, %mul3A_474 : i32
        %swap3A_476 = arith.index_cast %mul3A_475 : i32 to index
        %swap3A_477 = tpu.vector_load %arg17[%swap3A_476] {strides = array<i32>} : memref<128xi32, #tpu.memory_space<vmem>>, vector<16xi32>,
        tpu.vector_store %arg17[%swap3A_476], %shift_right_arithmetic3A_473 {strides = array<i32>} : memref<128xi32, #tpu.memory_space<vmem>>, vector<16xi32>,
        %and3A_478 = arith.constant 8191 : i32
        %and3A_479 = vector.broadcast %and3A_478 : i32 to vector<16xi32>
        %and3A_480 = arith.andi %get3A_470, %and3A_479 : vector<16xi32>
        %mul3A_481 = arith.constant 16 : i32
        %mul3A_482 = arith.muli %scan3A_465, %mul3A_481 : i32
        %swap3A_483 = arith.index_cast %mul3A_482 : i32 to index
        %swap3A_484 = tpu.vector_load %arg18[%swap3A_483] {strides = array<i32>} : memref<128xi32, #tpu.memory_space<vmem>>, vector<16xi32>,
        tpu.vector_store %arg18[%swap3A_483], %and3A_480 {strides = array<i32>} : memref<128xi32, #tpu.memory_space<vmem>>, vector<16xi32>,
        %scan3A_485 = arith.constant 0 : i32
        %scan3A_486 = arith.constant 4 : i32
        %mul3A_487 = arith.constant 16 : i32
        %mul3A_488 = arith.muli %scan3A_486, %mul3A_487 : i32
        %add3A_489 = arith.addi %mul3A_401, %mul3A_488 : i32
        %get3A_490 = arith.index_cast %add3A_489 : i32 to index
        %get3A_491 = tpu.vector_load %arg16[%get3A_490] {strides = array<i32>} : memref<2048xi32, #tpu.memory_space<vmem>>, vector<16xi32>,
        %shift_right_arithmetic3A_492 = arith.constant 13 : i32
        %shift_right_arithmetic3A_493 = vector.broadcast %shift_right_arithmetic3A_492 : i32 to vector<16xi32>
        %shift_right_arithmetic3A_494 = arith.shrsi %get3A_491, %shift_right_arithmetic3A_493 : vector<16xi32>
        %mul3A_495 = arith.constant 16 : i32
        %mul3A_496 = arith.muli %scan3A_486, %mul3A_495 : i32
        %swap3A_497 = arith.index_cast %mul3A_496 : i32 to index
        %swap3A_498 = tpu.vector_load %arg17[%swap3A_497] {strides = array<i32>} : memref<128xi32, #tpu.memory_space<vmem>>, vector<16xi32>,
        tpu.vector_store %arg17[%swap3A_497], %shift_right_arithmetic3A_494 {strides = array<i32>} : memref<128xi32, #tpu.memory_space<vmem>>, vector<16xi32>,
        %and3A_499 = arith.constant 8191 : i32
        %and3A_500 = vector.broadcast %and3A_499 : i32 to vector<16xi32>
        %and3A_501 = arith.andi %get3A_491, %and3A_500 : vector<16xi32>
        %mul3A_502 = arith.constant 16 : i32
        %mul3A_503 = arith.muli %scan3A_486, %mul3A_502 : i32
        %swap3A_504 = arith.index_cast %mul3A_503 : i32 to index
        %swap3A_505 = tpu.vector_load %arg18[%swap3A_504] {strides = array<i32>} : memref<128xi32, #tpu.memory_space<vmem>>, vector<16xi32>,
        tpu.vector_store %arg18[%swap3A_504], %and3A_501 {strides = array<i32>} : memref<128xi32, #tpu.memory_space<vmem>>, vector<16xi32>,
        %scan3A_506 = arith.constant 0 : i32
        %scan3A_507 = arith.constant 5 : i32
        %mul3A_508 = arith.constant 16 : i32
        %mul3A_509 = arith.muli %scan3A_507, %mul3A_508 : i32
        %add3A_510 = arith.addi %mul3A_401, %mul3A_509 : i32
        %get3A_511 = arith.index_cast %add3A_510 : i32 to index
        %get3A_512 = tpu.vector_load %arg16[%get3A_511] {strides = array<i32>} : memref<2048xi32, #tpu.memory_space<vmem>>, vector<16xi32>,
        %shift_right_arithmetic3A_513 = arith.constant 13 : i32
        %shift_right_arithmetic3A_514 = vector.broadcast %shift_right_arithmetic3A_513 : i32 to vector<16xi32>
        %shift_right_arithmetic3A_515 = arith.shrsi %get3A_512, %shift_right_arithmetic3A_514 : vector<16xi32>
        %mul3A_516 = arith.constant 16 : i32
        %mul3A_517 = arith.muli %scan3A_507, %mul3A_516 : i32
        %swap3A_518 = arith.index_cast %mul3A_517 : i32 to index
        %swap3A_519 = tpu.vector_load %arg17[%swap3A_518] {strides = array<i32>} : memref<128xi32, #tpu.memory_space<vmem>>, vector<16xi32>,
        tpu.vector_store %arg17[%swap3A_518], %shift_right_arithmetic3A_515 {strides = array<i32>} : memref<128xi32, #tpu.memory_space<vmem>>, vector<16xi32>,
        %and3A_520 = arith.constant 8191 : i32
        %and3A_521 = vector.broadcast %and3A_520 : i32 to vector<16xi32>
        %and3A_522 = arith.andi %get3A_512, %and3A_521 : vector<16xi32>
        %mul3A_523 = arith.constant 16 : i32
        %mul3A_524 = arith.muli %scan3A_507, %mul3A_523 : i32
        %swap3A_525 = arith.index_cast %mul3A_524 : i32 to index
        %swap3A_526 = tpu.vector_load %arg18[%swap3A_525] {strides = array<i32>} : memref<128xi32, #tpu.memory_space<vmem>>, vector<16xi32>,
        tpu.vector_store %arg18[%swap3A_525], %and3A_522 {strides = array<i32>} : memref<128xi32, #tpu.memory_space<vmem>>, vector<16xi32>,
        %scan3A_527 = arith.constant 0 : i32
        %scan3A_528 = arith.constant 6 : i32
        %mul3A_529 = arith.constant 16 : i32
        %mul3A_530 = arith.muli %scan3A_528, %mul3A_529 : i32
        %add3A_531 = arith.addi %mul3A_401, %mul3A_530 : i32
        %get3A_532 = arith.index_cast %add3A_531 : i32 to index
        %get3A_533 = tpu.vector_load %arg16[%get3A_532] {strides = array<i32>} : memref<2048xi32, #tpu.memory_space<vmem>>, vector<16xi32>,
        %shift_right_arithmetic3A_534 = arith.constant 13 : i32
        %shift_right_arithmetic3A_535 = vector.broadcast %shift_right_arithmetic3A_534 : i32 to vector<16xi32>
        %shift_right_arithmetic3A_536 = arith.shrsi %get3A_533, %shift_right_arithmetic3A_535 : vector<16xi32>
        %mul3A_537 = arith.constant 16 : i32
        %mul3A_538 = arith.muli %scan3A_528, %mul3A_537 : i32
        %swap3A_539 = arith.index_cast %mul3A_538 : i32 to index
        %swap3A_540 = tpu.vector_load %arg17[%swap3A_539] {strides = array<i32>} : memref<128xi32, #tpu.memory_space<vmem>>, vector<16xi32>,
        tpu.vector_store %arg17[%swap3A_539], %shift_right_arithmetic3A_536 {strides = array<i32>} : memref<128xi32, #tpu.memory_space<vmem>>, vector<16xi32>,
        %and3A_541 = arith.constant 8191 : i32
        %and3A_542 = vector.broadcast %and3A_541 : i32 to vector<16xi32>
        %and3A_543 = arith.andi %get3A_533, %and3A_542 : vector<16xi32>
        %mul3A_544 = arith.constant 16 : i32
        %mul3A_545 = arith.muli %scan3A_528, %mul3A_544 : i32
        %swap3A_546 = arith.index_cast %mul3A_545 : i32 to index
        %swap3A_547 = tpu.vector_load %arg18[%swap3A_546] {strides = array<i32>} : memref<128xi32, #tpu.memory_space<vmem>>, vector<16xi32>,
        tpu.vector_store %arg18[%swap3A_546], %and3A_543 {strides = array<i32>} : memref<128xi32, #tpu.memory_space<vmem>>, vector<16xi32>,
        %scan3A_548 = arith.constant 0 : i32
        %scan3A_549 = arith.constant 7 : i32
        %mul3A_550 = arith.constant 16 : i32
        %mul3A_551 = arith.muli %scan3A_549, %mul3A_550 : i32
        %add3A_552 = arith.addi %mul3A_401, %mul3A_551 : i32
        %get3A_553 = arith.index_cast %add3A_552 : i32 to index
        %get3A_554 = tpu.vector_load %arg16[%get3A_553] {strides = array<i32>} : memref<2048xi32, #tpu.memory_space<vmem>>, vector<16xi32>,
        %shift_right_arithmetic3A_555 = arith.constant 13 : i32
        %shift_right_arithmetic3A_556 = vector.broadcast %shift_right_arithmetic3A_555 : i32 to vector<16xi32>
        %shift_right_arithmetic3A_557 = arith.shrsi %get3A_554, %shift_right_arithmetic3A_556 : vector<16xi32>
        %mul3A_558 = arith.constant 16 : i32
        %mul3A_559 = arith.muli %scan3A_549, %mul3A_558 : i32
        %swap3A_560 = arith.index_cast %mul3A_559 : i32 to index
        %swap3A_561 = tpu.vector_load %arg17[%swap3A_560] {strides = array<i32>} : memref<128xi32, #tpu.memory_space<vmem>>, vector<16xi32>,
        tpu.vector_store %arg17[%swap3A_560], %shift_right_arithmetic3A_557 {strides = array<i32>} : memref<128xi32, #tpu.memory_space<vmem>>, vector<16xi32>,
        %and3A_562 = arith.constant 8191 : i32
        %and3A_563 = vector.broadcast %and3A_562 : i32 to vector<16xi32>
        %and3A_564 = arith.andi %get3A_554, %and3A_563 : vector<16xi32>
        %mul3A_565 = arith.constant 16 : i32
        %mul3A_566 = arith.muli %scan3A_549, %mul3A_565 : i32
        %swap3A_567 = arith.index_cast %mul3A_566 : i32 to index
        %swap3A_568 = tpu.vector_load %arg18[%swap3A_567] {strides = array<i32>} : memref<128xi32, #tpu.memory_space<vmem>>, vector<16xi32>,
        tpu.vector_store %arg18[%swap3A_567], %and3A_564 {strides = array<i32>} : memref<128xi32, #tpu.memory_space<vmem>>, vector<16xi32>,
        %scan3A_569 = arith.constant 0 : i32
        %scan3A_570 = arith.constant 8 : i32
        %dma_start3A = arith.constant 0 : i32
        %dma_start3A_571 = arith.constant 0 : i32
        %dma_start3A_572 = tpu.memref_slice %arg4[%dma_start3A, %dma_start3A_571] : memref<50000x104xf32, #tpu.memory_space<hbm>> -> memref<50000x104xf32, #tpu.memory_space<hbm>>
        tpu.enqueue_indirect_dma source(%dma_start3A_572 : memref<50000x104xf32, #tpu.memory_space<hbm>>) target(%arg19 : memref<128x104xf32, #tpu.memory_space<vmem>>) offsets(%arg17 : memref<128xi32, #tpu.memory_space<vmem>>) semaphore(%arg22 : memref<!tpu.dma_semaphore, #tpu.memory_space<semaphore_mem>>)
        %dma_wait3A = arith.constant 0 : i32
        %dma_wait3A_573 = arith.constant 0 : i32
        %dma_wait3A_574 = tpu.memref_slice %arg4[%dma_wait3A, %dma_wait3A_573] : memref<50000x104xf32, #tpu.memory_space<hbm>> -> memref<50000x104xf32, #tpu.memory_space<hbm>>
        tpu.wait_indirect_dma semaphore(%arg22 : memref<!tpu.dma_semaphore, #tpu.memory_space<semaphore_mem>>) src(%dma_wait3A_574 : memref<50000x104xf32, #tpu.memory_space<hbm>>) dst(%arg19 : memref<128x104xf32, #tpu.memory_space<vmem>>)
        "tpu.region"() ({
          %run_scoped3A = tpu.sem_alloc : memref<!tpu.dma_semaphore, #tpu.memory_space<semaphore_mem>>
          %dma_start3A_576 = arith.constant 0 : i32
          %dma_start3A_577 = arith.constant 0 : i32
          %dma_start3A_578 = tpu.memref_slice %arg20[%dma_start3A_576, %dma_start3A_577] : memref<6401x104xf32, #tpu.memory_space<vmem_shared>> -> memref<6401x104xf32, #tpu.memory_space<vmem_shared>>
          tpu.enqueue_indirect_dma source(%arg19 : memref<128x104xf32, #tpu.memory_space<vmem>>) target(%dma_start3A_578 : memref<6401x104xf32, #tpu.memory_space<vmem_shared>>) offsets(%arg18 : memref<128xi32, #tpu.memory_space<vmem>>) semaphore(%run_scoped3A : memref<!tpu.dma_semaphore, #tpu.memory_space<semaphore_mem>>) {add = true}
          %dma_wait3A_579 = arith.constant 0 : i32
          %dma_wait3A_580 = arith.constant 0 : i32
          %dma_wait3A_581 = tpu.memref_slice %arg20[%dma_wait3A_579, %dma_wait3A_580] : memref<6401x104xf32, #tpu.memory_space<vmem_shared>> -> memref<6401x104xf32, #tpu.memory_space<vmem_shared>>
          tpu.wait_indirect_dma semaphore(%run_scoped3A : memref<!tpu.dma_semaphore, #tpu.memory_space<semaphore_mem>>) src(%arg19 : memref<128x104xf32, #tpu.memory_space<vmem>>) dst(%dma_wait3A_581 : memref<6401x104xf32, #tpu.memory_space<vmem_shared>>)
          tpu.yield
        }) : () -> ()
        %while3A_575 = arith.constant 0 : i32
        scf.yield %while3A_575 : i32
      }
      %barrier3A_383 = arith.constant 0 : index
      tpu.barrier barrier_id(%barrier3A_383)
      %mul3A_384 = arith.constant 400 : i32
      %mul3A_385 = arith.muli %arg1, %mul3A_384 : i32
      %mul3A_386 = arith.constant 6400 : i32
      %mul3A_387 = arith.muli %add3A_367, %mul3A_386 : i32
      %mul3A_388 = arith.constant 400 : i32
      %mul3A_389 = arith.muli %arg1, %mul3A_388 : i32
      %add3A_390 = arith.addi %mul3A_387, %mul3A_389 : i32
      "tpu.region"() ({
        %run_scoped3A = tpu.sem_alloc : memref<!tpu.dma_semaphore, #tpu.memory_space<semaphore_mem>>
        %dma_start3A = arith.constant 0 : i32
        %dma_start3A_392 = tpu.memref_slice %arg8[%add3A_390, %dma_start3A] : memref<51200x104xf32, #tpu.memory_space<hbm>> -> memref<400x104xf32, #tpu.memory_space<hbm>>
        %dma_start3A_393 = arith.constant 0 : i32
        %dma_start3A_394 = tpu.memref_slice %arg20[%mul3A_385, %dma_start3A_393] : memref<6401x104xf32, #tpu.memory_space<vmem_shared>> -> memref<400x104xf32, #tpu.memory_space<vmem_shared>>
        tpu.enqueue_dma source(%dma_start3A_394 : memref<400x104xf32, #tpu.memory_space<vmem_shared>>) target(%dma_start3A_392 : memref<400x104xf32, #tpu.memory_space<hbm>>) target_semaphore(%run_scoped3A : memref<!tpu.dma_semaphore, #tpu.memory_space<semaphore_mem>>)
        %dma_wait3A = arith.constant 0 : i32
        %dma_wait3A_395 = tpu.memref_slice %arg8[%add3A_390, %dma_wait3A] : memref<51200x104xf32, #tpu.memory_space<hbm>> -> memref<400x104xf32, #tpu.memory_space<hbm>>
        %dma_wait3A_396 = arith.constant 0 : i32
        %dma_wait3A_397 = tpu.memref_slice %arg20[%mul3A_385, %dma_wait3A_396] : memref<6401x104xf32, #tpu.memory_space<vmem_shared>> -> memref<400x104xf32, #tpu.memory_space<vmem_shared>>
        tpu.wait_dma2 semaphore(%run_scoped3A : memref<!tpu.dma_semaphore, #tpu.memory_space<semaphore_mem>>) src(%dma_wait3A_397 : memref<400x104xf32, #tpu.memory_space<vmem_shared>>) dst(%dma_wait3A_395 : memref<400x104xf32, #tpu.memory_space<hbm>>)
        tpu.yield
      }) : () -> ()
      %scan3A_391 = arith.constant 0 : i32
      scf.yield %scan3A_391 : i32
    }
    %scan3A_362 = arith.constant 4 : i32
    return
  }
}

#map = affine_map<(d0, d1) -> (0, 0)>
#map1 = affine_map<(d0, d1) -> (0, 0, 0)>
module attributes {stable_mosaic.version = 14 : i64} {
  func.func @agg(%arg0: i32, %arg1: i32, %arg2: memref<50000x128xf32, #tpu.memory_space<hbm>>, %arg3: memref<8x16x53248xi32, #tpu.memory_space<hbm>>, %arg4: memref<8x16x8xi32, #tpu.memory_space<hbm>>, %arg5: memref<400x128xf32, #tpu.memory_space<hbm>>, %arg6: memref<51200x128xf32, #tpu.memory_space<hbm>>, %arg7: memref<2048xi32, #tpu.memory_space<vmem>>, %arg8: memref<128xi32, #tpu.memory_space<vmem>>, %arg9: memref<128xi32, #tpu.memory_space<vmem>>, %arg10: memref<128x128xf32, #tpu.memory_space<vmem>>, %arg11: memref<6401x128xf32, #tpu.memory_space<vmem_shared>>, %arg12: memref<16xi32, #tpu.memory_space<vmem>>, %arg13: memref<!tpu.dma_semaphore, #tpu.memory_space<semaphore_mem>>) attributes {dimension_semantics = [#tpu.dimension_semantics<core_parallel>, #tpu.dimension_semantics<subcore_parallel>], iteration_bounds = array<i64: 2, 16>, scalar_prefetch = 0 : i64, scratch_operands = 7 : i64, tpu.core_type = #tpu.core_type<sc_vector_subcore>, window_params = [{transform_indices = #map}, {transform_indices = #map1}, {transform_indices = #map1}, {transform_indices = #map}, {transform_indices = #map}]} {
    %scan3A = arith.constant 0 : i32
    %scan3A_0 = arith.constant 0 : i32
    %scan3A_1 = arith.constant 4 : i32
    %scan3A_2 = arith.addi %scan3A_0, %scan3A_1 : i32
    %scan3A_3 = arith.constant 1 : i32
    %scan3A_4 = scf.for %scan3A_6 = %scan3A_0 to %scan3A_2 step %scan3A_3 iter_args(%scan3A_7 = %scan3A) -> (i32)  : i32 {
      %mul3A = arith.constant 2 : i32
      %mul3A_8 = arith.muli %scan3A_6, %mul3A : i32
      %add3A = arith.addi %mul3A_8, %arg0 : i32
      "tpu.region"() ({
        %run_scoped3A = tpu.sem_alloc : memref<!tpu.dma_semaphore, #tpu.memory_space<semaphore_mem>>
        %dma_start3A = arith.constant 0 : i32
        %dma_start3A_32 = tpu.memref_slice %arg12[%dma_start3A] : memref<16xi32, #tpu.memory_space<vmem>> -> memref<8xi32, #tpu.memory_space<vmem>>
        %dma_start3A_33 = arith.constant 0 : i32
        %dma_start3A_34 = tpu.memref_slice %arg4[%add3A, %arg1, %dma_start3A_33] : memref<8x16x8xi32, #tpu.memory_space<hbm>> -> memref<1x1x8xi32, #tpu.memory_space<hbm>>
        %dma_start3A_35 = tpu.memref_squeeze %dma_start3A_34 : memref<1x1x8xi32, #tpu.memory_space<hbm>> -> memref<8xi32, #tpu.memory_space<hbm>>
        %dma_start3A_36 = arith.constant 0 : i32
        %dma_start3A_37 = tpu.memref_slice %arg12[%dma_start3A_36] : memref<16xi32, #tpu.memory_space<vmem>> -> memref<8xi32, #tpu.memory_space<vmem>>
        %dma_start3A_38 = arith.constant 0 : i32
        %dma_start3A_39 = tpu.memref_slice %arg4[%add3A, %arg1, %dma_start3A_38] : memref<8x16x8xi32, #tpu.memory_space<hbm>> -> memref<1x1x8xi32, #tpu.memory_space<hbm>>
        %dma_start3A_40 = tpu.memref_squeeze %dma_start3A_39 : memref<1x1x8xi32, #tpu.memory_space<hbm>> -> memref<8xi32, #tpu.memory_space<hbm>>
        tpu.enqueue_dma source(%dma_start3A_40 : memref<8xi32, #tpu.memory_space<hbm>>) target(%dma_start3A_37 : memref<8xi32, #tpu.memory_space<vmem>>) target_semaphore(%run_scoped3A : memref<!tpu.dma_semaphore, #tpu.memory_space<semaphore_mem>>)
        %dma_wait3A = arith.constant 0 : i32
        %dma_wait3A_41 = tpu.memref_slice %arg12[%dma_wait3A] : memref<16xi32, #tpu.memory_space<vmem>> -> memref<8xi32, #tpu.memory_space<vmem>>
        %dma_wait3A_42 = arith.constant 0 : i32
        %dma_wait3A_43 = tpu.memref_slice %arg4[%add3A, %arg1, %dma_wait3A_42] : memref<8x16x8xi32, #tpu.memory_space<hbm>> -> memref<1x1x8xi32, #tpu.memory_space<hbm>>
        %dma_wait3A_44 = tpu.memref_squeeze %dma_wait3A_43 : memref<1x1x8xi32, #tpu.memory_space<hbm>> -> memref<8xi32, #tpu.memory_space<hbm>>
        %dma_wait3A_45 = arith.constant 0 : i32
        %dma_wait3A_46 = tpu.memref_slice %arg12[%dma_wait3A_45] : memref<16xi32, #tpu.memory_space<vmem>> -> memref<8xi32, #tpu.memory_space<vmem>>
        %dma_wait3A_47 = arith.constant 0 : i32
        %dma_wait3A_48 = tpu.memref_slice %arg4[%add3A, %arg1, %dma_wait3A_47] : memref<8x16x8xi32, #tpu.memory_space<hbm>> -> memref<1x1x8xi32, #tpu.memory_space<hbm>>
        %dma_wait3A_49 = tpu.memref_squeeze %dma_wait3A_48 : memref<1x1x8xi32, #tpu.memory_space<hbm>> -> memref<8xi32, #tpu.memory_space<hbm>>
        tpu.wait_dma2 semaphore(%run_scoped3A : memref<!tpu.dma_semaphore, #tpu.memory_space<semaphore_mem>>) src(%dma_wait3A_49 : memref<8xi32, #tpu.memory_space<hbm>>) dst(%dma_wait3A_46 : memref<8xi32, #tpu.memory_space<vmem>>)
        tpu.yield
      }) : () -> ()
      %get3A = arith.constant 0 : index
      %get3A_9 = tpu.vector_load %arg12[%get3A] {strides = array<i32>} : memref<16xi32, #tpu.memory_space<vmem>>, vector<16xi32>,
      %slice3A = vector.extract_strided_slice %get3A_9 {offsets = [0], sizes = [1], strides = [1]} : vector<16xi32> to vector<1xi32>
      %squeeze3A = vector.extract %slice3A[0] : i32 from vector<1xi32>
      %mul3A_10 = arith.constant 400 : i32
      %mul3A_11 = arith.muli %arg1, %mul3A_10 : i32
      "tpu.region"() ({
        %run_scoped3A = tpu.sem_alloc : memref<!tpu.dma_semaphore, #tpu.memory_space<semaphore_mem>>
        %dma_start3A = arith.constant 0 : i32
        %dma_start3A_32 = tpu.memref_slice %arg11[%mul3A_11, %dma_start3A] : memref<6401x128xf32, #tpu.memory_space<vmem_shared>> -> memref<400x128xf32, #tpu.memory_space<vmem_shared>>
        tpu.enqueue_dma source(%arg5 : memref<400x128xf32, #tpu.memory_space<hbm>>) target(%dma_start3A_32 : memref<400x128xf32, #tpu.memory_space<vmem_shared>>) target_semaphore(%run_scoped3A : memref<!tpu.dma_semaphore, #tpu.memory_space<semaphore_mem>>)
        %dma_wait3A = arith.constant 0 : i32
        %dma_wait3A_33 = tpu.memref_slice %arg11[%mul3A_11, %dma_wait3A] : memref<6401x128xf32, #tpu.memory_space<vmem_shared>> -> memref<400x128xf32, #tpu.memory_space<vmem_shared>>
        tpu.wait_dma2 semaphore(%run_scoped3A : memref<!tpu.dma_semaphore, #tpu.memory_space<semaphore_mem>>) src(%arg5 : memref<400x128xf32, #tpu.memory_space<hbm>>) dst(%dma_wait3A_33 : memref<400x128xf32, #tpu.memory_space<vmem_shared>>)
        tpu.yield
      }) : () -> ()
      %barrier3A = arith.constant 0 : index
      tpu.barrier barrier_id(%barrier3A)
      %while3A = arith.constant 0 : i32
      %while3A_12 = arith.constant 0 : i32
      %while3A_13 = arith.subi %squeeze3A, %while3A : i32
      %while3A_14 = arith.addi %while3A, %while3A_13 : i32
      %while3A_15 = arith.constant 1 : i32
      %while3A_16 = arith.divsi %while3A_13, %while3A_15 : i32
      %while3A_17 = arith.muli %while3A_16, %while3A_15 : i32
      %while3A_18 = arith.addi %while3A, %while3A_17 : i32
      %while3A_19 = arith.constant 1 : i32
      %while3A_20 = scf.for %while3A_32 = %while3A to %while3A_18 step %while3A_19 iter_args(%while3A_33 = %while3A_12) -> (i32)  : i32 {
        %rem3A = arith.constant 16 : i32
        %rem3A_34 = arith.remsi %while3A_32, %rem3A : i32
        %eq3A = arith.constant 0 : i32
        %eq3A_35 = arith.cmpi eq, %rem3A_34, %eq3A : i32
        %convert_element_type3A = arith.extui %eq3A_35 : i1 to i32
        %cond3A = arith.constant 0 : i32
        %cond3A_36 = arith.cmpi ne, %convert_element_type3A, %cond3A : i32
        scf.if %cond3A_36 {
          %jit3A = arith.constant 16 : i32
          %div3A = arith.divsi %while3A_32, %jit3A : i32
          %sign3A = arith.constant 0 : i32
          %sign3A_213 = arith.cmpi sgt, %while3A_32, %sign3A : i32
          %sign3A_214 = arith.extui %sign3A_213 : i1 to i32
          %sign3A_215 = arith.constant 0 : i32
          %sign3A_216 = arith.cmpi slt, %while3A_32, %sign3A_215 : i32
          %sign3A_217 = arith.extui %sign3A_216 : i1 to i32
          %sign3A_218 = arith.subi %sign3A_214, %sign3A_217 : i32
          %sign3A_219 = arith.constant 0 : i32
          %sign3A_220 = arith.cmpi sgt, %jit3A, %sign3A_219 : i32
          %sign3A_221 = arith.extui %sign3A_220 : i1 to i32
          %sign3A_222 = arith.constant 0 : i32
          %sign3A_223 = arith.cmpi slt, %jit3A, %sign3A_222 : i32
          %sign3A_224 = arith.extui %sign3A_223 : i1 to i32
          %sign3A_225 = arith.subi %sign3A_221, %sign3A_224 : i32
          %ne3A = arith.cmpi ne, %sign3A_218, %sign3A_225 : i32
          %rem3A_226 = arith.remsi %while3A_32, %jit3A : i32
          %ne3A_227 = arith.constant 0 : i32
          %ne3A_228 = arith.cmpi ne, %rem3A_226, %ne3A_227 : i32
          %and3A_229 = arith.andi %ne3A, %ne3A_228 : i1
          %sub3A = arith.constant 1 : i32
          %sub3A_230 = arith.subi %div3A, %sub3A : i32
          %select_n3A = arith.select %and3A_229, %sub3A_230, %div3A : i32
          %mul3A_231 = arith.constant 2048 : i32
          %mul3A_232 = arith.muli %select_n3A, %mul3A_231 : i32
          "tpu.region"() ({
            %run_scoped3A = tpu.sem_alloc : memref<!tpu.dma_semaphore, #tpu.memory_space<semaphore_mem>>
            %dma_start3A_233 = tpu.memref_slice %arg3[%add3A, %arg1, %mul3A_232] : memref<8x16x53248xi32, #tpu.memory_space<hbm>> -> memref<1x1x2048xi32, #tpu.memory_space<hbm>>
            %dma_start3A_234 = tpu.memref_squeeze %dma_start3A_233 : memref<1x1x2048xi32, #tpu.memory_space<hbm>> -> memref<2048xi32, #tpu.memory_space<hbm>>
            %dma_start3A_235 = tpu.memref_slice %arg3[%add3A, %arg1, %mul3A_232] : memref<8x16x53248xi32, #tpu.memory_space<hbm>> -> memref<1x1x2048xi32, #tpu.memory_space<hbm>>
            %dma_start3A_236 = tpu.memref_squeeze %dma_start3A_235 : memref<1x1x2048xi32, #tpu.memory_space<hbm>> -> memref<2048xi32, #tpu.memory_space<hbm>>
            tpu.enqueue_dma source(%dma_start3A_236 : memref<2048xi32, #tpu.memory_space<hbm>>) target(%arg7 : memref<2048xi32, #tpu.memory_space<vmem>>) target_semaphore(%run_scoped3A : memref<!tpu.dma_semaphore, #tpu.memory_space<semaphore_mem>>)
            %dma_wait3A_237 = tpu.memref_slice %arg3[%add3A, %arg1, %mul3A_232] : memref<8x16x53248xi32, #tpu.memory_space<hbm>> -> memref<1x1x2048xi32, #tpu.memory_space<hbm>>
            %dma_wait3A_238 = tpu.memref_squeeze %dma_wait3A_237 : memref<1x1x2048xi32, #tpu.memory_space<hbm>> -> memref<2048xi32, #tpu.memory_space<hbm>>
            %dma_wait3A_239 = tpu.memref_slice %arg3[%add3A, %arg1, %mul3A_232] : memref<8x16x53248xi32, #tpu.memory_space<hbm>> -> memref<1x1x2048xi32, #tpu.memory_space<hbm>>
            %dma_wait3A_240 = tpu.memref_squeeze %dma_wait3A_239 : memref<1x1x2048xi32, #tpu.memory_space<hbm>> -> memref<2048xi32, #tpu.memory_space<hbm>>
            tpu.wait_dma2 semaphore(%run_scoped3A : memref<!tpu.dma_semaphore, #tpu.memory_space<semaphore_mem>>) src(%dma_wait3A_240 : memref<2048xi32, #tpu.memory_space<hbm>>) dst(%arg7 : memref<2048xi32, #tpu.memory_space<vmem>>)
            tpu.yield
          }) : () -> ()
        } else {
        }
        %rem3A_37 = arith.constant 16 : i32
        %rem3A_38 = arith.remsi %while3A_32, %rem3A_37 : i32
        %mul3A_39 = arith.constant 128 : i32
        %mul3A_40 = arith.muli %rem3A_38, %mul3A_39 : i32
        %scan3A_41 = arith.constant 0 : i32
        %scan3A_42 = arith.constant 0 : i32
        %mul3A_43 = arith.constant 16 : i32
        %mul3A_44 = arith.muli %scan3A_42, %mul3A_43 : i32
        %add3A_45 = arith.addi %mul3A_40, %mul3A_44 : i32
        %get3A_46 = arith.index_cast %add3A_45 : i32 to index
        %get3A_47 = tpu.vector_load %arg7[%get3A_46] {strides = array<i32>} : memref<2048xi32, #tpu.memory_space<vmem>>, vector<16xi32>,
        %shift_right_arithmetic3A = arith.constant 13 : i32
        %shift_right_arithmetic3A_48 = vector.broadcast %shift_right_arithmetic3A : i32 to vector<16xi32>
        %shift_right_arithmetic3A_49 = arith.shrsi %get3A_47, %shift_right_arithmetic3A_48 : vector<16xi32>
        %mul3A_50 = arith.constant 16 : i32
        %mul3A_51 = arith.muli %scan3A_42, %mul3A_50 : i32
        %swap3A = arith.index_cast %mul3A_51 : i32 to index
        %swap3A_52 = tpu.vector_load %arg8[%swap3A] {strides = array<i32>} : memref<128xi32, #tpu.memory_space<vmem>>, vector<16xi32>,
        tpu.vector_store %arg8[%swap3A], %shift_right_arithmetic3A_49 {strides = array<i32>} : memref<128xi32, #tpu.memory_space<vmem>>, vector<16xi32>,
        %and3A = arith.constant 8191 : i32
        %and3A_53 = vector.broadcast %and3A : i32 to vector<16xi32>
        %and3A_54 = arith.andi %get3A_47, %and3A_53 : vector<16xi32>
        %mul3A_55 = arith.constant 16 : i32
        %mul3A_56 = arith.muli %scan3A_42, %mul3A_55 : i32
        %swap3A_57 = arith.index_cast %mul3A_56 : i32 to index
        %swap3A_58 = tpu.vector_load %arg9[%swap3A_57] {strides = array<i32>} : memref<128xi32, #tpu.memory_space<vmem>>, vector<16xi32>,
        tpu.vector_store %arg9[%swap3A_57], %and3A_54 {strides = array<i32>} : memref<128xi32, #tpu.memory_space<vmem>>, vector<16xi32>,
        %scan3A_59 = arith.constant 0 : i32
        %scan3A_60 = arith.constant 1 : i32
        %mul3A_61 = arith.constant 16 : i32
        %mul3A_62 = arith.muli %scan3A_60, %mul3A_61 : i32
        %add3A_63 = arith.addi %mul3A_40, %mul3A_62 : i32
        %get3A_64 = arith.index_cast %add3A_63 : i32 to index
        %get3A_65 = tpu.vector_load %arg7[%get3A_64] {strides = array<i32>} : memref<2048xi32, #tpu.memory_space<vmem>>, vector<16xi32>,
        %shift_right_arithmetic3A_66 = arith.constant 13 : i32
        %shift_right_arithmetic3A_67 = vector.broadcast %shift_right_arithmetic3A_66 : i32 to vector<16xi32>
        %shift_right_arithmetic3A_68 = arith.shrsi %get3A_65, %shift_right_arithmetic3A_67 : vector<16xi32>
        %mul3A_69 = arith.constant 16 : i32
        %mul3A_70 = arith.muli %scan3A_60, %mul3A_69 : i32
        %swap3A_71 = arith.index_cast %mul3A_70 : i32 to index
        %swap3A_72 = tpu.vector_load %arg8[%swap3A_71] {strides = array<i32>} : memref<128xi32, #tpu.memory_space<vmem>>, vector<16xi32>,
        tpu.vector_store %arg8[%swap3A_71], %shift_right_arithmetic3A_68 {strides = array<i32>} : memref<128xi32, #tpu.memory_space<vmem>>, vector<16xi32>,
        %and3A_73 = arith.constant 8191 : i32
        %and3A_74 = vector.broadcast %and3A_73 : i32 to vector<16xi32>
        %and3A_75 = arith.andi %get3A_65, %and3A_74 : vector<16xi32>
        %mul3A_76 = arith.constant 16 : i32
        %mul3A_77 = arith.muli %scan3A_60, %mul3A_76 : i32
        %swap3A_78 = arith.index_cast %mul3A_77 : i32 to index
        %swap3A_79 = tpu.vector_load %arg9[%swap3A_78] {strides = array<i32>} : memref<128xi32, #tpu.memory_space<vmem>>, vector<16xi32>,
        tpu.vector_store %arg9[%swap3A_78], %and3A_75 {strides = array<i32>} : memref<128xi32, #tpu.memory_space<vmem>>, vector<16xi32>,
        %scan3A_80 = arith.constant 0 : i32
        %scan3A_81 = arith.constant 2 : i32
        %mul3A_82 = arith.constant 16 : i32
        %mul3A_83 = arith.muli %scan3A_81, %mul3A_82 : i32
        %add3A_84 = arith.addi %mul3A_40, %mul3A_83 : i32
        %get3A_85 = arith.index_cast %add3A_84 : i32 to index
        %get3A_86 = tpu.vector_load %arg7[%get3A_85] {strides = array<i32>} : memref<2048xi32, #tpu.memory_space<vmem>>, vector<16xi32>,
        %shift_right_arithmetic3A_87 = arith.constant 13 : i32
        %shift_right_arithmetic3A_88 = vector.broadcast %shift_right_arithmetic3A_87 : i32 to vector<16xi32>
        %shift_right_arithmetic3A_89 = arith.shrsi %get3A_86, %shift_right_arithmetic3A_88 : vector<16xi32>
        %mul3A_90 = arith.constant 16 : i32
        %mul3A_91 = arith.muli %scan3A_81, %mul3A_90 : i32
        %swap3A_92 = arith.index_cast %mul3A_91 : i32 to index
        %swap3A_93 = tpu.vector_load %arg8[%swap3A_92] {strides = array<i32>} : memref<128xi32, #tpu.memory_space<vmem>>, vector<16xi32>,
        tpu.vector_store %arg8[%swap3A_92], %shift_right_arithmetic3A_89 {strides = array<i32>} : memref<128xi32, #tpu.memory_space<vmem>>, vector<16xi32>,
        %and3A_94 = arith.constant 8191 : i32
        %and3A_95 = vector.broadcast %and3A_94 : i32 to vector<16xi32>
        %and3A_96 = arith.andi %get3A_86, %and3A_95 : vector<16xi32>
        %mul3A_97 = arith.constant 16 : i32
        %mul3A_98 = arith.muli %scan3A_81, %mul3A_97 : i32
        %swap3A_99 = arith.index_cast %mul3A_98 : i32 to index
        %swap3A_100 = tpu.vector_load %arg9[%swap3A_99] {strides = array<i32>} : memref<128xi32, #tpu.memory_space<vmem>>, vector<16xi32>,
        tpu.vector_store %arg9[%swap3A_99], %and3A_96 {strides = array<i32>} : memref<128xi32, #tpu.memory_space<vmem>>, vector<16xi32>,
        %scan3A_101 = arith.constant 0 : i32
        %scan3A_102 = arith.constant 3 : i32
        %mul3A_103 = arith.constant 16 : i32
        %mul3A_104 = arith.muli %scan3A_102, %mul3A_103 : i32
        %add3A_105 = arith.addi %mul3A_40, %mul3A_104 : i32
        %get3A_106 = arith.index_cast %add3A_105 : i32 to index
        %get3A_107 = tpu.vector_load %arg7[%get3A_106] {strides = array<i32>} : memref<2048xi32, #tpu.memory_space<vmem>>, vector<16xi32>,
        %shift_right_arithmetic3A_108 = arith.constant 13 : i32
        %shift_right_arithmetic3A_109 = vector.broadcast %shift_right_arithmetic3A_108 : i32 to vector<16xi32>
        %shift_right_arithmetic3A_110 = arith.shrsi %get3A_107, %shift_right_arithmetic3A_109 : vector<16xi32>
        %mul3A_111 = arith.constant 16 : i32
        %mul3A_112 = arith.muli %scan3A_102, %mul3A_111 : i32
        %swap3A_113 = arith.index_cast %mul3A_112 : i32 to index
        %swap3A_114 = tpu.vector_load %arg8[%swap3A_113] {strides = array<i32>} : memref<128xi32, #tpu.memory_space<vmem>>, vector<16xi32>,
        tpu.vector_store %arg8[%swap3A_113], %shift_right_arithmetic3A_110 {strides = array<i32>} : memref<128xi32, #tpu.memory_space<vmem>>, vector<16xi32>,
        %and3A_115 = arith.constant 8191 : i32
        %and3A_116 = vector.broadcast %and3A_115 : i32 to vector<16xi32>
        %and3A_117 = arith.andi %get3A_107, %and3A_116 : vector<16xi32>
        %mul3A_118 = arith.constant 16 : i32
        %mul3A_119 = arith.muli %scan3A_102, %mul3A_118 : i32
        %swap3A_120 = arith.index_cast %mul3A_119 : i32 to index
        %swap3A_121 = tpu.vector_load %arg9[%swap3A_120] {strides = array<i32>} : memref<128xi32, #tpu.memory_space<vmem>>, vector<16xi32>,
        tpu.vector_store %arg9[%swap3A_120], %and3A_117 {strides = array<i32>} : memref<128xi32, #tpu.memory_space<vmem>>, vector<16xi32>,
        %scan3A_122 = arith.constant 0 : i32
        %scan3A_123 = arith.constant 4 : i32
        %mul3A_124 = arith.constant 16 : i32
        %mul3A_125 = arith.muli %scan3A_123, %mul3A_124 : i32
        %add3A_126 = arith.addi %mul3A_40, %mul3A_125 : i32
        %get3A_127 = arith.index_cast %add3A_126 : i32 to index
        %get3A_128 = tpu.vector_load %arg7[%get3A_127] {strides = array<i32>} : memref<2048xi32, #tpu.memory_space<vmem>>, vector<16xi32>,
        %shift_right_arithmetic3A_129 = arith.constant 13 : i32
        %shift_right_arithmetic3A_130 = vector.broadcast %shift_right_arithmetic3A_129 : i32 to vector<16xi32>
        %shift_right_arithmetic3A_131 = arith.shrsi %get3A_128, %shift_right_arithmetic3A_130 : vector<16xi32>
        %mul3A_132 = arith.constant 16 : i32
        %mul3A_133 = arith.muli %scan3A_123, %mul3A_132 : i32
        %swap3A_134 = arith.index_cast %mul3A_133 : i32 to index
        %swap3A_135 = tpu.vector_load %arg8[%swap3A_134] {strides = array<i32>} : memref<128xi32, #tpu.memory_space<vmem>>, vector<16xi32>,
        tpu.vector_store %arg8[%swap3A_134], %shift_right_arithmetic3A_131 {strides = array<i32>} : memref<128xi32, #tpu.memory_space<vmem>>, vector<16xi32>,
        %and3A_136 = arith.constant 8191 : i32
        %and3A_137 = vector.broadcast %and3A_136 : i32 to vector<16xi32>
        %and3A_138 = arith.andi %get3A_128, %and3A_137 : vector<16xi32>
        %mul3A_139 = arith.constant 16 : i32
        %mul3A_140 = arith.muli %scan3A_123, %mul3A_139 : i32
        %swap3A_141 = arith.index_cast %mul3A_140 : i32 to index
        %swap3A_142 = tpu.vector_load %arg9[%swap3A_141] {strides = array<i32>} : memref<128xi32, #tpu.memory_space<vmem>>, vector<16xi32>,
        tpu.vector_store %arg9[%swap3A_141], %and3A_138 {strides = array<i32>} : memref<128xi32, #tpu.memory_space<vmem>>, vector<16xi32>,
        %scan3A_143 = arith.constant 0 : i32
        %scan3A_144 = arith.constant 5 : i32
        %mul3A_145 = arith.constant 16 : i32
        %mul3A_146 = arith.muli %scan3A_144, %mul3A_145 : i32
        %add3A_147 = arith.addi %mul3A_40, %mul3A_146 : i32
        %get3A_148 = arith.index_cast %add3A_147 : i32 to index
        %get3A_149 = tpu.vector_load %arg7[%get3A_148] {strides = array<i32>} : memref<2048xi32, #tpu.memory_space<vmem>>, vector<16xi32>,
        %shift_right_arithmetic3A_150 = arith.constant 13 : i32
        %shift_right_arithmetic3A_151 = vector.broadcast %shift_right_arithmetic3A_150 : i32 to vector<16xi32>
        %shift_right_arithmetic3A_152 = arith.shrsi %get3A_149, %shift_right_arithmetic3A_151 : vector<16xi32>
        %mul3A_153 = arith.constant 16 : i32
        %mul3A_154 = arith.muli %scan3A_144, %mul3A_153 : i32
        %swap3A_155 = arith.index_cast %mul3A_154 : i32 to index
        %swap3A_156 = tpu.vector_load %arg8[%swap3A_155] {strides = array<i32>} : memref<128xi32, #tpu.memory_space<vmem>>, vector<16xi32>,
        tpu.vector_store %arg8[%swap3A_155], %shift_right_arithmetic3A_152 {strides = array<i32>} : memref<128xi32, #tpu.memory_space<vmem>>, vector<16xi32>,
        %and3A_157 = arith.constant 8191 : i32
        %and3A_158 = vector.broadcast %and3A_157 : i32 to vector<16xi32>
        %and3A_159 = arith.andi %get3A_149, %and3A_158 : vector<16xi32>
        %mul3A_160 = arith.constant 16 : i32
        %mul3A_161 = arith.muli %scan3A_144, %mul3A_160 : i32
        %swap3A_162 = arith.index_cast %mul3A_161 : i32 to index
        %swap3A_163 = tpu.vector_load %arg9[%swap3A_162] {strides = array<i32>} : memref<128xi32, #tpu.memory_space<vmem>>, vector<16xi32>,
        tpu.vector_store %arg9[%swap3A_162], %and3A_159 {strides = array<i32>} : memref<128xi32, #tpu.memory_space<vmem>>, vector<16xi32>,
        %scan3A_164 = arith.constant 0 : i32
        %scan3A_165 = arith.constant 6 : i32
        %mul3A_166 = arith.constant 16 : i32
        %mul3A_167 = arith.muli %scan3A_165, %mul3A_166 : i32
        %add3A_168 = arith.addi %mul3A_40, %mul3A_167 : i32
        %get3A_169 = arith.index_cast %add3A_168 : i32 to index
        %get3A_170 = tpu.vector_load %arg7[%get3A_169] {strides = array<i32>} : memref<2048xi32, #tpu.memory_space<vmem>>, vector<16xi32>,
        %shift_right_arithmetic3A_171 = arith.constant 13 : i32
        %shift_right_arithmetic3A_172 = vector.broadcast %shift_right_arithmetic3A_171 : i32 to vector<16xi32>
        %shift_right_arithmetic3A_173 = arith.shrsi %get3A_170, %shift_right_arithmetic3A_172 : vector<16xi32>
        %mul3A_174 = arith.constant 16 : i32
        %mul3A_175 = arith.muli %scan3A_165, %mul3A_174 : i32
        %swap3A_176 = arith.index_cast %mul3A_175 : i32 to index
        %swap3A_177 = tpu.vector_load %arg8[%swap3A_176] {strides = array<i32>} : memref<128xi32, #tpu.memory_space<vmem>>, vector<16xi32>,
        tpu.vector_store %arg8[%swap3A_176], %shift_right_arithmetic3A_173 {strides = array<i32>} : memref<128xi32, #tpu.memory_space<vmem>>, vector<16xi32>,
        %and3A_178 = arith.constant 8191 : i32
        %and3A_179 = vector.broadcast %and3A_178 : i32 to vector<16xi32>
        %and3A_180 = arith.andi %get3A_170, %and3A_179 : vector<16xi32>
        %mul3A_181 = arith.constant 16 : i32
        %mul3A_182 = arith.muli %scan3A_165, %mul3A_181 : i32
        %swap3A_183 = arith.index_cast %mul3A_182 : i32 to index
        %swap3A_184 = tpu.vector_load %arg9[%swap3A_183] {strides = array<i32>} : memref<128xi32, #tpu.memory_space<vmem>>, vector<16xi32>,
        tpu.vector_store %arg9[%swap3A_183], %and3A_180 {strides = array<i32>} : memref<128xi32, #tpu.memory_space<vmem>>, vector<16xi32>,
        %scan3A_185 = arith.constant 0 : i32
        %scan3A_186 = arith.constant 7 : i32
        %mul3A_187 = arith.constant 16 : i32
        %mul3A_188 = arith.muli %scan3A_186, %mul3A_187 : i32
        %add3A_189 = arith.addi %mul3A_40, %mul3A_188 : i32
        %get3A_190 = arith.index_cast %add3A_189 : i32 to index
        %get3A_191 = tpu.vector_load %arg7[%get3A_190] {strides = array<i32>} : memref<2048xi32, #tpu.memory_space<vmem>>, vector<16xi32>,
        %shift_right_arithmetic3A_192 = arith.constant 13 : i32
        %shift_right_arithmetic3A_193 = vector.broadcast %shift_right_arithmetic3A_192 : i32 to vector<16xi32>
        %shift_right_arithmetic3A_194 = arith.shrsi %get3A_191, %shift_right_arithmetic3A_193 : vector<16xi32>
        %mul3A_195 = arith.constant 16 : i32
        %mul3A_196 = arith.muli %scan3A_186, %mul3A_195 : i32
        %swap3A_197 = arith.index_cast %mul3A_196 : i32 to index
        %swap3A_198 = tpu.vector_load %arg8[%swap3A_197] {strides = array<i32>} : memref<128xi32, #tpu.memory_space<vmem>>, vector<16xi32>,
        tpu.vector_store %arg8[%swap3A_197], %shift_right_arithmetic3A_194 {strides = array<i32>} : memref<128xi32, #tpu.memory_space<vmem>>, vector<16xi32>,
        %and3A_199 = arith.constant 8191 : i32
        %and3A_200 = vector.broadcast %and3A_199 : i32 to vector<16xi32>
        %and3A_201 = arith.andi %get3A_191, %and3A_200 : vector<16xi32>
        %mul3A_202 = arith.constant 16 : i32
        %mul3A_203 = arith.muli %scan3A_186, %mul3A_202 : i32
        %swap3A_204 = arith.index_cast %mul3A_203 : i32 to index
        %swap3A_205 = tpu.vector_load %arg9[%swap3A_204] {strides = array<i32>} : memref<128xi32, #tpu.memory_space<vmem>>, vector<16xi32>,
        tpu.vector_store %arg9[%swap3A_204], %and3A_201 {strides = array<i32>} : memref<128xi32, #tpu.memory_space<vmem>>, vector<16xi32>,
        %scan3A_206 = arith.constant 0 : i32
        %scan3A_207 = arith.constant 8 : i32
        %dma_start3A = arith.constant 0 : i32
        %dma_start3A_208 = arith.constant 0 : i32
        %dma_start3A_209 = tpu.memref_slice %arg2[%dma_start3A, %dma_start3A_208] : memref<50000x128xf32, #tpu.memory_space<hbm>> -> memref<50000x128xf32, #tpu.memory_space<hbm>>
        tpu.enqueue_indirect_dma source(%dma_start3A_209 : memref<50000x128xf32, #tpu.memory_space<hbm>>) target(%arg10 : memref<128x128xf32, #tpu.memory_space<vmem>>) offsets(%arg8 : memref<128xi32, #tpu.memory_space<vmem>>) semaphore(%arg13 : memref<!tpu.dma_semaphore, #tpu.memory_space<semaphore_mem>>)
        %dma_wait3A = arith.constant 0 : i32
        %dma_wait3A_210 = arith.constant 0 : i32
        %dma_wait3A_211 = tpu.memref_slice %arg2[%dma_wait3A, %dma_wait3A_210] : memref<50000x128xf32, #tpu.memory_space<hbm>> -> memref<50000x128xf32, #tpu.memory_space<hbm>>
        tpu.wait_indirect_dma semaphore(%arg13 : memref<!tpu.dma_semaphore, #tpu.memory_space<semaphore_mem>>) src(%dma_wait3A_211 : memref<50000x128xf32, #tpu.memory_space<hbm>>) dst(%arg10 : memref<128x128xf32, #tpu.memory_space<vmem>>)
        "tpu.region"() ({
          %run_scoped3A = tpu.sem_alloc : memref<!tpu.dma_semaphore, #tpu.memory_space<semaphore_mem>>
          %dma_start3A_213 = arith.constant 0 : i32
          %dma_start3A_214 = arith.constant 0 : i32
          %dma_start3A_215 = tpu.memref_slice %arg11[%dma_start3A_213, %dma_start3A_214] : memref<6401x128xf32, #tpu.memory_space<vmem_shared>> -> memref<6401x128xf32, #tpu.memory_space<vmem_shared>>
          tpu.enqueue_indirect_dma source(%arg10 : memref<128x128xf32, #tpu.memory_space<vmem>>) target(%dma_start3A_215 : memref<6401x128xf32, #tpu.memory_space<vmem_shared>>) offsets(%arg9 : memref<128xi32, #tpu.memory_space<vmem>>) semaphore(%run_scoped3A : memref<!tpu.dma_semaphore, #tpu.memory_space<semaphore_mem>>) {add = true}
          %dma_wait3A_216 = arith.constant 0 : i32
          %dma_wait3A_217 = arith.constant 0 : i32
          %dma_wait3A_218 = tpu.memref_slice %arg11[%dma_wait3A_216, %dma_wait3A_217] : memref<6401x128xf32, #tpu.memory_space<vmem_shared>> -> memref<6401x128xf32, #tpu.memory_space<vmem_shared>>
          tpu.wait_indirect_dma semaphore(%run_scoped3A : memref<!tpu.dma_semaphore, #tpu.memory_space<semaphore_mem>>) src(%arg10 : memref<128x128xf32, #tpu.memory_space<vmem>>) dst(%dma_wait3A_218 : memref<6401x128xf32, #tpu.memory_space<vmem_shared>>)
          tpu.yield
        }) : () -> ()
        %while3A_212 = arith.constant 0 : i32
        scf.yield %while3A_212 : i32
      }
      %while3A_21 = arith.constant 1 : i32
      %while3A_22 = scf.for %while3A_32 = %while3A_18 to %while3A_14 step %while3A_21 iter_args(%while3A_33 = %while3A_20) -> (i32)  : i32 {
        %rem3A = arith.constant 16 : i32
        %rem3A_34 = arith.remsi %while3A_32, %rem3A : i32
        %eq3A = arith.constant 0 : i32
        %eq3A_35 = arith.cmpi eq, %rem3A_34, %eq3A : i32
        %convert_element_type3A = arith.extui %eq3A_35 : i1 to i32
        %cond3A = arith.constant 0 : i32
        %cond3A_36 = arith.cmpi ne, %convert_element_type3A, %cond3A : i32
        scf.if %cond3A_36 {
          %jit3A = arith.constant 16 : i32
          %div3A = arith.divsi %while3A_32, %jit3A : i32
          %sign3A = arith.constant 0 : i32
          %sign3A_213 = arith.cmpi sgt, %while3A_32, %sign3A : i32
          %sign3A_214 = arith.extui %sign3A_213 : i1 to i32
          %sign3A_215 = arith.constant 0 : i32
          %sign3A_216 = arith.cmpi slt, %while3A_32, %sign3A_215 : i32
          %sign3A_217 = arith.extui %sign3A_216 : i1 to i32
          %sign3A_218 = arith.subi %sign3A_214, %sign3A_217 : i32
          %sign3A_219 = arith.constant 0 : i32
          %sign3A_220 = arith.cmpi sgt, %jit3A, %sign3A_219 : i32
          %sign3A_221 = arith.extui %sign3A_220 : i1 to i32
          %sign3A_222 = arith.constant 0 : i32
          %sign3A_223 = arith.cmpi slt, %jit3A, %sign3A_222 : i32
          %sign3A_224 = arith.extui %sign3A_223 : i1 to i32
          %sign3A_225 = arith.subi %sign3A_221, %sign3A_224 : i32
          %ne3A = arith.cmpi ne, %sign3A_218, %sign3A_225 : i32
          %rem3A_226 = arith.remsi %while3A_32, %jit3A : i32
          %ne3A_227 = arith.constant 0 : i32
          %ne3A_228 = arith.cmpi ne, %rem3A_226, %ne3A_227 : i32
          %and3A_229 = arith.andi %ne3A, %ne3A_228 : i1
          %sub3A = arith.constant 1 : i32
          %sub3A_230 = arith.subi %div3A, %sub3A : i32
          %select_n3A = arith.select %and3A_229, %sub3A_230, %div3A : i32
          %mul3A_231 = arith.constant 2048 : i32
          %mul3A_232 = arith.muli %select_n3A, %mul3A_231 : i32
          "tpu.region"() ({
            %run_scoped3A = tpu.sem_alloc : memref<!tpu.dma_semaphore, #tpu.memory_space<semaphore_mem>>
            %dma_start3A_233 = tpu.memref_slice %arg3[%add3A, %arg1, %mul3A_232] : memref<8x16x53248xi32, #tpu.memory_space<hbm>> -> memref<1x1x2048xi32, #tpu.memory_space<hbm>>
            %dma_start3A_234 = tpu.memref_squeeze %dma_start3A_233 : memref<1x1x2048xi32, #tpu.memory_space<hbm>> -> memref<2048xi32, #tpu.memory_space<hbm>>
            %dma_start3A_235 = tpu.memref_slice %arg3[%add3A, %arg1, %mul3A_232] : memref<8x16x53248xi32, #tpu.memory_space<hbm>> -> memref<1x1x2048xi32, #tpu.memory_space<hbm>>
            %dma_start3A_236 = tpu.memref_squeeze %dma_start3A_235 : memref<1x1x2048xi32, #tpu.memory_space<hbm>> -> memref<2048xi32, #tpu.memory_space<hbm>>
            tpu.enqueue_dma source(%dma_start3A_236 : memref<2048xi32, #tpu.memory_space<hbm>>) target(%arg7 : memref<2048xi32, #tpu.memory_space<vmem>>) target_semaphore(%run_scoped3A : memref<!tpu.dma_semaphore, #tpu.memory_space<semaphore_mem>>)
            %dma_wait3A_237 = tpu.memref_slice %arg3[%add3A, %arg1, %mul3A_232] : memref<8x16x53248xi32, #tpu.memory_space<hbm>> -> memref<1x1x2048xi32, #tpu.memory_space<hbm>>
            %dma_wait3A_238 = tpu.memref_squeeze %dma_wait3A_237 : memref<1x1x2048xi32, #tpu.memory_space<hbm>> -> memref<2048xi32, #tpu.memory_space<hbm>>
            %dma_wait3A_239 = tpu.memref_slice %arg3[%add3A, %arg1, %mul3A_232] : memref<8x16x53248xi32, #tpu.memory_space<hbm>> -> memref<1x1x2048xi32, #tpu.memory_space<hbm>>
            %dma_wait3A_240 = tpu.memref_squeeze %dma_wait3A_239 : memref<1x1x2048xi32, #tpu.memory_space<hbm>> -> memref<2048xi32, #tpu.memory_space<hbm>>
            tpu.wait_dma2 semaphore(%run_scoped3A : memref<!tpu.dma_semaphore, #tpu.memory_space<semaphore_mem>>) src(%dma_wait3A_240 : memref<2048xi32, #tpu.memory_space<hbm>>) dst(%arg7 : memref<2048xi32, #tpu.memory_space<vmem>>)
            tpu.yield
          }) : () -> ()
        } else {
        }
        %rem3A_37 = arith.constant 16 : i32
        %rem3A_38 = arith.remsi %while3A_32, %rem3A_37 : i32
        %mul3A_39 = arith.constant 128 : i32
        %mul3A_40 = arith.muli %rem3A_38, %mul3A_39 : i32
        %scan3A_41 = arith.constant 0 : i32
        %scan3A_42 = arith.constant 0 : i32
        %mul3A_43 = arith.constant 16 : i32
        %mul3A_44 = arith.muli %scan3A_42, %mul3A_43 : i32
        %add3A_45 = arith.addi %mul3A_40, %mul3A_44 : i32
        %get3A_46 = arith.index_cast %add3A_45 : i32 to index
        %get3A_47 = tpu.vector_load %arg7[%get3A_46] {strides = array<i32>} : memref<2048xi32, #tpu.memory_space<vmem>>, vector<16xi32>,
        %shift_right_arithmetic3A = arith.constant 13 : i32
        %shift_right_arithmetic3A_48 = vector.broadcast %shift_right_arithmetic3A : i32 to vector<16xi32>
        %shift_right_arithmetic3A_49 = arith.shrsi %get3A_47, %shift_right_arithmetic3A_48 : vector<16xi32>
        %mul3A_50 = arith.constant 16 : i32
        %mul3A_51 = arith.muli %scan3A_42, %mul3A_50 : i32
        %swap3A = arith.index_cast %mul3A_51 : i32 to index
        %swap3A_52 = tpu.vector_load %arg8[%swap3A] {strides = array<i32>} : memref<128xi32, #tpu.memory_space<vmem>>, vector<16xi32>,
        tpu.vector_store %arg8[%swap3A], %shift_right_arithmetic3A_49 {strides = array<i32>} : memref<128xi32, #tpu.memory_space<vmem>>, vector<16xi32>,
        %and3A = arith.constant 8191 : i32
        %and3A_53 = vector.broadcast %and3A : i32 to vector<16xi32>
        %and3A_54 = arith.andi %get3A_47, %and3A_53 : vector<16xi32>
        %mul3A_55 = arith.constant 16 : i32
        %mul3A_56 = arith.muli %scan3A_42, %mul3A_55 : i32
        %swap3A_57 = arith.index_cast %mul3A_56 : i32 to index
        %swap3A_58 = tpu.vector_load %arg9[%swap3A_57] {strides = array<i32>} : memref<128xi32, #tpu.memory_space<vmem>>, vector<16xi32>,
        tpu.vector_store %arg9[%swap3A_57], %and3A_54 {strides = array<i32>} : memref<128xi32, #tpu.memory_space<vmem>>, vector<16xi32>,
        %scan3A_59 = arith.constant 0 : i32
        %scan3A_60 = arith.constant 1 : i32
        %mul3A_61 = arith.constant 16 : i32
        %mul3A_62 = arith.muli %scan3A_60, %mul3A_61 : i32
        %add3A_63 = arith.addi %mul3A_40, %mul3A_62 : i32
        %get3A_64 = arith.index_cast %add3A_63 : i32 to index
        %get3A_65 = tpu.vector_load %arg7[%get3A_64] {strides = array<i32>} : memref<2048xi32, #tpu.memory_space<vmem>>, vector<16xi32>,
        %shift_right_arithmetic3A_66 = arith.constant 13 : i32
        %shift_right_arithmetic3A_67 = vector.broadcast %shift_right_arithmetic3A_66 : i32 to vector<16xi32>
        %shift_right_arithmetic3A_68 = arith.shrsi %get3A_65, %shift_right_arithmetic3A_67 : vector<16xi32>
        %mul3A_69 = arith.constant 16 : i32
        %mul3A_70 = arith.muli %scan3A_60, %mul3A_69 : i32
        %swap3A_71 = arith.index_cast %mul3A_70 : i32 to index
        %swap3A_72 = tpu.vector_load %arg8[%swap3A_71] {strides = array<i32>} : memref<128xi32, #tpu.memory_space<vmem>>, vector<16xi32>,
        tpu.vector_store %arg8[%swap3A_71], %shift_right_arithmetic3A_68 {strides = array<i32>} : memref<128xi32, #tpu.memory_space<vmem>>, vector<16xi32>,
        %and3A_73 = arith.constant 8191 : i32
        %and3A_74 = vector.broadcast %and3A_73 : i32 to vector<16xi32>
        %and3A_75 = arith.andi %get3A_65, %and3A_74 : vector<16xi32>
        %mul3A_76 = arith.constant 16 : i32
        %mul3A_77 = arith.muli %scan3A_60, %mul3A_76 : i32
        %swap3A_78 = arith.index_cast %mul3A_77 : i32 to index
        %swap3A_79 = tpu.vector_load %arg9[%swap3A_78] {strides = array<i32>} : memref<128xi32, #tpu.memory_space<vmem>>, vector<16xi32>,
        tpu.vector_store %arg9[%swap3A_78], %and3A_75 {strides = array<i32>} : memref<128xi32, #tpu.memory_space<vmem>>, vector<16xi32>,
        %scan3A_80 = arith.constant 0 : i32
        %scan3A_81 = arith.constant 2 : i32
        %mul3A_82 = arith.constant 16 : i32
        %mul3A_83 = arith.muli %scan3A_81, %mul3A_82 : i32
        %add3A_84 = arith.addi %mul3A_40, %mul3A_83 : i32
        %get3A_85 = arith.index_cast %add3A_84 : i32 to index
        %get3A_86 = tpu.vector_load %arg7[%get3A_85] {strides = array<i32>} : memref<2048xi32, #tpu.memory_space<vmem>>, vector<16xi32>,
        %shift_right_arithmetic3A_87 = arith.constant 13 : i32
        %shift_right_arithmetic3A_88 = vector.broadcast %shift_right_arithmetic3A_87 : i32 to vector<16xi32>
        %shift_right_arithmetic3A_89 = arith.shrsi %get3A_86, %shift_right_arithmetic3A_88 : vector<16xi32>
        %mul3A_90 = arith.constant 16 : i32
        %mul3A_91 = arith.muli %scan3A_81, %mul3A_90 : i32
        %swap3A_92 = arith.index_cast %mul3A_91 : i32 to index
        %swap3A_93 = tpu.vector_load %arg8[%swap3A_92] {strides = array<i32>} : memref<128xi32, #tpu.memory_space<vmem>>, vector<16xi32>,
        tpu.vector_store %arg8[%swap3A_92], %shift_right_arithmetic3A_89 {strides = array<i32>} : memref<128xi32, #tpu.memory_space<vmem>>, vector<16xi32>,
        %and3A_94 = arith.constant 8191 : i32
        %and3A_95 = vector.broadcast %and3A_94 : i32 to vector<16xi32>
        %and3A_96 = arith.andi %get3A_86, %and3A_95 : vector<16xi32>
        %mul3A_97 = arith.constant 16 : i32
        %mul3A_98 = arith.muli %scan3A_81, %mul3A_97 : i32
        %swap3A_99 = arith.index_cast %mul3A_98 : i32 to index
        %swap3A_100 = tpu.vector_load %arg9[%swap3A_99] {strides = array<i32>} : memref<128xi32, #tpu.memory_space<vmem>>, vector<16xi32>,
        tpu.vector_store %arg9[%swap3A_99], %and3A_96 {strides = array<i32>} : memref<128xi32, #tpu.memory_space<vmem>>, vector<16xi32>,
        %scan3A_101 = arith.constant 0 : i32
        %scan3A_102 = arith.constant 3 : i32
        %mul3A_103 = arith.constant 16 : i32
        %mul3A_104 = arith.muli %scan3A_102, %mul3A_103 : i32
        %add3A_105 = arith.addi %mul3A_40, %mul3A_104 : i32
        %get3A_106 = arith.index_cast %add3A_105 : i32 to index
        %get3A_107 = tpu.vector_load %arg7[%get3A_106] {strides = array<i32>} : memref<2048xi32, #tpu.memory_space<vmem>>, vector<16xi32>,
        %shift_right_arithmetic3A_108 = arith.constant 13 : i32
        %shift_right_arithmetic3A_109 = vector.broadcast %shift_right_arithmetic3A_108 : i32 to vector<16xi32>
        %shift_right_arithmetic3A_110 = arith.shrsi %get3A_107, %shift_right_arithmetic3A_109 : vector<16xi32>
        %mul3A_111 = arith.constant 16 : i32
        %mul3A_112 = arith.muli %scan3A_102, %mul3A_111 : i32
        %swap3A_113 = arith.index_cast %mul3A_112 : i32 to index
        %swap3A_114 = tpu.vector_load %arg8[%swap3A_113] {strides = array<i32>} : memref<128xi32, #tpu.memory_space<vmem>>, vector<16xi32>,
        tpu.vector_store %arg8[%swap3A_113], %shift_right_arithmetic3A_110 {strides = array<i32>} : memref<128xi32, #tpu.memory_space<vmem>>, vector<16xi32>,
        %and3A_115 = arith.constant 8191 : i32
        %and3A_116 = vector.broadcast %and3A_115 : i32 to vector<16xi32>
        %and3A_117 = arith.andi %get3A_107, %and3A_116 : vector<16xi32>
        %mul3A_118 = arith.constant 16 : i32
        %mul3A_119 = arith.muli %scan3A_102, %mul3A_118 : i32
        %swap3A_120 = arith.index_cast %mul3A_119 : i32 to index
        %swap3A_121 = tpu.vector_load %arg9[%swap3A_120] {strides = array<i32>} : memref<128xi32, #tpu.memory_space<vmem>>, vector<16xi32>,
        tpu.vector_store %arg9[%swap3A_120], %and3A_117 {strides = array<i32>} : memref<128xi32, #tpu.memory_space<vmem>>, vector<16xi32>,
        %scan3A_122 = arith.constant 0 : i32
        %scan3A_123 = arith.constant 4 : i32
        %mul3A_124 = arith.constant 16 : i32
        %mul3A_125 = arith.muli %scan3A_123, %mul3A_124 : i32
        %add3A_126 = arith.addi %mul3A_40, %mul3A_125 : i32
        %get3A_127 = arith.index_cast %add3A_126 : i32 to index
        %get3A_128 = tpu.vector_load %arg7[%get3A_127] {strides = array<i32>} : memref<2048xi32, #tpu.memory_space<vmem>>, vector<16xi32>,
        %shift_right_arithmetic3A_129 = arith.constant 13 : i32
        %shift_right_arithmetic3A_130 = vector.broadcast %shift_right_arithmetic3A_129 : i32 to vector<16xi32>
        %shift_right_arithmetic3A_131 = arith.shrsi %get3A_128, %shift_right_arithmetic3A_130 : vector<16xi32>
        %mul3A_132 = arith.constant 16 : i32
        %mul3A_133 = arith.muli %scan3A_123, %mul3A_132 : i32
        %swap3A_134 = arith.index_cast %mul3A_133 : i32 to index
        %swap3A_135 = tpu.vector_load %arg8[%swap3A_134] {strides = array<i32>} : memref<128xi32, #tpu.memory_space<vmem>>, vector<16xi32>,
        tpu.vector_store %arg8[%swap3A_134], %shift_right_arithmetic3A_131 {strides = array<i32>} : memref<128xi32, #tpu.memory_space<vmem>>, vector<16xi32>,
        %and3A_136 = arith.constant 8191 : i32
        %and3A_137 = vector.broadcast %and3A_136 : i32 to vector<16xi32>
        %and3A_138 = arith.andi %get3A_128, %and3A_137 : vector<16xi32>
        %mul3A_139 = arith.constant 16 : i32
        %mul3A_140 = arith.muli %scan3A_123, %mul3A_139 : i32
        %swap3A_141 = arith.index_cast %mul3A_140 : i32 to index
        %swap3A_142 = tpu.vector_load %arg9[%swap3A_141] {strides = array<i32>} : memref<128xi32, #tpu.memory_space<vmem>>, vector<16xi32>,
        tpu.vector_store %arg9[%swap3A_141], %and3A_138 {strides = array<i32>} : memref<128xi32, #tpu.memory_space<vmem>>, vector<16xi32>,
        %scan3A_143 = arith.constant 0 : i32
        %scan3A_144 = arith.constant 5 : i32
        %mul3A_145 = arith.constant 16 : i32
        %mul3A_146 = arith.muli %scan3A_144, %mul3A_145 : i32
        %add3A_147 = arith.addi %mul3A_40, %mul3A_146 : i32
        %get3A_148 = arith.index_cast %add3A_147 : i32 to index
        %get3A_149 = tpu.vector_load %arg7[%get3A_148] {strides = array<i32>} : memref<2048xi32, #tpu.memory_space<vmem>>, vector<16xi32>,
        %shift_right_arithmetic3A_150 = arith.constant 13 : i32
        %shift_right_arithmetic3A_151 = vector.broadcast %shift_right_arithmetic3A_150 : i32 to vector<16xi32>
        %shift_right_arithmetic3A_152 = arith.shrsi %get3A_149, %shift_right_arithmetic3A_151 : vector<16xi32>
        %mul3A_153 = arith.constant 16 : i32
        %mul3A_154 = arith.muli %scan3A_144, %mul3A_153 : i32
        %swap3A_155 = arith.index_cast %mul3A_154 : i32 to index
        %swap3A_156 = tpu.vector_load %arg8[%swap3A_155] {strides = array<i32>} : memref<128xi32, #tpu.memory_space<vmem>>, vector<16xi32>,
        tpu.vector_store %arg8[%swap3A_155], %shift_right_arithmetic3A_152 {strides = array<i32>} : memref<128xi32, #tpu.memory_space<vmem>>, vector<16xi32>,
        %and3A_157 = arith.constant 8191 : i32
        %and3A_158 = vector.broadcast %and3A_157 : i32 to vector<16xi32>
        %and3A_159 = arith.andi %get3A_149, %and3A_158 : vector<16xi32>
        %mul3A_160 = arith.constant 16 : i32
        %mul3A_161 = arith.muli %scan3A_144, %mul3A_160 : i32
        %swap3A_162 = arith.index_cast %mul3A_161 : i32 to index
        %swap3A_163 = tpu.vector_load %arg9[%swap3A_162] {strides = array<i32>} : memref<128xi32, #tpu.memory_space<vmem>>, vector<16xi32>,
        tpu.vector_store %arg9[%swap3A_162], %and3A_159 {strides = array<i32>} : memref<128xi32, #tpu.memory_space<vmem>>, vector<16xi32>,
        %scan3A_164 = arith.constant 0 : i32
        %scan3A_165 = arith.constant 6 : i32
        %mul3A_166 = arith.constant 16 : i32
        %mul3A_167 = arith.muli %scan3A_165, %mul3A_166 : i32
        %add3A_168 = arith.addi %mul3A_40, %mul3A_167 : i32
        %get3A_169 = arith.index_cast %add3A_168 : i32 to index
        %get3A_170 = tpu.vector_load %arg7[%get3A_169] {strides = array<i32>} : memref<2048xi32, #tpu.memory_space<vmem>>, vector<16xi32>,
        %shift_right_arithmetic3A_171 = arith.constant 13 : i32
        %shift_right_arithmetic3A_172 = vector.broadcast %shift_right_arithmetic3A_171 : i32 to vector<16xi32>
        %shift_right_arithmetic3A_173 = arith.shrsi %get3A_170, %shift_right_arithmetic3A_172 : vector<16xi32>
        %mul3A_174 = arith.constant 16 : i32
        %mul3A_175 = arith.muli %scan3A_165, %mul3A_174 : i32
        %swap3A_176 = arith.index_cast %mul3A_175 : i32 to index
        %swap3A_177 = tpu.vector_load %arg8[%swap3A_176] {strides = array<i32>} : memref<128xi32, #tpu.memory_space<vmem>>, vector<16xi32>,
        tpu.vector_store %arg8[%swap3A_176], %shift_right_arithmetic3A_173 {strides = array<i32>} : memref<128xi32, #tpu.memory_space<vmem>>, vector<16xi32>,
        %and3A_178 = arith.constant 8191 : i32
        %and3A_179 = vector.broadcast %and3A_178 : i32 to vector<16xi32>
        %and3A_180 = arith.andi %get3A_170, %and3A_179 : vector<16xi32>
        %mul3A_181 = arith.constant 16 : i32
        %mul3A_182 = arith.muli %scan3A_165, %mul3A_181 : i32
        %swap3A_183 = arith.index_cast %mul3A_182 : i32 to index
        %swap3A_184 = tpu.vector_load %arg9[%swap3A_183] {strides = array<i32>} : memref<128xi32, #tpu.memory_space<vmem>>, vector<16xi32>,
        tpu.vector_store %arg9[%swap3A_183], %and3A_180 {strides = array<i32>} : memref<128xi32, #tpu.memory_space<vmem>>, vector<16xi32>,
        %scan3A_185 = arith.constant 0 : i32
        %scan3A_186 = arith.constant 7 : i32
        %mul3A_187 = arith.constant 16 : i32
        %mul3A_188 = arith.muli %scan3A_186, %mul3A_187 : i32
        %add3A_189 = arith.addi %mul3A_40, %mul3A_188 : i32
        %get3A_190 = arith.index_cast %add3A_189 : i32 to index
        %get3A_191 = tpu.vector_load %arg7[%get3A_190] {strides = array<i32>} : memref<2048xi32, #tpu.memory_space<vmem>>, vector<16xi32>,
        %shift_right_arithmetic3A_192 = arith.constant 13 : i32
        %shift_right_arithmetic3A_193 = vector.broadcast %shift_right_arithmetic3A_192 : i32 to vector<16xi32>
        %shift_right_arithmetic3A_194 = arith.shrsi %get3A_191, %shift_right_arithmetic3A_193 : vector<16xi32>
        %mul3A_195 = arith.constant 16 : i32
        %mul3A_196 = arith.muli %scan3A_186, %mul3A_195 : i32
        %swap3A_197 = arith.index_cast %mul3A_196 : i32 to index
        %swap3A_198 = tpu.vector_load %arg8[%swap3A_197] {strides = array<i32>} : memref<128xi32, #tpu.memory_space<vmem>>, vector<16xi32>,
        tpu.vector_store %arg8[%swap3A_197], %shift_right_arithmetic3A_194 {strides = array<i32>} : memref<128xi32, #tpu.memory_space<vmem>>, vector<16xi32>,
        %and3A_199 = arith.constant 8191 : i32
        %and3A_200 = vector.broadcast %and3A_199 : i32 to vector<16xi32>
        %and3A_201 = arith.andi %get3A_191, %and3A_200 : vector<16xi32>
        %mul3A_202 = arith.constant 16 : i32
        %mul3A_203 = arith.muli %scan3A_186, %mul3A_202 : i32
        %swap3A_204 = arith.index_cast %mul3A_203 : i32 to index
        %swap3A_205 = tpu.vector_load %arg9[%swap3A_204] {strides = array<i32>} : memref<128xi32, #tpu.memory_space<vmem>>, vector<16xi32>,
        tpu.vector_store %arg9[%swap3A_204], %and3A_201 {strides = array<i32>} : memref<128xi32, #tpu.memory_space<vmem>>, vector<16xi32>,
        %scan3A_206 = arith.constant 0 : i32
        %scan3A_207 = arith.constant 8 : i32
        %dma_start3A = arith.constant 0 : i32
        %dma_start3A_208 = arith.constant 0 : i32
        %dma_start3A_209 = tpu.memref_slice %arg2[%dma_start3A, %dma_start3A_208] : memref<50000x128xf32, #tpu.memory_space<hbm>> -> memref<50000x128xf32, #tpu.memory_space<hbm>>
        tpu.enqueue_indirect_dma source(%dma_start3A_209 : memref<50000x128xf32, #tpu.memory_space<hbm>>) target(%arg10 : memref<128x128xf32, #tpu.memory_space<vmem>>) offsets(%arg8 : memref<128xi32, #tpu.memory_space<vmem>>) semaphore(%arg13 : memref<!tpu.dma_semaphore, #tpu.memory_space<semaphore_mem>>)
        %dma_wait3A = arith.constant 0 : i32
        %dma_wait3A_210 = arith.constant 0 : i32
        %dma_wait3A_211 = tpu.memref_slice %arg2[%dma_wait3A, %dma_wait3A_210] : memref<50000x128xf32, #tpu.memory_space<hbm>> -> memref<50000x128xf32, #tpu.memory_space<hbm>>
        tpu.wait_indirect_dma semaphore(%arg13 : memref<!tpu.dma_semaphore, #tpu.memory_space<semaphore_mem>>) src(%dma_wait3A_211 : memref<50000x128xf32, #tpu.memory_space<hbm>>) dst(%arg10 : memref<128x128xf32, #tpu.memory_space<vmem>>)
        "tpu.region"() ({
          %run_scoped3A = tpu.sem_alloc : memref<!tpu.dma_semaphore, #tpu.memory_space<semaphore_mem>>
          %dma_start3A_213 = arith.constant 0 : i32
          %dma_start3A_214 = arith.constant 0 : i32
          %dma_start3A_215 = tpu.memref_slice %arg11[%dma_start3A_213, %dma_start3A_214] : memref<6401x128xf32, #tpu.memory_space<vmem_shared>> -> memref<6401x128xf32, #tpu.memory_space<vmem_shared>>
          tpu.enqueue_indirect_dma source(%arg10 : memref<128x128xf32, #tpu.memory_space<vmem>>) target(%dma_start3A_215 : memref<6401x128xf32, #tpu.memory_space<vmem_shared>>) offsets(%arg9 : memref<128xi32, #tpu.memory_space<vmem>>) semaphore(%run_scoped3A : memref<!tpu.dma_semaphore, #tpu.memory_space<semaphore_mem>>) {add = true}
          %dma_wait3A_216 = arith.constant 0 : i32
          %dma_wait3A_217 = arith.constant 0 : i32
          %dma_wait3A_218 = tpu.memref_slice %arg11[%dma_wait3A_216, %dma_wait3A_217] : memref<6401x128xf32, #tpu.memory_space<vmem_shared>> -> memref<6401x128xf32, #tpu.memory_space<vmem_shared>>
          tpu.wait_indirect_dma semaphore(%run_scoped3A : memref<!tpu.dma_semaphore, #tpu.memory_space<semaphore_mem>>) src(%arg10 : memref<128x128xf32, #tpu.memory_space<vmem>>) dst(%dma_wait3A_218 : memref<6401x128xf32, #tpu.memory_space<vmem_shared>>)
          tpu.yield
        }) : () -> ()
        %while3A_212 = arith.constant 0 : i32
        scf.yield %while3A_212 : i32
      }
      %barrier3A_23 = arith.constant 0 : index
      tpu.barrier barrier_id(%barrier3A_23)
      %mul3A_24 = arith.constant 400 : i32
      %mul3A_25 = arith.muli %arg1, %mul3A_24 : i32
      %mul3A_26 = arith.constant 6400 : i32
      %mul3A_27 = arith.muli %add3A, %mul3A_26 : i32
      %mul3A_28 = arith.constant 400 : i32
      %mul3A_29 = arith.muli %arg1, %mul3A_28 : i32
      %add3A_30 = arith.addi %mul3A_27, %mul3A_29 : i32
      "tpu.region"() ({
        %run_scoped3A = tpu.sem_alloc : memref<!tpu.dma_semaphore, #tpu.memory_space<semaphore_mem>>
        %dma_start3A = arith.constant 0 : i32
        %dma_start3A_32 = tpu.memref_slice %arg6[%add3A_30, %dma_start3A] : memref<51200x128xf32, #tpu.memory_space<hbm>> -> memref<400x128xf32, #tpu.memory_space<hbm>>
        %dma_start3A_33 = arith.constant 0 : i32
        %dma_start3A_34 = tpu.memref_slice %arg11[%mul3A_25, %dma_start3A_33] : memref<6401x128xf32, #tpu.memory_space<vmem_shared>> -> memref<400x128xf32, #tpu.memory_space<vmem_shared>>
        tpu.enqueue_dma source(%dma_start3A_34 : memref<400x128xf32, #tpu.memory_space<vmem_shared>>) target(%dma_start3A_32 : memref<400x128xf32, #tpu.memory_space<hbm>>) target_semaphore(%run_scoped3A : memref<!tpu.dma_semaphore, #tpu.memory_space<semaphore_mem>>)
        %dma_wait3A = arith.constant 0 : i32
        %dma_wait3A_35 = tpu.memref_slice %arg6[%add3A_30, %dma_wait3A] : memref<51200x128xf32, #tpu.memory_space<hbm>> -> memref<400x128xf32, #tpu.memory_space<hbm>>
        %dma_wait3A_36 = arith.constant 0 : i32
        %dma_wait3A_37 = tpu.memref_slice %arg11[%mul3A_25, %dma_wait3A_36] : memref<6401x128xf32, #tpu.memory_space<vmem_shared>> -> memref<400x128xf32, #tpu.memory_space<vmem_shared>>
        tpu.wait_dma2 semaphore(%run_scoped3A : memref<!tpu.dma_semaphore, #tpu.memory_space<semaphore_mem>>) src(%dma_wait3A_37 : memref<400x128xf32, #tpu.memory_space<vmem_shared>>) dst(%dma_wait3A_35 : memref<400x128xf32, #tpu.memory_space<hbm>>)
        tpu.yield
      }) : () -> ()
      %scan3A_31 = arith.constant 0 : i32
      scf.yield %scan3A_31 : i32
    }
    %scan3A_5 = arith.constant 4 : i32
    return
  }
}

#map = affine_map<(d0, d1) -> (0, 0)>
#map1 = affine_map<(d0, d1) -> (0, 0, 0)>
module attributes {stable_mosaic.version = 14 : i64} {
  func.func @agg(%arg0: i32, %arg1: i32, %arg2: memref<50000x128xf32, #tpu.memory_space<hbm>>, %arg3: memref<8x16x53248xi32, #tpu.memory_space<hbm>>, %arg4: memref<8x16x8xi32, #tpu.memory_space<hbm>>, %arg5: memref<400x128xf32, #tpu.memory_space<hbm>>, %arg6: memref<51200x128xf32, #tpu.memory_space<hbm>>, %arg7: memref<2048xi32, #tpu.memory_space<vmem>>, %arg8: memref<128xi32, #tpu.memory_space<vmem>>, %arg9: memref<128xi32, #tpu.memory_space<vmem>>, %arg10: memref<128x128xf32, #tpu.memory_space<vmem>>, %arg11: memref<6401x128xf32, #tpu.memory_space<vmem_shared>>, %arg12: memref<16xi32, #tpu.memory_space<vmem>>, %arg13: memref<!tpu.dma_semaphore, #tpu.memory_space<semaphore_mem>>) attributes {dimension_semantics = [#tpu.dimension_semantics<core_parallel>, #tpu.dimension_semantics<subcore_parallel>], iteration_bounds = array<i64: 2, 16>, scalar_prefetch = 0 : i64, scratch_operands = 7 : i64, tpu.core_type = #tpu.core_type<sc_vector_subcore>, window_params = [{transform_indices = #map}, {transform_indices = #map1}, {transform_indices = #map1}, {transform_indices = #map}, {transform_indices = #map}]} {
    %scan3A = arith.constant 0 : i32
    %scan3A_0 = arith.constant 0 : i32
    %scan3A_1 = arith.constant 4 : i32
    %scan3A_2 = arith.addi %scan3A_0, %scan3A_1 : i32
    %scan3A_3 = arith.constant 1 : i32
    %scan3A_4 = scf.for %scan3A_6 = %scan3A_0 to %scan3A_2 step %scan3A_3 iter_args(%scan3A_7 = %scan3A) -> (i32)  : i32 {
      %mul3A = arith.constant 2 : i32
      %mul3A_8 = arith.muli %scan3A_6, %mul3A : i32
      %add3A = arith.addi %mul3A_8, %arg0 : i32
      "tpu.region"() ({
        %run_scoped3A = tpu.sem_alloc : memref<!tpu.dma_semaphore, #tpu.memory_space<semaphore_mem>>
        %dma_start3A = arith.constant 0 : i32
        %dma_start3A_32 = tpu.memref_slice %arg12[%dma_start3A] : memref<16xi32, #tpu.memory_space<vmem>> -> memref<8xi32, #tpu.memory_space<vmem>>
        %dma_start3A_33 = arith.constant 0 : i32
        %dma_start3A_34 = tpu.memref_slice %arg4[%add3A, %arg1, %dma_start3A_33] : memref<8x16x8xi32, #tpu.memory_space<hbm>> -> memref<1x1x8xi32, #tpu.memory_space<hbm>>
        %dma_start3A_35 = tpu.memref_squeeze %dma_start3A_34 : memref<1x1x8xi32, #tpu.memory_space<hbm>> -> memref<8xi32, #tpu.memory_space<hbm>>
        %dma_start3A_36 = arith.constant 0 : i32
        %dma_start3A_37 = tpu.memref_slice %arg12[%dma_start3A_36] : memref<16xi32, #tpu.memory_space<vmem>> -> memref<8xi32, #tpu.memory_space<vmem>>
        %dma_start3A_38 = arith.constant 0 : i32
        %dma_start3A_39 = tpu.memref_slice %arg4[%add3A, %arg1, %dma_start3A_38] : memref<8x16x8xi32, #tpu.memory_space<hbm>> -> memref<1x1x8xi32, #tpu.memory_space<hbm>>
        %dma_start3A_40 = tpu.memref_squeeze %dma_start3A_39 : memref<1x1x8xi32, #tpu.memory_space<hbm>> -> memref<8xi32, #tpu.memory_space<hbm>>
        tpu.enqueue_dma source(%dma_start3A_40 : memref<8xi32, #tpu.memory_space<hbm>>) target(%dma_start3A_37 : memref<8xi32, #tpu.memory_space<vmem>>) target_semaphore(%run_scoped3A : memref<!tpu.dma_semaphore, #tpu.memory_space<semaphore_mem>>)
        %dma_wait3A = arith.constant 0 : i32
        %dma_wait3A_41 = tpu.memref_slice %arg12[%dma_wait3A] : memref<16xi32, #tpu.memory_space<vmem>> -> memref<8xi32, #tpu.memory_space<vmem>>
        %dma_wait3A_42 = arith.constant 0 : i32
        %dma_wait3A_43 = tpu.memref_slice %arg4[%add3A, %arg1, %dma_wait3A_42] : memref<8x16x8xi32, #tpu.memory_space<hbm>> -> memref<1x1x8xi32, #tpu.memory_space<hbm>>
        %dma_wait3A_44 = tpu.memref_squeeze %dma_wait3A_43 : memref<1x1x8xi32, #tpu.memory_space<hbm>> -> memref<8xi32, #tpu.memory_space<hbm>>
        %dma_wait3A_45 = arith.constant 0 : i32
        %dma_wait3A_46 = tpu.memref_slice %arg12[%dma_wait3A_45] : memref<16xi32, #tpu.memory_space<vmem>> -> memref<8xi32, #tpu.memory_space<vmem>>
        %dma_wait3A_47 = arith.constant 0 : i32
        %dma_wait3A_48 = tpu.memref_slice %arg4[%add3A, %arg1, %dma_wait3A_47] : memref<8x16x8xi32, #tpu.memory_space<hbm>> -> memref<1x1x8xi32, #tpu.memory_space<hbm>>
        %dma_wait3A_49 = tpu.memref_squeeze %dma_wait3A_48 : memref<1x1x8xi32, #tpu.memory_space<hbm>> -> memref<8xi32, #tpu.memory_space<hbm>>
        tpu.wait_dma2 semaphore(%run_scoped3A : memref<!tpu.dma_semaphore, #tpu.memory_space<semaphore_mem>>) src(%dma_wait3A_49 : memref<8xi32, #tpu.memory_space<hbm>>) dst(%dma_wait3A_46 : memref<8xi32, #tpu.memory_space<vmem>>)
        tpu.yield
      }) : () -> ()
      %get3A = arith.constant 0 : index
      %get3A_9 = tpu.vector_load %arg12[%get3A] {strides = array<i32>} : memref<16xi32, #tpu.memory_space<vmem>>, vector<16xi32>,
      %slice3A = vector.extract_strided_slice %get3A_9 {offsets = [0], sizes = [1], strides = [1]} : vector<16xi32> to vector<1xi32>
      %squeeze3A = vector.extract %slice3A[0] : i32 from vector<1xi32>
      %mul3A_10 = arith.constant 400 : i32
      %mul3A_11 = arith.muli %arg1, %mul3A_10 : i32
      "tpu.region"() ({
        %run_scoped3A = tpu.sem_alloc : memref<!tpu.dma_semaphore, #tpu.memory_space<semaphore_mem>>
        %dma_start3A = arith.constant 0 : i32
        %dma_start3A_32 = tpu.memref_slice %arg11[%mul3A_11, %dma_start3A] : memref<6401x128xf32, #tpu.memory_space<vmem_shared>> -> memref<400x128xf32, #tpu.memory_space<vmem_shared>>
        tpu.enqueue_dma source(%arg5 : memref<400x128xf32, #tpu.memory_space<hbm>>) target(%dma_start3A_32 : memref<400x128xf32, #tpu.memory_space<vmem_shared>>) target_semaphore(%run_scoped3A : memref<!tpu.dma_semaphore, #tpu.memory_space<semaphore_mem>>)
        %dma_wait3A = arith.constant 0 : i32
        %dma_wait3A_33 = tpu.memref_slice %arg11[%mul3A_11, %dma_wait3A] : memref<6401x128xf32, #tpu.memory_space<vmem_shared>> -> memref<400x128xf32, #tpu.memory_space<vmem_shared>>
        tpu.wait_dma2 semaphore(%run_scoped3A : memref<!tpu.dma_semaphore, #tpu.memory_space<semaphore_mem>>) src(%arg5 : memref<400x128xf32, #tpu.memory_space<hbm>>) dst(%dma_wait3A_33 : memref<400x128xf32, #tpu.memory_space<vmem_shared>>)
        tpu.yield
      }) : () -> ()
      %barrier3A = arith.constant 0 : index
      tpu.barrier barrier_id(%barrier3A)
      %while3A = arith.constant 0 : i32
      %while3A_12 = arith.constant 0 : i32
      %while3A_13 = arith.subi %squeeze3A, %while3A : i32
      %while3A_14 = arith.addi %while3A, %while3A_13 : i32
      %while3A_15 = arith.constant 1 : i32
      %while3A_16 = arith.divsi %while3A_13, %while3A_15 : i32
      %while3A_17 = arith.muli %while3A_16, %while3A_15 : i32
      %while3A_18 = arith.addi %while3A, %while3A_17 : i32
      %while3A_19 = arith.constant 1 : i32
      %while3A_20 = scf.for %while3A_32 = %while3A to %while3A_18 step %while3A_19 iter_args(%while3A_33 = %while3A_12) -> (i32)  : i32 {
        %rem3A = arith.constant 16 : i32
        %rem3A_34 = arith.remsi %while3A_32, %rem3A : i32
        %eq3A = arith.constant 0 : i32
        %eq3A_35 = arith.cmpi eq, %rem3A_34, %eq3A : i32
        %convert_element_type3A = arith.extui %eq3A_35 : i1 to i32
        %cond3A = arith.constant 0 : i32
        %cond3A_36 = arith.cmpi ne, %convert_element_type3A, %cond3A : i32
        scf.if %cond3A_36 {
          %jit3A = arith.constant 16 : i32
          %div3A = arith.divsi %while3A_32, %jit3A : i32
          %sign3A = arith.constant 0 : i32
          %sign3A_213 = arith.cmpi sgt, %while3A_32, %sign3A : i32
          %sign3A_214 = arith.extui %sign3A_213 : i1 to i32
          %sign3A_215 = arith.constant 0 : i32
          %sign3A_216 = arith.cmpi slt, %while3A_32, %sign3A_215 : i32
          %sign3A_217 = arith.extui %sign3A_216 : i1 to i32
          %sign3A_218 = arith.subi %sign3A_214, %sign3A_217 : i32
          %sign3A_219 = arith.constant 0 : i32
          %sign3A_220 = arith.cmpi sgt, %jit3A, %sign3A_219 : i32
          %sign3A_221 = arith.extui %sign3A_220 : i1 to i32
          %sign3A_222 = arith.constant 0 : i32
          %sign3A_223 = arith.cmpi slt, %jit3A, %sign3A_222 : i32
          %sign3A_224 = arith.extui %sign3A_223 : i1 to i32
          %sign3A_225 = arith.subi %sign3A_221, %sign3A_224 : i32
          %ne3A = arith.cmpi ne, %sign3A_218, %sign3A_225 : i32
          %rem3A_226 = arith.remsi %while3A_32, %jit3A : i32
          %ne3A_227 = arith.constant 0 : i32
          %ne3A_228 = arith.cmpi ne, %rem3A_226, %ne3A_227 : i32
          %and3A_229 = arith.andi %ne3A, %ne3A_228 : i1
          %sub3A = arith.constant 1 : i32
          %sub3A_230 = arith.subi %div3A, %sub3A : i32
          %select_n3A = arith.select %and3A_229, %sub3A_230, %div3A : i32
          %mul3A_231 = arith.constant 2048 : i32
          %mul3A_232 = arith.muli %select_n3A, %mul3A_231 : i32
          "tpu.region"() ({
            %run_scoped3A = tpu.sem_alloc : memref<!tpu.dma_semaphore, #tpu.memory_space<semaphore_mem>>
            %dma_start3A_233 = tpu.memref_slice %arg3[%add3A, %arg1, %mul3A_232] : memref<8x16x53248xi32, #tpu.memory_space<hbm>> -> memref<1x1x2048xi32, #tpu.memory_space<hbm>>
            %dma_start3A_234 = tpu.memref_squeeze %dma_start3A_233 : memref<1x1x2048xi32, #tpu.memory_space<hbm>> -> memref<2048xi32, #tpu.memory_space<hbm>>
            %dma_start3A_235 = tpu.memref_slice %arg3[%add3A, %arg1, %mul3A_232] : memref<8x16x53248xi32, #tpu.memory_space<hbm>> -> memref<1x1x2048xi32, #tpu.memory_space<hbm>>
            %dma_start3A_236 = tpu.memref_squeeze %dma_start3A_235 : memref<1x1x2048xi32, #tpu.memory_space<hbm>> -> memref<2048xi32, #tpu.memory_space<hbm>>
            tpu.enqueue_dma source(%dma_start3A_236 : memref<2048xi32, #tpu.memory_space<hbm>>) target(%arg7 : memref<2048xi32, #tpu.memory_space<vmem>>) target_semaphore(%run_scoped3A : memref<!tpu.dma_semaphore, #tpu.memory_space<semaphore_mem>>)
            %dma_wait3A_237 = tpu.memref_slice %arg3[%add3A, %arg1, %mul3A_232] : memref<8x16x53248xi32, #tpu.memory_space<hbm>> -> memref<1x1x2048xi32, #tpu.memory_space<hbm>>
            %dma_wait3A_238 = tpu.memref_squeeze %dma_wait3A_237 : memref<1x1x2048xi32, #tpu.memory_space<hbm>> -> memref<2048xi32, #tpu.memory_space<hbm>>
            %dma_wait3A_239 = tpu.memref_slice %arg3[%add3A, %arg1, %mul3A_232] : memref<8x16x53248xi32, #tpu.memory_space<hbm>> -> memref<1x1x2048xi32, #tpu.memory_space<hbm>>
            %dma_wait3A_240 = tpu.memref_squeeze %dma_wait3A_239 : memref<1x1x2048xi32, #tpu.memory_space<hbm>> -> memref<2048xi32, #tpu.memory_space<hbm>>
            tpu.wait_dma2 semaphore(%run_scoped3A : memref<!tpu.dma_semaphore, #tpu.memory_space<semaphore_mem>>) src(%dma_wait3A_240 : memref<2048xi32, #tpu.memory_space<hbm>>) dst(%arg7 : memref<2048xi32, #tpu.memory_space<vmem>>)
            tpu.yield
          }) : () -> ()
        } else {
        }
        %rem3A_37 = arith.constant 16 : i32
        %rem3A_38 = arith.remsi %while3A_32, %rem3A_37 : i32
        %mul3A_39 = arith.constant 128 : i32
        %mul3A_40 = arith.muli %rem3A_38, %mul3A_39 : i32
        %scan3A_41 = arith.constant 0 : i32
        %scan3A_42 = arith.constant 0 : i32
        %mul3A_43 = arith.constant 16 : i32
        %mul3A_44 = arith.muli %scan3A_42, %mul3A_43 : i32
        %add3A_45 = arith.addi %mul3A_40, %mul3A_44 : i32
        %get3A_46 = arith.index_cast %add3A_45 : i32 to index
        %get3A_47 = tpu.vector_load %arg7[%get3A_46] {strides = array<i32>} : memref<2048xi32, #tpu.memory_space<vmem>>, vector<16xi32>,
        %shift_right_arithmetic3A = arith.constant 13 : i32
        %shift_right_arithmetic3A_48 = vector.broadcast %shift_right_arithmetic3A : i32 to vector<16xi32>
        %shift_right_arithmetic3A_49 = arith.shrsi %get3A_47, %shift_right_arithmetic3A_48 : vector<16xi32>
        %mul3A_50 = arith.constant 16 : i32
        %mul3A_51 = arith.muli %scan3A_42, %mul3A_50 : i32
        %swap3A = arith.index_cast %mul3A_51 : i32 to index
        %swap3A_52 = tpu.vector_load %arg8[%swap3A] {strides = array<i32>} : memref<128xi32, #tpu.memory_space<vmem>>, vector<16xi32>,
        tpu.vector_store %arg8[%swap3A], %shift_right_arithmetic3A_49 {strides = array<i32>} : memref<128xi32, #tpu.memory_space<vmem>>, vector<16xi32>,
        %and3A = arith.constant 8191 : i32
        %and3A_53 = vector.broadcast %and3A : i32 to vector<16xi32>
        %and3A_54 = arith.andi %get3A_47, %and3A_53 : vector<16xi32>
        %mul3A_55 = arith.constant 16 : i32
        %mul3A_56 = arith.muli %scan3A_42, %mul3A_55 : i32
        %swap3A_57 = arith.index_cast %mul3A_56 : i32 to index
        %swap3A_58 = tpu.vector_load %arg9[%swap3A_57] {strides = array<i32>} : memref<128xi32, #tpu.memory_space<vmem>>, vector<16xi32>,
        tpu.vector_store %arg9[%swap3A_57], %and3A_54 {strides = array<i32>} : memref<128xi32, #tpu.memory_space<vmem>>, vector<16xi32>,
        %scan3A_59 = arith.constant 0 : i32
        %scan3A_60 = arith.constant 1 : i32
        %mul3A_61 = arith.constant 16 : i32
        %mul3A_62 = arith.muli %scan3A_60, %mul3A_61 : i32
        %add3A_63 = arith.addi %mul3A_40, %mul3A_62 : i32
        %get3A_64 = arith.index_cast %add3A_63 : i32 to index
        %get3A_65 = tpu.vector_load %arg7[%get3A_64] {strides = array<i32>} : memref<2048xi32, #tpu.memory_space<vmem>>, vector<16xi32>,
        %shift_right_arithmetic3A_66 = arith.constant 13 : i32
        %shift_right_arithmetic3A_67 = vector.broadcast %shift_right_arithmetic3A_66 : i32 to vector<16xi32>
        %shift_right_arithmetic3A_68 = arith.shrsi %get3A_65, %shift_right_arithmetic3A_67 : vector<16xi32>
        %mul3A_69 = arith.constant 16 : i32
        %mul3A_70 = arith.muli %scan3A_60, %mul3A_69 : i32
        %swap3A_71 = arith.index_cast %mul3A_70 : i32 to index
        %swap3A_72 = tpu.vector_load %arg8[%swap3A_71] {strides = array<i32>} : memref<128xi32, #tpu.memory_space<vmem>>, vector<16xi32>,
        tpu.vector_store %arg8[%swap3A_71], %shift_right_arithmetic3A_68 {strides = array<i32>} : memref<128xi32, #tpu.memory_space<vmem>>, vector<16xi32>,
        %and3A_73 = arith.constant 8191 : i32
        %and3A_74 = vector.broadcast %and3A_73 : i32 to vector<16xi32>
        %and3A_75 = arith.andi %get3A_65, %and3A_74 : vector<16xi32>
        %mul3A_76 = arith.constant 16 : i32
        %mul3A_77 = arith.muli %scan3A_60, %mul3A_76 : i32
        %swap3A_78 = arith.index_cast %mul3A_77 : i32 to index
        %swap3A_79 = tpu.vector_load %arg9[%swap3A_78] {strides = array<i32>} : memref<128xi32, #tpu.memory_space<vmem>>, vector<16xi32>,
        tpu.vector_store %arg9[%swap3A_78], %and3A_75 {strides = array<i32>} : memref<128xi32, #tpu.memory_space<vmem>>, vector<16xi32>,
        %scan3A_80 = arith.constant 0 : i32
        %scan3A_81 = arith.constant 2 : i32
        %mul3A_82 = arith.constant 16 : i32
        %mul3A_83 = arith.muli %scan3A_81, %mul3A_82 : i32
        %add3A_84 = arith.addi %mul3A_40, %mul3A_83 : i32
        %get3A_85 = arith.index_cast %add3A_84 : i32 to index
        %get3A_86 = tpu.vector_load %arg7[%get3A_85] {strides = array<i32>} : memref<2048xi32, #tpu.memory_space<vmem>>, vector<16xi32>,
        %shift_right_arithmetic3A_87 = arith.constant 13 : i32
        %shift_right_arithmetic3A_88 = vector.broadcast %shift_right_arithmetic3A_87 : i32 to vector<16xi32>
        %shift_right_arithmetic3A_89 = arith.shrsi %get3A_86, %shift_right_arithmetic3A_88 : vector<16xi32>
        %mul3A_90 = arith.constant 16 : i32
        %mul3A_91 = arith.muli %scan3A_81, %mul3A_90 : i32
        %swap3A_92 = arith.index_cast %mul3A_91 : i32 to index
        %swap3A_93 = tpu.vector_load %arg8[%swap3A_92] {strides = array<i32>} : memref<128xi32, #tpu.memory_space<vmem>>, vector<16xi32>,
        tpu.vector_store %arg8[%swap3A_92], %shift_right_arithmetic3A_89 {strides = array<i32>} : memref<128xi32, #tpu.memory_space<vmem>>, vector<16xi32>,
        %and3A_94 = arith.constant 8191 : i32
        %and3A_95 = vector.broadcast %and3A_94 : i32 to vector<16xi32>
        %and3A_96 = arith.andi %get3A_86, %and3A_95 : vector<16xi32>
        %mul3A_97 = arith.constant 16 : i32
        %mul3A_98 = arith.muli %scan3A_81, %mul3A_97 : i32
        %swap3A_99 = arith.index_cast %mul3A_98 : i32 to index
        %swap3A_100 = tpu.vector_load %arg9[%swap3A_99] {strides = array<i32>} : memref<128xi32, #tpu.memory_space<vmem>>, vector<16xi32>,
        tpu.vector_store %arg9[%swap3A_99], %and3A_96 {strides = array<i32>} : memref<128xi32, #tpu.memory_space<vmem>>, vector<16xi32>,
        %scan3A_101 = arith.constant 0 : i32
        %scan3A_102 = arith.constant 3 : i32
        %mul3A_103 = arith.constant 16 : i32
        %mul3A_104 = arith.muli %scan3A_102, %mul3A_103 : i32
        %add3A_105 = arith.addi %mul3A_40, %mul3A_104 : i32
        %get3A_106 = arith.index_cast %add3A_105 : i32 to index
        %get3A_107 = tpu.vector_load %arg7[%get3A_106] {strides = array<i32>} : memref<2048xi32, #tpu.memory_space<vmem>>, vector<16xi32>,
        %shift_right_arithmetic3A_108 = arith.constant 13 : i32
        %shift_right_arithmetic3A_109 = vector.broadcast %shift_right_arithmetic3A_108 : i32 to vector<16xi32>
        %shift_right_arithmetic3A_110 = arith.shrsi %get3A_107, %shift_right_arithmetic3A_109 : vector<16xi32>
        %mul3A_111 = arith.constant 16 : i32
        %mul3A_112 = arith.muli %scan3A_102, %mul3A_111 : i32
        %swap3A_113 = arith.index_cast %mul3A_112 : i32 to index
        %swap3A_114 = tpu.vector_load %arg8[%swap3A_113] {strides = array<i32>} : memref<128xi32, #tpu.memory_space<vmem>>, vector<16xi32>,
        tpu.vector_store %arg8[%swap3A_113], %shift_right_arithmetic3A_110 {strides = array<i32>} : memref<128xi32, #tpu.memory_space<vmem>>, vector<16xi32>,
        %and3A_115 = arith.constant 8191 : i32
        %and3A_116 = vector.broadcast %and3A_115 : i32 to vector<16xi32>
        %and3A_117 = arith.andi %get3A_107, %and3A_116 : vector<16xi32>
        %mul3A_118 = arith.constant 16 : i32
        %mul3A_119 = arith.muli %scan3A_102, %mul3A_118 : i32
        %swap3A_120 = arith.index_cast %mul3A_119 : i32 to index
        %swap3A_121 = tpu.vector_load %arg9[%swap3A_120] {strides = array<i32>} : memref<128xi32, #tpu.memory_space<vmem>>, vector<16xi32>,
        tpu.vector_store %arg9[%swap3A_120], %and3A_117 {strides = array<i32>} : memref<128xi32, #tpu.memory_space<vmem>>, vector<16xi32>,
        %scan3A_122 = arith.constant 0 : i32
        %scan3A_123 = arith.constant 4 : i32
        %mul3A_124 = arith.constant 16 : i32
        %mul3A_125 = arith.muli %scan3A_123, %mul3A_124 : i32
        %add3A_126 = arith.addi %mul3A_40, %mul3A_125 : i32
        %get3A_127 = arith.index_cast %add3A_126 : i32 to index
        %get3A_128 = tpu.vector_load %arg7[%get3A_127] {strides = array<i32>} : memref<2048xi32, #tpu.memory_space<vmem>>, vector<16xi32>,
        %shift_right_arithmetic3A_129 = arith.constant 13 : i32
        %shift_right_arithmetic3A_130 = vector.broadcast %shift_right_arithmetic3A_129 : i32 to vector<16xi32>
        %shift_right_arithmetic3A_131 = arith.shrsi %get3A_128, %shift_right_arithmetic3A_130 : vector<16xi32>
        %mul3A_132 = arith.constant 16 : i32
        %mul3A_133 = arith.muli %scan3A_123, %mul3A_132 : i32
        %swap3A_134 = arith.index_cast %mul3A_133 : i32 to index
        %swap3A_135 = tpu.vector_load %arg8[%swap3A_134] {strides = array<i32>} : memref<128xi32, #tpu.memory_space<vmem>>, vector<16xi32>,
        tpu.vector_store %arg8[%swap3A_134], %shift_right_arithmetic3A_131 {strides = array<i32>} : memref<128xi32, #tpu.memory_space<vmem>>, vector<16xi32>,
        %and3A_136 = arith.constant 8191 : i32
        %and3A_137 = vector.broadcast %and3A_136 : i32 to vector<16xi32>
        %and3A_138 = arith.andi %get3A_128, %and3A_137 : vector<16xi32>
        %mul3A_139 = arith.constant 16 : i32
        %mul3A_140 = arith.muli %scan3A_123, %mul3A_139 : i32
        %swap3A_141 = arith.index_cast %mul3A_140 : i32 to index
        %swap3A_142 = tpu.vector_load %arg9[%swap3A_141] {strides = array<i32>} : memref<128xi32, #tpu.memory_space<vmem>>, vector<16xi32>,
        tpu.vector_store %arg9[%swap3A_141], %and3A_138 {strides = array<i32>} : memref<128xi32, #tpu.memory_space<vmem>>, vector<16xi32>,
        %scan3A_143 = arith.constant 0 : i32
        %scan3A_144 = arith.constant 5 : i32
        %mul3A_145 = arith.constant 16 : i32
        %mul3A_146 = arith.muli %scan3A_144, %mul3A_145 : i32
        %add3A_147 = arith.addi %mul3A_40, %mul3A_146 : i32
        %get3A_148 = arith.index_cast %add3A_147 : i32 to index
        %get3A_149 = tpu.vector_load %arg7[%get3A_148] {strides = array<i32>} : memref<2048xi32, #tpu.memory_space<vmem>>, vector<16xi32>,
        %shift_right_arithmetic3A_150 = arith.constant 13 : i32
        %shift_right_arithmetic3A_151 = vector.broadcast %shift_right_arithmetic3A_150 : i32 to vector<16xi32>
        %shift_right_arithmetic3A_152 = arith.shrsi %get3A_149, %shift_right_arithmetic3A_151 : vector<16xi32>
        %mul3A_153 = arith.constant 16 : i32
        %mul3A_154 = arith.muli %scan3A_144, %mul3A_153 : i32
        %swap3A_155 = arith.index_cast %mul3A_154 : i32 to index
        %swap3A_156 = tpu.vector_load %arg8[%swap3A_155] {strides = array<i32>} : memref<128xi32, #tpu.memory_space<vmem>>, vector<16xi32>,
        tpu.vector_store %arg8[%swap3A_155], %shift_right_arithmetic3A_152 {strides = array<i32>} : memref<128xi32, #tpu.memory_space<vmem>>, vector<16xi32>,
        %and3A_157 = arith.constant 8191 : i32
        %and3A_158 = vector.broadcast %and3A_157 : i32 to vector<16xi32>
        %and3A_159 = arith.andi %get3A_149, %and3A_158 : vector<16xi32>
        %mul3A_160 = arith.constant 16 : i32
        %mul3A_161 = arith.muli %scan3A_144, %mul3A_160 : i32
        %swap3A_162 = arith.index_cast %mul3A_161 : i32 to index
        %swap3A_163 = tpu.vector_load %arg9[%swap3A_162] {strides = array<i32>} : memref<128xi32, #tpu.memory_space<vmem>>, vector<16xi32>,
        tpu.vector_store %arg9[%swap3A_162], %and3A_159 {strides = array<i32>} : memref<128xi32, #tpu.memory_space<vmem>>, vector<16xi32>,
        %scan3A_164 = arith.constant 0 : i32
        %scan3A_165 = arith.constant 6 : i32
        %mul3A_166 = arith.constant 16 : i32
        %mul3A_167 = arith.muli %scan3A_165, %mul3A_166 : i32
        %add3A_168 = arith.addi %mul3A_40, %mul3A_167 : i32
        %get3A_169 = arith.index_cast %add3A_168 : i32 to index
        %get3A_170 = tpu.vector_load %arg7[%get3A_169] {strides = array<i32>} : memref<2048xi32, #tpu.memory_space<vmem>>, vector<16xi32>,
        %shift_right_arithmetic3A_171 = arith.constant 13 : i32
        %shift_right_arithmetic3A_172 = vector.broadcast %shift_right_arithmetic3A_171 : i32 to vector<16xi32>
        %shift_right_arithmetic3A_173 = arith.shrsi %get3A_170, %shift_right_arithmetic3A_172 : vector<16xi32>
        %mul3A_174 = arith.constant 16 : i32
        %mul3A_175 = arith.muli %scan3A_165, %mul3A_174 : i32
        %swap3A_176 = arith.index_cast %mul3A_175 : i32 to index
        %swap3A_177 = tpu.vector_load %arg8[%swap3A_176] {strides = array<i32>} : memref<128xi32, #tpu.memory_space<vmem>>, vector<16xi32>,
        tpu.vector_store %arg8[%swap3A_176], %shift_right_arithmetic3A_173 {strides = array<i32>} : memref<128xi32, #tpu.memory_space<vmem>>, vector<16xi32>,
        %and3A_178 = arith.constant 8191 : i32
        %and3A_179 = vector.broadcast %and3A_178 : i32 to vector<16xi32>
        %and3A_180 = arith.andi %get3A_170, %and3A_179 : vector<16xi32>
        %mul3A_181 = arith.constant 16 : i32
        %mul3A_182 = arith.muli %scan3A_165, %mul3A_181 : i32
        %swap3A_183 = arith.index_cast %mul3A_182 : i32 to index
        %swap3A_184 = tpu.vector_load %arg9[%swap3A_183] {strides = array<i32>} : memref<128xi32, #tpu.memory_space<vmem>>, vector<16xi32>,
        tpu.vector_store %arg9[%swap3A_183], %and3A_180 {strides = array<i32>} : memref<128xi32, #tpu.memory_space<vmem>>, vector<16xi32>,
        %scan3A_185 = arith.constant 0 : i32
        %scan3A_186 = arith.constant 7 : i32
        %mul3A_187 = arith.constant 16 : i32
        %mul3A_188 = arith.muli %scan3A_186, %mul3A_187 : i32
        %add3A_189 = arith.addi %mul3A_40, %mul3A_188 : i32
        %get3A_190 = arith.index_cast %add3A_189 : i32 to index
        %get3A_191 = tpu.vector_load %arg7[%get3A_190] {strides = array<i32>} : memref<2048xi32, #tpu.memory_space<vmem>>, vector<16xi32>,
        %shift_right_arithmetic3A_192 = arith.constant 13 : i32
        %shift_right_arithmetic3A_193 = vector.broadcast %shift_right_arithmetic3A_192 : i32 to vector<16xi32>
        %shift_right_arithmetic3A_194 = arith.shrsi %get3A_191, %shift_right_arithmetic3A_193 : vector<16xi32>
        %mul3A_195 = arith.constant 16 : i32
        %mul3A_196 = arith.muli %scan3A_186, %mul3A_195 : i32
        %swap3A_197 = arith.index_cast %mul3A_196 : i32 to index
        %swap3A_198 = tpu.vector_load %arg8[%swap3A_197] {strides = array<i32>} : memref<128xi32, #tpu.memory_space<vmem>>, vector<16xi32>,
        tpu.vector_store %arg8[%swap3A_197], %shift_right_arithmetic3A_194 {strides = array<i32>} : memref<128xi32, #tpu.memory_space<vmem>>, vector<16xi32>,
        %and3A_199 = arith.constant 8191 : i32
        %and3A_200 = vector.broadcast %and3A_199 : i32 to vector<16xi32>
        %and3A_201 = arith.andi %get3A_191, %and3A_200 : vector<16xi32>
        %mul3A_202 = arith.constant 16 : i32
        %mul3A_203 = arith.muli %scan3A_186, %mul3A_202 : i32
        %swap3A_204 = arith.index_cast %mul3A_203 : i32 to index
        %swap3A_205 = tpu.vector_load %arg9[%swap3A_204] {strides = array<i32>} : memref<128xi32, #tpu.memory_space<vmem>>, vector<16xi32>,
        tpu.vector_store %arg9[%swap3A_204], %and3A_201 {strides = array<i32>} : memref<128xi32, #tpu.memory_space<vmem>>, vector<16xi32>,
        %scan3A_206 = arith.constant 0 : i32
        %scan3A_207 = arith.constant 8 : i32
        %dma_start3A = arith.constant 0 : i32
        %dma_start3A_208 = arith.constant 0 : i32
        %dma_start3A_209 = tpu.memref_slice %arg2[%dma_start3A, %dma_start3A_208] : memref<50000x128xf32, #tpu.memory_space<hbm>> -> memref<50000x128xf32, #tpu.memory_space<hbm>>
        tpu.enqueue_indirect_dma source(%dma_start3A_209 : memref<50000x128xf32, #tpu.memory_space<hbm>>) target(%arg10 : memref<128x128xf32, #tpu.memory_space<vmem>>) offsets(%arg8 : memref<128xi32, #tpu.memory_space<vmem>>) semaphore(%arg13 : memref<!tpu.dma_semaphore, #tpu.memory_space<semaphore_mem>>)
        %dma_wait3A = arith.constant 0 : i32
        %dma_wait3A_210 = arith.constant 0 : i32
        %dma_wait3A_211 = tpu.memref_slice %arg2[%dma_wait3A, %dma_wait3A_210] : memref<50000x128xf32, #tpu.memory_space<hbm>> -> memref<50000x128xf32, #tpu.memory_space<hbm>>
        tpu.wait_indirect_dma semaphore(%arg13 : memref<!tpu.dma_semaphore, #tpu.memory_space<semaphore_mem>>) src(%dma_wait3A_211 : memref<50000x128xf32, #tpu.memory_space<hbm>>) dst(%arg10 : memref<128x128xf32, #tpu.memory_space<vmem>>)
        "tpu.region"() ({
          %run_scoped3A = tpu.sem_alloc : memref<!tpu.dma_semaphore, #tpu.memory_space<semaphore_mem>>
          %dma_start3A_213 = arith.constant 0 : i32
          %dma_start3A_214 = arith.constant 0 : i32
          %dma_start3A_215 = tpu.memref_slice %arg11[%dma_start3A_213, %dma_start3A_214] : memref<6401x128xf32, #tpu.memory_space<vmem_shared>> -> memref<6401x128xf32, #tpu.memory_space<vmem_shared>>
          tpu.enqueue_indirect_dma source(%arg10 : memref<128x128xf32, #tpu.memory_space<vmem>>) target(%dma_start3A_215 : memref<6401x128xf32, #tpu.memory_space<vmem_shared>>) offsets(%arg9 : memref<128xi32, #tpu.memory_space<vmem>>) semaphore(%run_scoped3A : memref<!tpu.dma_semaphore, #tpu.memory_space<semaphore_mem>>) {add = true}
          %dma_wait3A_216 = arith.constant 0 : i32
          %dma_wait3A_217 = arith.constant 0 : i32
          %dma_wait3A_218 = tpu.memref_slice %arg11[%dma_wait3A_216, %dma_wait3A_217] : memref<6401x128xf32, #tpu.memory_space<vmem_shared>> -> memref<6401x128xf32, #tpu.memory_space<vmem_shared>>
          tpu.wait_indirect_dma semaphore(%run_scoped3A : memref<!tpu.dma_semaphore, #tpu.memory_space<semaphore_mem>>) src(%arg10 : memref<128x128xf32, #tpu.memory_space<vmem>>) dst(%dma_wait3A_218 : memref<6401x128xf32, #tpu.memory_space<vmem_shared>>)
          tpu.yield
        }) : () -> ()
        %while3A_212 = arith.constant 0 : i32
        scf.yield %while3A_212 : i32
      }
      %while3A_21 = arith.constant 1 : i32
      %while3A_22 = scf.for %while3A_32 = %while3A_18 to %while3A_14 step %while3A_21 iter_args(%while3A_33 = %while3A_20) -> (i32)  : i32 {
        %rem3A = arith.constant 16 : i32
        %rem3A_34 = arith.remsi %while3A_32, %rem3A : i32
        %eq3A = arith.constant 0 : i32
        %eq3A_35 = arith.cmpi eq, %rem3A_34, %eq3A : i32
        %convert_element_type3A = arith.extui %eq3A_35 : i1 to i32
        %cond3A = arith.constant 0 : i32
        %cond3A_36 = arith.cmpi ne, %convert_element_type3A, %cond3A : i32
        scf.if %cond3A_36 {
          %jit3A = arith.constant 16 : i32
          %div3A = arith.divsi %while3A_32, %jit3A : i32
          %sign3A = arith.constant 0 : i32
          %sign3A_213 = arith.cmpi sgt, %while3A_32, %sign3A : i32
          %sign3A_214 = arith.extui %sign3A_213 : i1 to i32
          %sign3A_215 = arith.constant 0 : i32
          %sign3A_216 = arith.cmpi slt, %while3A_32, %sign3A_215 : i32
          %sign3A_217 = arith.extui %sign3A_216 : i1 to i32
          %sign3A_218 = arith.subi %sign3A_214, %sign3A_217 : i32
          %sign3A_219 = arith.constant 0 : i32
          %sign3A_220 = arith.cmpi sgt, %jit3A, %sign3A_219 : i32
          %sign3A_221 = arith.extui %sign3A_220 : i1 to i32
          %sign3A_222 = arith.constant 0 : i32
          %sign3A_223 = arith.cmpi slt, %jit3A, %sign3A_222 : i32
          %sign3A_224 = arith.extui %sign3A_223 : i1 to i32
          %sign3A_225 = arith.subi %sign3A_221, %sign3A_224 : i32
          %ne3A = arith.cmpi ne, %sign3A_218, %sign3A_225 : i32
          %rem3A_226 = arith.remsi %while3A_32, %jit3A : i32
          %ne3A_227 = arith.constant 0 : i32
          %ne3A_228 = arith.cmpi ne, %rem3A_226, %ne3A_227 : i32
          %and3A_229 = arith.andi %ne3A, %ne3A_228 : i1
          %sub3A = arith.constant 1 : i32
          %sub3A_230 = arith.subi %div3A, %sub3A : i32
          %select_n3A = arith.select %and3A_229, %sub3A_230, %div3A : i32
          %mul3A_231 = arith.constant 2048 : i32
          %mul3A_232 = arith.muli %select_n3A, %mul3A_231 : i32
          "tpu.region"() ({
            %run_scoped3A = tpu.sem_alloc : memref<!tpu.dma_semaphore, #tpu.memory_space<semaphore_mem>>
            %dma_start3A_233 = tpu.memref_slice %arg3[%add3A, %arg1, %mul3A_232] : memref<8x16x53248xi32, #tpu.memory_space<hbm>> -> memref<1x1x2048xi32, #tpu.memory_space<hbm>>
            %dma_start3A_234 = tpu.memref_squeeze %dma_start3A_233 : memref<1x1x2048xi32, #tpu.memory_space<hbm>> -> memref<2048xi32, #tpu.memory_space<hbm>>
            %dma_start3A_235 = tpu.memref_slice %arg3[%add3A, %arg1, %mul3A_232] : memref<8x16x53248xi32, #tpu.memory_space<hbm>> -> memref<1x1x2048xi32, #tpu.memory_space<hbm>>
            %dma_start3A_236 = tpu.memref_squeeze %dma_start3A_235 : memref<1x1x2048xi32, #tpu.memory_space<hbm>> -> memref<2048xi32, #tpu.memory_space<hbm>>
            tpu.enqueue_dma source(%dma_start3A_236 : memref<2048xi32, #tpu.memory_space<hbm>>) target(%arg7 : memref<2048xi32, #tpu.memory_space<vmem>>) target_semaphore(%run_scoped3A : memref<!tpu.dma_semaphore, #tpu.memory_space<semaphore_mem>>)
            %dma_wait3A_237 = tpu.memref_slice %arg3[%add3A, %arg1, %mul3A_232] : memref<8x16x53248xi32, #tpu.memory_space<hbm>> -> memref<1x1x2048xi32, #tpu.memory_space<hbm>>
            %dma_wait3A_238 = tpu.memref_squeeze %dma_wait3A_237 : memref<1x1x2048xi32, #tpu.memory_space<hbm>> -> memref<2048xi32, #tpu.memory_space<hbm>>
            %dma_wait3A_239 = tpu.memref_slice %arg3[%add3A, %arg1, %mul3A_232] : memref<8x16x53248xi32, #tpu.memory_space<hbm>> -> memref<1x1x2048xi32, #tpu.memory_space<hbm>>
            %dma_wait3A_240 = tpu.memref_squeeze %dma_wait3A_239 : memref<1x1x2048xi32, #tpu.memory_space<hbm>> -> memref<2048xi32, #tpu.memory_space<hbm>>
            tpu.wait_dma2 semaphore(%run_scoped3A : memref<!tpu.dma_semaphore, #tpu.memory_space<semaphore_mem>>) src(%dma_wait3A_240 : memref<2048xi32, #tpu.memory_space<hbm>>) dst(%arg7 : memref<2048xi32, #tpu.memory_space<vmem>>)
            tpu.yield
          }) : () -> ()
        } else {
        }
        %rem3A_37 = arith.constant 16 : i32
        %rem3A_38 = arith.remsi %while3A_32, %rem3A_37 : i32
        %mul3A_39 = arith.constant 128 : i32
        %mul3A_40 = arith.muli %rem3A_38, %mul3A_39 : i32
        %scan3A_41 = arith.constant 0 : i32
        %scan3A_42 = arith.constant 0 : i32
        %mul3A_43 = arith.constant 16 : i32
        %mul3A_44 = arith.muli %scan3A_42, %mul3A_43 : i32
        %add3A_45 = arith.addi %mul3A_40, %mul3A_44 : i32
        %get3A_46 = arith.index_cast %add3A_45 : i32 to index
        %get3A_47 = tpu.vector_load %arg7[%get3A_46] {strides = array<i32>} : memref<2048xi32, #tpu.memory_space<vmem>>, vector<16xi32>,
        %shift_right_arithmetic3A = arith.constant 13 : i32
        %shift_right_arithmetic3A_48 = vector.broadcast %shift_right_arithmetic3A : i32 to vector<16xi32>
        %shift_right_arithmetic3A_49 = arith.shrsi %get3A_47, %shift_right_arithmetic3A_48 : vector<16xi32>
        %mul3A_50 = arith.constant 16 : i32
        %mul3A_51 = arith.muli %scan3A_42, %mul3A_50 : i32
        %swap3A = arith.index_cast %mul3A_51 : i32 to index
        %swap3A_52 = tpu.vector_load %arg8[%swap3A] {strides = array<i32>} : memref<128xi32, #tpu.memory_space<vmem>>, vector<16xi32>,
        tpu.vector_store %arg8[%swap3A], %shift_right_arithmetic3A_49 {strides = array<i32>} : memref<128xi32, #tpu.memory_space<vmem>>, vector<16xi32>,
        %and3A = arith.constant 8191 : i32
        %and3A_53 = vector.broadcast %and3A : i32 to vector<16xi32>
        %and3A_54 = arith.andi %get3A_47, %and3A_53 : vector<16xi32>
        %mul3A_55 = arith.constant 16 : i32
        %mul3A_56 = arith.muli %scan3A_42, %mul3A_55 : i32
        %swap3A_57 = arith.index_cast %mul3A_56 : i32 to index
        %swap3A_58 = tpu.vector_load %arg9[%swap3A_57] {strides = array<i32>} : memref<128xi32, #tpu.memory_space<vmem>>, vector<16xi32>,
        tpu.vector_store %arg9[%swap3A_57], %and3A_54 {strides = array<i32>} : memref<128xi32, #tpu.memory_space<vmem>>, vector<16xi32>,
        %scan3A_59 = arith.constant 0 : i32
        %scan3A_60 = arith.constant 1 : i32
        %mul3A_61 = arith.constant 16 : i32
        %mul3A_62 = arith.muli %scan3A_60, %mul3A_61 : i32
        %add3A_63 = arith.addi %mul3A_40, %mul3A_62 : i32
        %get3A_64 = arith.index_cast %add3A_63 : i32 to index
        %get3A_65 = tpu.vector_load %arg7[%get3A_64] {strides = array<i32>} : memref<2048xi32, #tpu.memory_space<vmem>>, vector<16xi32>,
        %shift_right_arithmetic3A_66 = arith.constant 13 : i32
        %shift_right_arithmetic3A_67 = vector.broadcast %shift_right_arithmetic3A_66 : i32 to vector<16xi32>
        %shift_right_arithmetic3A_68 = arith.shrsi %get3A_65, %shift_right_arithmetic3A_67 : vector<16xi32>
        %mul3A_69 = arith.constant 16 : i32
        %mul3A_70 = arith.muli %scan3A_60, %mul3A_69 : i32
        %swap3A_71 = arith.index_cast %mul3A_70 : i32 to index
        %swap3A_72 = tpu.vector_load %arg8[%swap3A_71] {strides = array<i32>} : memref<128xi32, #tpu.memory_space<vmem>>, vector<16xi32>,
        tpu.vector_store %arg8[%swap3A_71], %shift_right_arithmetic3A_68 {strides = array<i32>} : memref<128xi32, #tpu.memory_space<vmem>>, vector<16xi32>,
        %and3A_73 = arith.constant 8191 : i32
        %and3A_74 = vector.broadcast %and3A_73 : i32 to vector<16xi32>
        %and3A_75 = arith.andi %get3A_65, %and3A_74 : vector<16xi32>
        %mul3A_76 = arith.constant 16 : i32
        %mul3A_77 = arith.muli %scan3A_60, %mul3A_76 : i32
        %swap3A_78 = arith.index_cast %mul3A_77 : i32 to index
        %swap3A_79 = tpu.vector_load %arg9[%swap3A_78] {strides = array<i32>} : memref<128xi32, #tpu.memory_space<vmem>>, vector<16xi32>,
        tpu.vector_store %arg9[%swap3A_78], %and3A_75 {strides = array<i32>} : memref<128xi32, #tpu.memory_space<vmem>>, vector<16xi32>,
        %scan3A_80 = arith.constant 0 : i32
        %scan3A_81 = arith.constant 2 : i32
        %mul3A_82 = arith.constant 16 : i32
        %mul3A_83 = arith.muli %scan3A_81, %mul3A_82 : i32
        %add3A_84 = arith.addi %mul3A_40, %mul3A_83 : i32
        %get3A_85 = arith.index_cast %add3A_84 : i32 to index
        %get3A_86 = tpu.vector_load %arg7[%get3A_85] {strides = array<i32>} : memref<2048xi32, #tpu.memory_space<vmem>>, vector<16xi32>,
        %shift_right_arithmetic3A_87 = arith.constant 13 : i32
        %shift_right_arithmetic3A_88 = vector.broadcast %shift_right_arithmetic3A_87 : i32 to vector<16xi32>
        %shift_right_arithmetic3A_89 = arith.shrsi %get3A_86, %shift_right_arithmetic3A_88 : vector<16xi32>
        %mul3A_90 = arith.constant 16 : i32
        %mul3A_91 = arith.muli %scan3A_81, %mul3A_90 : i32
        %swap3A_92 = arith.index_cast %mul3A_91 : i32 to index
        %swap3A_93 = tpu.vector_load %arg8[%swap3A_92] {strides = array<i32>} : memref<128xi32, #tpu.memory_space<vmem>>, vector<16xi32>,
        tpu.vector_store %arg8[%swap3A_92], %shift_right_arithmetic3A_89 {strides = array<i32>} : memref<128xi32, #tpu.memory_space<vmem>>, vector<16xi32>,
        %and3A_94 = arith.constant 8191 : i32
        %and3A_95 = vector.broadcast %and3A_94 : i32 to vector<16xi32>
        %and3A_96 = arith.andi %get3A_86, %and3A_95 : vector<16xi32>
        %mul3A_97 = arith.constant 16 : i32
        %mul3A_98 = arith.muli %scan3A_81, %mul3A_97 : i32
        %swap3A_99 = arith.index_cast %mul3A_98 : i32 to index
        %swap3A_100 = tpu.vector_load %arg9[%swap3A_99] {strides = array<i32>} : memref<128xi32, #tpu.memory_space<vmem>>, vector<16xi32>,
        tpu.vector_store %arg9[%swap3A_99], %and3A_96 {strides = array<i32>} : memref<128xi32, #tpu.memory_space<vmem>>, vector<16xi32>,
        %scan3A_101 = arith.constant 0 : i32
        %scan3A_102 = arith.constant 3 : i32
        %mul3A_103 = arith.constant 16 : i32
        %mul3A_104 = arith.muli %scan3A_102, %mul3A_103 : i32
        %add3A_105 = arith.addi %mul3A_40, %mul3A_104 : i32
        %get3A_106 = arith.index_cast %add3A_105 : i32 to index
        %get3A_107 = tpu.vector_load %arg7[%get3A_106] {strides = array<i32>} : memref<2048xi32, #tpu.memory_space<vmem>>, vector<16xi32>,
        %shift_right_arithmetic3A_108 = arith.constant 13 : i32
        %shift_right_arithmetic3A_109 = vector.broadcast %shift_right_arithmetic3A_108 : i32 to vector<16xi32>
        %shift_right_arithmetic3A_110 = arith.shrsi %get3A_107, %shift_right_arithmetic3A_109 : vector<16xi32>
        %mul3A_111 = arith.constant 16 : i32
        %mul3A_112 = arith.muli %scan3A_102, %mul3A_111 : i32
        %swap3A_113 = arith.index_cast %mul3A_112 : i32 to index
        %swap3A_114 = tpu.vector_load %arg8[%swap3A_113] {strides = array<i32>} : memref<128xi32, #tpu.memory_space<vmem>>, vector<16xi32>,
        tpu.vector_store %arg8[%swap3A_113], %shift_right_arithmetic3A_110 {strides = array<i32>} : memref<128xi32, #tpu.memory_space<vmem>>, vector<16xi32>,
        %and3A_115 = arith.constant 8191 : i32
        %and3A_116 = vector.broadcast %and3A_115 : i32 to vector<16xi32>
        %and3A_117 = arith.andi %get3A_107, %and3A_116 : vector<16xi32>
        %mul3A_118 = arith.constant 16 : i32
        %mul3A_119 = arith.muli %scan3A_102, %mul3A_118 : i32
        %swap3A_120 = arith.index_cast %mul3A_119 : i32 to index
        %swap3A_121 = tpu.vector_load %arg9[%swap3A_120] {strides = array<i32>} : memref<128xi32, #tpu.memory_space<vmem>>, vector<16xi32>,
        tpu.vector_store %arg9[%swap3A_120], %and3A_117 {strides = array<i32>} : memref<128xi32, #tpu.memory_space<vmem>>, vector<16xi32>,
        %scan3A_122 = arith.constant 0 : i32
        %scan3A_123 = arith.constant 4 : i32
        %mul3A_124 = arith.constant 16 : i32
        %mul3A_125 = arith.muli %scan3A_123, %mul3A_124 : i32
        %add3A_126 = arith.addi %mul3A_40, %mul3A_125 : i32
        %get3A_127 = arith.index_cast %add3A_126 : i32 to index
        %get3A_128 = tpu.vector_load %arg7[%get3A_127] {strides = array<i32>} : memref<2048xi32, #tpu.memory_space<vmem>>, vector<16xi32>,
        %shift_right_arithmetic3A_129 = arith.constant 13 : i32
        %shift_right_arithmetic3A_130 = vector.broadcast %shift_right_arithmetic3A_129 : i32 to vector<16xi32>
        %shift_right_arithmetic3A_131 = arith.shrsi %get3A_128, %shift_right_arithmetic3A_130 : vector<16xi32>
        %mul3A_132 = arith.constant 16 : i32
        %mul3A_133 = arith.muli %scan3A_123, %mul3A_132 : i32
        %swap3A_134 = arith.index_cast %mul3A_133 : i32 to index
        %swap3A_135 = tpu.vector_load %arg8[%swap3A_134] {strides = array<i32>} : memref<128xi32, #tpu.memory_space<vmem>>, vector<16xi32>,
        tpu.vector_store %arg8[%swap3A_134], %shift_right_arithmetic3A_131 {strides = array<i32>} : memref<128xi32, #tpu.memory_space<vmem>>, vector<16xi32>,
        %and3A_136 = arith.constant 8191 : i32
        %and3A_137 = vector.broadcast %and3A_136 : i32 to vector<16xi32>
        %and3A_138 = arith.andi %get3A_128, %and3A_137 : vector<16xi32>
        %mul3A_139 = arith.constant 16 : i32
        %mul3A_140 = arith.muli %scan3A_123, %mul3A_139 : i32
        %swap3A_141 = arith.index_cast %mul3A_140 : i32 to index
        %swap3A_142 = tpu.vector_load %arg9[%swap3A_141] {strides = array<i32>} : memref<128xi32, #tpu.memory_space<vmem>>, vector<16xi32>,
        tpu.vector_store %arg9[%swap3A_141], %and3A_138 {strides = array<i32>} : memref<128xi32, #tpu.memory_space<vmem>>, vector<16xi32>,
        %scan3A_143 = arith.constant 0 : i32
        %scan3A_144 = arith.constant 5 : i32
        %mul3A_145 = arith.constant 16 : i32
        %mul3A_146 = arith.muli %scan3A_144, %mul3A_145 : i32
        %add3A_147 = arith.addi %mul3A_40, %mul3A_146 : i32
        %get3A_148 = arith.index_cast %add3A_147 : i32 to index
        %get3A_149 = tpu.vector_load %arg7[%get3A_148] {strides = array<i32>} : memref<2048xi32, #tpu.memory_space<vmem>>, vector<16xi32>,
        %shift_right_arithmetic3A_150 = arith.constant 13 : i32
        %shift_right_arithmetic3A_151 = vector.broadcast %shift_right_arithmetic3A_150 : i32 to vector<16xi32>
        %shift_right_arithmetic3A_152 = arith.shrsi %get3A_149, %shift_right_arithmetic3A_151 : vector<16xi32>
        %mul3A_153 = arith.constant 16 : i32
        %mul3A_154 = arith.muli %scan3A_144, %mul3A_153 : i32
        %swap3A_155 = arith.index_cast %mul3A_154 : i32 to index
        %swap3A_156 = tpu.vector_load %arg8[%swap3A_155] {strides = array<i32>} : memref<128xi32, #tpu.memory_space<vmem>>, vector<16xi32>,
        tpu.vector_store %arg8[%swap3A_155], %shift_right_arithmetic3A_152 {strides = array<i32>} : memref<128xi32, #tpu.memory_space<vmem>>, vector<16xi32>,
        %and3A_157 = arith.constant 8191 : i32
        %and3A_158 = vector.broadcast %and3A_157 : i32 to vector<16xi32>
        %and3A_159 = arith.andi %get3A_149, %and3A_158 : vector<16xi32>
        %mul3A_160 = arith.constant 16 : i32
        %mul3A_161 = arith.muli %scan3A_144, %mul3A_160 : i32
        %swap3A_162 = arith.index_cast %mul3A_161 : i32 to index
        %swap3A_163 = tpu.vector_load %arg9[%swap3A_162] {strides = array<i32>} : memref<128xi32, #tpu.memory_space<vmem>>, vector<16xi32>,
        tpu.vector_store %arg9[%swap3A_162], %and3A_159 {strides = array<i32>} : memref<128xi32, #tpu.memory_space<vmem>>, vector<16xi32>,
        %scan3A_164 = arith.constant 0 : i32
        %scan3A_165 = arith.constant 6 : i32
        %mul3A_166 = arith.constant 16 : i32
        %mul3A_167 = arith.muli %scan3A_165, %mul3A_166 : i32
        %add3A_168 = arith.addi %mul3A_40, %mul3A_167 : i32
        %get3A_169 = arith.index_cast %add3A_168 : i32 to index
        %get3A_170 = tpu.vector_load %arg7[%get3A_169] {strides = array<i32>} : memref<2048xi32, #tpu.memory_space<vmem>>, vector<16xi32>,
        %shift_right_arithmetic3A_171 = arith.constant 13 : i32
        %shift_right_arithmetic3A_172 = vector.broadcast %shift_right_arithmetic3A_171 : i32 to vector<16xi32>
        %shift_right_arithmetic3A_173 = arith.shrsi %get3A_170, %shift_right_arithmetic3A_172 : vector<16xi32>
        %mul3A_174 = arith.constant 16 : i32
        %mul3A_175 = arith.muli %scan3A_165, %mul3A_174 : i32
        %swap3A_176 = arith.index_cast %mul3A_175 : i32 to index
        %swap3A_177 = tpu.vector_load %arg8[%swap3A_176] {strides = array<i32>} : memref<128xi32, #tpu.memory_space<vmem>>, vector<16xi32>,
        tpu.vector_store %arg8[%swap3A_176], %shift_right_arithmetic3A_173 {strides = array<i32>} : memref<128xi32, #tpu.memory_space<vmem>>, vector<16xi32>,
        %and3A_178 = arith.constant 8191 : i32
        %and3A_179 = vector.broadcast %and3A_178 : i32 to vector<16xi32>
        %and3A_180 = arith.andi %get3A_170, %and3A_179 : vector<16xi32>
        %mul3A_181 = arith.constant 16 : i32
        %mul3A_182 = arith.muli %scan3A_165, %mul3A_181 : i32
        %swap3A_183 = arith.index_cast %mul3A_182 : i32 to index
        %swap3A_184 = tpu.vector_load %arg9[%swap3A_183] {strides = array<i32>} : memref<128xi32, #tpu.memory_space<vmem>>, vector<16xi32>,
        tpu.vector_store %arg9[%swap3A_183], %and3A_180 {strides = array<i32>} : memref<128xi32, #tpu.memory_space<vmem>>, vector<16xi32>,
        %scan3A_185 = arith.constant 0 : i32
        %scan3A_186 = arith.constant 7 : i32
        %mul3A_187 = arith.constant 16 : i32
        %mul3A_188 = arith.muli %scan3A_186, %mul3A_187 : i32
        %add3A_189 = arith.addi %mul3A_40, %mul3A_188 : i32
        %get3A_190 = arith.index_cast %add3A_189 : i32 to index
        %get3A_191 = tpu.vector_load %arg7[%get3A_190] {strides = array<i32>} : memref<2048xi32, #tpu.memory_space<vmem>>, vector<16xi32>,
        %shift_right_arithmetic3A_192 = arith.constant 13 : i32
        %shift_right_arithmetic3A_193 = vector.broadcast %shift_right_arithmetic3A_192 : i32 to vector<16xi32>
        %shift_right_arithmetic3A_194 = arith.shrsi %get3A_191, %shift_right_arithmetic3A_193 : vector<16xi32>
        %mul3A_195 = arith.constant 16 : i32
        %mul3A_196 = arith.muli %scan3A_186, %mul3A_195 : i32
        %swap3A_197 = arith.index_cast %mul3A_196 : i32 to index
        %swap3A_198 = tpu.vector_load %arg8[%swap3A_197] {strides = array<i32>} : memref<128xi32, #tpu.memory_space<vmem>>, vector<16xi32>,
        tpu.vector_store %arg8[%swap3A_197], %shift_right_arithmetic3A_194 {strides = array<i32>} : memref<128xi32, #tpu.memory_space<vmem>>, vector<16xi32>,
        %and3A_199 = arith.constant 8191 : i32
        %and3A_200 = vector.broadcast %and3A_199 : i32 to vector<16xi32>
        %and3A_201 = arith.andi %get3A_191, %and3A_200 : vector<16xi32>
        %mul3A_202 = arith.constant 16 : i32
        %mul3A_203 = arith.muli %scan3A_186, %mul3A_202 : i32
        %swap3A_204 = arith.index_cast %mul3A_203 : i32 to index
        %swap3A_205 = tpu.vector_load %arg9[%swap3A_204] {strides = array<i32>} : memref<128xi32, #tpu.memory_space<vmem>>, vector<16xi32>,
        tpu.vector_store %arg9[%swap3A_204], %and3A_201 {strides = array<i32>} : memref<128xi32, #tpu.memory_space<vmem>>, vector<16xi32>,
        %scan3A_206 = arith.constant 0 : i32
        %scan3A_207 = arith.constant 8 : i32
        %dma_start3A = arith.constant 0 : i32
        %dma_start3A_208 = arith.constant 0 : i32
        %dma_start3A_209 = tpu.memref_slice %arg2[%dma_start3A, %dma_start3A_208] : memref<50000x128xf32, #tpu.memory_space<hbm>> -> memref<50000x128xf32, #tpu.memory_space<hbm>>
        tpu.enqueue_indirect_dma source(%dma_start3A_209 : memref<50000x128xf32, #tpu.memory_space<hbm>>) target(%arg10 : memref<128x128xf32, #tpu.memory_space<vmem>>) offsets(%arg8 : memref<128xi32, #tpu.memory_space<vmem>>) semaphore(%arg13 : memref<!tpu.dma_semaphore, #tpu.memory_space<semaphore_mem>>)
        %dma_wait3A = arith.constant 0 : i32
        %dma_wait3A_210 = arith.constant 0 : i32
        %dma_wait3A_211 = tpu.memref_slice %arg2[%dma_wait3A, %dma_wait3A_210] : memref<50000x128xf32, #tpu.memory_space<hbm>> -> memref<50000x128xf32, #tpu.memory_space<hbm>>
        tpu.wait_indirect_dma semaphore(%arg13 : memref<!tpu.dma_semaphore, #tpu.memory_space<semaphore_mem>>) src(%dma_wait3A_211 : memref<50000x128xf32, #tpu.memory_space<hbm>>) dst(%arg10 : memref<128x128xf32, #tpu.memory_space<vmem>>)
        "tpu.region"() ({
          %run_scoped3A = tpu.sem_alloc : memref<!tpu.dma_semaphore, #tpu.memory_space<semaphore_mem>>
          %dma_start3A_213 = arith.constant 0 : i32
          %dma_start3A_214 = arith.constant 0 : i32
          %dma_start3A_215 = tpu.memref_slice %arg11[%dma_start3A_213, %dma_start3A_214] : memref<6401x128xf32, #tpu.memory_space<vmem_shared>> -> memref<6401x128xf32, #tpu.memory_space<vmem_shared>>
          tpu.enqueue_indirect_dma source(%arg10 : memref<128x128xf32, #tpu.memory_space<vmem>>) target(%dma_start3A_215 : memref<6401x128xf32, #tpu.memory_space<vmem_shared>>) offsets(%arg9 : memref<128xi32, #tpu.memory_space<vmem>>) semaphore(%run_scoped3A : memref<!tpu.dma_semaphore, #tpu.memory_space<semaphore_mem>>) {add = true}
          %dma_wait3A_216 = arith.constant 0 : i32
          %dma_wait3A_217 = arith.constant 0 : i32
          %dma_wait3A_218 = tpu.memref_slice %arg11[%dma_wait3A_216, %dma_wait3A_217] : memref<6401x128xf32, #tpu.memory_space<vmem_shared>> -> memref<6401x128xf32, #tpu.memory_space<vmem_shared>>
          tpu.wait_indirect_dma semaphore(%run_scoped3A : memref<!tpu.dma_semaphore, #tpu.memory_space<semaphore_mem>>) src(%arg10 : memref<128x128xf32, #tpu.memory_space<vmem>>) dst(%dma_wait3A_218 : memref<6401x128xf32, #tpu.memory_space<vmem_shared>>)
          tpu.yield
        }) : () -> ()
        %while3A_212 = arith.constant 0 : i32
        scf.yield %while3A_212 : i32
      }
      %barrier3A_23 = arith.constant 0 : index
      tpu.barrier barrier_id(%barrier3A_23)
      %mul3A_24 = arith.constant 400 : i32
      %mul3A_25 = arith.muli %arg1, %mul3A_24 : i32
      %mul3A_26 = arith.constant 6400 : i32
      %mul3A_27 = arith.muli %add3A, %mul3A_26 : i32
      %mul3A_28 = arith.constant 400 : i32
      %mul3A_29 = arith.muli %arg1, %mul3A_28 : i32
      %add3A_30 = arith.addi %mul3A_27, %mul3A_29 : i32
      "tpu.region"() ({
        %run_scoped3A = tpu.sem_alloc : memref<!tpu.dma_semaphore, #tpu.memory_space<semaphore_mem>>
        %dma_start3A = arith.constant 0 : i32
        %dma_start3A_32 = tpu.memref_slice %arg6[%add3A_30, %dma_start3A] : memref<51200x128xf32, #tpu.memory_space<hbm>> -> memref<400x128xf32, #tpu.memory_space<hbm>>
        %dma_start3A_33 = arith.constant 0 : i32
        %dma_start3A_34 = tpu.memref_slice %arg11[%mul3A_25, %dma_start3A_33] : memref<6401x128xf32, #tpu.memory_space<vmem_shared>> -> memref<400x128xf32, #tpu.memory_space<vmem_shared>>
        tpu.enqueue_dma source(%dma_start3A_34 : memref<400x128xf32, #tpu.memory_space<vmem_shared>>) target(%dma_start3A_32 : memref<400x128xf32, #tpu.memory_space<hbm>>) target_semaphore(%run_scoped3A : memref<!tpu.dma_semaphore, #tpu.memory_space<semaphore_mem>>)
        %dma_wait3A = arith.constant 0 : i32
        %dma_wait3A_35 = tpu.memref_slice %arg6[%add3A_30, %dma_wait3A] : memref<51200x128xf32, #tpu.memory_space<hbm>> -> memref<400x128xf32, #tpu.memory_space<hbm>>
        %dma_wait3A_36 = arith.constant 0 : i32
        %dma_wait3A_37 = tpu.memref_slice %arg11[%mul3A_25, %dma_wait3A_36] : memref<6401x128xf32, #tpu.memory_space<vmem_shared>> -> memref<400x128xf32, #tpu.memory_space<vmem_shared>>
        tpu.wait_dma2 semaphore(%run_scoped3A : memref<!tpu.dma_semaphore, #tpu.memory_space<semaphore_mem>>) src(%dma_wait3A_37 : memref<400x128xf32, #tpu.memory_space<vmem_shared>>) dst(%dma_wait3A_35 : memref<400x128xf32, #tpu.memory_space<hbm>>)
        tpu.yield
      }) : () -> ()
      %scan3A_31 = arith.constant 0 : i32
      scf.yield %scan3A_31 : i32
    }
    %scan3A_5 = arith.constant 4 : i32
    return
  }
}

module attributes {stable_mosaic.version = 14 : i64} {
  func.func @_clip_aug_body(%arg0: i32, %arg1: memref<400x100xf32, #tpu.memory_space<vmem>>, %arg2: memref<400x104xf32, #tpu.memory_space<vmem>>) attributes {dimension_semantics = [#tpu.dimension_semantics<arbitrary>], iteration_bounds = array<i64: 125>, scalar_prefetch = 0 : i64, scratch_operands = 0 : i64, tpu.core_type = #tpu.core_type<tc>, window_params = [{transform_indices = @transform_0, window_bounds = array<i64: 400, 100>}, {transform_indices = @transform_1, window_bounds = array<i64: 400, 104>}]} {
    %get3A = arith.constant 0 : index
    %get3A_0 = arith.constant 0 : index
    %get3A_1 = vector.load %arg1[%get3A, %get3A_0] : memref<400x100xf32, #tpu.memory_space<vmem>>, vector<400x100xf32>
    %jit3A = arith.constant -4.000000e-01 : f32
    %jit3A_2 = arith.constant 4.000000e-01 : f32
    %max3A = vector.broadcast %jit3A : f32 to vector<400x100xf32>
    %max3A_3 = arith.maximumf %max3A, %get3A_1 : vector<400x100xf32>
    %min3A = vector.broadcast %jit3A_2 : f32 to vector<400x100xf32>
    %min3A_4 = arith.minimumf %min3A, %max3A_3 : vector<400x100xf32>
    %broadcast_in_dim3A = arith.constant 1.000000e+00 : f32
    %broadcast_in_dim3A_5 = vector.broadcast %broadcast_in_dim3A : f32 to vector<400x1xf32>
    %broadcast_in_dim3A_6 = arith.constant 0.000000e+00 : f32
    %broadcast_in_dim3A_7 = vector.broadcast %broadcast_in_dim3A_6 : f32 to vector<400x3xf32>
    %concatenate3A = tpu.concatenate %min3A_4, %broadcast_in_dim3A_5, %broadcast_in_dim3A_7 in 1 : vector<400x100xf32>, vector<400x1xf32>, vector<400x3xf32> -> vector<400x104xf32>
    %swap3A = arith.constant 0 : index
    %swap3A_8 = arith.constant 0 : index
    %swap3A_9 = vector.load %arg2[%swap3A, %swap3A_8] : memref<400x104xf32, #tpu.memory_space<vmem>>, vector<400x104xf32>
    tpu.vector_store %arg2[%swap3A, %swap3A_8], %concatenate3A {strides = array<i32>} : memref<400x104xf32, #tpu.memory_space<vmem>>, vector<400x104xf32>,
    return
  }
  func.func @transform_0(%arg0: i32) -> (i32, i32) {
    %c0_i32 = arith.constant 0 : i32
    %c0_i32_0 = arith.constant 0 : i32
    return %arg0, %c0_i32 : i32, i32
  }
  func.func @transform_1(%arg0: i32) -> (i32, i32) {
    %c0_i32 = arith.constant 0 : i32
    %c0_i32_0 = arith.constant 0 : i32
    return %arg0, %c0_i32 : i32, i32
  }
}

module attributes {stable_mosaic.version = 14 : i64} {
  func.func @_layer1_body(%arg0: i32, %arg1: memref<400x104xf32, #tpu.memory_space<vmem>>, %arg2: memref<400x104xf32, #tpu.memory_space<vmem>>, %arg3: memref<200x100xf32, #tpu.memory_space<vmem>>, %arg4: memref<1x200xf32, #tpu.memory_space<vmem>>, %arg5: memref<200x100xf32, #tpu.memory_space<vmem>>, %arg6: memref<128x200xf32, #tpu.memory_space<vmem>>, %arg7: memref<400x200xf32, #tpu.memory_space<vmem>>, %arg8: memref<400x1xf32, #tpu.memory_space<vmem>>, %arg9: memref<400x128xf32, #tpu.memory_space<vmem>>) attributes {dimension_semantics = [#tpu.dimension_semantics<arbitrary>], iteration_bounds = array<i64: 125>, scalar_prefetch = 0 : i64, scratch_operands = 0 : i64, tpu.core_type = #tpu.core_type<tc>, window_params = [{transform_indices = @transform_0, window_bounds = array<i64: 400, 104>}, {transform_indices = @transform_1, window_bounds = array<i64: 400, 104>}, {pipeline_mode = #tpu.pipeline_mode<synchronous>, transform_indices = @transform_2, window_bounds = array<i64: 200, 100>}, {pipeline_mode = #tpu.pipeline_mode<synchronous>, transform_indices = @transform_3, window_bounds = array<i64: 1, 200>}, {pipeline_mode = #tpu.pipeline_mode<synchronous>, transform_indices = @transform_4, window_bounds = array<i64: 200, 100>}, {pipeline_mode = #tpu.pipeline_mode<synchronous>, transform_indices = @transform_5, window_bounds = array<i64: 128, 200>}, {transform_indices = @transform_6, window_bounds = array<i64: 400, 200>}, {transform_indices = @transform_7, window_bounds = array<i64: 400, 1>}, {transform_indices = @transform_8, window_bounds = array<i64: 400, 128>}]} {
    %get3A = arith.constant 0 : index
    %get3A_0 = arith.constant 100 : index
    %get3A_1 = vector.load %arg1[%get3A, %get3A_0] : memref<400x104xf32, #tpu.memory_space<vmem>>, vector<400x1xf32>
    %max3A = arith.constant 1.000000e+00 : f32
    %max3A_2 = vector.broadcast %max3A : f32 to vector<400x1xf32>
    %max3A_3 = arith.maximumf %get3A_1, %max3A_2 : vector<400x1xf32>
    %div3A = arith.constant 1.000000e+00 : f32
    %div3A_4 = vector.broadcast %div3A : f32 to vector<400x1xf32>
    %div3A_5 = arith.divf %div3A_4, %max3A_3 : vector<400x1xf32>
    %get3A_6 = arith.constant 0 : index
    %get3A_7 = arith.constant 0 : index
    %get3A_8 = vector.load %arg1[%get3A_6, %get3A_7] : memref<400x104xf32, #tpu.memory_space<vmem>>, vector<400x100xf32>
    %mul3A = vector.broadcast %div3A_5 : vector<400x1xf32> to vector<400x100xf32>
    %mul3A_9 = arith.mulf %get3A_8, %mul3A : vector<400x100xf32>
    %get3A_10 = arith.constant 0 : index
    %get3A_11 = arith.constant 0 : index
    %get3A_12 = vector.load %arg2[%get3A_10, %get3A_11] : memref<400x104xf32, #tpu.memory_space<vmem>>, vector<400x100xf32>
    %get3A_13 = arith.constant 0 : index
    %get3A_14 = arith.constant 0 : index
    %get3A_15 = vector.load %arg3[%get3A_13, %get3A_14] : memref<200x100xf32, #tpu.memory_space<vmem>>, vector<200x100xf32>
    %get3A_16 = arith.constant 0 : index
    %get3A_17 = arith.constant 0 : index
    %get3A_18 = vector.load %arg4[%get3A_16, %get3A_17] : memref<1x200xf32, #tpu.memory_space<vmem>>, vector<1x200xf32>
    %get3A_19 = arith.constant 0 : index
    %get3A_20 = arith.constant 0 : index
    %get3A_21 = vector.load %arg5[%get3A_19, %get3A_20] : memref<200x100xf32, #tpu.memory_space<vmem>>, vector<200x100xf32>
    %dot_general3A = arith.constant dense<0.000000e+00> : vector<400x200xf32>
    %dot_general3A_22 = tpu.matmul %mul3A_9, %get3A_15, %dot_general3A {dimension_numbers = #tpu.dot_dimension_numbers<[1], [1], [0], [0], [0, 0, 1, 0], [], []>, transpose_lhs_hint = false} : vector<400x100xf32>, vector<200x100xf32>, vector<400x200xf32> -> vector<400x200xf32>
    %add3A = vector.broadcast %get3A_18 : vector<1x200xf32> to vector<400x200xf32>
    %add3A_23 = arith.addf %dot_general3A_22, %add3A : vector<400x200xf32>
    %dot_general3A_24 = arith.constant dense<0.000000e+00> : vector<400x200xf32>
    %dot_general3A_25 = tpu.matmul %get3A_12, %get3A_21, %dot_general3A_24 {dimension_numbers = #tpu.dot_dimension_numbers<[1], [1], [0], [0], [0, 0, 1, 0], [], []>, transpose_lhs_hint = false} : vector<400x100xf32>, vector<200x100xf32>, vector<400x200xf32> -> vector<400x200xf32>
    %add3A_26 = arith.addf %add3A_23, %dot_general3A_25 : vector<400x200xf32>
    %mul3A_27 = arith.mulf %add3A_26, %add3A_26 : vector<400x200xf32>
    %reduce_sum3A = arith.constant dense<0.000000e+00> : vector<400xf32>
    %reduce_sum3A_28 = vector.multi_reduction <add>, %mul3A_27, %reduce_sum3A [1] : vector<400x200xf32> to vector<400xf32>
    %broadcast_in_dim3A = vector.shape_cast %reduce_sum3A_28 : vector<400xf32> to vector<400x1xf32>
    %sqrt3A = math.sqrt %broadcast_in_dim3A : vector<400x1xf32>
    %max3A_29 = arith.constant 9.99999996E-13 : f32
    %max3A_30 = vector.broadcast %max3A_29 : f32 to vector<400x1xf32>
    %max3A_31 = arith.maximumf %sqrt3A, %max3A_30 : vector<400x1xf32>
    %div3A_32 = vector.broadcast %max3A_31 : vector<400x1xf32> to vector<400x200xf32>
    %div3A_33 = arith.divf %add3A_26, %div3A_32 : vector<400x200xf32>
    %max3A_34 = arith.constant 0.000000e+00 : f32
    %max3A_35 = vector.broadcast %max3A_34 : f32 to vector<400x200xf32>
    %max3A_36 = arith.maximumf %div3A_33, %max3A_35 : vector<400x200xf32>
    %swap3A = arith.constant 0 : index
    %swap3A_37 = arith.constant 0 : index
    %swap3A_38 = vector.load %arg7[%swap3A, %swap3A_37] : memref<400x200xf32, #tpu.memory_space<vmem>>, vector<400x200xf32>
    tpu.vector_store %arg7[%swap3A, %swap3A_37], %max3A_36 {strides = array<i32>} : memref<400x200xf32, #tpu.memory_space<vmem>>, vector<400x200xf32>,
    %swap3A_39 = arith.constant 0 : index
    %swap3A_40 = arith.constant 0 : index
    %swap3A_41 = vector.load %arg8[%swap3A_39, %swap3A_40] : memref<400x1xf32, #tpu.memory_space<vmem>>, vector<400x1xf32>
    tpu.vector_store %arg8[%swap3A_39, %swap3A_40], %div3A_5 {strides = array<i32>} : memref<400x1xf32, #tpu.memory_space<vmem>>, vector<400x1xf32>,
    %get3A_42 = arith.constant 0 : index
    %get3A_43 = arith.constant 0 : index
    %get3A_44 = vector.load %arg6[%get3A_42, %get3A_43] : memref<128x200xf32, #tpu.memory_space<vmem>>, vector<128x200xf32>
    %dot_general3A_45 = arith.constant dense<0.000000e+00> : vector<400x128xf32>
    %dot_general3A_46 = tpu.matmul %max3A_36, %get3A_44, %dot_general3A_45 {dimension_numbers = #tpu.dot_dimension_numbers<[1], [1], [0], [0], [0, 0, 1, 0], [], []>, transpose_lhs_hint = false} : vector<400x200xf32>, vector<128x200xf32>, vector<400x128xf32> -> vector<400x128xf32>
    %swap3A_47 = arith.constant 0 : index
    %swap3A_48 = arith.constant 0 : index
    %swap3A_49 = vector.load %arg9[%swap3A_47, %swap3A_48] : memref<400x128xf32, #tpu.memory_space<vmem>>, vector<400x128xf32>
    tpu.vector_store %arg9[%swap3A_47, %swap3A_48], %dot_general3A_46 {strides = array<i32>} : memref<400x128xf32, #tpu.memory_space<vmem>>, vector<400x128xf32>,
    return
  }
  func.func @transform_0(%arg0: i32) -> (i32, i32) {
    %c0_i32 = arith.constant 0 : i32
    %c0_i32_0 = arith.constant 0 : i32
    return %arg0, %c0_i32 : i32, i32
  }
  func.func @transform_1(%arg0: i32) -> (i32, i32) {
    %c0_i32 = arith.constant 0 : i32
    %c0_i32_0 = arith.constant 0 : i32
    return %arg0, %c0_i32 : i32, i32
  }
  func.func @transform_2(%arg0: i32) -> (i32, i32) {
    %c0_i32 = arith.constant 0 : i32
    %c0_i32_0 = arith.constant 0 : i32
    %c0_i32_1 = arith.constant 0 : i32
    return %c0_i32, %c0_i32_0 : i32, i32
  }
  func.func @transform_3(%arg0: i32) -> (i32, i32) {
    %c0_i32 = arith.constant 0 : i32
    %c0_i32_0 = arith.constant 0 : i32
    %c0_i32_1 = arith.constant 0 : i32
    return %c0_i32, %c0_i32_0 : i32, i32
  }
  func.func @transform_4(%arg0: i32) -> (i32, i32) {
    %c0_i32 = arith.constant 0 : i32
    %c0_i32_0 = arith.constant 0 : i32
    %c0_i32_1 = arith.constant 0 : i32
    return %c0_i32, %c0_i32_0 : i32, i32
  }
  func.func @transform_5(%arg0: i32) -> (i32, i32) {
    %c0_i32 = arith.constant 0 : i32
    %c0_i32_0 = arith.constant 0 : i32
    %c0_i32_1 = arith.constant 0 : i32
    return %c0_i32, %c0_i32_0 : i32, i32
  }
  func.func @transform_6(%arg0: i32) -> (i32, i32) {
    %c0_i32 = arith.constant 0 : i32
    %c0_i32_0 = arith.constant 0 : i32
    return %arg0, %c0_i32 : i32, i32
  }
  func.func @transform_7(%arg0: i32) -> (i32, i32) {
    %c0_i32 = arith.constant 0 : i32
    %c0_i32_0 = arith.constant 0 : i32
    return %arg0, %c0_i32 : i32, i32
  }
  func.func @transform_8(%arg0: i32) -> (i32, i32) {
    %c0_i32 = arith.constant 0 : i32
    %c0_i32_0 = arith.constant 0 : i32
    return %arg0, %c0_i32 : i32, i32
  }
}

module attributes {stable_mosaic.version = 14 : i64} {
  func.func @_layer2_body(%arg0: i32, %arg1: memref<400x128xf32, #tpu.memory_space<vmem>>, %arg2: memref<400x200xf32, #tpu.memory_space<vmem>>, %arg3: memref<400x1xf32, #tpu.memory_space<vmem>>, %arg4: memref<1x128xf32, #tpu.memory_space<vmem>>, %arg5: memref<128x200xf32, #tpu.memory_space<vmem>>, %arg6: memref<400x128xf32, #tpu.memory_space<vmem>>) attributes {dimension_semantics = [#tpu.dimension_semantics<arbitrary>], iteration_bounds = array<i64: 125>, scalar_prefetch = 0 : i64, scratch_operands = 0 : i64, tpu.core_type = #tpu.core_type<tc>, window_params = [{transform_indices = @transform_0, window_bounds = array<i64: 400, 128>}, {transform_indices = @transform_1, window_bounds = array<i64: 400, 200>}, {transform_indices = @transform_2, window_bounds = array<i64: 400, 1>}, {pipeline_mode = #tpu.pipeline_mode<synchronous>, transform_indices = @transform_3, window_bounds = array<i64: 1, 128>}, {pipeline_mode = #tpu.pipeline_mode<synchronous>, transform_indices = @transform_4, window_bounds = array<i64: 128, 200>}, {transform_indices = @transform_5, window_bounds = array<i64: 400, 128>}]} {
    %get3A = arith.constant 0 : index
    %get3A_0 = arith.constant 0 : index
    %get3A_1 = vector.load %arg1[%get3A, %get3A_0] : memref<400x128xf32, #tpu.memory_space<vmem>>, vector<400x128xf32>
    %get3A_2 = arith.constant 0 : index
    %get3A_3 = arith.constant 0 : index
    %get3A_4 = vector.load %arg3[%get3A_2, %get3A_3] : memref<400x1xf32, #tpu.memory_space<vmem>>, vector<400x1xf32>
    %mul3A = vector.broadcast %get3A_4 : vector<400x1xf32> to vector<400x128xf32>
    %mul3A_5 = arith.mulf %get3A_1, %mul3A : vector<400x128xf32>
    %get3A_6 = arith.constant 0 : index
    %get3A_7 = arith.constant 0 : index
    %get3A_8 = vector.load %arg4[%get3A_6, %get3A_7] : memref<1x128xf32, #tpu.memory_space<vmem>>, vector<1x128xf32>
    %add3A = vector.broadcast %get3A_8 : vector<1x128xf32> to vector<400x128xf32>
    %add3A_9 = arith.addf %mul3A_5, %add3A : vector<400x128xf32>
    %get3A_10 = arith.constant 0 : index
    %get3A_11 = arith.constant 0 : index
    %get3A_12 = vector.load %arg2[%get3A_10, %get3A_11] : memref<400x200xf32, #tpu.memory_space<vmem>>, vector<400x200xf32>
    %get3A_13 = arith.constant 0 : index
    %get3A_14 = arith.constant 0 : index
    %get3A_15 = vector.load %arg5[%get3A_13, %get3A_14] : memref<128x200xf32, #tpu.memory_space<vmem>>, vector<128x200xf32>
    %dot_general3A = arith.constant dense<0.000000e+00> : vector<400x128xf32>
    %dot_general3A_16 = tpu.matmul %get3A_12, %get3A_15, %dot_general3A {dimension_numbers = #tpu.dot_dimension_numbers<[1], [1], [0], [0], [0, 0, 1, 0], [], []>, transpose_lhs_hint = false} : vector<400x200xf32>, vector<128x200xf32>, vector<400x128xf32> -> vector<400x128xf32>
    %add3A_17 = arith.addf %add3A_9, %dot_general3A_16 : vector<400x128xf32>
    %mul3A_18 = arith.mulf %add3A_17, %add3A_17 : vector<400x128xf32>
    %reduce_sum3A = arith.constant dense<0.000000e+00> : vector<400xf32>
    %reduce_sum3A_19 = vector.multi_reduction <add>, %mul3A_18, %reduce_sum3A [1] : vector<400x128xf32> to vector<400xf32>
    %broadcast_in_dim3A = vector.shape_cast %reduce_sum3A_19 : vector<400xf32> to vector<400x1xf32>
    %sqrt3A = math.sqrt %broadcast_in_dim3A : vector<400x1xf32>
    %max3A = arith.constant 9.99999996E-13 : f32
    %max3A_20 = vector.broadcast %max3A : f32 to vector<400x1xf32>
    %max3A_21 = arith.maximumf %sqrt3A, %max3A_20 : vector<400x1xf32>
    %div3A = vector.broadcast %max3A_21 : vector<400x1xf32> to vector<400x128xf32>
    %div3A_22 = arith.divf %add3A_17, %div3A : vector<400x128xf32>
    %max3A_23 = arith.constant 0.000000e+00 : f32
    %max3A_24 = vector.broadcast %max3A_23 : f32 to vector<400x128xf32>
    %max3A_25 = arith.maximumf %div3A_22, %max3A_24 : vector<400x128xf32>
    %swap3A = arith.constant 0 : index
    %swap3A_26 = arith.constant 0 : index
    %swap3A_27 = vector.load %arg6[%swap3A, %swap3A_26] : memref<400x128xf32, #tpu.memory_space<vmem>>, vector<400x128xf32>
    tpu.vector_store %arg6[%swap3A, %swap3A_26], %max3A_25 {strides = array<i32>} : memref<400x128xf32, #tpu.memory_space<vmem>>, vector<400x128xf32>,
    return
  }
  func.func @transform_0(%arg0: i32) -> (i32, i32) {
    %c0_i32 = arith.constant 0 : i32
    %c0_i32_0 = arith.constant 0 : i32
    return %arg0, %c0_i32 : i32, i32
  }
  func.func @transform_1(%arg0: i32) -> (i32, i32) {
    %c0_i32 = arith.constant 0 : i32
    %c0_i32_0 = arith.constant 0 : i32
    return %arg0, %c0_i32 : i32, i32
  }
  func.func @transform_2(%arg0: i32) -> (i32, i32) {
    %c0_i32 = arith.constant 0 : i32
    %c0_i32_0 = arith.constant 0 : i32
    return %arg0, %c0_i32 : i32, i32
  }
  func.func @transform_3(%arg0: i32) -> (i32, i32) {
    %c0_i32 = arith.constant 0 : i32
    %c0_i32_0 = arith.constant 0 : i32
    %c0_i32_1 = arith.constant 0 : i32
    return %c0_i32, %c0_i32_0 : i32, i32
  }
  func.func @transform_4(%arg0: i32) -> (i32, i32) {
    %c0_i32 = arith.constant 0 : i32
    %c0_i32_0 = arith.constant 0 : i32
    %c0_i32_1 = arith.constant 0 : i32
    return %c0_i32, %c0_i32_0 : i32, i32
  }
  func.func @transform_5(%arg0: i32) -> (i32, i32) {
    %c0_i32 = arith.constant 0 : i32
    %c0_i32_0 = arith.constant 0 : i32
    return %arg0, %c0_i32 : i32, i32
  }
}

module attributes {stable_mosaic.version = 14 : i64} {
  func.func @_layer3_head_body(%arg0: i32, %arg1: memref<400x128xf32, #tpu.memory_space<vmem>>, %arg2: memref<400x128xf32, #tpu.memory_space<vmem>>, %arg3: memref<400x1xf32, #tpu.memory_space<vmem>>, %arg4: memref<128x128xf32, #tpu.memory_space<vmem>>, %arg5: memref<1x128xf32, #tpu.memory_space<vmem>>, %arg6: memref<128x128xf32, #tpu.memory_space<vmem>>, %arg7: memref<128x128xf32, #tpu.memory_space<vmem>>, %arg8: memref<1x128xf32, #tpu.memory_space<vmem>>, %arg9: memref<256x128xf32, #tpu.memory_space<vmem>>, %arg10: memref<1x256xf32, #tpu.memory_space<vmem>>, %arg11: memref<1x256xf32, #tpu.memory_space<vmem>>, %arg12: memref<1x256xf32, #tpu.memory_space<vmem>>, %arg13: memref<19x256xf32, #tpu.memory_space<vmem>>, %arg14: memref<1x19xf32, #tpu.memory_space<vmem>>, %arg15: memref<400x19xf32, #tpu.memory_space<vmem>>) attributes {dimension_semantics = [#tpu.dimension_semantics<arbitrary>], iteration_bounds = array<i64: 125>, scalar_prefetch = 0 : i64, scratch_operands = 0 : i64, tpu.core_type = #tpu.core_type<tc>, window_params = [{transform_indices = @transform_0, window_bounds = array<i64: 400, 128>}, {transform_indices = @transform_1, window_bounds = array<i64: 400, 128>}, {transform_indices = @transform_2, window_bounds = array<i64: 400, 1>}, {pipeline_mode = #tpu.pipeline_mode<synchronous>, transform_indices = @transform_3, window_bounds = array<i64: 128, 128>}, {pipeline_mode = #tpu.pipeline_mode<synchronous>, transform_indices = @transform_4, window_bounds = array<i64: 1, 128>}, {pipeline_mode = #tpu.pipeline_mode<synchronous>, transform_indices = @transform_5, window_bounds = array<i64: 128, 128>}, {pipeline_mode = #tpu.pipeline_mode<synchronous>, transform_indices = @transform_6, window_bounds = array<i64: 128, 128>}, {pipeline_mode = #tpu.pipeline_mode<synchronous>, transform_indices = @transform_7, window_bounds = array<i64: 1, 128>}, {pipeline_mode = #tpu.pipeline_mode<synchronous>, transform_indices = @transform_8, window_bounds = array<i64: 256, 128>}, {pipeline_mode = #tpu.pipeline_mode<synchronous>, transform_indices = @transform_9, window_bounds = array<i64: 1, 256>}, {pipeline_mode = #tpu.pipeline_mode<synchronous>, transform_indices = @transform_10, window_bounds = array<i64: 1, 256>}, {pipeline_mode = #tpu.pipeline_mode<synchronous>, transform_indices = @transform_11, window_bounds = array<i64: 1, 256>}, {pipeline_mode = #tpu.pipeline_mode<synchronous>, transform_indices = @transform_12, window_bounds = array<i64: 19, 256>}, {pipeline_mode = #tpu.pipeline_mode<synchronous>, transform_indices = @transform_13, window_bounds = array<i64: 1, 19>}, {transform_indices = @transform_14, window_bounds = array<i64: 400, 19>}]} {
    %get3A = arith.constant 0 : index
    %get3A_0 = arith.constant 0 : index
    %get3A_1 = vector.load %arg1[%get3A, %get3A_0] : memref<400x128xf32, #tpu.memory_space<vmem>>, vector<400x128xf32>
    %get3A_2 = arith.constant 0 : index
    %get3A_3 = arith.constant 0 : index
    %get3A_4 = vector.load %arg3[%get3A_2, %get3A_3] : memref<400x1xf32, #tpu.memory_space<vmem>>, vector<400x1xf32>
    %mul3A = vector.broadcast %get3A_4 : vector<400x1xf32> to vector<400x128xf32>
    %mul3A_5 = arith.mulf %get3A_1, %mul3A : vector<400x128xf32>
    %get3A_6 = arith.constant 0 : index
    %get3A_7 = arith.constant 0 : index
    %get3A_8 = vector.load %arg2[%get3A_6, %get3A_7] : memref<400x128xf32, #tpu.memory_space<vmem>>, vector<400x128xf32>
    %get3A_9 = arith.constant 0 : index
    %get3A_10 = arith.constant 0 : index
    %get3A_11 = vector.load %arg4[%get3A_9, %get3A_10] : memref<128x128xf32, #tpu.memory_space<vmem>>, vector<128x128xf32>
    %get3A_12 = arith.constant 0 : index
    %get3A_13 = arith.constant 0 : index
    %get3A_14 = vector.load %arg5[%get3A_12, %get3A_13] : memref<1x128xf32, #tpu.memory_space<vmem>>, vector<1x128xf32>
    %get3A_15 = arith.constant 0 : index
    %get3A_16 = arith.constant 0 : index
    %get3A_17 = vector.load %arg6[%get3A_15, %get3A_16] : memref<128x128xf32, #tpu.memory_space<vmem>>, vector<128x128xf32>
    %dot_general3A = arith.constant dense<0.000000e+00> : vector<400x128xf32>
    %dot_general3A_18 = tpu.matmul %mul3A_5, %get3A_11, %dot_general3A {dimension_numbers = #tpu.dot_dimension_numbers<[1], [1], [0], [0], [0, 0, 1, 0], [], []>, transpose_lhs_hint = false} : vector<400x128xf32>, vector<128x128xf32>, vector<400x128xf32> -> vector<400x128xf32>
    %add3A = vector.broadcast %get3A_14 : vector<1x128xf32> to vector<400x128xf32>
    %add3A_19 = arith.addf %dot_general3A_18, %add3A : vector<400x128xf32>
    %dot_general3A_20 = arith.constant dense<0.000000e+00> : vector<400x128xf32>
    %dot_general3A_21 = tpu.matmul %get3A_8, %get3A_17, %dot_general3A_20 {dimension_numbers = #tpu.dot_dimension_numbers<[1], [1], [0], [0], [0, 0, 1, 0], [], []>, transpose_lhs_hint = false} : vector<400x128xf32>, vector<128x128xf32>, vector<400x128xf32> -> vector<400x128xf32>
    %add3A_22 = arith.addf %add3A_19, %dot_general3A_21 : vector<400x128xf32>
    %mul3A_23 = arith.mulf %add3A_22, %add3A_22 : vector<400x128xf32>
    %reduce_sum3A = arith.constant dense<0.000000e+00> : vector<400xf32>
    %reduce_sum3A_24 = vector.multi_reduction <add>, %mul3A_23, %reduce_sum3A [1] : vector<400x128xf32> to vector<400xf32>
    %broadcast_in_dim3A = vector.shape_cast %reduce_sum3A_24 : vector<400xf32> to vector<400x1xf32>
    %sqrt3A = math.sqrt %broadcast_in_dim3A : vector<400x1xf32>
    %max3A = arith.constant 9.99999996E-13 : f32
    %max3A_25 = vector.broadcast %max3A : f32 to vector<400x1xf32>
    %max3A_26 = arith.maximumf %sqrt3A, %max3A_25 : vector<400x1xf32>
    %div3A = vector.broadcast %max3A_26 : vector<400x1xf32> to vector<400x128xf32>
    %div3A_27 = arith.divf %add3A_22, %div3A : vector<400x128xf32>
    %max3A_28 = arith.constant 0.000000e+00 : f32
    %max3A_29 = vector.broadcast %max3A_28 : f32 to vector<400x128xf32>
    %max3A_30 = arith.maximumf %div3A_27, %max3A_29 : vector<400x128xf32>
    %get3A_31 = arith.constant 0 : index
    %get3A_32 = arith.constant 0 : index
    %get3A_33 = vector.load %arg7[%get3A_31, %get3A_32] : memref<128x128xf32, #tpu.memory_space<vmem>>, vector<128x128xf32>
    %dot_general3A_34 = arith.constant dense<0.000000e+00> : vector<400x128xf32>
    %dot_general3A_35 = tpu.matmul %max3A_30, %get3A_33, %dot_general3A_34 {dimension_numbers = #tpu.dot_dimension_numbers<[1], [1], [0], [0], [0, 0, 1, 0], [], []>, transpose_lhs_hint = false} : vector<400x128xf32>, vector<128x128xf32>, vector<400x128xf32> -> vector<400x128xf32>
    %get3A_36 = arith.constant 0 : index
    %get3A_37 = arith.constant 0 : index
    %get3A_38 = vector.load %arg8[%get3A_36, %get3A_37] : memref<1x128xf32, #tpu.memory_space<vmem>>, vector<1x128xf32>
    %add3A_39 = vector.broadcast %get3A_38 : vector<1x128xf32> to vector<400x128xf32>
    %add3A_40 = arith.addf %dot_general3A_35, %add3A_39 : vector<400x128xf32>
    %max3A_41 = arith.constant 0.000000e+00 : f32
    %max3A_42 = vector.broadcast %max3A_41 : f32 to vector<400x128xf32>
    %max3A_43 = arith.maximumf %add3A_40, %max3A_42 : vector<400x128xf32>
    %get3A_44 = arith.constant 0 : index
    %get3A_45 = arith.constant 0 : index
    %get3A_46 = vector.load %arg9[%get3A_44, %get3A_45] : memref<256x128xf32, #tpu.memory_space<vmem>>, vector<256x128xf32>
    %dot_general3A_47 = arith.constant dense<0.000000e+00> : vector<400x256xf32>
    %dot_general3A_48 = tpu.matmul %max3A_43, %get3A_46, %dot_general3A_47 {dimension_numbers = #tpu.dot_dimension_numbers<[1], [1], [0], [0], [0, 0, 1, 0], [], []>, transpose_lhs_hint = false} : vector<400x128xf32>, vector<256x128xf32>, vector<400x256xf32> -> vector<400x256xf32>
    %get3A_49 = arith.constant 0 : index
    %get3A_50 = arith.constant 0 : index
    %get3A_51 = vector.load %arg10[%get3A_49, %get3A_50] : memref<1x256xf32, #tpu.memory_space<vmem>>, vector<1x256xf32>
    %add3A_52 = vector.broadcast %get3A_51 : vector<1x256xf32> to vector<400x256xf32>
    %add3A_53 = arith.addf %dot_general3A_48, %add3A_52 : vector<400x256xf32>
    %sqrt3A_54 = arith.constant 1.000010e+00 : f32
    %sqrt3A_55 = math.sqrt %sqrt3A_54 : f32
    %div3A_56 = vector.broadcast %sqrt3A_55 : f32 to vector<400x256xf32>
    %div3A_57 = arith.divf %add3A_53, %div3A_56 : vector<400x256xf32>
    %get3A_58 = arith.constant 0 : index
    %get3A_59 = arith.constant 0 : index
    %get3A_60 = vector.load %arg11[%get3A_58, %get3A_59] : memref<1x256xf32, #tpu.memory_space<vmem>>, vector<1x256xf32>
    %mul3A_61 = vector.broadcast %get3A_60 : vector<1x256xf32> to vector<400x256xf32>
    %mul3A_62 = arith.mulf %div3A_57, %mul3A_61 : vector<400x256xf32>
    %get3A_63 = arith.constant 0 : index
    %get3A_64 = arith.constant 0 : index
    %get3A_65 = vector.load %arg12[%get3A_63, %get3A_64] : memref<1x256xf32, #tpu.memory_space<vmem>>, vector<1x256xf32>
    %add3A_66 = vector.broadcast %get3A_65 : vector<1x256xf32> to vector<400x256xf32>
    %add3A_67 = arith.addf %mul3A_62, %add3A_66 : vector<400x256xf32>
    %max3A_68 = arith.constant 0.000000e+00 : f32
    %max3A_69 = vector.broadcast %max3A_68 : f32 to vector<400x256xf32>
    %max3A_70 = arith.maximumf %add3A_67, %max3A_69 : vector<400x256xf32>
    %get3A_71 = arith.constant 0 : index
    %get3A_72 = arith.constant 0 : index
    %get3A_73 = vector.load %arg13[%get3A_71, %get3A_72] : memref<19x256xf32, #tpu.memory_space<vmem>>, vector<19x256xf32>
    %dot_general3A_74 = arith.constant dense<0.000000e+00> : vector<400x19xf32>
    %dot_general3A_75 = tpu.matmul %max3A_70, %get3A_73, %dot_general3A_74 {dimension_numbers = #tpu.dot_dimension_numbers<[1], [1], [0], [0], [0, 0, 1, 0], [], []>, transpose_lhs_hint = false} : vector<400x256xf32>, vector<19x256xf32>, vector<400x19xf32> -> vector<400x19xf32>
    %get3A_76 = arith.constant 0 : index
    %get3A_77 = arith.constant 0 : index
    %get3A_78 = vector.load %arg14[%get3A_76, %get3A_77] : memref<1x19xf32, #tpu.memory_space<vmem>>, vector<1x19xf32>
    %add3A_79 = vector.broadcast %get3A_78 : vector<1x19xf32> to vector<400x19xf32>
    %add3A_80 = arith.addf %dot_general3A_75, %add3A_79 : vector<400x19xf32>
    %reduce_max3A = arith.constant dense<0xFF800000> : vector<400xf32>
    %reduce_max3A_81 = vector.multi_reduction <maximumf>, %add3A_80, %reduce_max3A [1] : vector<400x19xf32> to vector<400xf32>
    %broadcast_in_dim3A_82 = vector.shape_cast %reduce_max3A_81 : vector<400xf32> to vector<400x1xf32>
    %sub3A = vector.broadcast %broadcast_in_dim3A_82 : vector<400x1xf32> to vector<400x19xf32>
    %sub3A_83 = arith.subf %add3A_80, %sub3A : vector<400x19xf32>
    %exp3A = math.exp %sub3A_83 : vector<400x19xf32>
    %sub3A_84 = vector.broadcast %broadcast_in_dim3A_82 : vector<400x1xf32> to vector<400x19xf32>
    %sub3A_85 = arith.subf %add3A_80, %sub3A_84 : vector<400x19xf32>
    %reduce_sum3A_86 = arith.constant dense<0.000000e+00> : vector<400xf32>
    %reduce_sum3A_87 = vector.multi_reduction <add>, %exp3A, %reduce_sum3A_86 [1] : vector<400x19xf32> to vector<400xf32>
    %broadcast_in_dim3A_88 = vector.shape_cast %reduce_sum3A_87 : vector<400xf32> to vector<400x1xf32>
    %log3A = math.log %broadcast_in_dim3A_88 : vector<400x1xf32>
    %sub3A_89 = vector.broadcast %log3A : vector<400x1xf32> to vector<400x19xf32>
    %sub3A_90 = arith.subf %sub3A_85, %sub3A_89 : vector<400x19xf32>
    %swap3A = arith.constant 0 : index
    %swap3A_91 = arith.constant 0 : index
    %swap3A_92 = vector.load %arg15[%swap3A, %swap3A_91] : memref<400x19xf32, #tpu.memory_space<vmem>>, vector<400x19xf32>
    tpu.vector_store %arg15[%swap3A, %swap3A_91], %sub3A_90 {strides = array<i32>} : memref<400x19xf32, #tpu.memory_space<vmem>>, vector<400x19xf32>,
    return
  }
  func.func @transform_0(%arg0: i32) -> (i32, i32) {
    %c0_i32 = arith.constant 0 : i32
    %c0_i32_0 = arith.constant 0 : i32
    return %arg0, %c0_i32 : i32, i32
  }
  func.func @transform_1(%arg0: i32) -> (i32, i32) {
    %c0_i32 = arith.constant 0 : i32
    %c0_i32_0 = arith.constant 0 : i32
    return %arg0, %c0_i32 : i32, i32
  }
  func.func @transform_2(%arg0: i32) -> (i32, i32) {
    %c0_i32 = arith.constant 0 : i32
    %c0_i32_0 = arith.constant 0 : i32
    return %arg0, %c0_i32 : i32, i32
  }
  func.func @transform_3(%arg0: i32) -> (i32, i32) {
    %c0_i32 = arith.constant 0 : i32
    %c0_i32_0 = arith.constant 0 : i32
    %c0_i32_1 = arith.constant 0 : i32
    return %c0_i32, %c0_i32_0 : i32, i32
  }
  func.func @transform_4(%arg0: i32) -> (i32, i32) {
    %c0_i32 = arith.constant 0 : i32
    %c0_i32_0 = arith.constant 0 : i32
    %c0_i32_1 = arith.constant 0 : i32
    return %c0_i32, %c0_i32_0 : i32, i32
  }
  func.func @transform_5(%arg0: i32) -> (i32, i32) {
    %c0_i32 = arith.constant 0 : i32
    %c0_i32_0 = arith.constant 0 : i32
    %c0_i32_1 = arith.constant 0 : i32
    return %c0_i32, %c0_i32_0 : i32, i32
  }
  func.func @transform_6(%arg0: i32) -> (i32, i32) {
    %c0_i32 = arith.constant 0 : i32
    %c0_i32_0 = arith.constant 0 : i32
    %c0_i32_1 = arith.constant 0 : i32
    return %c0_i32, %c0_i32_0 : i32, i32
  }
  func.func @transform_7(%arg0: i32) -> (i32, i32) {
    %c0_i32 = arith.constant 0 : i32
    %c0_i32_0 = arith.constant 0 : i32
    %c0_i32_1 = arith.constant 0 : i32
    return %c0_i32, %c0_i32_0 : i32, i32
  }
  func.func @transform_8(%arg0: i32) -> (i32, i32) {
    %c0_i32 = arith.constant 0 : i32
    %c0_i32_0 = arith.constant 0 : i32
    %c0_i32_1 = arith.constant 0 : i32
    return %c0_i32, %c0_i32_0 : i32, i32
  }
  func.func @transform_9(%arg0: i32) -> (i32, i32) {
    %c0_i32 = arith.constant 0 : i32
    %c0_i32_0 = arith.constant 0 : i32
    %c0_i32_1 = arith.constant 0 : i32
    return %c0_i32, %c0_i32_0 : i32, i32
  }
  func.func @transform_10(%arg0: i32) -> (i32, i32) {
    %c0_i32 = arith.constant 0 : i32
    %c0_i32_0 = arith.constant 0 : i32
    %c0_i32_1 = arith.constant 0 : i32
    return %c0_i32, %c0_i32_0 : i32, i32
  }
  func.func @transform_11(%arg0: i32) -> (i32, i32) {
    %c0_i32 = arith.constant 0 : i32
    %c0_i32_0 = arith.constant 0 : i32
    %c0_i32_1 = arith.constant 0 : i32
    return %c0_i32, %c0_i32_0 : i32, i32
  }
  func.func @transform_12(%arg0: i32) -> (i32, i32) {
    %c0_i32 = arith.constant 0 : i32
    %c0_i32_0 = arith.constant 0 : i32
    %c0_i32_1 = arith.constant 0 : i32
    return %c0_i32, %c0_i32_0 : i32, i32
  }
  func.func @transform_13(%arg0: i32) -> (i32, i32) {
    %c0_i32 = arith.constant 0 : i32
    %c0_i32_0 = arith.constant 0 : i32
    %c0_i32_1 = arith.constant 0 : i32
    return %c0_i32, %c0_i32_0 : i32, i32
  }
  func.func @transform_14(%arg0: i32) -> (i32, i32) {
    %c0_i32 = arith.constant 0 : i32
    %c0_i32_0 = arith.constant 0 : i32
    return %arg0, %c0_i32 : i32, i32
  }
}

</mosaic_0001>

<sc_bundles>
// kernel: kernel.12.cloned.1.call-start
scs
__scs_entry_jumppad:
0x0: {  	(pc) =	sbr.rel $0x88, $3  }
0x1: {  	(tag) =	ssettag $0x0;
	lr =	simm.s32 $0x1  }
0x2: {  	[smem:$0x3F8E] =	sst lr;
	_ =	strace $0xD0000000  }
0x3: {  	_ = 	snop  }
0x4: {  	_ = 	snop  }
0x5: {  	_ = 	snop  }
0x6: {  	_ = 	snop  }
0x7: {  	_ = 	snop  }
__scs_overlays_trampoline_lowered:
0x8: {  	[smem:$0x3F9D] =	sst s0  }
0x9: {  	[smem:$0x3F9E] =	sst s1  }
0xa: {  	[smem:$0x3F9F] =	sst s2  }
0xb: {  	[smem:$0x3FA0] =	sst s3  }
0xc: {  	[smem:$0x3FA1] =	sst s4  }
0xd: {  	[smem:$0x3FA2] =	sst s5  }
0xe: {  	[smem:$0x3FA3] =	sst s6  }
0xf: {  	[smem:$0x3FA4] =	sst s7  }
0x10: {  	[smem:$0x3FA5] =	sst s8  }
0x11: {  	[smem:$0x3FA6] =	sst s9;
	s0 =	simm.s32 @!p0 $0x0  }
0x12: {  	s1 =	sld [smem:$0x3F8C];
	s0 =	simm.s32 @p0 $0x1  }
0x13: {  	[smem:$0x3FA7] =	sst s0;
	s0 =	simm.s32 @!p1 $0x0  }
0x14: {  	s2 =	sld [smem:$0x3F8B];
	s0 =	simm.s32 @p1 $0x1  }
0x15: {  	[smem:$0x3FA8] =	sst s0;
	s0 =	simm.s32 @!p2 $0x0  }
0x16: {  	s3 =	sld [smem:$0x3FDB];
	s0 =	simm.s32 @p2 $0x1  }
0x17: {  	s4 =	simm.s32 $0x1BF5;
	[smem:$0x3FAA] =	sst s0  }
0x18: {  	s0 =	sld [smem:$0x3F8D];
	_ =	swait.ge [sflag:s4], $0x0  }
0x19: {  	s7 =	sld [smem:$0x3F8E]  }
0x1a: {  	s8 =	sadd.s32 $0xFFFFE003, lr  }
0x1b: {  	s9 =	sadd.s32 $0xFFFFFEF7, lr;
	s5 =	simm.s32 $0xFFFFFFFF;
	p2 =	slt.u32 s8, $0xFFFFF086  }
0x1c: {  	p1 =	slt.u32 s9, $0xF7A;
	s5 =	simm.s32 @!p2 $0x0  }
0x1d: {  	s5 =	simm.s32 @p1 $0x1;
	p0 =	seq.s32 s7, s2  }
0x1e: {  	s7 =	smul.u32 @!p0 $0xF7A, s2;
	p2 =	seq.s32 @!p0 s5, $0x0  }
0x1f: {  	s9 =	smul.u32 $0xF7A, s1;
	s8 =	simm.s32 @!p0 $0x1BF5;
	p2 =	por !p2, p0  }
0x20: {  	[sflag:s8] =	ssyncset.s32 @!p0 $0xFFFFF086;
	s6 =	sadd.s32 @!p0 s3, s7;
	s7 =	simm.s32 @!p0 $0x108  }
0x21: {  	s3 =	sadd.s32 s3, s9;
	s6 =	sadd.s32 @!p0 $0x88, s6;
	s7 =	simm.s32 @p2 $0x1082  }
0x22: {  	[simem:s7], [sflag:s8] =	dma.local @!p0 [hbm:s6], $0xF7A  }
0x23: {  	s9 =	sor.u32 $0xD0000000, s2;
	s6 =	simm.s32 $0x108;
	_ =	swait.ge @!p0 [sflag:s8], $0x0  }
0x24: {  	s3 =	sadd.s32 $0x88, s3;
	s6 =	simm.s32 @!p1 $0x1082;
	[sflag:s4] =	ssyncset.s32 $0xFFFFF086  }
0x25: {  	[simem:s6], [sflag:s4] =	dma.local [hbm:s3], $0xF7A  }
0x26: {  	[smem:$0x3F8E] =	sst s1;
	(tag) =	ssettag s2;
	_ =	strace s9  }
0x27: {  	s1 =	sld [smem:$0x3F9E]  }
0x28: {  	s2 =	sld [smem:$0x3F9F]  }
0x29: {  	s4 =	sld [smem:$0x3FA1]  }
0x2a: {  	p0 =	seq.s32 s5, $0x0;
	s5 =	sld [smem:$0x3FA2]  }
0x2b: {  	s6 =	sld [smem:$0x3FA3]  }
0x2c: {  	s7 =	sld [smem:$0x3FA4]  }
0x2d: {  	s3 =	simm.s32 $0x108;
	s8 =	sld [smem:$0x3FA5]  }
0x2e: {  	s3 =	simm.s32 @!p0 $0x1082;
	s9 =	sld [smem:$0x3FA6]  }
0x2f: {  	lr =	sadd.s32 s0, s3;
	s0 =	sld [smem:$0x3F9D]  }
0x30: {  	s3 =	sld [smem:$0x3FA0]  }
0x31: {  	[smem:$0x3FA9] =	sst s10  }
0x32: {  	s10 =	sld [smem:$0x3FA7];
	_ =	sdelay $0x3  }
0x33: {  	p0 =	seq.s32 s10, $0x1;
	s10 =	sld [smem:$0x3FA9];
	_ =	sdelay $0x3  }
0x34: {  	[smem:$0x3FA9] =	sst s10  }
0x35: {  	s10 =	sld [smem:$0x3FA8];
	_ =	sdelay $0x3  }
0x36: {  	p1 =	seq.s32 s10, $0x1;
	s10 =	sld [smem:$0x3FA9];
	_ =	sdelay $0x3  }
0x37: {  	[smem:$0x3FA9] =	sst s10  }
0x38: {  	s10 =	sld [smem:$0x3FAA]  }
0x39: {  	_ = 	snop;
	(pc) =	sbr.ind lr, $3  }
0x3a: {  	_ = 	snop  }
0x3b: {  	_ = 	snop  }
0x3c: {  	p2 =	seq.s32 s10, $0x1;
	s10 =	sld [smem:$0x3FA9]  }
0x3d: {  	_ =	shalt  }
0x3e: {  	_ =	shalt  }
0x3f: {  	_ =	shalt  }
0x40: {  	_ =	shalt  }
0x41: {  	_ =	shalt  }
0x42: {  	_ =	shalt  }
0x43: {  	_ =	shalt  }
0x44: {  	_ =	shalt  }
0x45: {  	_ =	shalt  }
0x46: {  	_ =	shalt  }
0x47: {  	_ =	shalt  }
0x48: {  	_ =	shalt  }
0x49: {  	_ =	shalt  }
0x4a: {  	_ =	shalt  }
0x4b: {  	_ =	shalt  }
0x4c: {  	_ =	shalt  }
0x4d: {  	_ =	shalt  }
0x4e: {  	_ =	shalt  }
0x4f: {  	_ =	shalt  }
0x50: {  	_ =	shalt  }
0x51: {  	_ =	shalt  }
0x52: {  	_ =	shalt  }
0x53: {  	_ =	shalt  }
0x54: {  	_ =	shalt  }
0x55: {  	_ =	shalt  }
0x56: {  	_ =	shalt  }
0x57: {  	_ =	shalt  }
0x58: {  	_ =	shalt  }
0x59: {  	_ =	shalt  }
0x5a: {  	_ =	shalt  }
0x5b: {  	_ =	shalt  }
0x5c: {  	_ =	shalt  }
0x5d: {  	_ =	shalt  }
0x5e: {  	_ =	shalt  }
0x5f: {  	_ =	shalt  }
0x60: {  	_ =	shalt  }
0x61: {  	_ =	shalt  }
0x62: {  	_ =	shalt  }
0x63: {  	_ =	shalt  }
0x64: {  	_ =	shalt  }
0x65: {  	_ =	shalt  }
0x66: {  	_ =	shalt  }
0x67: {  	_ =	shalt  }
0x68: {  	_ =	shalt  }
0x69: {  	_ =	shalt  }
0x6a: {  	_ =	shalt  }
0x6b: {  	_ =	shalt  }
0x6c: {  	_ =	shalt  }
0x6d: {  	_ =	shalt  }
0x6e: {  	_ =	shalt  }
0x6f: {  	_ =	shalt  }
0x70: {  	_ =	shalt  }
0x71: {  	_ =	shalt  }
0x72: {  	_ =	shalt  }
0x73: {  	_ =	shalt  }
0x74: {  	_ =	shalt  }
0x75: {  	_ =	shalt  }
0x76: {  	_ =	shalt  }
0x77: {  	_ =	shalt  }
0x78: {  	_ =	shalt  }
0x79: {  	_ =	shalt  }
0x7a: {  	_ =	shalt  }
0x7b: {  	_ =	shalt  }
0x7c: {  	_ =	shalt  }
0x7d: {  	_ =	shalt  }
0x7e: {  	_ =	shalt  }
0x7f: {  	_ =	shalt  }
0x80: {  	_ =	shalt  }
0x81: {  	_ =	shalt  }
0x82: {  	_ =	shalt  }
0x83: {  	_ =	shalt  }
0x84: {  	_ =	shalt  }
0x85: {  	_ =	shalt  }
0x86: {  	_ =	shalt  }
0x87: {  	_ =	shalt  }
.Lfunc_end0:
.L_simem_size_0:
called_computation.1_lowered:
.L_overlay_start_0:
0x88: {  	s2 =	sld [smem:$0x3FD9]  }
0x89: {  	s3 =	sld [smem:$0x3FFE];
	_ =	sdelay $0x1  }
0x8a: {  	s1 =	srdreg.scid  }
0x8b: {  	s0 =	sand.u32 $0x1, s1  }
0x8c: {  	s17 =	sshll.u32 s0, $0xA;
	s2 =	sadd.s32 s3, s2  }
0x8d: {  	s2 =	sadd.s32 s2, s17  }
0x8e: {  	[smem:$0x3FB5] =	sst s2  }
0x8f: {  	_ = 	snop  }
0x90: {  	s2 =	sld [smem:$0x3FD0];
	(tm) =	ssettm $0x1  }
0x91: {  	s18 =	sld [smem:$0x3FFB];
	_ =	sdelay $0x3  }
0x92: {  	_ =	strace s18  }
0x93: {  	s3 =	sld [smem:$0x3FFC];
	_ =	sdelay $0x3  }
0x94: {  	_ =	strace s3  }
0x95: {  	s3 =	sld [smem:$0x3FFD];
	_ =	sdelay $0x3  }
0x96: {  	_ =	strace s3  }
0x97: {  	_ =	strace $0x8FFFFFFF  }
0x98: {  	s19 =	sld [smem:$0x3FDB];
	_ =	sdelay $0x1  }
0x99: {  	s4 =	simm.s32 $_scs_section_size  }
0x9a: {  	s5 =	simm.s32 $_size__tile_overlayer_lowered;
	s6 =	simm.s32 $_tile_overlayer_lowered  }
0x9b: {  	s22 =	simm.s32 $0x1BFF;
	s21 =	sshll.u32 s6, $0x1;
	s3 =	sadd.s32 s4, s19  }
0x9c: {  	s7 =	simm.s32 $0x0;
	s20 =	sshll.u32 s5, $0x1;
	s5 =	sadd.s32 s21, s3  }
0x9d: {  	[timem:s7], [sflag:s22] =	dma.local [hbm:s5], s20  }
0x9e: {  	_ =	swait.ge [sflag:s22], s20  }
0x9f: {  	s4 =	ssub.s32 $0x0, s20;
	[sflag:s22] =	ssyncset.done $0x0  }
0xa0: {  	[sflag:s22] =	ssyncadd.s32 s4;
	_ =	sdelay $0x1  }
0xa1: {  	s23 =	simm.s32 $0x1B8B  }
0xa2: {  	_ =	swait.ge [sflag:s23], $0x1  }
0xa3: {  	[sflag:s23] =	ssyncset.done $0x0  }
0xa4: {  	s25 =	simm.s32 $0x1B8E;
	s24 =	sld [smem:$0x3FFE];
	[sflag:s23] =	ssyncadd.s32 $0xFFFFFFFF  }
0xa5: {  	s26 =	simm.s32 $execute0_lowered;
	[smem:$0x3FD2] =	sst s25  }
0xa6: {  	s5 =	sshll.u32 s26, $0x1;
	_ =	strace $0x80000049;
	[dreg:$0x1] =	wrdreg $0xFFFFFFFF  }
0xa7: {  	s28 =	simm.s32 $_size_execute0_lowered;
	s3 =	sadd.s32 s3, s5;
	[dreg:$0x0] =	wrdreg $0x0  }
0xa8: {  	s5 =	sshll.u32 s28, $0x1;
	[dreg:$0x2] =	wrdreg s3  }
0xa9: {  	[dreg:$0x3] =	wrdreg s5  }
0xaa: {  	[dreg:$0x4] =	wrdreg $0xC0  }
0xab: {  	_ =	task [dreg:s7], $0x5FFFF  }
0xac: {  	[dreg:$0x1] =	wrdreg $0xFFFFFFFF  }
0xad: {  	[dreg:$0x0] =	wrdreg $0x60  }
0xae: {  	[dreg:$0x2] =	wrdreg s24  }
0xaf: {  	[dreg:$0x3] =	wrdreg s2  }
0xb0: {  	[dreg:$0x4] =	wrdreg $0x49000  }
0xb1: {  	[dreg:$0x5] =	wrdreg $0x9  }
0xb2: {  	_ =	task.clear_ibuf [dreg:s7], $0x6FFFF;
	_ =	strace $0x90000049  }
0xb3: {  	s29 =	simm.s32 $0x9;
	_ =	strace $0x8000004B  }
0xb4: {  	_ =	swait.ge [sflag:s29], $0x1  }
0xb5: {  	[sflag:s29] =	ssyncadd.s32 $0xFFFFFFFF  }
0xb6: {  	_ =	strace $0x9000004B  }
0xb7: {  	_ =	sfence  }
0xb8: {  	s30 =	sld [smem:$0x0];
	_ =	sdelay $0x2  }
0xb9: {  	s31 =	sshll.u32 s1, $0xD;
	s1 =	sshrl.u32 s1, $0x2  }
0xba: {  	s3 =	sand.u32 $0x4000, s31;
	s1 =	sadd.s32 s1, s30  }
0xbb: {  	s0 =	sor.u32 s3, s0;
	s1 =	sshll.u32 s1, $0x11  }
0xbc: {  	s0 =	sor.u32 s1, s0  }
0xbd: {  	s0 =	sadd.s32 $0x8F2B, s0  }
0xbe: {  	[sflag:s0] =	ssyncadd.remote.s32 $0x1  }
0xbf: {  	_ =	sfence.sel $0xFFFF  }
0xc0: {  	[dreg:$0x0] =	wrdreg $0xFFFFFFFF;
	(pc) =	sbr.abs _section_cstart, $3  }
0xc1: {  	[dreg:$0x1] =	wrdreg $0xFFFFFFFF  }
0xc2: {  	_ =	task.clear_ibuf [dreg:s7], $0x2FFFF;
	_ =	strace $0x9FFFFFFF  }
0xc3: {  	(tm) =	ssettm $0x7FFFFFFF  }
tec
execute0_lowered:
.L_overlay_start_1:
0x0: {  	(tag) =	ssettag $0x1  }
0x1: {  	s8 =	rddreg [dreg:$0x0]  }
0x2: {  	s1 =	rddreg [dreg:$0x1]  }
0x3: {  	s2 =	rddreg [dreg:$0x2]  }
0x4: {  	s3 =	simm.s32 $0x0;
	s7 =	srdreg.scid;
	s4 =	stileid.u32  }
0x5: {  	s17 =	simm.s32 $0x80;
	s18 =	simm.s32 $0x800;
	s19 =	simm.s32 $0x900  }
0x6: {  	s20 =	simm.s32 $0x1;
	s21 =	simm.s32 $0x880;
	s5 =	sadd.s32 $0x3BFE00, s8  }
0x7: {  	[smem:$0x7FF] =	sst s3;
	s6 =	sadd.s32 $0x22C800, s8;
	s11 =	smul.u32 $0x32000, s4  }
0x8: {  	s7 =	sand.u32 $0x1, s7;
	s9 =	sadd.s32 s4, s8;
	s13 =	smul.u32 $0xD000, s4  }
0x9: {  	s8 =	sadd.s32 $0xBC800, s8;
	s15 =	sshll.u32 s4, $0x6;
	s14 =	smul.u32 $0xD0000, s7  }
.Ltmp0:
0xa: {  	_ =	strace $0x8000004A;
	s10 =	ssub.s32 $0x2, s7;
	(pc) =	sbr.rel .LBB2_1-.Ltmp0, $4  }
0xb: {  	s9 =	sadd.s32 $0xBC600, s9;
	s15 =	sor.u32 $0x1C02, s15;
	s12 =	sshrl.u32 s10, $0x1  }
0xc: {  	s11 =	sshrl.u32 s11, $0x2;
	s12 =	ssub.s32 s10, s12;
	s10 =	smul.u32 $0x190, s4  }
0xd: {  	s16 =	sadd.s32 s11, s2;
	s11 =	smax.u32 s12, $0x1;
	s12 =	sadd.s32 s13, s14  }
0xe: {  	s13 =	simm.s32 $0x11108;
	s14 =	simm.s32 $0x2;
	s16 =	sshrl.u32 s16, $0x3  }
.LBB2_7:
0xf: {  	s3 =	sadd.s32 $0x1, s3  }
0x10: {  	p0 =	sne.s32 s3, s11  }
.Ltmp1:
0x11: {  	_ = 	snop;
	(pc) =	sbr.rel @!p0 .LBB2_8-.Ltmp1, $1  }
0x12: {  	_ =	sdelay $0x3  }
.LBB2_1:
.Ltmp2:
0x13: {  	(pc) =	sbr.rel .LBB2_2-.Ltmp2, $2  }
0x14: {  	_ =	sdelay $0x2  }
0x15: {  	s22 =	smov.u32 s12;
	s23 =	simm.s32 $0x0  }
.LBB2_5:
0x16: {  	[tilespmem:$0x8F0] =	vst v0  }
0x17: {  	[tilespmem:s19], [sflag:$0x1] =	stream.indirect.gather [hbm4b:s5+s17], $0x80, s18, s17, $0xb8;
	[tilespmem:$0x11118] =	vst v63  }
0x18: {  	_ =	swait.ge [sflag:s20], $0x4000  }
0x19: {  	[sflag:s20] =	ssyncset.done $0x0  }
0x1a: {  	[sflag:s20] =	ssyncadd.s32 $0xFFFFC000  }
0x1b: {  	[spmem:s2] =	stream.indirect.scatter.add.f32 [tilespmem:s19], [sflag:$0x2], $0x80, s21, s17, $0xb8;
	[tilespmem:$0x11118] =	vst v63  }
0x1c: {  	_ =	swait.ge [sflag:s14], $0x4000  }
0x1d: {  	[sflag:s14] =	ssyncset.done $0x0  }
0x1e: {  	[sflag:s14] =	ssyncadd.s32 $0xFFFFC000  }
.LBB2_6:
0x1f: {  	s0 =	smul.u32 $0x1900, s24;
	_ =	sdelay $0x1  }
0x20: {  	s23 =	sadd.s32 $0x1, s23;
	s0 =	sadd.s32 s10, s0  }
0x21: {  	p0 =	sne.s32 s23, $0x4;
	s0 =	sshll.u32 s0, $0x4  }
.Ltmp3:
0x22: {  	[bflag:$0x0] =	sbarrier.arrive $0xFFFF;
	s0 =	sadd.s32 s8, s0;
	(pc) =	sbr.rel @!p0 .LBB2_7-.Ltmp3, $4  }
0x23: {  	[hbm:s0], [sflag:s15] =	dma.local [spmem:s16], $0x1900  }
0x24: {  	_ =	swait.ge [sflag:s14], $0x1900  }
0x25: {  	[sflag:s14] =	ssyncset.done $0x0  }
0x26: {  	s22 =	sadd.s32 $0x1A0000, s22;
	[sflag:s14] =	ssyncadd.s32 $0xFFFFE700  }
.LBB2_2:
0x27: {  	s24 =	sshll.u32 s23, $0x1  }
0x28: {  	s24 =	sor.u32 s7, s24  }
0x29: {  	s25 =	sshll.u32 s24, $0x4  }
0x2a: {  	s26 =	simm.s32 $0x0;
	s25 =	sadd.s32 s25, s9  }
0x2b: {  	[tilespmem:s13], [sflag:$0x2] =	stream.linear.gather [hbm4b:s25+s26], $0x8, $0x38;
	[tilespmem:$0x11118] =	vst v63  }
0x2c: {  	_ =	swait.ge [sflag:s14], $0x8  }
0x2d: {  	[sflag:s14] =	ssyncset.done $0x0  }
0x2e: {  	[sflag:s14] =	ssyncadd.s32 $0xFFFFFFF8  }
0x2f: {  	v0 =	vld [tilespmem:$0x11108];
	_ =	sdelay $0x4  }
0x30: {  	(v2sf) =	vpush v0, $0x0;
	_ =	sdelay $0xe  }
0x31: {  	s25 =	spop (v2sf)  }
0x32: {  	[spmem:s16], [sflag:s15] =	dma.local [hbm:s1], $0x1900  }
0x33: {  	p0 =	slt.s32 s25, $0x1  }
.Ltmp4:
0x34: {  	_ =	swait.ge [sflag:s14], $0x1900;
	(pc) =	sbr.rel @p0 .LBB2_6-.Ltmp4, $3  }
0x35: {  	[sflag:s14] =	ssyncset.done $0x0  }
0x36: {  	[sflag:s14] =	ssyncadd.s32 $0xFFFFE700  }
0x37: {  	[bflag:$0x0] =	sbarrier.arrive $0xFFFF;
	_ =	sdelay $0x1  }
0x38: {  	s26 =	sand.u32 $0xF, s26  }
0x39: {  	p0 =	sne.s32 s26, $0x0  }
0x3a: {  	s28 =	sshrl.u32 @!p0 s22, $0x3  }
0x3b: {  	s29 =	simm.s32 @!p0 $0x2;
	s30 =	simm.s32 @!p0 $0x0;
	s28 =	sadd.s32 @!p0 s6, s28  }
0x3c: {  	[tilespmem:s30], [sflag:$0x2] =	stream.linear.gather @!p0 [hbm4b:s28+s30], $0x800, $0x38;
	[tilespmem:$0x11118] =	vst v63  }
0x3d: {  	_ =	swait.ge @!p0 [sflag:s29], $0x800  }
0x3e: {  	[sflag:s29] =	ssyncset.done @!p0 $0x0  }
0x3f: {  	s26 =	sshll.u32 s26, $0x7;
	[sflag:s29] =	ssyncadd.s32 @!p0 $0xFFFFF800  }
0x40: {  	v0 =	vld [tilespmem:s26+$0x0];
	_ =	sdelay $0x4  }
0x41: {  	v1 =	vshra.s32 v0, $0xD  }
0x42: {  	v0 =	vand.u32 $0x1FFF, v0;
	[tilespmem:$0x800] =	vst v1  }
0x43: {  	[tilespmem:$0x880] =	vst v0  }
0x44: {  	v0 =	vld [tilespmem:s26+$0x10];
	_ =	sdelay $0x4  }
0x45: {  	v1 =	vshra.s32 v0, $0xD  }
0x46: {  	v0 =	vand.u32 $0x1FFF, v0;
	[tilespmem:$0x810] =	vst v1  }
0x47: {  	[tilespmem:$0x890] =	vst v0  }
0x48: {  	v0 =	vld [tilespmem:s26+$0x20];
	_ =	sdelay $0x4  }
0x49: {  	v1 =	vshra.s32 v0, $0xD  }
0x4a: {  	v0 =	vand.u32 $0x1FFF, v0;
	[tilespmem:$0x820] =	vst v1  }
0x4b: {  	[tilespmem:$0x8A0] =	vst v0  }
0x4c: {  	v0 =	vld [tilespmem:s26+$0x30];
	_ =	sdelay $0x4  }
0x4d: {  	v1 =	vshra.s32 v0, $0xD  }
0x4e: {  	v0 =	vand.u32 $0x1FFF, v0;
	[tilespmem:$0x830] =	vst v1  }
0x4f: {  	[tilespmem:$0x8B0] =	vst v0  }
0x50: {  	v0 =	vld [tilespmem:s26+$0x40];
	_ =	sdelay $0x4  }
0x51: {  	v1 =	vshra.s32 v0, $0xD  }
0x52: {  	v0 =	vand.u32 $0x1FFF, v0;
	[tilespmem:$0x840] =	vst v1  }
0x53: {  	[tilespmem:$0x8C0] =	vst v0  }
0x54: {  	v0 =	vld [tilespmem:s26+$0x50];
	_ =	sdelay $0x4  }
0x55: {  	v1 =	vshra.s32 v0, $0xD  }
0x56: {  	v0 =	vand.u32 $0x1FFF, v0;
	[tilespmem:$0x850] =	vst v1  }
0x57: {  	[tilespmem:$0x8D0] =	vst v0  }
0x58: {  	v0 =	vld [tilespmem:s26+$0x60];
	_ =	sdelay $0x4  }
0x59: {  	v1 =	vshra.s32 v0, $0xD  }
0x5a: {  	v0 =	vand.u32 $0x1FFF, v0;
	[tilespmem:$0x860] =	vst v1  }
0x5b: {  	[tilespmem:$0x8E0] =	vst v0  }
0x5c: {  	v0 =	vld [tilespmem:s26+$0x70]  }
0x5d: {  	p0 =	sne.s32 s25, $0x1  }
.Ltmp5:
0x5e: {  	_ = 	snop;
	(pc) =	sbr.rel @!p0 .LBB2_5-.Ltmp5, $3  }
0x5f: {  	_ =	sdelay $0x1  }
0x60: {  	v1 =	vshra.s32 v0, $0xD  }
0x61: {  	s28 =	smov.u32 s22;
	s26 =	simm.s32 $0x1;
	v0 =	vand.u32 $0x1FFF, v0;
	[tilespmem:$0x870] =	vst v1  }
.LBB2_4:
0x62: {  	[tilespmem:$0x8F0] =	vst v0;
	s28 =	sadd.s32 $0x80, s28;
	s29 =	smov.u32 s26;
	s26 =	sadd.s32 $0x1, s26  }
0x63: {  	[tilespmem:s19], [sflag:$0x1] =	stream.indirect.gather [hbm4b:s5+s17], $0x80, s18, s17, $0xb8;
	[tilespmem:$0x11118] =	vst v63  }
0x64: {  	p0 =	sne.s32 s25, s26;
	_ =	swait.ge [sflag:s20], $0x4000  }
0x65: {  	[sflag:s20] =	ssyncset.done $0x0  }
0x66: {  	s29 =	sand.u32 $0xF, s29;
	[sflag:s20] =	ssyncadd.s32 $0xFFFFC000  }
0x67: {  	[spmem:s2] =	stream.indirect.scatter.add.f32 [tilespmem:s19], [sflag:$0x2], $0x80, s21, s17, $0xb8;
	[tilespmem:$0x11118] =	vst v63  }
0x68: {  	p1 =	sne.s32 s29, $0x0;
	_ =	swait.ge [sflag:s14], $0x4000  }
0x69: {  	s30 =	sshrl.u32 @!p1 s28, $0x3;
	s31 =	simm.s32 @!p1 $0x2;
	[sflag:s14] =	ssyncset.done $0x0  }
0x6a: {  	s0 =	simm.s32 @!p1 $0x0;
	s30 =	sadd.s32 @!p1 s6, s30;
	[sflag:s14] =	ssyncadd.s32 $0xFFFFC000  }
0x6b: {  	[tilespmem:s0], [sflag:$0x2] =	stream.linear.gather @!p1 [hbm4b:s30+s0], $0x800, $0x38;
	[tilespmem:$0x11118] =	vst v63  }
0x6c: {  	_ =	swait.ge @!p1 [sflag:s31], $0x800  }
0x6d: {  	[sflag:s31] =	ssyncset.done @!p1 $0x0  }
0x6e: {  	s29 =	sshll.u32 s29, $0x7;
	[sflag:s31] =	ssyncadd.s32 @!p1 $0xFFFFF800  }
0x6f: {  	v0 =	vld [tilespmem:s29+$0x0];
	_ =	sdelay $0x4  }
0x70: {  	v1 =	vshra.s32 v0, $0xD;
	v0 =	vand.u32 $0x1FFF, v0  }
0x71: {  	[tilespmem:$0x800] =	vst v1  }
0x72: {  	[tilespmem:$0x880] =	vst v0  }
0x73: {  	v0 =	vld [tilespmem:s29+$0x10];
	_ =	sdelay $0x4  }
0x74: {  	v1 =	vshra.s32 v0, $0xD;
	v0 =	vand.u32 $0x1FFF, v0  }
0x75: {  	[tilespmem:$0x810] =	vst v1  }
0x76: {  	[tilespmem:$0x890] =	vst v0  }
0x77: {  	v0 =	vld [tilespmem:s29+$0x20];
	_ =	sdelay $0x4  }
0x78: {  	v1 =	vshra.s32 v0, $0xD;
	v0 =	vand.u32 $0x1FFF, v0  }
0x79: {  	[tilespmem:$0x820] =	vst v1  }
0x7a: {  	[tilespmem:$0x8A0] =	vst v0  }
0x7b: {  	v0 =	vld [tilespmem:s29+$0x30];
	_ =	sdelay $0x4  }
0x7c: {  	v1 =	vshra.s32 v0, $0xD;
	v0 =	vand.u32 $0x1FFF, v0  }
0x7d: {  	[tilespmem:$0x830] =	vst v1  }
0x7e: {  	[tilespmem:$0x8B0] =	vst v0  }
0x7f: {  	v0 =	vld [tilespmem:s29+$0x40];
	_ =	sdelay $0x4  }
0x80: {  	v1 =	vshra.s32 v0, $0xD;
	v0 =	vand.u32 $0x1FFF, v0  }
0x81: {  	[tilespmem:$0x840] =	vst v1  }
0x82: {  	[tilespmem:$0x8C0] =	vst v0  }
0x83: {  	v0 =	vld [tilespmem:s29+$0x50];
	_ =	sdelay $0x4  }
0x84: {  	v1 =	vshra.s32 v0, $0xD;
	v0 =	vand.u32 $0x1FFF, v0  }
0x85: {  	[tilespmem:$0x850] =	vst v1  }
0x86: {  	[tilespmem:$0x8D0] =	vst v0  }
0x87: {  	v0 =	vld [tilespmem:s29+$0x60];
	_ =	sdelay $0x4  }
0x88: {  	v1 =	vshra.s32 v0, $0xD;
	v0 =	vand.u32 $0x1FFF, v0  }
0x89: {  	[tilespmem:$0x860] =	vst v1  }
0x8a: {  	[tilespmem:$0x8E0] =	vst v0  }
0x8b: {  	v0 =	vld [tilespmem:s29+$0x70];
	_ =	sdelay $0x1  }
.Ltmp6:
0x8c: {  	(pc) =	sbr.rel @p0 .LBB2_4-.Ltmp6, $3  }
0x8d: {  	_ =	sdelay $0x1  }
0x8e: {  	v1 =	vshra.s32 v0, $0xD;
	v0 =	vand.u32 $0x1FFF, v0  }
0x8f: {  	[tilespmem:$0x870] =	vst v1  }
.Ltmp7:
0x90: {  	_ = 	snop;
	(pc) =	sbr.rel .LBB2_5-.Ltmp7, $1  }
0x91: {  	_ =	sdelay $0x3  }
.LBB2_8:
0x92: {  	_ =	sfence.sel $0x180000  }
0x93: {  	[bflag:$0x0] =	sbarrier.arrive $0xFFFF  }
0x94: {  	_ =	strace $0x9000004A  }
0x95: {  	[bflag:$0x2] =	sbarrier.arrive $0xFFFF  }
0x96: {  	p0 =	sne.s32 s4, $0x0;
	s0 =	rddreg [dreg:$0x3]  }
0x97: {  	s0 =	sadd.s32 @!p0 $0x100000, s0  }
0x98: {  	[sflag:s0] =	ssyncadd.tile.s32 @!p0 $0x1;
	_ =	shalt  }
.Lfunc_end2:
_tile_overlayer_lowered:
.L_overlay_start_2:
0x99: {  	(tag) =	ssettag $0x2  }
0x9a: {  	s0 =	rddreg [dreg:$0x0];
	s2 =	stileid.u32  }
0x9b: {  	s1 =	rddreg [dreg:$0x1];
	p0 =	sne.s32 s2, $0x0  }
0x9c: {  	s3 =	rddreg [dreg:$0x2];
	[bflag:$0x3] =	sbarrier.arrive $0xFFFF;
	s2 =	simm.s32 @!p0 $0x1C02  }
0x9d: {  	[timem:s3], [sflag:s2] =	dma.local @!p0 [hbm:s0], s1  }
0x9e: {  	s0 =	simm.s32 @!p0 $0x2  }
0x9f: {  	_ =	swait.ge @!p0 [sflag:s0], s1  }
0xa0: {  	s1 =	ssub.s32 @!p0 $0x0, s1;
	[sflag:s0] =	ssyncset.done @!p0 $0x0  }
0xa1: {  	[sflag:s0] =	ssyncadd.s32 @!p0 s1  }
0xa2: {  	[bflag:$0x3] =	sbarrier.arrive $0xFFFF  }
0xa3: {  	_ =	shalt  }

// kernel: kernel.15.cloned.1.call-start
scs
__scs_entry_jumppad:
0x0: {  	(pc) =	sbr.rel $0x88, $3  }
0x1: {  	(tag) =	ssettag $0x0;
	lr =	simm.s32 $0x1  }
0x2: {  	[smem:$0x3F8E] =	sst lr;
	_ =	strace $0xD0000000  }
0x3: {  	_ = 	snop  }
0x4: {  	_ = 	snop  }
0x5: {  	_ = 	snop  }
0x6: {  	_ = 	snop  }
0x7: {  	_ = 	snop  }
__scs_overlays_trampoline_lowered:
0x8: {  	[smem:$0x3F9D] =	sst s0  }
0x9: {  	[smem:$0x3F9E] =	sst s1  }
0xa: {  	[smem:$0x3F9F] =	sst s2  }
0xb: {  	[smem:$0x3FA0] =	sst s3  }
0xc: {  	[smem:$0x3FA1] =	sst s4  }
0xd: {  	[smem:$0x3FA2] =	sst s5  }
0xe: {  	[smem:$0x3FA3] =	sst s6  }
0xf: {  	[smem:$0x3FA4] =	sst s7  }
0x10: {  	[smem:$0x3FA5] =	sst s8  }
0x11: {  	[smem:$0x3FA6] =	sst s9;
	s0 =	simm.s32 @!p0 $0x0  }
0x12: {  	s1 =	sld [smem:$0x3F8C];
	s0 =	simm.s32 @p0 $0x1  }
0x13: {  	[smem:$0x3FA7] =	sst s0;
	s0 =	simm.s32 @!p1 $0x0  }
0x14: {  	s2 =	sld [smem:$0x3F8B];
	s0 =	simm.s32 @p1 $0x1  }
0x15: {  	[smem:$0x3FA8] =	sst s0;
	s0 =	simm.s32 @!p2 $0x0  }
0x16: {  	s3 =	sld [smem:$0x3FDB];
	s0 =	simm.s32 @p2 $0x1  }
0x17: {  	s4 =	simm.s32 $0x1BF5;
	[smem:$0x3FAA] =	sst s0  }
0x18: {  	s0 =	sld [smem:$0x3F8D];
	_ =	swait.ge [sflag:s4], $0x0  }
0x19: {  	s7 =	sld [smem:$0x3F8E]  }
0x1a: {  	s8 =	sadd.s32 $0xFFFFE003, lr  }
0x1b: {  	s9 =	sadd.s32 $0xFFFFFEF7, lr;
	s5 =	simm.s32 $0xFFFFFFFF;
	p2 =	slt.u32 s8, $0xFFFFF086  }
0x1c: {  	p1 =	slt.u32 s9, $0xF7A;
	s5 =	simm.s32 @!p2 $0x0  }
0x1d: {  	s5 =	simm.s32 @p1 $0x1;
	p0 =	seq.s32 s7, s2  }
0x1e: {  	s7 =	smul.u32 @!p0 $0xF7A, s2;
	p2 =	seq.s32 @!p0 s5, $0x0  }
0x1f: {  	s9 =	smul.u32 $0xF7A, s1;
	s8 =	simm.s32 @!p0 $0x1BF5;
	p2 =	por !p2, p0  }
0x20: {  	[sflag:s8] =	ssyncset.s32 @!p0 $0xFFFFF086;
	s6 =	sadd.s32 @!p0 s3, s7;
	s7 =	simm.s32 @!p0 $0x108  }
0x21: {  	s3 =	sadd.s32 s3, s9;
	s6 =	sadd.s32 @!p0 $0x88, s6;
	s7 =	simm.s32 @p2 $0x1082  }
0x22: {  	[simem:s7], [sflag:s8] =	dma.local @!p0 [hbm:s6], $0xF7A  }
0x23: {  	s9 =	sor.u32 $0xD0000000, s2;
	s6 =	simm.s32 $0x108;
	_ =	swait.ge @!p0 [sflag:s8], $0x0  }
0x24: {  	s3 =	sadd.s32 $0x88, s3;
	s6 =	simm.s32 @!p1 $0x1082;
	[sflag:s4] =	ssyncset.s32 $0xFFFFF086  }
0x25: {  	[simem:s6], [sflag:s4] =	dma.local [hbm:s3], $0xF7A  }
0x26: {  	[smem:$0x3F8E] =	sst s1;
	(tag) =	ssettag s2;
	_ =	strace s9  }
0x27: {  	s1 =	sld [smem:$0x3F9E]  }
0x28: {  	s2 =	sld [smem:$0x3F9F]  }
0x29: {  	s4 =	sld [smem:$0x3FA1]  }
0x2a: {  	p0 =	seq.s32 s5, $0x0;
	s5 =	sld [smem:$0x3FA2]  }
0x2b: {  	s6 =	sld [smem:$0x3FA3]  }
0x2c: {  	s7 =	sld [smem:$0x3FA4]  }
0x2d: {  	s3 =	simm.s32 $0x108;
	s8 =	sld [smem:$0x3FA5]  }
0x2e: {  	s3 =	simm.s32 @!p0 $0x1082;
	s9 =	sld [smem:$0x3FA6]  }
0x2f: {  	lr =	sadd.s32 s0, s3;
	s0 =	sld [smem:$0x3F9D]  }
0x30: {  	s3 =	sld [smem:$0x3FA0]  }
0x31: {  	[smem:$0x3FA9] =	sst s10  }
0x32: {  	s10 =	sld [smem:$0x3FA7];
	_ =	sdelay $0x3  }
0x33: {  	p0 =	seq.s32 s10, $0x1;
	s10 =	sld [smem:$0x3FA9];
	_ =	sdelay $0x3  }
0x34: {  	[smem:$0x3FA9] =	sst s10  }
0x35: {  	s10 =	sld [smem:$0x3FA8];
	_ =	sdelay $0x3  }
0x36: {  	p1 =	seq.s32 s10, $0x1;
	s10 =	sld [smem:$0x3FA9];
	_ =	sdelay $0x3  }
0x37: {  	[smem:$0x3FA9] =	sst s10  }
0x38: {  	s10 =	sld [smem:$0x3FAA]  }
0x39: {  	_ = 	snop;
	(pc) =	sbr.ind lr, $3  }
0x3a: {  	_ = 	snop  }
0x3b: {  	_ = 	snop  }
0x3c: {  	p2 =	seq.s32 s10, $0x1;
	s10 =	sld [smem:$0x3FA9]  }
0x3d: {  	_ =	shalt  }
0x3e: {  	_ =	shalt  }
0x3f: {  	_ =	shalt  }
0x40: {  	_ =	shalt  }
0x41: {  	_ =	shalt  }
0x42: {  	_ =	shalt  }
0x43: {  	_ =	shalt  }
0x44: {  	_ =	shalt  }
0x45: {  	_ =	shalt  }
0x46: {  	_ =	shalt  }
0x47: {  	_ =	shalt  }
0x48: {  	_ =	shalt  }
0x49: {  	_ =	shalt  }
0x4a: {  	_ =	shalt  }
0x4b: {  	_ =	shalt  }
0x4c: {  	_ =	shalt  }
0x4d: {  	_ =	shalt  }
0x4e: {  	_ =	shalt  }
0x4f: {  	_ =	shalt  }
0x50: {  	_ =	shalt  }
0x51: {  	_ =	shalt  }
0x52: {  	_ =	shalt  }
0x53: {  	_ =	shalt  }
0x54: {  	_ =	shalt  }
0x55: {  	_ =	shalt  }
0x56: {  	_ =	shalt  }
0x57: {  	_ =	shalt  }
0x58: {  	_ =	shalt  }
0x59: {  	_ =	shalt  }
0x5a: {  	_ =	shalt  }
0x5b: {  	_ =	shalt  }
0x5c: {  	_ =	shalt  }
0x5d: {  	_ =	shalt  }
0x5e: {  	_ =	shalt  }
0x5f: {  	_ =	shalt  }
0x60: {  	_ =	shalt  }
0x61: {  	_ =	shalt  }
0x62: {  	_ =	shalt  }
0x63: {  	_ =	shalt  }
0x64: {  	_ =	shalt  }
0x65: {  	_ =	shalt  }
0x66: {  	_ =	shalt  }
0x67: {  	_ =	shalt  }
0x68: {  	_ =	shalt  }
0x69: {  	_ =	shalt  }
0x6a: {  	_ =	shalt  }
0x6b: {  	_ =	shalt  }
0x6c: {  	_ =	shalt  }
0x6d: {  	_ =	shalt  }
0x6e: {  	_ =	shalt  }
0x6f: {  	_ =	shalt  }
0x70: {  	_ =	shalt  }
0x71: {  	_ =	shalt  }
0x72: {  	_ =	shalt  }
0x73: {  	_ =	shalt  }
0x74: {  	_ =	shalt  }
0x75: {  	_ =	shalt  }
0x76: {  	_ =	shalt  }
0x77: {  	_ =	shalt  }
0x78: {  	_ =	shalt  }
0x79: {  	_ =	shalt  }
0x7a: {  	_ =	shalt  }
0x7b: {  	_ =	shalt  }
0x7c: {  	_ =	shalt  }
0x7d: {  	_ =	shalt  }
0x7e: {  	_ =	shalt  }
0x7f: {  	_ =	shalt  }
0x80: {  	_ =	shalt  }
0x81: {  	_ =	shalt  }
0x82: {  	_ =	shalt  }
0x83: {  	_ =	shalt  }
0x84: {  	_ =	shalt  }
0x85: {  	_ =	shalt  }
0x86: {  	_ =	shalt  }
0x87: {  	_ =	shalt  }
.Lfunc_end0:
.L_simem_size_0:
called_computation.2_lowered:
.L_overlay_start_0:
0x88: {  	s2 =	sld [smem:$0x3FD9]  }
0x89: {  	s3 =	sld [smem:$0x3FFE];
	_ =	sdelay $0x1  }
0x8a: {  	s1 =	srdreg.scid  }
0x8b: {  	s0 =	sand.u32 $0x1, s1  }
0x8c: {  	s17 =	sshll.u32 s0, $0xA;
	s2 =	sadd.s32 s3, s2  }
0x8d: {  	s2 =	sadd.s32 s2, s17  }
0x8e: {  	[smem:$0x3FB5] =	sst s2  }
0x8f: {  	_ = 	snop  }
0x90: {  	s2 =	sld [smem:$0x3FD0];
	(tm) =	ssettm $0x1  }
0x91: {  	s18 =	sld [smem:$0x3FFB];
	_ =	sdelay $0x3  }
0x92: {  	_ =	strace s18  }
0x93: {  	s3 =	sld [smem:$0x3FFC];
	_ =	sdelay $0x3  }
0x94: {  	_ =	strace s3  }
0x95: {  	s3 =	sld [smem:$0x3FFD];
	_ =	sdelay $0x3  }
0x96: {  	_ =	strace s3  }
0x97: {  	_ =	strace $0x8FFFFFFF  }
0x98: {  	s19 =	sld [smem:$0x3FDB];
	_ =	sdelay $0x1  }
0x99: {  	s4 =	simm.s32 $_scs_section_size  }
0x9a: {  	s5 =	simm.s32 $_size__tile_overlayer_lowered;
	s6 =	simm.s32 $_tile_overlayer_lowered  }
0x9b: {  	s22 =	simm.s32 $0x1BFF;
	s21 =	sshll.u32 s6, $0x1;
	s3 =	sadd.s32 s4, s19  }
0x9c: {  	s7 =	simm.s32 $0x0;
	s20 =	sshll.u32 s5, $0x1;
	s5 =	sadd.s32 s21, s3  }
0x9d: {  	[timem:s7], [sflag:s22] =	dma.local [hbm:s5], s20  }
0x9e: {  	_ =	swait.ge [sflag:s22], s20  }
0x9f: {  	s4 =	ssub.s32 $0x0, s20;
	[sflag:s22] =	ssyncset.done $0x0  }
0xa0: {  	[sflag:s22] =	ssyncadd.s32 s4;
	_ =	sdelay $0x1  }
0xa1: {  	s23 =	simm.s32 $0x1B8B  }
0xa2: {  	_ =	swait.ge [sflag:s23], $0x1  }
0xa3: {  	[sflag:s23] =	ssyncset.done $0x0  }
0xa4: {  	s25 =	simm.s32 $0x1B8E;
	s24 =	sld [smem:$0x3FFE];
	[sflag:s23] =	ssyncadd.s32 $0xFFFFFFFF  }
0xa5: {  	s26 =	simm.s32 $execute0_lowered;
	[smem:$0x3FD2] =	sst s25  }
0xa6: {  	s5 =	sshll.u32 s26, $0x1;
	_ =	strace $0x8000004C;
	[dreg:$0x1] =	wrdreg $0xFFFFFFFF  }
0xa7: {  	s28 =	simm.s32 $_size_execute0_lowered;
	s3 =	sadd.s32 s3, s5;
	[dreg:$0x0] =	wrdreg $0x0  }
0xa8: {  	s5 =	sshll.u32 s28, $0x1;
	[dreg:$0x2] =	wrdreg s3  }
0xa9: {  	[dreg:$0x3] =	wrdreg s5  }
0xaa: {  	[dreg:$0x4] =	wrdreg $0xC0  }
0xab: {  	_ =	task [dreg:s7], $0x5FFFF  }
0xac: {  	[dreg:$0x1] =	wrdreg $0xFFFFFFFF  }
0xad: {  	[dreg:$0x0] =	wrdreg $0x60  }
0xae: {  	[dreg:$0x2] =	wrdreg s24  }
0xaf: {  	[dreg:$0x3] =	wrdreg s2  }
0xb0: {  	[dreg:$0x4] =	wrdreg $0x49000  }
0xb1: {  	[dreg:$0x5] =	wrdreg $0x9  }
0xb2: {  	_ =	task.clear_ibuf [dreg:s7], $0x6FFFF;
	_ =	strace $0x9000004C  }
0xb3: {  	s29 =	simm.s32 $0x9;
	_ =	strace $0x8000004E  }
0xb4: {  	_ =	swait.ge [sflag:s29], $0x1  }
0xb5: {  	[sflag:s29] =	ssyncadd.s32 $0xFFFFFFFF  }
0xb6: {  	_ =	strace $0x9000004E  }
0xb7: {  	_ =	sfence  }
0xb8: {  	s30 =	sld [smem:$0x0];
	_ =	sdelay $0x2  }
0xb9: {  	s31 =	sshll.u32 s1, $0xD;
	s1 =	sshrl.u32 s1, $0x2  }
0xba: {  	s3 =	sand.u32 $0x4000, s31;
	s1 =	sadd.s32 s1, s30  }
0xbb: {  	s0 =	sor.u32 s3, s0;
	s1 =	sshll.u32 s1, $0x11  }
0xbc: {  	s0 =	sor.u32 s1, s0  }
0xbd: {  	s0 =	sadd.s32 $0x8F2B, s0  }
0xbe: {  	[sflag:s0] =	ssyncadd.remote.s32 $0x1  }
0xbf: {  	_ =	sfence.sel $0xFFFF  }
0xc0: {  	[dreg:$0x0] =	wrdreg $0xFFFFFFFF;
	(pc) =	sbr.abs _section_cstart, $3  }
0xc1: {  	[dreg:$0x1] =	wrdreg $0xFFFFFFFF  }
0xc2: {  	_ =	task.clear_ibuf [dreg:s7], $0x2FFFF;
	_ =	strace $0x9FFFFFFF  }
0xc3: {  	(tm) =	ssettm $0x7FFFFFFF  }
tec
execute0_lowered:
.L_overlay_start_1:
0x0: {  	(tag) =	ssettag $0x1  }
0x1: {  	s8 =	rddreg [dreg:$0x0]  }
0x2: {  	s1 =	rddreg [dreg:$0x1]  }
0x3: {  	s2 =	rddreg [dreg:$0x2]  }
0x4: {  	s3 =	simm.s32 $0x0;
	s7 =	srdreg.scid;
	s4 =	stileid.u32  }
0x5: {  	s17 =	simm.s32 $0x80;
	s18 =	simm.s32 $0x800;
	s19 =	simm.s32 $0x900  }
0x6: {  	s20 =	simm.s32 $0x1;
	s21 =	simm.s32 $0x880;
	s5 =	sadd.s32 $0x3BFE00, s8  }
0x7: {  	[smem:$0x7FF] =	sst s3;
	s6 =	sadd.s32 $0x22C800, s8;
	s11 =	smul.u32 $0x32000, s4  }
0x8: {  	s7 =	sand.u32 $0x1, s7;
	s9 =	sadd.s32 s4, s8;
	s13 =	smul.u32 $0xD000, s4  }
0x9: {  	s8 =	sadd.s32 $0xBC800, s8;
	s15 =	sshll.u32 s4, $0x6;
	s14 =	smul.u32 $0xD0000, s7  }
.Ltmp0:
0xa: {  	_ =	strace $0x8000004D;
	s10 =	ssub.s32 $0x2, s7;
	(pc) =	sbr.rel .LBB2_1-.Ltmp0, $4  }
0xb: {  	s9 =	sadd.s32 $0xBC600, s9;
	s15 =	sor.u32 $0x1C02, s15;
	s12 =	sshrl.u32 s10, $0x1  }
0xc: {  	s11 =	sshrl.u32 s11, $0x2;
	s12 =	ssub.s32 s10, s12;
	s10 =	smul.u32 $0x190, s4  }
0xd: {  	s16 =	sadd.s32 s11, s2;
	s11 =	smax.u32 s12, $0x1;
	s12 =	sadd.s32 s13, s14  }
0xe: {  	s13 =	simm.s32 $0x11108;
	s14 =	simm.s32 $0x2;
	s16 =	sshrl.u32 s16, $0x3  }
.LBB2_7:
0xf: {  	s3 =	sadd.s32 $0x1, s3  }
0x10: {  	p0 =	sne.s32 s3, s11  }
.Ltmp1:
0x11: {  	_ = 	snop;
	(pc) =	sbr.rel @!p0 .LBB2_8-.Ltmp1, $1  }
0x12: {  	_ =	sdelay $0x3  }
.LBB2_1:
.Ltmp2:
0x13: {  	(pc) =	sbr.rel .LBB2_2-.Ltmp2, $2  }
0x14: {  	_ =	sdelay $0x2  }
0x15: {  	s22 =	smov.u32 s12;
	s23 =	simm.s32 $0x0  }
.LBB2_5:
0x16: {  	[tilespmem:$0x8F0] =	vst v0  }
0x17: {  	[tilespmem:s19], [sflag:$0x1] =	stream.indirect.gather [hbm4b:s5+s17], $0x80, s18, s17, $0xb8;
	[tilespmem:$0x11118] =	vst v63  }
0x18: {  	_ =	swait.ge [sflag:s20], $0x4000  }
0x19: {  	[sflag:s20] =	ssyncset.done $0x0  }
0x1a: {  	[sflag:s20] =	ssyncadd.s32 $0xFFFFC000  }
0x1b: {  	[spmem:s2] =	stream.indirect.scatter.add.f32 [tilespmem:s19], [sflag:$0x2], $0x80, s21, s17, $0xb8;
	[tilespmem:$0x11118] =	vst v63  }
0x1c: {  	_ =	swait.ge [sflag:s14], $0x4000  }
0x1d: {  	[sflag:s14] =	ssyncset.done $0x0  }
0x1e: {  	[sflag:s14] =	ssyncadd.s32 $0xFFFFC000  }
.LBB2_6:
0x1f: {  	s0 =	smul.u32 $0x1900, s24;
	_ =	sdelay $0x1  }
0x20: {  	s23 =	sadd.s32 $0x1, s23;
	s0 =	sadd.s32 s10, s0  }
0x21: {  	p0 =	sne.s32 s23, $0x4;
	s0 =	sshll.u32 s0, $0x4  }
.Ltmp3:
0x22: {  	[bflag:$0x0] =	sbarrier.arrive $0xFFFF;
	s0 =	sadd.s32 s8, s0;
	(pc) =	sbr.rel @!p0 .LBB2_7-.Ltmp3, $4  }
0x23: {  	[hbm:s0], [sflag:s15] =	dma.local [spmem:s16], $0x1900  }
0x24: {  	_ =	swait.ge [sflag:s14], $0x1900  }
0x25: {  	[sflag:s14] =	ssyncset.done $0x0  }
0x26: {  	s22 =	sadd.s32 $0x1A0000, s22;
	[sflag:s14] =	ssyncadd.s32 $0xFFFFE700  }
.LBB2_2:
0x27: {  	s24 =	sshll.u32 s23, $0x1  }
0x28: {  	s24 =	sor.u32 s7, s24  }
0x29: {  	s25 =	sshll.u32 s24, $0x4  }
0x2a: {  	s26 =	simm.s32 $0x0;
	s25 =	sadd.s32 s25, s9  }
0x2b: {  	[tilespmem:s13], [sflag:$0x2] =	stream.linear.gather [hbm4b:s25+s26], $0x8, $0x38;
	[tilespmem:$0x11118] =	vst v63  }
0x2c: {  	_ =	swait.ge [sflag:s14], $0x8  }
0x2d: {  	[sflag:s14] =	ssyncset.done $0x0  }
0x2e: {  	[sflag:s14] =	ssyncadd.s32 $0xFFFFFFF8  }
0x2f: {  	v0 =	vld [tilespmem:$0x11108];
	_ =	sdelay $0x4  }
0x30: {  	(v2sf) =	vpush v0, $0x0;
	_ =	sdelay $0xe  }
0x31: {  	s25 =	spop (v2sf)  }
0x32: {  	[spmem:s16], [sflag:s15] =	dma.local [hbm:s1], $0x1900  }
0x33: {  	p0 =	slt.s32 s25, $0x1  }
.Ltmp4:
0x34: {  	_ =	swait.ge [sflag:s14], $0x1900;
	(pc) =	sbr.rel @p0 .LBB2_6-.Ltmp4, $3  }
0x35: {  	[sflag:s14] =	ssyncset.done $0x0  }
0x36: {  	[sflag:s14] =	ssyncadd.s32 $0xFFFFE700  }
0x37: {  	[bflag:$0x0] =	sbarrier.arrive $0xFFFF;
	_ =	sdelay $0x1  }
0x38: {  	s26 =	sand.u32 $0xF, s26  }
0x39: {  	p0 =	sne.s32 s26, $0x0  }
0x3a: {  	s28 =	sshrl.u32 @!p0 s22, $0x3  }
0x3b: {  	s29 =	simm.s32 @!p0 $0x2;
	s30 =	simm.s32 @!p0 $0x0;
	s28 =	sadd.s32 @!p0 s6, s28  }
0x3c: {  	[tilespmem:s30], [sflag:$0x2] =	stream.linear.gather @!p0 [hbm4b:s28+s30], $0x800, $0x38;
	[tilespmem:$0x11118] =	vst v63  }
0x3d: {  	_ =	swait.ge @!p0 [sflag:s29], $0x800  }
0x3e: {  	[sflag:s29] =	ssyncset.done @!p0 $0x0  }
0x3f: {  	s26 =	sshll.u32 s26, $0x7;
	[sflag:s29] =	ssyncadd.s32 @!p0 $0xFFFFF800  }
0x40: {  	v0 =	vld [tilespmem:s26+$0x0];
	_ =	sdelay $0x4  }
0x41: {  	v1 =	vshra.s32 v0, $0xD  }
0x42: {  	v0 =	vand.u32 $0x1FFF, v0;
	[tilespmem:$0x800] =	vst v1  }
0x43: {  	[tilespmem:$0x880] =	vst v0  }
0x44: {  	v0 =	vld [tilespmem:s26+$0x10];
	_ =	sdelay $0x4  }
0x45: {  	v1 =	vshra.s32 v0, $0xD  }
0x46: {  	v0 =	vand.u32 $0x1FFF, v0;
	[tilespmem:$0x810] =	vst v1  }
0x47: {  	[tilespmem:$0x890] =	vst v0  }
0x48: {  	v0 =	vld [tilespmem:s26+$0x20];
	_ =	sdelay $0x4  }
0x49: {  	v1 =	vshra.s32 v0, $0xD  }
0x4a: {  	v0 =	vand.u32 $0x1FFF, v0;
	[tilespmem:$0x820] =	vst v1  }
0x4b: {  	[tilespmem:$0x8A0] =	vst v0  }
0x4c: {  	v0 =	vld [tilespmem:s26+$0x30];
	_ =	sdelay $0x4  }
0x4d: {  	v1 =	vshra.s32 v0, $0xD  }
0x4e: {  	v0 =	vand.u32 $0x1FFF, v0;
	[tilespmem:$0x830] =	vst v1  }
0x4f: {  	[tilespmem:$0x8B0] =	vst v0  }
0x50: {  	v0 =	vld [tilespmem:s26+$0x40];
	_ =	sdelay $0x4  }
0x51: {  	v1 =	vshra.s32 v0, $0xD  }
0x52: {  	v0 =	vand.u32 $0x1FFF, v0;
	[tilespmem:$0x840] =	vst v1  }
0x53: {  	[tilespmem:$0x8C0] =	vst v0  }
0x54: {  	v0 =	vld [tilespmem:s26+$0x50];
	_ =	sdelay $0x4  }
0x55: {  	v1 =	vshra.s32 v0, $0xD  }
0x56: {  	v0 =	vand.u32 $0x1FFF, v0;
	[tilespmem:$0x850] =	vst v1  }
0x57: {  	[tilespmem:$0x8D0] =	vst v0  }
0x58: {  	v0 =	vld [tilespmem:s26+$0x60];
	_ =	sdelay $0x4  }
0x59: {  	v1 =	vshra.s32 v0, $0xD  }
0x5a: {  	v0 =	vand.u32 $0x1FFF, v0;
	[tilespmem:$0x860] =	vst v1  }
0x5b: {  	[tilespmem:$0x8E0] =	vst v0  }
0x5c: {  	v0 =	vld [tilespmem:s26+$0x70]  }
0x5d: {  	p0 =	sne.s32 s25, $0x1  }
.Ltmp5:
0x5e: {  	_ = 	snop;
	(pc) =	sbr.rel @!p0 .LBB2_5-.Ltmp5, $3  }
0x5f: {  	_ =	sdelay $0x1  }
0x60: {  	v1 =	vshra.s32 v0, $0xD  }
0x61: {  	s28 =	smov.u32 s22;
	s26 =	simm.s32 $0x1;
	v0 =	vand.u32 $0x1FFF, v0;
	[tilespmem:$0x870] =	vst v1  }
.LBB2_4:
0x62: {  	[tilespmem:$0x8F0] =	vst v0;
	s28 =	sadd.s32 $0x80, s28;
	s29 =	smov.u32 s26;
	s26 =	sadd.s32 $0x1, s26  }
0x63: {  	[tilespmem:s19], [sflag:$0x1] =	stream.indirect.gather [hbm4b:s5+s17], $0x80, s18, s17, $0xb8;
	[tilespmem:$0x11118] =	vst v63  }
0x64: {  	p0 =	sne.s32 s25, s26;
	_ =	swait.ge [sflag:s20], $0x4000  }
0x65: {  	[sflag:s20] =	ssyncset.done $0x0  }
0x66: {  	s29 =	sand.u32 $0xF, s29;
	[sflag:s20] =	ssyncadd.s32 $0xFFFFC000  }
0x67: {  	[spmem:s2] =	stream.indirect.scatter.add.f32 [tilespmem:s19], [sflag:$0x2], $0x80, s21, s17, $0xb8;
	[tilespmem:$0x11118] =	vst v63  }
0x68: {  	p1 =	sne.s32 s29, $0x0;
	_ =	swait.ge [sflag:s14], $0x4000  }
0x69: {  	s30 =	sshrl.u32 @!p1 s28, $0x3;
	s31 =	simm.s32 @!p1 $0x2;
	[sflag:s14] =	ssyncset.done $0x0  }
0x6a: {  	s0 =	simm.s32 @!p1 $0x0;
	s30 =	sadd.s32 @!p1 s6, s30;
	[sflag:s14] =	ssyncadd.s32 $0xFFFFC000  }
0x6b: {  	[tilespmem:s0], [sflag:$0x2] =	stream.linear.gather @!p1 [hbm4b:s30+s0], $0x800, $0x38;
	[tilespmem:$0x11118] =	vst v63  }
0x6c: {  	_ =	swait.ge @!p1 [sflag:s31], $0x800  }
0x6d: {  	[sflag:s31] =	ssyncset.done @!p1 $0x0  }
0x6e: {  	s29 =	sshll.u32 s29, $0x7;
	[sflag:s31] =	ssyncadd.s32 @!p1 $0xFFFFF800  }
0x6f: {  	v0 =	vld [tilespmem:s29+$0x0];
	_ =	sdelay $0x4  }
0x70: {  	v1 =	vshra.s32 v0, $0xD;
	v0 =	vand.u32 $0x1FFF, v0  }
0x71: {  	[tilespmem:$0x800] =	vst v1  }
0x72: {  	[tilespmem:$0x880] =	vst v0  }
0x73: {  	v0 =	vld [tilespmem:s29+$0x10];
	_ =	sdelay $0x4  }
0x74: {  	v1 =	vshra.s32 v0, $0xD;
	v0 =	vand.u32 $0x1FFF, v0  }
0x75: {  	[tilespmem:$0x810] =	vst v1  }
0x76: {  	[tilespmem:$0x890] =	vst v0  }
0x77: {  	v0 =	vld [tilespmem:s29+$0x20];
	_ =	sdelay $0x4  }
0x78: {  	v1 =	vshra.s32 v0, $0xD;
	v0 =	vand.u32 $0x1FFF, v0  }
0x79: {  	[tilespmem:$0x820] =	vst v1  }
0x7a: {  	[tilespmem:$0x8A0] =	vst v0  }
0x7b: {  	v0 =	vld [tilespmem:s29+$0x30];
	_ =	sdelay $0x4  }
0x7c: {  	v1 =	vshra.s32 v0, $0xD;
	v0 =	vand.u32 $0x1FFF, v0  }
0x7d: {  	[tilespmem:$0x830] =	vst v1  }
0x7e: {  	[tilespmem:$0x8B0] =	vst v0  }
0x7f: {  	v0 =	vld [tilespmem:s29+$0x40];
	_ =	sdelay $0x4  }
0x80: {  	v1 =	vshra.s32 v0, $0xD;
	v0 =	vand.u32 $0x1FFF, v0  }
0x81: {  	[tilespmem:$0x840] =	vst v1  }
0x82: {  	[tilespmem:$0x8C0] =	vst v0  }
0x83: {  	v0 =	vld [tilespmem:s29+$0x50];
	_ =	sdelay $0x4  }
0x84: {  	v1 =	vshra.s32 v0, $0xD;
	v0 =	vand.u32 $0x1FFF, v0  }
0x85: {  	[tilespmem:$0x850] =	vst v1  }
0x86: {  	[tilespmem:$0x8D0] =	vst v0  }
0x87: {  	v0 =	vld [tilespmem:s29+$0x60];
	_ =	sdelay $0x4  }
0x88: {  	v1 =	vshra.s32 v0, $0xD;
	v0 =	vand.u32 $0x1FFF, v0  }
0x89: {  	[tilespmem:$0x860] =	vst v1  }
0x8a: {  	[tilespmem:$0x8E0] =	vst v0  }
0x8b: {  	v0 =	vld [tilespmem:s29+$0x70];
	_ =	sdelay $0x1  }
.Ltmp6:
0x8c: {  	(pc) =	sbr.rel @p0 .LBB2_4-.Ltmp6, $3  }
0x8d: {  	_ =	sdelay $0x1  }
0x8e: {  	v1 =	vshra.s32 v0, $0xD;
	v0 =	vand.u32 $0x1FFF, v0  }
0x8f: {  	[tilespmem:$0x870] =	vst v1  }
.Ltmp7:
0x90: {  	_ = 	snop;
	(pc) =	sbr.rel .LBB2_5-.Ltmp7, $1  }
0x91: {  	_ =	sdelay $0x3  }
.LBB2_8:
0x92: {  	_ =	sfence.sel $0x180000  }
0x93: {  	[bflag:$0x0] =	sbarrier.arrive $0xFFFF  }
0x94: {  	_ =	strace $0x9000004D  }
0x95: {  	[bflag:$0x2] =	sbarrier.arrive $0xFFFF  }
0x96: {  	p0 =	sne.s32 s4, $0x0;
	s0 =	rddreg [dreg:$0x3]  }
0x97: {  	s0 =	sadd.s32 @!p0 $0x100000, s0  }
0x98: {  	[sflag:s0] =	ssyncadd.tile.s32 @!p0 $0x1;
	_ =	shalt  }
.Lfunc_end2:
_tile_overlayer_lowered:
.L_overlay_start_2:
0x99: {  	(tag) =	ssettag $0x2  }
0x9a: {  	s0 =	rddreg [dreg:$0x0];
	s2 =	stileid.u32  }
0x9b: {  	s1 =	rddreg [dreg:$0x1];
	p0 =	sne.s32 s2, $0x0  }
0x9c: {  	s3 =	rddreg [dreg:$0x2];
	[bflag:$0x3] =	sbarrier.arrive $0xFFFF;
	s2 =	simm.s32 @!p0 $0x1C02  }
0x9d: {  	[timem:s3], [sflag:s2] =	dma.local @!p0 [hbm:s0], s1  }
0x9e: {  	s0 =	simm.s32 @!p0 $0x2  }
0x9f: {  	_ =	swait.ge @!p0 [sflag:s0], s1  }
0xa0: {  	s1 =	ssub.s32 @!p0 $0x0, s1;
	[sflag:s0] =	ssyncset.done @!p0 $0x0  }
0xa1: {  	[sflag:s0] =	ssyncadd.s32 @!p0 s1  }
0xa2: {  	[bflag:$0x3] =	sbarrier.arrive $0xFFFF  }
0xa3: {  	_ =	shalt  }

// kernel: kernel.9.cloned.1.call-start
scs
__scs_entry_jumppad:
0x0: {  	(pc) =	sbr.rel $0x88, $3  }
0x1: {  	(tag) =	ssettag $0x0;
	lr =	simm.s32 $0x1  }
0x2: {  	[smem:$0x3F8E] =	sst lr;
	_ =	strace $0xD0000000  }
0x3: {  	_ = 	snop  }
0x4: {  	_ = 	snop  }
0x5: {  	_ = 	snop  }
0x6: {  	_ = 	snop  }
0x7: {  	_ = 	snop  }
__scs_overlays_trampoline_lowered:
0x8: {  	[smem:$0x3F9D] =	sst s0  }
0x9: {  	[smem:$0x3F9E] =	sst s1  }
0xa: {  	[smem:$0x3F9F] =	sst s2  }
0xb: {  	[smem:$0x3FA0] =	sst s3  }
0xc: {  	[smem:$0x3FA1] =	sst s4  }
0xd: {  	[smem:$0x3FA2] =	sst s5  }
0xe: {  	[smem:$0x3FA3] =	sst s6  }
0xf: {  	[smem:$0x3FA4] =	sst s7  }
0x10: {  	[smem:$0x3FA5] =	sst s8  }
0x11: {  	[smem:$0x3FA6] =	sst s9;
	s0 =	simm.s32 @!p0 $0x0  }
0x12: {  	s1 =	sld [smem:$0x3F8C];
	s0 =	simm.s32 @p0 $0x1  }
0x13: {  	[smem:$0x3FA7] =	sst s0;
	s0 =	simm.s32 @!p1 $0x0  }
0x14: {  	s2 =	sld [smem:$0x3F8B];
	s0 =	simm.s32 @p1 $0x1  }
0x15: {  	[smem:$0x3FA8] =	sst s0;
	s0 =	simm.s32 @!p2 $0x0  }
0x16: {  	s3 =	sld [smem:$0x3FDB];
	s0 =	simm.s32 @p2 $0x1  }
0x17: {  	s4 =	simm.s32 $0x1BF5;
	[smem:$0x3FAA] =	sst s0  }
0x18: {  	s0 =	sld [smem:$0x3F8D];
	_ =	swait.ge [sflag:s4], $0x0  }
0x19: {  	s7 =	sld [smem:$0x3F8E]  }
0x1a: {  	s8 =	sadd.s32 $0xFFFFE003, lr  }
0x1b: {  	s9 =	sadd.s32 $0xFFFFFEF7, lr;
	s5 =	simm.s32 $0xFFFFFFFF;
	p2 =	slt.u32 s8, $0xFFFFF086  }
0x1c: {  	p1 =	slt.u32 s9, $0xF7A;
	s5 =	simm.s32 @!p2 $0x0  }
0x1d: {  	s5 =	simm.s32 @p1 $0x1;
	p0 =	seq.s32 s7, s2  }
0x1e: {  	s7 =	smul.u32 @!p0 $0xF7A, s2;
	p2 =	seq.s32 @!p0 s5, $0x0  }
0x1f: {  	s9 =	smul.u32 $0xF7A, s1;
	s8 =	simm.s32 @!p0 $0x1BF5;
	p2 =	por !p2, p0  }
0x20: {  	[sflag:s8] =	ssyncset.s32 @!p0 $0xFFFFF086;
	s6 =	sadd.s32 @!p0 s3, s7;
	s7 =	simm.s32 @!p0 $0x108  }
0x21: {  	s3 =	sadd.s32 s3, s9;
	s6 =	sadd.s32 @!p0 $0x88, s6;
	s7 =	simm.s32 @p2 $0x1082  }
0x22: {  	[simem:s7], [sflag:s8] =	dma.local @!p0 [hbm:s6], $0xF7A  }
0x23: {  	s9 =	sor.u32 $0xD0000000, s2;
	s6 =	simm.s32 $0x108;
	_ =	swait.ge @!p0 [sflag:s8], $0x0  }
0x24: {  	s3 =	sadd.s32 $0x88, s3;
	s6 =	simm.s32 @!p1 $0x1082;
	[sflag:s4] =	ssyncset.s32 $0xFFFFF086  }
0x25: {  	[simem:s6], [sflag:s4] =	dma.local [hbm:s3], $0xF7A  }
0x26: {  	[smem:$0x3F8E] =	sst s1;
	(tag) =	ssettag s2;
	_ =	strace s9  }
0x27: {  	s1 =	sld [smem:$0x3F9E]  }
0x28: {  	s2 =	sld [smem:$0x3F9F]  }
0x29: {  	s4 =	sld [smem:$0x3FA1]  }
0x2a: {  	p0 =	seq.s32 s5, $0x0;
	s5 =	sld [smem:$0x3FA2]  }
0x2b: {  	s6 =	sld [smem:$0x3FA3]  }
0x2c: {  	s7 =	sld [smem:$0x3FA4]  }
0x2d: {  	s3 =	simm.s32 $0x108;
	s8 =	sld [smem:$0x3FA5]  }
0x2e: {  	s3 =	simm.s32 @!p0 $0x1082;
	s9 =	sld [smem:$0x3FA6]  }
0x2f: {  	lr =	sadd.s32 s0, s3;
	s0 =	sld [smem:$0x3F9D]  }
0x30: {  	s3 =	sld [smem:$0x3FA0]  }
0x31: {  	[smem:$0x3FA9] =	sst s10  }
0x32: {  	s10 =	sld [smem:$0x3FA7];
	_ =	sdelay $0x3  }
0x33: {  	p0 =	seq.s32 s10, $0x1;
	s10 =	sld [smem:$0x3FA9];
	_ =	sdelay $0x3  }
0x34: {  	[smem:$0x3FA9] =	sst s10  }
0x35: {  	s10 =	sld [smem:$0x3FA8];
	_ =	sdelay $0x3  }
0x36: {  	p1 =	seq.s32 s10, $0x1;
	s10 =	sld [smem:$0x3FA9];
	_ =	sdelay $0x3  }
0x37: {  	[smem:$0x3FA9] =	sst s10  }
0x38: {  	s10 =	sld [smem:$0x3FAA]  }
0x39: {  	_ = 	snop;
	(pc) =	sbr.ind lr, $3  }
0x3a: {  	_ = 	snop  }
0x3b: {  	_ = 	snop  }
0x3c: {  	p2 =	seq.s32 s10, $0x1;
	s10 =	sld [smem:$0x3FA9]  }
0x3d: {  	_ =	shalt  }
0x3e: {  	_ =	shalt  }
0x3f: {  	_ =	shalt  }
0x40: {  	_ =	shalt  }
0x41: {  	_ =	shalt  }
0x42: {  	_ =	shalt  }
0x43: {  	_ =	shalt  }
0x44: {  	_ =	shalt  }
0x45: {  	_ =	shalt  }
0x46: {  	_ =	shalt  }
0x47: {  	_ =	shalt  }
0x48: {  	_ =	shalt  }
0x49: {  	_ =	shalt  }
0x4a: {  	_ =	shalt  }
0x4b: {  	_ =	shalt  }
0x4c: {  	_ =	shalt  }
0x4d: {  	_ =	shalt  }
0x4e: {  	_ =	shalt  }
0x4f: {  	_ =	shalt  }
0x50: {  	_ =	shalt  }
0x51: {  	_ =	shalt  }
0x52: {  	_ =	shalt  }
0x53: {  	_ =	shalt  }
0x54: {  	_ =	shalt  }
0x55: {  	_ =	shalt  }
0x56: {  	_ =	shalt  }
0x57: {  	_ =	shalt  }
0x58: {  	_ =	shalt  }
0x59: {  	_ =	shalt  }
0x5a: {  	_ =	shalt  }
0x5b: {  	_ =	shalt  }
0x5c: {  	_ =	shalt  }
0x5d: {  	_ =	shalt  }
0x5e: {  	_ =	shalt  }
0x5f: {  	_ =	shalt  }
0x60: {  	_ =	shalt  }
0x61: {  	_ =	shalt  }
0x62: {  	_ =	shalt  }
0x63: {  	_ =	shalt  }
0x64: {  	_ =	shalt  }
0x65: {  	_ =	shalt  }
0x66: {  	_ =	shalt  }
0x67: {  	_ =	shalt  }
0x68: {  	_ =	shalt  }
0x69: {  	_ =	shalt  }
0x6a: {  	_ =	shalt  }
0x6b: {  	_ =	shalt  }
0x6c: {  	_ =	shalt  }
0x6d: {  	_ =	shalt  }
0x6e: {  	_ =	shalt  }
0x6f: {  	_ =	shalt  }
0x70: {  	_ =	shalt  }
0x71: {  	_ =	shalt  }
0x72: {  	_ =	shalt  }
0x73: {  	_ =	shalt  }
0x74: {  	_ =	shalt  }
0x75: {  	_ =	shalt  }
0x76: {  	_ =	shalt  }
0x77: {  	_ =	shalt  }
0x78: {  	_ =	shalt  }
0x79: {  	_ =	shalt  }
0x7a: {  	_ =	shalt  }
0x7b: {  	_ =	shalt  }
0x7c: {  	_ =	shalt  }
0x7d: {  	_ =	shalt  }
0x7e: {  	_ =	shalt  }
0x7f: {  	_ =	shalt  }
0x80: {  	_ =	shalt  }
0x81: {  	_ =	shalt  }
0x82: {  	_ =	shalt  }
0x83: {  	_ =	shalt  }
0x84: {  	_ =	shalt  }
0x85: {  	_ =	shalt  }
0x86: {  	_ =	shalt  }
0x87: {  	_ =	shalt  }
.Lfunc_end0:
.L_simem_size_0:
called_computation_lowered:
.L_overlay_start_0:
0x88: {  	s2 =	sld [smem:$0x3FD9]  }
0x89: {  	s3 =	sld [smem:$0x3FFE];
	_ =	sdelay $0x1  }
0x8a: {  	s1 =	srdreg.scid  }
0x8b: {  	s0 =	sand.u32 $0x1, s1  }
0x8c: {  	s17 =	sshll.u32 s0, $0xA;
	s2 =	sadd.s32 s3, s2  }
0x8d: {  	s2 =	sadd.s32 s2, s17  }
0x8e: {  	[smem:$0x3FB5] =	sst s2  }
0x8f: {  	_ = 	snop  }
0x90: {  	s2 =	sld [smem:$0x3FD0];
	(tm) =	ssettm $0x1  }
0x91: {  	s18 =	sld [smem:$0x3FFB];
	_ =	sdelay $0x3  }
0x92: {  	_ =	strace s18  }
0x93: {  	s3 =	sld [smem:$0x3FFC];
	_ =	sdelay $0x3  }
0x94: {  	_ =	strace s3  }
0x95: {  	s3 =	sld [smem:$0x3FFD];
	_ =	sdelay $0x3  }
0x96: {  	_ =	strace s3  }
0x97: {  	_ =	strace $0x8FFFFFFF  }
0x98: {  	s19 =	sld [smem:$0x3FDB];
	_ =	sdelay $0x1  }
0x99: {  	s4 =	simm.s32 $_scs_section_size  }
0x9a: {  	s5 =	simm.s32 $_size__tile_overlayer_lowered;
	s6 =	simm.s32 $_tile_overlayer_lowered  }
0x9b: {  	s22 =	simm.s32 $0x1BFF;
	s21 =	sshll.u32 s6, $0x1;
	s3 =	sadd.s32 s4, s19  }
0x9c: {  	s7 =	simm.s32 $0x0;
	s20 =	sshll.u32 s5, $0x1;
	s5 =	sadd.s32 s21, s3  }
0x9d: {  	[timem:s7], [sflag:s22] =	dma.local [hbm:s5], s20  }
0x9e: {  	_ =	swait.ge [sflag:s22], s20  }
0x9f: {  	s4 =	ssub.s32 $0x0, s20;
	[sflag:s22] =	ssyncset.done $0x0  }
0xa0: {  	[sflag:s22] =	ssyncadd.s32 s4;
	_ =	sdelay $0x1  }
0xa1: {  	s23 =	simm.s32 $0x1B8B  }
0xa2: {  	_ =	swait.ge [sflag:s23], $0x1  }
0xa3: {  	[sflag:s23] =	ssyncset.done $0x0  }
0xa4: {  	s25 =	simm.s32 $0x1B8E;
	s24 =	sld [smem:$0x3FFE];
	[sflag:s23] =	ssyncadd.s32 $0xFFFFFFFF  }
0xa5: {  	s26 =	simm.s32 $execute0_lowered;
	[smem:$0x3FD2] =	sst s25  }
0xa6: {  	s5 =	sshll.u32 s26, $0x1;
	_ =	strace $0x80000046;
	[dreg:$0x1] =	wrdreg $0xFFFFFFFF  }
0xa7: {  	s28 =	simm.s32 $_size_execute0_lowered;
	s3 =	sadd.s32 s3, s5;
	[dreg:$0x0] =	wrdreg $0x0  }
0xa8: {  	s5 =	sshll.u32 s28, $0x1;
	[dreg:$0x2] =	wrdreg s3  }
0xa9: {  	[dreg:$0x3] =	wrdreg s5  }
0xaa: {  	[dreg:$0x4] =	wrdreg $0xC0  }
0xab: {  	_ =	task [dreg:s7], $0x5FFFF  }
0xac: {  	[dreg:$0x1] =	wrdreg $0xFFFFFFFF  }
0xad: {  	[dreg:$0x0] =	wrdreg $0x60  }
0xae: {  	[dreg:$0x2] =	wrdreg s2  }
0xaf: {  	[dreg:$0x3] =	wrdreg s24  }
0xb0: {  	[dreg:$0x4] =	wrdreg $0x75100  }
0xb1: {  	[dreg:$0x5] =	wrdreg $0x9  }
0xb2: {  	_ =	task.clear_ibuf [dreg:s7], $0x6FFFF;
	_ =	strace $0x90000046  }
0xb3: {  	s29 =	simm.s32 $0x9;
	_ =	strace $0x80000048  }
0xb4: {  	_ =	swait.ge [sflag:s29], $0x1  }
0xb5: {  	[sflag:s29] =	ssyncadd.s32 $0xFFFFFFFF  }
0xb6: {  	_ =	strace $0x90000048  }
0xb7: {  	_ =	sfence  }
0xb8: {  	s30 =	sld [smem:$0x0];
	_ =	sdelay $0x2  }
0xb9: {  	s31 =	sshll.u32 s1, $0xD;
	s1 =	sshrl.u32 s1, $0x2  }
0xba: {  	s3 =	sand.u32 $0x4000, s31;
	s1 =	sadd.s32 s1, s30  }
0xbb: {  	s0 =	sor.u32 s3, s0;
	s1 =	sshll.u32 s1, $0x11  }
0xbc: {  	s0 =	sor.u32 s1, s0  }
0xbd: {  	s0 =	sadd.s32 $0x8F2B, s0  }
0xbe: {  	[sflag:s0] =	ssyncadd.remote.s32 $0x1  }
0xbf: {  	_ =	sfence.sel $0xFFFF  }
0xc0: {  	[dreg:$0x0] =	wrdreg $0xFFFFFFFF;
	(pc) =	sbr.abs _section_cstart, $3  }
0xc1: {  	[dreg:$0x1] =	wrdreg $0xFFFFFFFF  }
0xc2: {  	_ =	task.clear_ibuf [dreg:s7], $0x2FFFF;
	_ =	strace $0x9FFFFFFF  }
0xc3: {  	(tm) =	ssettm $0x7FFFFFFF  }
tec
execute0_lowered:
.L_overlay_start_1:
0x0: {  	(tag) =	ssettag $0x1  }
0x1: {  	s0 =	rddreg [dreg:$0x1]  }
0x2: {  	s3 =	rddreg [dreg:$0x2];
	s4 =	simm.s32 $0x0;
	s6 =	stileid.u32  }
0x3: {  	s2 =	srdreg.scid;
	s29 =	simm.s32 $0x80;
	s30 =	simm.s32 $0x4010  }
0x4: {  	s31 =	simm.s32 $0x4110;
	[smem:$0x7FF] =	sst s4;
	s1 =	smul.u32 $0x1450, s6  }
0x5: {  	s5 =	sadd.s32 $0xA2000, s0;
	s24 =	sand.u32 $0x1, s2;
	s21 =	smul.u32 $0xC800, s6  }
0x6: {  	s8 =	sadd.s32 $0x3400, s0;
	s26 =	sadd.s32 $0xBB000, s0;
	s23 =	smul.u32 $0xD000, s6  }
0x7: {  	s10 =	sadd.s32 $0x22C800, s0;
	s22 =	sadd.s32 s6, s0;
	s28 =	smul.u32 $0x28A00, s6  }
0x8: {  	_ =	strace $0x80000047;
	[dreg:$0x4] =	wrdreg s5;
	s2 =	smul.u32 $0x1900, s24  }
0x9: {  	s7 =	smul.u32 $0xD0000, s24;
	s9 =	sor.u32 $0x2, s24;
	s11 =	ssub.s32 $0x2, s24  }
0xa: {  	s13 =	sor.u32 $0x4, s24;
	s16 =	sor.u32 $0x6, s24;
	[dreg:$0x5] =	wrdreg s24  }
0xb: {  	s18 =	sshll.u32 s24, $0x4;
	[dreg:$0x7] =	wrdreg s26;
	s12 =	smul.u32 $0x1900, s9  }
0xc: {  	[dreg:$0x6] =	wrdreg s21;
	s0 =	sadd.s32 s1, s0;
	s15 =	smul.u32 $0x1900, s13  }
0xd: {  	s14 =	sshrl.u32 s11, $0x1;
	s17 =	smul.u32 $0x1900, s16;
	s25 =	sshll.u32 s9, $0x4  }
0xe: {  	s14 =	ssub.s32 s11, s14;
	s11 =	sadd.s32 $0xBC600, s22;
	s1 =	sadd.s32 s23, s7  }
0xf: {  	s20 =	sshll.u32 s13, $0x4;
	s19 =	sadd.s32 s18, s11;
	[dreg:$0xc] =	wrdreg s1  }
0x10: {  	s21 =	sshll.u32 s16, $0x4;
	s5 =	sadd.s32 s25, s11;
	[dreg:$0x8] =	wrdreg s19  }
0x11: {  	s9 =	sshrl.u32 s28, $0x2;
	s22 =	smax.u32 s14, $0x1;
	[dreg:$0x9] =	wrdreg s5  }
0x12: {  	s16 =	sadd.s32 s9, s3;
	s23 =	sadd.s32 $0x1A0000, s1;
	[dreg:$0xd] =	wrdreg s22  }
.Ltmp0:
0x13: {  	s25 =	sadd.s32 $0x340000, s1;
	[dreg:$0xe] =	wrdreg s23;
	(pc) =	sbr.rel .LBB2_1-.Ltmp0, $4  }
0x14: {  	v0 =	vmov s2;
	s2 =	simm.s32 $0x0;
	s28 =	sadd.s32 $0x4E0000, s1;
	[dreg:$0xf] =	wrdreg s25  }
0x15: {  	s18 =	sadd.s32 $0x18A000, s0;
	s5 =	sadd.s32 s20, s11;
	[dreg:$0x10] =	wrdreg s28  }
0x16: {  	v4 =	vimm.s32 $0x0;
	v5 =	vimm.s32 $0x1900;
	s0 =	simm.s32 $0x4090;
	[dreg:$0xa] =	wrdreg s5;
	s5 =	sadd.s32 s21, s11  }
0x17: {  	v1 =	vmov s12;
	v2 =	vmov s15;
	v3 =	vmov s17;
	s23 =	simm.s32 $0x2;
	s25 =	simm.s32 $0x1;
	[dreg:$0xb] =	wrdreg s5  }
.LBB2_49:
0x18: {  	s2 =	rddreg [dreg:$0x11]  }
0x19: {  	s1 =	rddreg [dreg:$0xd];
	s2 =	sadd.s32 $0x1, s2  }
0x1a: {  	p0 =	sne.s32 s2, s1  }
.Ltmp1:
0x1b: {  	_ = 	snop;
	(pc) =	sbr.rel @!p0 .LBB2_50-.Ltmp1, $1  }
0x1c: {  	_ =	sdelay $0x3  }
.LBB2_1:
.Ltmp2:
0x1d: {  	(pc) =	sbr.rel .LBB2_2-.Ltmp2, $4  }
0x1e: {  	[dreg:$0x11] =	wrdreg s2  }
0x1f: {  	s13 =	simm.s32 $0x0;
	s12 =	simm.s32 $0x0;
	s14 =	simm.s32 $0x0  }
0x20: {  	s2 =	simm.s32 $0x0;
	s15 =	simm.s32 $0x0;
	s28 =	simm.s32 $0x0  }
0x21: {  	s19 =	simm.s32 $0x0;
	s20 =	simm.s32 $0x0;
	s26 =	simm.s32 $0x0  }
.LBB2_25:
0x22: {  	[sflag:s23] =	ssyncset.done $0x0  }
0x23: {  	[sflag:s23] =	ssyncadd.s32 $0xFFFFFF80  }
.LBB2_26:
0x24: {  	s6 =	sshll.u32 s5, $0x7  }
0x25: {  	v6 =	vld [tilespmem:s6+$0x2E00];
	_ =	sdelay $0x4  }
0x26: {  	[tilespmem:$0x2E00] =	vst v6  }
0x27: {  	v6 =	vld [tilespmem:s6+$0x2E10];
	_ =	sdelay $0x4  }
0x28: {  	[tilespmem:$0x2E10] =	vst v6  }
0x29: {  	v6 =	vld [tilespmem:s6+$0x2E20];
	_ =	sdelay $0x4  }
0x2a: {  	[tilespmem:$0x2E20] =	vst v6  }
0x2b: {  	v6 =	vld [tilespmem:s6+$0x2E30];
	_ =	sdelay $0x4  }
0x2c: {  	[tilespmem:$0x2E30] =	vst v6  }
0x2d: {  	v6 =	vld [tilespmem:s6+$0x2E40];
	_ =	sdelay $0x4  }
0x2e: {  	[tilespmem:$0x2E40] =	vst v6  }
0x2f: {  	v6 =	vld [tilespmem:s6+$0x2E50];
	_ =	sdelay $0x4  }
0x30: {  	[tilespmem:$0x2E50] =	vst v6  }
0x31: {  	v6 =	vld [tilespmem:s6+$0x2E60];
	_ =	sdelay $0x4  }
0x32: {  	s26 =	sadd.s32 $0x1, s26;
	[tilespmem:$0x2E60] =	vst v6  }
0x33: {  	p0 =	sne.s32 s26, $0x19;
	v6 =	vld [tilespmem:s6+$0x2E70]  }
.Ltmp3:
0x34: {  	_ = 	snop;
	(pc) =	sbr.rel @!p0 .LBB2_27-.Ltmp3, $3  }
0x35: {  	_ =	sdelay $0x1  }
0x36: {  	s14 =	sadd.s32 s14, s2  }
0x37: {  	s2 =	ssub.s32 s21, s17;
	s13 =	sadd.s32 s13, s5;
	s12 =	ssub.s32 s22, s6;
	[tilespmem:$0x2E70] =	vst v6  }
.LBB2_2:
0x38: {  	s1 =	sshll.u32 s26, $0xB;
	s5 =	rddreg [dreg:$0x6]  }
0x39: {  	s1 =	sadd.s32 s5, s1  }
0x3a: {  	s9 =	rddreg [dreg:$0x0];
	s1 =	sshrl.u32 s1, $0x3  }
0x3b: {  	s5 =	sadd.s32 s9, s1  }
0x3c: {  	[tilespmem:s4], [sflag:$0x2] =	stream.linear.gather [hbm4b:s5+s4], $0x800, $0x38;
	[tilespmem:$0x117A8] =	vst v63  }
0x3d: {  	_ =	swait.ge [sflag:s23], $0x800  }
0x3e: {  	[sflag:s23] =	ssyncset.done $0x0;
	s17 =	rddreg [dreg:$0x4]  }
0x3f: {  	s21 =	simm.s32 $0x800;
	[sflag:s23] =	ssyncadd.s32 $0xFFFFF800;
	s1 =	sadd.s32 s17, s1  }
0x40: {  	[tilespmem:s21], [sflag:$0x2] =	stream.linear.gather [hbm4b:s1+s4], $0x800, $0x38;
	[tilespmem:$0x117A8] =	vst v63  }
0x41: {  	_ =	swait.ge [sflag:s23], $0x800  }
0x42: {  	[sflag:s23] =	ssyncset.done $0x0  }
0x43: {  	s22 =	simm.s32 $0x820;
	[sflag:s23] =	ssyncadd.s32 $0xFFFFF800  }
0x44: {  	v6 =	vld [tilespmem:s22+$0xFFFFFFE0]  }
0x45: {  	s1 =	simm.s32 $0x20  }
0x46: {  	v7 =	vld [tilespmem:s1+$0xFFFFFFE0];
	_ =	sdelay $0x2  }
0x47: {  	v6 =	vsub.s32 v6, v0  }
0x48: {  	vm0 =	vlt.u32 v6, $0x1900  }
0x49: {  	v7 =	vshll.u32 v7, $0xD;
	v6 =	vnsel vm0, $0x0, v6;
	v8 =	vsel vm0, $0x1, v4  }
0x4a: {  	v6 =	vadd.s32 v7, v6;
	v7 =	vor.u32 $0x80000000, v8  }
0x4b: {  	(xrf1) =	vsort.dscd.msk.u32 $0xffff, v7, v6;
	_ =	sdelay $0xd  }
0x4c: {  	_, v6, _ =	vpop (xrf1)  }
0x4d: {  	[tilespmem:s20+$0x1000] =	vst v6  }
0x4e: {  	v6 =	vld [tilespmem:s22+$0xFFFFFFF0];
	_ =	sdelay $0x1  }
0x4f: {  	v7 =	vld [tilespmem:s1+$0xFFFFFFF0];
	_ =	sdelay $0x1  }
0x50: {  	v58 =	vmpcnt.ones.xlane vm0  }
0x51: {  	v6 =	vsub.s32 v6, v0  }
0x52: {  	(v2sf) =	vpush v58, $0x0;
	vm13 =	vlt.u32 v6, $0x1900  }
0x53: {  	v7 =	vshll.u32 v7, $0xD;
	v6 =	vnsel vm13, $0x0, v6;
	v59 =	vsel vm13, $0x1, v4  }
0x54: {  	v6 =	vadd.s32 v7, v6;
	v7 =	vor.u32 $0x80000000, v59  }
0x55: {  	(xrf1) =	vsort.dscd.msk.u32 $0xffff, v7, v6;
	_ =	sdelay $0xc  }
0x56: {  	s7 =	spop (v2sf)  }
0x57: {  	s7 =	sadd.s32 s20, s7;
	_, v6, _ =	vpop (xrf1)  }
0x58: {  	[tilespmem:s7+$0x1000] =	vst v6  }
0x59: {  	v6 =	vld [tilespmem:s22+$0x0];
	_ =	sdelay $0x1  }
0x5a: {  	v7 =	vld [tilespmem:s1+$0x0];
	_ =	sdelay $0x1  }
0x5b: {  	v60 =	vmpcnt.ones.xlane vm13  }
0x5c: {  	v6 =	vsub.s32 v6, v0  }
0x5d: {  	(v2sf) =	vpush v60, $0x0;
	vm14 =	vlt.u32 v6, $0x1900  }
0x5e: {  	v7 =	vshll.u32 v7, $0xD;
	v6 =	vnsel vm14, $0x0, v6;
	v61 =	vsel vm14, $0x1, v4  }
0x5f: {  	v6 =	vadd.s32 v7, v6;
	v7 =	vor.u32 $0x80000000, v61  }
0x60: {  	(xrf1) =	vsort.dscd.msk.u32 $0xffff, v7, v6;
	_ =	sdelay $0xc  }
0x61: {  	s9 =	spop (v2sf)  }
0x62: {  	s7 =	sadd.s32 s7, s9;
	_, v6, _ =	vpop (xrf1)  }
0x63: {  	[tilespmem:s7+$0x1000] =	vst v6  }
0x64: {  	v6 =	vld [tilespmem:s22+$0x10]  }
0x65: {  	v7 =	vld [tilespmem:s1+$0x10];
	_ =	sdelay $0x2  }
0x66: {  	v62 =	vmpcnt.ones.xlane vm14  }
0x67: {  	v6 =	vsub.s32 v6, v0  }
0x68: {  	(v2sf) =	vpush v62, $0x0;
	v7 =	vshll.u32 v7, $0xD;
	vm15 =	vlt.u32 v6, $0x1900  }
0x69: {  	v6 =	vnsel vm15, $0x0, v6;
	v63 =	vsel vm15, $0x1, v4;
	v9 =	vmpcnt.ones.xlane vm15  }
0x6a: {  	v6 =	vadd.s32 v7, v6;
	v7 =	vor.u32 $0x80000000, v63  }
0x6b: {  	(xrf1) =	vsort.dscd.msk.u32 $0xffff, v7, v6;
	(v2sf) =	vpush v9, $0x0;
	_ =	sdelay $0xc  }
0x6c: {  	s24 =	spop (v2sf)  }
0x6d: {  	s7 =	sadd.s32 s7, s24;
	_, v6, _ =	vpop (xrf1)  }
0x6e: {  	s5 =	simm.s32 $0x860;
	s17 =	simm.s32 $0x4;
	[tilespmem:s7+$0x1000] =	vst v6;
	s9 =	spop (v2sf)  }
.LBB2_3:
0x6f: {  	s17 =	sadd.s32 $0x4, s17;
	v6 =	vld [tilespmem:s5+$0xFFFFFFE0];
	s20 =	sadd.s32 s7, s9;
	s1 =	sadd.s32 $0x40, s1  }
0x70: {  	p0 =	slt.u32 s17, $0x7C  }
0x71: {  	v7 =	vld [tilespmem:s1+$0xFFFFFFE0];
	_ =	sdelay $0x2  }
0x72: {  	v6 =	vsub.s32 v6, v0  }
0x73: {  	vm0 =	vlt.u32 v6, $0x1900  }
0x74: {  	v7 =	vshll.u32 v7, $0xD;
	v6 =	vnsel vm0, $0x0, v6;
	v8 =	vsel vm0, $0x1, v4  }
0x75: {  	v6 =	vadd.s32 v7, v6;
	v7 =	vor.u32 $0x80000000, v8;
	v8 =	vmpcnt.ones.xlane vm0  }
0x76: {  	(xrf1) =	vsort.dscd.msk.u32 $0xffff, v7, v6  }
0x77: {  	(v2sf) =	vpush v8, $0x0;
	_ =	sdelay $0xc  }
0x78: {  	_, v6, _ =	vpop (xrf1)  }
0x79: {  	[tilespmem:s20+$0x1000] =	vst v6  }
0x7a: {  	v6 =	vld [tilespmem:s5+$0xFFFFFFF0];
	s7 =	spop (v2sf);
	_ =	sdelay $0x1  }
0x7b: {  	v7 =	vld [tilespmem:s1+$0xFFFFFFF0];
	_ =	sdelay $0x2  }
0x7c: {  	v6 =	vsub.s32 v6, v0  }
0x7d: {  	vm0 =	vlt.u32 v6, $0x1900  }
0x7e: {  	v7 =	vshll.u32 v7, $0xD;
	v6 =	vnsel vm0, $0x0, v6;
	v8 =	vsel vm0, $0x1, v4  }
0x7f: {  	v6 =	vadd.s32 v7, v6;
	v7 =	vor.u32 $0x80000000, v8;
	v8 =	vmpcnt.ones.xlane vm0  }
0x80: {  	(xrf1) =	vsort.dscd.msk.u32 $0xffff, v7, v6  }
0x81: {  	(v2sf) =	vpush v8, $0x0;
	_ =	sdelay $0xc  }
0x82: {  	s7 =	sadd.s32 s20, s7;
	_, v6, _ =	vpop (xrf1)  }
0x83: {  	[tilespmem:s7+$0x1000] =	vst v6  }
0x84: {  	v6 =	vld [tilespmem:s5+$0x0];
	s9 =	spop (v2sf)  }
0x85: {  	s7 =	sadd.s32 s7, s9  }
0x86: {  	v7 =	vld [tilespmem:s1+$0x0];
	_ =	sdelay $0x2  }
0x87: {  	v6 =	vsub.s32 v6, v0  }
0x88: {  	vm0 =	vlt.u32 v6, $0x1900  }
0x89: {  	v7 =	vshll.u32 v7, $0xD;
	v6 =	vnsel vm0, $0x0, v6;
	v8 =	vsel vm0, $0x1, v4  }
0x8a: {  	v6 =	vadd.s32 v7, v6;
	v7 =	vor.u32 $0x80000000, v8;
	v8 =	vmpcnt.ones.xlane vm0  }
0x8b: {  	(xrf1) =	vsort.dscd.msk.u32 $0xffff, v7, v6  }
0x8c: {  	(v2sf) =	vpush v8, $0x0;
	_ =	sdelay $0xc  }
0x8d: {  	_, v6, _ =	vpop (xrf1)  }
0x8e: {  	[tilespmem:s7+$0x1000] =	vst v6  }
0x8f: {  	v6 =	vld [tilespmem:s5+$0x10];
	s9 =	spop (v2sf)  }
0x90: {  	v7 =	vld [tilespmem:s1+$0x10];
	_ =	sdelay $0x3  }
0x91: {  	v6 =	vsub.s32 v6, v0  }
0x92: {  	vm0 =	vlt.u32 v6, $0x1900;
	v7 =	vshll.u32 v7, $0xD  }
0x93: {  	v6 =	vnsel vm0, $0x0, v6;
	v8 =	vsel vm0, $0x1, v4;
	v9 =	vmpcnt.ones.xlane vm0  }
0x94: {  	v6 =	vadd.s32 v7, v6;
	v7 =	vor.u32 $0x80000000, v8  }
0x95: {  	(xrf1) =	vsort.dscd.msk.u32 $0xffff, v7, v6;
	(v2sf) =	vpush v9, $0x0;
	_ =	sdelay $0xa  }
.Ltmp4:
0x96: {  	(pc) =	sbr.rel @p0 .LBB2_3-.Ltmp4, $3  }
0x97: {  	_ =	sdelay $0x1  }
0x98: {  	s7 =	sadd.s32 s7, s9;
	_, v6, _ =	vpop (xrf1)  }
0x99: {  	s5 =	sadd.s32 $0x40, s5;
	[tilespmem:s7+$0x1000] =	vst v6;
	s9 =	spop (v2sf)  }
0x9a: {  	v6 =	vld [tilespmem:s5+$0xFFFFFFE0]  }
0x9b: {  	s1 =	sadd.s32 $0x40, s1  }
0x9c: {  	v7 =	vld [tilespmem:s1+$0xFFFFFFE0];
	_ =	sdelay $0x2  }
0x9d: {  	v6 =	vsub.s32 v6, v0  }
0x9e: {  	vm0 =	vlt.u32 v6, $0x1900  }
0x9f: {  	v7 =	vshll.u32 v7, $0xD;
	v6 =	vnsel vm0, $0x0, v6;
	v8 =	vsel vm0, $0x1, v4  }
0xa0: {  	v6 =	vadd.s32 v7, v6;
	v7 =	vor.u32 $0x80000000, v8  }
0xa1: {  	(xrf1) =	vsort.dscd.msk.u32 $0xffff, v7, v6;
	_ =	sdelay $0xd  }
0xa2: {  	s7 =	sadd.s32 s7, s9;
	_, v6, _ =	vpop (xrf1)  }
0xa3: {  	[tilespmem:s7+$0x1000] =	vst v6  }
0xa4: {  	v6 =	vld [tilespmem:s5+$0xFFFFFFF0];
	_ =	sdelay $0x1  }
0xa5: {  	v7 =	vld [tilespmem:s1+$0xFFFFFFF0];
	_ =	sdelay $0x1  }
0xa6: {  	v58 =	vmpcnt.ones.xlane vm0  }
0xa7: {  	v6 =	vsub.s32 v6, v0  }
0xa8: {  	(v2sf) =	vpush v58, $0x0;
	vm13 =	vlt.u32 v6, $0x1900  }
0xa9: {  	v7 =	vshll.u32 v7, $0xD;
	v6 =	vnsel vm13, $0x0, v6;
	v59 =	vsel vm13, $0x1, v4  }
0xaa: {  	v6 =	vadd.s32 v7, v6;
	v7 =	vor.u32 $0x80000000, v59  }
0xab: {  	(xrf1) =	vsort.dscd.msk.u32 $0xffff, v7, v6;
	_ =	sdelay $0xc  }
0xac: {  	s24 =	spop (v2sf)  }
0xad: {  	s7 =	sadd.s32 s7, s24;
	_, v6, _ =	vpop (xrf1)  }
0xae: {  	[tilespmem:s7+$0x1000] =	vst v6  }
0xaf: {  	v6 =	vld [tilespmem:s5+$0x0];
	_ =	sdelay $0x1  }
0xb0: {  	v7 =	vld [tilespmem:s1+$0x0];
	_ =	sdelay $0x1  }
0xb1: {  	v60 =	vmpcnt.ones.xlane vm13  }
0xb2: {  	v6 =	vsub.s32 v6, v0  }
0xb3: {  	(v2sf) =	vpush v60, $0x0;
	vm14 =	vlt.u32 v6, $0x1900  }
0xb4: {  	v7 =	vshll.u32 v7, $0xD;
	v6 =	vnsel vm14, $0x0, v6;
	v61 =	vsel vm14, $0x1, v4  }
0xb5: {  	v6 =	vadd.s32 v7, v6;
	v7 =	vor.u32 $0x80000000, v61  }
0xb6: {  	(xrf1) =	vsort.dscd.msk.u32 $0xffff, v7, v6;
	_ =	sdelay $0xc  }
0xb7: {  	s6 =	spop (v2sf)  }
0xb8: {  	s7 =	sadd.s32 s7, s6;
	_, v6, _ =	vpop (xrf1)  }
0xb9: {  	[tilespmem:s7+$0x1000] =	vst v6  }
0xba: {  	v6 =	vld [tilespmem:s5+$0x10];
	_ =	sdelay $0x4  }
0xbb: {  	v6 =	vsub.s32 v6, v0  }
0xbc: {  	v7 =	vmpcnt.ones.xlane vm14;
	vm15 =	vlt.u32 v6, $0x1900  }
0xbd: {  	v62 =	vmpcnt.ones.xlane vm15  }
0xbe: {  	(v2sf) =	vpush v7, $0x0  }
0xbf: {  	(v2sf) =	vpush v62, $0x0;
	_ =	sdelay $0x5  }
0xc0: {  	v7 =	vld [tilespmem:s1+$0x10];
	_ =	sdelay $0x4  }
0xc1: {  	v7 =	vshll.u32 v7, $0xD;
	v6 =	vnsel vm15, $0x0, v6;
	v63 =	vsel vm15, $0x1, v4  }
0xc2: {  	v6 =	vadd.s32 v7, v6;
	v7 =	vor.u32 $0x80000000, v63  }
0xc3: {  	(xrf1) =	vsort.dscd.msk.u32 $0xffff, v7, v6  }
0xc4: {  	s9 =	spop (v2sf)  }
0xc5: {  	s17 =	sadd.s32 s7, s9;
	s20 =	spop (v2sf)  }
0xc6: {  	s1 =	sadd.s32 s17, s20  }
0xc7: {  	s21 =	sand.u32 $0x7F, s1  }
0xc8: {  	s22 =	sshra.s32 s1, $0x1F;
	p0 =	slt.s32 s1, $0x1;
	p1 =	sne.s32 s21, $0x0  }
0xc9: {  	s24 =	sshrl.u32 s22, $0x19;
	p0 =	por !p0, !p1  }
0xca: {  	s9 =	simm.s32 $0x1;
	s7 =	sadd.s32 s24, s1;
	p0 =	por !p0, !p0  }
0xcb: {  	s7 =	sshra.s32 s7, $0x7;
	s9 =	simm.s32 @!p0 $0x0  }
0xcc: {  	s21 =	ssub.s32 s7, s9  }
0xcd: {  	p0 =	slt.s32 s21, $0x1  }
.Ltmp5:
0xce: {  	_ = 	snop;
	(pc) =	sbr.rel @p0 .LBB2_8-.Ltmp5, $3  }
0xcf: {  	_ =	sdelay $0x1  }
0xd0: {  	_, v6, _ =	vpop (xrf1)  }
0xd1: {  	[tilespmem:s17+$0x1000] =	vst v6  }
0xd2: {  	s5 =	sshll.u32 s19, $0x7;
	s6 =	rddreg [dreg:$0xc];
	p0 =	sne.s32 s21, $0x1  }
.Ltmp6:
0xd3: {  	s9 =	sadd.s32 s5, s6;
	(pc) =	sbr.rel @!p0 .LBB2_7-.Ltmp6, $4  }
0xd4: {  	s7 =	sshrl.u32 s9, $0x3  }
0xd5: {  	s5 =	simm.s32 $0x1000;
	s7 =	sadd.s32 s10, s7  }
0xd6: {  	[hbm4b:s7+s4] =	stream.linear.scatter [tilespmem:s5], [sflag:$0x2], $0x80, $0x38;
	[tilespmem:$0x117A8] =	vst v63  }
0xd7: {  	s17 =	sadd.s32 $0x80, s9;
	s7 =	sadd.s32 $0xFFFFFFFF, s21;
	_ =	swait.ge [sflag:s23], $0x80  }
.LBB2_6:
0xd8: {  	s9 =	sshrl.u32 s17, $0x3  }
0xd9: {  	[sflag:s23] =	ssyncset.done $0x0;
	s5 =	sadd.s32 $0x80, s5;
	p0 =	sne.s32 s7, $0x1  }
.Ltmp7:
0xda: {  	s9 =	sadd.s32 s10, s9;
	[sflag:s23] =	ssyncadd.s32 $0xFFFFFF80;
	(pc) =	sbr.rel @p0 .LBB2_6-.Ltmp7, $3  }
0xdb: {  	[hbm4b:s9+s4] =	stream.linear.scatter [tilespmem:s5], [sflag:$0x2], $0x80, $0x38;
	[tilespmem:$0x117A8] =	vst v63  }
0xdc: {  	s7 =	sadd.s32 $0xFFFFFFFF, s7;
	_ =	sdelay $0x1  }
0xdd: {  	s17 =	sadd.s32 $0x80, s17;
	_ =	swait.ge [sflag:s23], $0x80  }
.LBB2_7:
0xde: {  	[sflag:s23] =	ssyncset.done $0x0  }
0xdf: {  	[sflag:s23] =	ssyncadd.s32 $0xFFFFFF80  }
.LBB2_8:
0xe0: {  	s20 =	sshll.u32 s21, $0x7  }
0xe1: {  	v6 =	vld [tilespmem:s20+$0x1000];
	_ =	sdelay $0x4  }
0xe2: {  	[tilespmem:$0x1000] =	vst v6  }
0xe3: {  	v6 =	vld [tilespmem:s20+$0x1010];
	_ =	sdelay $0x4  }
0xe4: {  	[tilespmem:$0x1010] =	vst v6  }
0xe5: {  	v6 =	vld [tilespmem:s20+$0x1020];
	_ =	sdelay $0x4  }
0xe6: {  	[tilespmem:$0x1020] =	vst v6  }
0xe7: {  	v6 =	vld [tilespmem:s20+$0x1030];
	_ =	sdelay $0x4  }
0xe8: {  	[tilespmem:$0x1030] =	vst v6  }
0xe9: {  	v6 =	vld [tilespmem:s20+$0x1040];
	_ =	sdelay $0x4  }
0xea: {  	[tilespmem:$0x1040] =	vst v6  }
0xeb: {  	v6 =	vld [tilespmem:s20+$0x1050];
	_ =	sdelay $0x4  }
0xec: {  	[tilespmem:$0x1050] =	vst v6  }
0xed: {  	v6 =	vld [tilespmem:s20+$0x1060];
	_ =	sdelay $0x4  }
0xee: {  	[tilespmem:$0x1060] =	vst v6  }
0xef: {  	v6 =	vld [tilespmem:s20+$0x1070];
	_ =	sdelay $0x4  }
0xf0: {  	s7 =	simm.s32 $0x820;
	[tilespmem:$0x1070] =	vst v6  }
0xf1: {  	v6 =	vld [tilespmem:s7+$0xFFFFFFE0]  }
0xf2: {  	s5 =	simm.s32 $0x20  }
0xf3: {  	v7 =	vld [tilespmem:s5+$0xFFFFFFE0];
	_ =	sdelay $0x2  }
0xf4: {  	v6 =	vsub.s32 v6, v1  }
0xf5: {  	vm0 =	vlt.u32 v6, $0x1900  }
0xf6: {  	v7 =	vshll.u32 v7, $0xD;
	v6 =	vnsel vm0, $0x0, v6;
	v8 =	vsel vm0, $0x1, v4  }
0xf7: {  	v6 =	vadd.s32 v7, v6;
	v7 =	vor.u32 $0x80000000, v8  }
0xf8: {  	(xrf1) =	vsort.dscd.msk.u32 $0xffff, v7, v6;
	_ =	sdelay $0xd  }
0xf9: {  	_, v6, _ =	vpop (xrf1)  }
0xfa: {  	[tilespmem:s28+$0x1A00] =	vst v6  }
0xfb: {  	v6 =	vld [tilespmem:s7+$0xFFFFFFF0];
	_ =	sdelay $0x1  }
0xfc: {  	v7 =	vld [tilespmem:s5+$0xFFFFFFF0];
	_ =	sdelay $0x1  }
0xfd: {  	v58 =	vmpcnt.ones.xlane vm0  }
0xfe: {  	v6 =	vsub.s32 v6, v1  }
0xff: {  	(v2sf) =	vpush v58, $0x0;
	vm13 =	vlt.u32 v6, $0x1900  }
0x100: {  	v7 =	vshll.u32 v7, $0xD;
	v6 =	vnsel vm13, $0x0, v6;
	v59 =	vsel vm13, $0x1, v4  }
0x101: {  	v6 =	vadd.s32 v7, v6;
	v7 =	vor.u32 $0x80000000, v59  }
0x102: {  	(xrf1) =	vsort.dscd.msk.u32 $0xffff, v7, v6;
	_ =	sdelay $0xc  }
0x103: {  	s9 =	spop (v2sf)  }
0x104: {  	s9 =	sadd.s32 s28, s9;
	_, v6, _ =	vpop (xrf1)  }
0x105: {  	[tilespmem:s9+$0x1A00] =	vst v6  }
0x106: {  	v6 =	vld [tilespmem:s7+$0x0];
	_ =	sdelay $0x1  }
0x107: {  	v7 =	vld [tilespmem:s5+$0x0];
	_ =	sdelay $0x1  }
0x108: {  	v60 =	vmpcnt.ones.xlane vm13  }
0x109: {  	v6 =	vsub.s32 v6, v1  }
0x10a: {  	(v2sf) =	vpush v60, $0x0;
	vm14 =	vlt.u32 v6, $0x1900  }
0x10b: {  	v7 =	vshll.u32 v7, $0xD;
	v6 =	vnsel vm14, $0x0, v6;
	v61 =	vsel vm14, $0x1, v4  }
0x10c: {  	v6 =	vadd.s32 v7, v6;
	v7 =	vor.u32 $0x80000000, v61  }
0x10d: {  	(xrf1) =	vsort.dscd.msk.u32 $0xffff, v7, v6;
	_ =	sdelay $0xc  }
0x10e: {  	s17 =	spop (v2sf)  }
0x10f: {  	s9 =	sadd.s32 s9, s17;
	_, v6, _ =	vpop (xrf1)  }
0x110: {  	[tilespmem:s9+$0x1A00] =	vst v6  }
0x111: {  	v6 =	vld [tilespmem:s7+$0x10]  }
0x112: {  	v7 =	vld [tilespmem:s5+$0x10];
	_ =	sdelay $0x2  }
0x113: {  	v62 =	vmpcnt.ones.xlane vm14  }
0x114: {  	v6 =	vsub.s32 v6, v1  }
0x115: {  	(v2sf) =	vpush v62, $0x0;
	v7 =	vshll.u32 v7, $0xD;
	vm15 =	vlt.u32 v6, $0x1900  }
0x116: {  	v6 =	vnsel vm15, $0x0, v6;
	v63 =	vsel vm15, $0x1, v4;
	v9 =	vmpcnt.ones.xlane vm15  }
0x117: {  	v6 =	vadd.s32 v7, v6;
	v7 =	vor.u32 $0x80000000, v63  }
0x118: {  	(xrf1) =	vsort.dscd.msk.u32 $0xffff, v7, v6;
	(v2sf) =	vpush v9, $0x0;
	_ =	sdelay $0xc  }
0x119: {  	s28 =	spop (v2sf)  }
0x11a: {  	s7 =	sadd.s32 s9, s28;
	_, v6, _ =	vpop (xrf1)  }
0x11b: {  	s22 =	simm.s32 $0x4;
	s17 =	simm.s32 $0x860;
	[tilespmem:s7+$0x1A00] =	vst v6;
	s9 =	spop (v2sf)  }
.LBB2_9:
0x11c: {  	s22 =	sadd.s32 $0x4, s22;
	v6 =	vld [tilespmem:s17+$0xFFFFFFE0];
	s24 =	sadd.s32 s7, s9;
	s5 =	sadd.s32 $0x40, s5  }
0x11d: {  	p0 =	slt.u32 s22, $0x7C  }
0x11e: {  	v7 =	vld [tilespmem:s5+$0xFFFFFFE0];
	_ =	sdelay $0x2  }
0x11f: {  	v6 =	vsub.s32 v6, v1  }
0x120: {  	vm0 =	vlt.u32 v6, $0x1900  }
0x121: {  	v7 =	vshll.u32 v7, $0xD;
	v6 =	vnsel vm0, $0x0, v6;
	v8 =	vsel vm0, $0x1, v4  }
0x122: {  	v6 =	vadd.s32 v7, v6;
	v7 =	vor.u32 $0x80000000, v8;
	v8 =	vmpcnt.ones.xlane vm0  }
0x123: {  	(xrf1) =	vsort.dscd.msk.u32 $0xffff, v7, v6  }
0x124: {  	(v2sf) =	vpush v8, $0x0;
	_ =	sdelay $0xc  }
0x125: {  	_, v6, _ =	vpop (xrf1)  }
0x126: {  	[tilespmem:s24+$0x1A00] =	vst v6  }
0x127: {  	v6 =	vld [tilespmem:s17+$0xFFFFFFF0];
	s7 =	spop (v2sf);
	_ =	sdelay $0x1  }
0x128: {  	v7 =	vld [tilespmem:s5+$0xFFFFFFF0];
	_ =	sdelay $0x2  }
0x129: {  	v6 =	vsub.s32 v6, v1  }
0x12a: {  	vm0 =	vlt.u32 v6, $0x1900  }
0x12b: {  	v7 =	vshll.u32 v7, $0xD;
	v6 =	vnsel vm0, $0x0, v6;
	v8 =	vsel vm0, $0x1, v4  }
0x12c: {  	v6 =	vadd.s32 v7, v6;
	v7 =	vor.u32 $0x80000000, v8;
	v8 =	vmpcnt.ones.xlane vm0  }
0x12d: {  	(xrf1) =	vsort.dscd.msk.u32 $0xffff, v7, v6  }
0x12e: {  	(v2sf) =	vpush v8, $0x0;
	_ =	sdelay $0xc  }
0x12f: {  	s7 =	sadd.s32 s24, s7;
	_, v6, _ =	vpop (xrf1)  }
0x130: {  	[tilespmem:s7+$0x1A00] =	vst v6  }
0x131: {  	v6 =	vld [tilespmem:s17+$0x0];
	s9 =	spop (v2sf)  }
0x132: {  	s7 =	sadd.s32 s7, s9  }
0x133: {  	v7 =	vld [tilespmem:s5+$0x0];
	_ =	sdelay $0x2  }
0x134: {  	v6 =	vsub.s32 v6, v1  }
0x135: {  	vm0 =	vlt.u32 v6, $0x1900  }
0x136: {  	v7 =	vshll.u32 v7, $0xD;
	v6 =	vnsel vm0, $0x0, v6;
	v8 =	vsel vm0, $0x1, v4  }
0x137: {  	v6 =	vadd.s32 v7, v6;
	v7 =	vor.u32 $0x80000000, v8;
	v8 =	vmpcnt.ones.xlane vm0  }
0x138: {  	(xrf1) =	vsort.dscd.msk.u32 $0xffff, v7, v6  }
0x139: {  	(v2sf) =	vpush v8, $0x0;
	_ =	sdelay $0xc  }
0x13a: {  	_, v6, _ =	vpop (xrf1)  }
0x13b: {  	[tilespmem:s7+$0x1A00] =	vst v6  }
0x13c: {  	v6 =	vld [tilespmem:s17+$0x10];
	s9 =	spop (v2sf)  }
0x13d: {  	v7 =	vld [tilespmem:s5+$0x10];
	_ =	sdelay $0x3  }
0x13e: {  	v6 =	vsub.s32 v6, v1  }
0x13f: {  	vm0 =	vlt.u32 v6, $0x1900;
	v7 =	vshll.u32 v7, $0xD  }
0x140: {  	v6 =	vnsel vm0, $0x0, v6;
	v8 =	vsel vm0, $0x1, v4;
	v9 =	vmpcnt.ones.xlane vm0  }
0x141: {  	v6 =	vadd.s32 v7, v6;
	v7 =	vor.u32 $0x80000000, v8  }
0x142: {  	(xrf1) =	vsort.dscd.msk.u32 $0xffff, v7, v6;
	(v2sf) =	vpush v9, $0x0;
	_ =	sdelay $0xa  }
.Ltmp8:
0x143: {  	(pc) =	sbr.rel @p0 .LBB2_9-.Ltmp8, $3  }
0x144: {  	_ =	sdelay $0x1  }
0x145: {  	s7 =	sadd.s32 s7, s9;
	_, v6, _ =	vpop (xrf1)  }
0x146: {  	s17 =	sadd.s32 $0x40, s17;
	[tilespmem:s7+$0x1A00] =	vst v6;
	s9 =	spop (v2sf)  }
0x147: {  	v6 =	vld [tilespmem:s17+$0xFFFFFFE0]  }
0x148: {  	s5 =	sadd.s32 $0x40, s5  }
0x149: {  	v7 =	vld [tilespmem:s5+$0xFFFFFFE0];
	_ =	sdelay $0x2  }
0x14a: {  	v6 =	vsub.s32 v6, v1  }
0x14b: {  	vm0 =	vlt.u32 v6, $0x1900  }
0x14c: {  	v7 =	vshll.u32 v7, $0xD;
	v6 =	vnsel vm0, $0x0, v6;
	v8 =	vsel vm0, $0x1, v4  }
0x14d: {  	v6 =	vadd.s32 v7, v6;
	v7 =	vor.u32 $0x80000000, v8  }
0x14e: {  	(xrf1) =	vsort.dscd.msk.u32 $0xffff, v7, v6;
	_ =	sdelay $0xd  }
0x14f: {  	s7 =	sadd.s32 s7, s9;
	_, v6, _ =	vpop (xrf1)  }
0x150: {  	[tilespmem:s7+$0x1A00] =	vst v6  }
0x151: {  	v6 =	vld [tilespmem:s17+$0xFFFFFFF0];
	_ =	sdelay $0x1  }
0x152: {  	v7 =	vld [tilespmem:s5+$0xFFFFFFF0];
	_ =	sdelay $0x1  }
0x153: {  	v58 =	vmpcnt.ones.xlane vm0  }
0x154: {  	v6 =	vsub.s32 v6, v1  }
0x155: {  	(v2sf) =	vpush v58, $0x0;
	vm13 =	vlt.u32 v6, $0x1900  }
0x156: {  	v7 =	vshll.u32 v7, $0xD;
	v6 =	vnsel vm13, $0x0, v6;
	v59 =	vsel vm13, $0x1, v4  }
0x157: {  	v6 =	vadd.s32 v7, v6;
	v7 =	vor.u32 $0x80000000, v59  }
0x158: {  	(xrf1) =	vsort.dscd.msk.u32 $0xffff, v7, v6;
	_ =	sdelay $0xc  }
0x159: {  	s28 =	spop (v2sf)  }
0x15a: {  	s7 =	sadd.s32 s7, s28;
	_, v6, _ =	vpop (xrf1)  }
0x15b: {  	[tilespmem:s7+$0x1A00] =	vst v6  }
0x15c: {  	v6 =	vld [tilespmem:s17+$0x0];
	_ =	sdelay $0x1  }
0x15d: {  	v7 =	vld [tilespmem:s5+$0x0];
	_ =	sdelay $0x1  }
0x15e: {  	v60 =	vmpcnt.ones.xlane vm13  }
0x15f: {  	v6 =	vsub.s32 v6, v1  }
0x160: {  	(v2sf) =	vpush v60, $0x0;
	vm14 =	vlt.u32 v6, $0x1900  }
0x161: {  	v7 =	vshll.u32 v7, $0xD;
	v6 =	vnsel vm14, $0x0, v6;
	v61 =	vsel vm14, $0x1, v4  }
0x162: {  	v6 =	vadd.s32 v7, v6;
	v7 =	vor.u32 $0x80000000, v61  }
0x163: {  	(xrf1) =	vsort.dscd.msk.u32 $0xffff, v7, v6;
	_ =	sdelay $0xc  }
0x164: {  	s6 =	spop (v2sf)  }
0x165: {  	s7 =	sadd.s32 s7, s6;
	_, v6, _ =	vpop (xrf1)  }
0x166: {  	[tilespmem:s7+$0x1A00] =	vst v6  }
0x167: {  	v6 =	vld [tilespmem:s17+$0x10];
	_ =	sdelay $0x4  }
0x168: {  	v6 =	vsub.s32 v6, v1  }
0x169: {  	v7 =	vmpcnt.ones.xlane vm14;
	vm15 =	vlt.u32 v6, $0x1900  }
0x16a: {  	v62 =	vmpcnt.ones.xlane vm15  }
0x16b: {  	(v2sf) =	vpush v7, $0x0  }
0x16c: {  	(v2sf) =	vpush v62, $0x0;
	_ =	sdelay $0x5  }
0x16d: {  	v7 =	vld [tilespmem:s5+$0x10];
	_ =	sdelay $0x4  }
0x16e: {  	v7 =	vshll.u32 v7, $0xD;
	v6 =	vnsel vm15, $0x0, v6;
	v63 =	vsel vm15, $0x1, v4  }
0x16f: {  	v6 =	vadd.s32 v7, v6;
	v7 =	vor.u32 $0x80000000, v63  }
0x170: {  	(xrf1) =	vsort.dscd.msk.u32 $0xffff, v7, v6  }
0x171: {  	s9 =	spop (v2sf)  }
0x172: {  	s5 =	sadd.s32 s7, s9;
	s17 =	spop (v2sf)  }
0x173: {  	s24 =	sadd.s32 s5, s17  }
0x174: {  	s7 =	sand.u32 $0x7F, s24  }
0x175: {  	s22 =	sshra.s32 s24, $0x1F;
	p0 =	slt.s32 s24, $0x1;
	p1 =	sne.s32 s7, $0x0  }
0x176: {  	s28 =	sshrl.u32 s22, $0x19;
	p0 =	por !p0, !p1  }
0x177: {  	s9 =	simm.s32 $0x1;
	s7 =	sadd.s32 s28, s24;
	p0 =	por !p0, !p0  }
0x178: {  	s7 =	sshra.s32 s7, $0x7;
	s9 =	simm.s32 @!p0 $0x0  }
0x179: {  	s22 =	ssub.s32 s7, s9  }
0x17a: {  	p0 =	slt.s32 s22, $0x1  }
.Ltmp9:
0x17b: {  	_ = 	snop;
	(pc) =	sbr.rel @p0 .LBB2_14-.Ltmp9, $3  }
0x17c: {  	_ =	sdelay $0x1  }
0x17d: {  	_, v6, _ =	vpop (xrf1)  }
0x17e: {  	[tilespmem:s5+$0x1A00] =	vst v6  }
0x17f: {  	s5 =	sshll.u32 s15, $0x7;
	s6 =	rddreg [dreg:$0xe];
	p0 =	sne.s32 s22, $0x1  }
.Ltmp10:
0x180: {  	s9 =	sadd.s32 s5, s6;
	(pc) =	sbr.rel @!p0 .LBB2_13-.Ltmp10, $4  }
0x181: {  	s7 =	sshrl.u32 s9, $0x3  }
0x182: {  	s5 =	simm.s32 $0x1A00;
	s7 =	sadd.s32 s10, s7  }
0x183: {  	[hbm4b:s7+s4] =	stream.linear.scatter [tilespmem:s5], [sflag:$0x2], $0x80, $0x38;
	[tilespmem:$0x117A8] =	vst v63  }
0x184: {  	s17 =	sadd.s32 $0x80, s9;
	s7 =	sadd.s32 $0xFFFFFFFF, s22;
	_ =	swait.ge [sflag:s23], $0x80  }
.LBB2_12:
0x185: {  	s9 =	sshrl.u32 s17, $0x3  }
0x186: {  	[sflag:s23] =	ssyncset.done $0x0;
	s5 =	sadd.s32 $0x80, s5;
	p0 =	sne.s32 s7, $0x1  }
.Ltmp11:
0x187: {  	s9 =	sadd.s32 s10, s9;
	[sflag:s23] =	ssyncadd.s32 $0xFFFFFF80;
	(pc) =	sbr.rel @p0 .LBB2_12-.Ltmp11, $3  }
0x188: {  	[hbm4b:s9+s4] =	stream.linear.scatter [tilespmem:s5], [sflag:$0x2], $0x80, $0x38;
	[tilespmem:$0x117A8] =	vst v63  }
0x189: {  	s7 =	sadd.s32 $0xFFFFFFFF, s7;
	_ =	sdelay $0x1  }
0x18a: {  	s17 =	sadd.s32 $0x80, s17;
	_ =	swait.ge [sflag:s23], $0x80  }
.LBB2_13:
0x18b: {  	[sflag:s23] =	ssyncset.done $0x0  }
0x18c: {  	[sflag:s23] =	ssyncadd.s32 $0xFFFFFF80  }
.LBB2_14:
0x18d: {  	s28 =	sshll.u32 s22, $0x7  }
0x18e: {  	v6 =	vld [tilespmem:s28+$0x1A00];
	_ =	sdelay $0x4  }
0x18f: {  	[tilespmem:$0x1A00] =	vst v6  }
0x190: {  	v6 =	vld [tilespmem:s28+$0x1A10];
	_ =	sdelay $0x4  }
0x191: {  	[tilespmem:$0x1A10] =	vst v6  }
0x192: {  	v6 =	vld [tilespmem:s28+$0x1A20];
	_ =	sdelay $0x4  }
0x193: {  	[tilespmem:$0x1A20] =	vst v6  }
0x194: {  	v6 =	vld [tilespmem:s28+$0x1A30];
	_ =	sdelay $0x4  }
0x195: {  	[tilespmem:$0x1A30] =	vst v6  }
0x196: {  	v6 =	vld [tilespmem:s28+$0x1A40];
	_ =	sdelay $0x4  }
0x197: {  	[tilespmem:$0x1A40] =	vst v6  }
0x198: {  	v6 =	vld [tilespmem:s28+$0x1A50];
	_ =	sdelay $0x4  }
0x199: {  	[tilespmem:$0x1A50] =	vst v6  }
0x19a: {  	v6 =	vld [tilespmem:s28+$0x1A60];
	_ =	sdelay $0x4  }
0x19b: {  	[tilespmem:$0x1A60] =	vst v6  }
0x19c: {  	v6 =	vld [tilespmem:s28+$0x1A70];
	_ =	sdelay $0x4  }
0x19d: {  	s5 =	simm.s32 $0x820;
	[tilespmem:$0x1A70] =	vst v6  }
0x19e: {  	v6 =	vld [tilespmem:s5+$0xFFFFFFE0]  }
0x19f: {  	s17 =	simm.s32 $0x20  }
0x1a0: {  	v7 =	vld [tilespmem:s17+$0xFFFFFFE0];
	_ =	sdelay $0x2  }
0x1a1: {  	v6 =	vsub.s32 v6, v2  }
0x1a2: {  	vm0 =	vlt.u32 v6, $0x1900  }
0x1a3: {  	v7 =	vshll.u32 v7, $0xD;
	v6 =	vnsel vm0, $0x0, v6;
	v8 =	vsel vm0, $0x1, v4  }
0x1a4: {  	v6 =	vadd.s32 v7, v6;
	v7 =	vor.u32 $0x80000000, v8  }
0x1a5: {  	(xrf1) =	vsort.dscd.msk.u32 $0xffff, v7, v6;
	_ =	sdelay $0xd  }
0x1a6: {  	_, v6, _ =	vpop (xrf1)  }
0x1a7: {  	[tilespmem:s2+$0x2400] =	vst v6  }
0x1a8: {  	v6 =	vld [tilespmem:s5+$0xFFFFFFF0];
	_ =	sdelay $0x1  }
0x1a9: {  	v7 =	vld [tilespmem:s17+$0xFFFFFFF0];
	_ =	sdelay $0x1  }
0x1aa: {  	v58 =	vmpcnt.ones.xlane vm0  }
0x1ab: {  	v6 =	vsub.s32 v6, v2  }
0x1ac: {  	(v2sf) =	vpush v58, $0x0;
	vm13 =	vlt.u32 v6, $0x1900  }
0x1ad: {  	v7 =	vshll.u32 v7, $0xD;
	v6 =	vnsel vm13, $0x0, v6;
	v59 =	vsel vm13, $0x1, v4  }
0x1ae: {  	v6 =	vadd.s32 v7, v6;
	v7 =	vor.u32 $0x80000000, v59  }
0x1af: {  	(xrf1) =	vsort.dscd.msk.u32 $0xffff, v7, v6;
	_ =	sdelay $0xc  }
0x1b0: {  	s7 =	spop (v2sf)  }
0x1b1: {  	s9 =	sadd.s32 s2, s7;
	_, v6, _ =	vpop (xrf1)  }
0x1b2: {  	[tilespmem:s9+$0x2400] =	vst v6  }
0x1b3: {  	v6 =	vld [tilespmem:s5+$0x0];
	_ =	sdelay $0x1  }
0x1b4: {  	v7 =	vld [tilespmem:s17+$0x0];
	_ =	sdelay $0x1  }
0x1b5: {  	v60 =	vmpcnt.ones.xlane vm13  }
0x1b6: {  	v6 =	vsub.s32 v6, v2  }
0x1b7: {  	(v2sf) =	vpush v60, $0x0;
	vm14 =	vlt.u32 v6, $0x1900  }
0x1b8: {  	v7 =	vshll.u32 v7, $0xD;
	v6 =	vnsel vm14, $0x0, v6;
	v61 =	vsel vm14, $0x1, v4  }
0x1b9: {  	v6 =	vadd.s32 v7, v6;
	v7 =	vor.u32 $0x80000000, v61  }
0x1ba: {  	(xrf1) =	vsort.dscd.msk.u32 $0xffff, v7, v6;
	_ =	sdelay $0xc  }
0x1bb: {  	s6 =	spop (v2sf)  }
0x1bc: {  	s2 =	sadd.s32 s9, s6;
	_, v6, _ =	vpop (xrf1)  }
0x1bd: {  	[tilespmem:s2+$0x2400] =	vst v6  }
0x1be: {  	v6 =	vld [tilespmem:s5+$0x10]  }
0x1bf: {  	v7 =	vld [tilespmem:s17+$0x10];
	_ =	sdelay $0x2  }
0x1c0: {  	v62 =	vmpcnt.ones.xlane vm14  }
0x1c1: {  	v6 =	vsub.s32 v6, v2  }
0x1c2: {  	(v2sf) =	vpush v62, $0x0;
	v7 =	vshll.u32 v7, $0xD;
	vm15 =	vlt.u32 v6, $0x1900  }
0x1c3: {  	v6 =	vnsel vm15, $0x0, v6;
	v63 =	vsel vm15, $0x1, v4;
	v9 =	vmpcnt.ones.xlane vm15  }
0x1c4: {  	v6 =	vadd.s32 v7, v6;
	v7 =	vor.u32 $0x80000000, v63  }
0x1c5: {  	(xrf1) =	vsort.dscd.msk.u32 $0xffff, v7, v6;
	(v2sf) =	vpush v9, $0x0;
	_ =	sdelay $0xc  }
0x1c6: {  	s9 =	spop (v2sf)  }
0x1c7: {  	s20 =	ssub.s32 s1, s20;
	s19 =	sadd.s32 s19, s21;
	s7 =	sadd.s32 s2, s9;
	_, v6, _ =	vpop (xrf1)  }
0x1c8: {  	s5 =	simm.s32 $0x4;
	s2 =	simm.s32 $0x860;
	[tilespmem:s7+$0x2400] =	vst v6;
	s9 =	spop (v2sf)  }
.LBB2_15:
0x1c9: {  	s5 =	sadd.s32 $0x4, s5;
	v6 =	vld [tilespmem:s2+$0xFFFFFFE0];
	s21 =	sadd.s32 s7, s9;
	s17 =	sadd.s32 $0x40, s17  }
0x1ca: {  	p0 =	slt.u32 s5, $0x7C  }
0x1cb: {  	v7 =	vld [tilespmem:s17+$0xFFFFFFE0];
	_ =	sdelay $0x2  }
0x1cc: {  	v6 =	vsub.s32 v6, v2  }
0x1cd: {  	vm0 =	vlt.u32 v6, $0x1900  }
0x1ce: {  	v7 =	vshll.u32 v7, $0xD;
	v6 =	vnsel vm0, $0x0, v6;
	v8 =	vsel vm0, $0x1, v4  }
0x1cf: {  	v6 =	vadd.s32 v7, v6;
	v7 =	vor.u32 $0x80000000, v8;
	v8 =	vmpcnt.ones.xlane vm0  }
0x1d0: {  	(xrf1) =	vsort.dscd.msk.u32 $0xffff, v7, v6  }
0x1d1: {  	(v2sf) =	vpush v8, $0x0;
	_ =	sdelay $0xc  }
0x1d2: {  	_, v6, _ =	vpop (xrf1)  }
0x1d3: {  	[tilespmem:s21+$0x2400] =	vst v6  }
0x1d4: {  	v6 =	vld [tilespmem:s2+$0xFFFFFFF0];
	s7 =	spop (v2sf);
	_ =	sdelay $0x1  }
0x1d5: {  	v7 =	vld [tilespmem:s17+$0xFFFFFFF0];
	_ =	sdelay $0x2  }
0x1d6: {  	v6 =	vsub.s32 v6, v2  }
0x1d7: {  	vm0 =	vlt.u32 v6, $0x1900  }
0x1d8: {  	v7 =	vshll.u32 v7, $0xD;
	v6 =	vnsel vm0, $0x0, v6;
	v8 =	vsel vm0, $0x1, v4  }
0x1d9: {  	v6 =	vadd.s32 v7, v6;
	v7 =	vor.u32 $0x80000000, v8;
	v8 =	vmpcnt.ones.xlane vm0  }
0x1da: {  	(xrf1) =	vsort.dscd.msk.u32 $0xffff, v7, v6  }
0x1db: {  	(v2sf) =	vpush v8, $0x0;
	_ =	sdelay $0xc  }
0x1dc: {  	s7 =	sadd.s32 s21, s7;
	_, v6, _ =	vpop (xrf1)  }
0x1dd: {  	[tilespmem:s7+$0x2400] =	vst v6  }
0x1de: {  	v6 =	vld [tilespmem:s2+$0x0];
	s9 =	spop (v2sf)  }
0x1df: {  	s7 =	sadd.s32 s7, s9  }
0x1e0: {  	v7 =	vld [tilespmem:s17+$0x0];
	_ =	sdelay $0x2  }
0x1e1: {  	v6 =	vsub.s32 v6, v2  }
0x1e2: {  	vm0 =	vlt.u32 v6, $0x1900  }
0x1e3: {  	v7 =	vshll.u32 v7, $0xD;
	v6 =	vnsel vm0, $0x0, v6;
	v8 =	vsel vm0, $0x1, v4  }
0x1e4: {  	v6 =	vadd.s32 v7, v6;
	v7 =	vor.u32 $0x80000000, v8;
	v8 =	vmpcnt.ones.xlane vm0  }
0x1e5: {  	(xrf1) =	vsort.dscd.msk.u32 $0xffff, v7, v6  }
0x1e6: {  	(v2sf) =	vpush v8, $0x0;
	_ =	sdelay $0xc  }
0x1e7: {  	_, v6, _ =	vpop (xrf1)  }
0x1e8: {  	[tilespmem:s7+$0x2400] =	vst v6  }
0x1e9: {  	v6 =	vld [tilespmem:s2+$0x10];
	s9 =	spop (v2sf)  }
0x1ea: {  	v7 =	vld [tilespmem:s17+$0x10];
	_ =	sdelay $0x3  }
0x1eb: {  	v6 =	vsub.s32 v6, v2  }
0x1ec: {  	vm0 =	vlt.u32 v6, $0x1900;
	v7 =	vshll.u32 v7, $0xD  }
0x1ed: {  	v6 =	vnsel vm0, $0x0, v6;
	v8 =	vsel vm0, $0x1, v4;
	v9 =	vmpcnt.ones.xlane vm0  }
0x1ee: {  	v6 =	vadd.s32 v7, v6;
	v7 =	vor.u32 $0x80000000, v8  }
0x1ef: {  	(xrf1) =	vsort.dscd.msk.u32 $0xffff, v7, v6;
	(v2sf) =	vpush v9, $0x0;
	_ =	sdelay $0xa  }
.Ltmp12:
0x1f0: {  	(pc) =	sbr.rel @p0 .LBB2_15-.Ltmp12, $3  }
0x1f1: {  	_ =	sdelay $0x1  }
0x1f2: {  	s7 =	sadd.s32 s7, s9;
	_, v6, _ =	vpop (xrf1)  }
0x1f3: {  	s2 =	sadd.s32 $0x40, s2;
	[tilespmem:s7+$0x2400] =	vst v6;
	s9 =	spop (v2sf)  }
0x1f4: {  	v6 =	vld [tilespmem:s2+$0xFFFFFFE0]  }
0x1f5: {  	s5 =	sadd.s32 $0x40, s17  }
0x1f6: {  	v7 =	vld [tilespmem:s5+$0xFFFFFFE0];
	_ =	sdelay $0x2  }
0x1f7: {  	v6 =	vsub.s32 v6, v2  }
0x1f8: {  	vm0 =	vlt.u32 v6, $0x1900  }
0x1f9: {  	v7 =	vshll.u32 v7, $0xD;
	v6 =	vnsel vm0, $0x0, v6;
	v8 =	vsel vm0, $0x1, v4  }
0x1fa: {  	v6 =	vadd.s32 v7, v6;
	v7 =	vor.u32 $0x80000000, v8  }
0x1fb: {  	(xrf1) =	vsort.dscd.msk.u32 $0xffff, v7, v6;
	_ =	sdelay $0xd  }
0x1fc: {  	s7 =	sadd.s32 s7, s9;
	_, v6, _ =	vpop (xrf1)  }
0x1fd: {  	[tilespmem:s7+$0x2400] =	vst v6  }
0x1fe: {  	v6 =	vld [tilespmem:s2+$0xFFFFFFF0];
	_ =	sdelay $0x1  }
0x1ff: {  	v7 =	vld [tilespmem:s5+$0xFFFFFFF0];
	_ =	sdelay $0x1  }
0x200: {  	v58 =	vmpcnt.ones.xlane vm0  }
0x201: {  	v6 =	vsub.s32 v6, v2  }
0x202: {  	(v2sf) =	vpush v58, $0x0;
	vm13 =	vlt.u32 v6, $0x1900  }
0x203: {  	v7 =	vshll.u32 v7, $0xD;
	v6 =	vnsel vm13, $0x0, v6;
	v59 =	vsel vm13, $0x1, v4  }
0x204: {  	v6 =	vadd.s32 v7, v6;
	v7 =	vor.u32 $0x80000000, v59  }
0x205: {  	(xrf1) =	vsort.dscd.msk.u32 $0xffff, v7, v6;
	_ =	sdelay $0xc  }
0x206: {  	s17 =	spop (v2sf)  }
0x207: {  	s7 =	sadd.s32 s7, s17;
	_, v6, _ =	vpop (xrf1)  }
0x208: {  	[tilespmem:s7+$0x2400] =	vst v6  }
0x209: {  	v6 =	vld [tilespmem:s2+$0x0];
	_ =	sdelay $0x1  }
0x20a: {  	v7 =	vld [tilespmem:s5+$0x0];
	_ =	sdelay $0x1  }
0x20b: {  	v60 =	vmpcnt.ones.xlane vm13  }
0x20c: {  	v6 =	vsub.s32 v6, v2  }
0x20d: {  	(v2sf) =	vpush v60, $0x0;
	vm14 =	vlt.u32 v6, $0x1900  }
0x20e: {  	v7 =	vshll.u32 v7, $0xD;
	v6 =	vnsel vm14, $0x0, v6;
	v61 =	vsel vm14, $0x1, v4  }
0x20f: {  	v6 =	vadd.s32 v7, v6;
	v7 =	vor.u32 $0x80000000, v61  }
0x210: {  	(xrf1) =	vsort.dscd.msk.u32 $0xffff, v7, v6;
	_ =	sdelay $0xc  }
0x211: {  	s21 =	spop (v2sf)  }
0x212: {  	s7 =	sadd.s32 s7, s21;
	_, v6, _ =	vpop (xrf1)  }
0x213: {  	[tilespmem:s7+$0x2400] =	vst v6  }
0x214: {  	v6 =	vld [tilespmem:s2+$0x10];
	_ =	sdelay $0x4  }
0x215: {  	v6 =	vsub.s32 v6, v2  }
0x216: {  	v7 =	vmpcnt.ones.xlane vm14;
	vm15 =	vlt.u32 v6, $0x1900  }
0x217: {  	v62 =	vmpcnt.ones.xlane vm15  }
0x218: {  	(v2sf) =	vpush v7, $0x0  }
0x219: {  	(v2sf) =	vpush v62, $0x0;
	_ =	sdelay $0x5  }
0x21a: {  	v7 =	vld [tilespmem:s5+$0x10];
	_ =	sdelay $0x4  }
0x21b: {  	v7 =	vshll.u32 v7, $0xD;
	v6 =	vnsel vm15, $0x0, v6;
	v63 =	vsel vm15, $0x1, v4  }
0x21c: {  	v6 =	vadd.s32 v7, v6;
	v7 =	vor.u32 $0x80000000, v63  }
0x21d: {  	(xrf1) =	vsort.dscd.msk.u32 $0xffff, v7, v6  }
0x21e: {  	s5 =	spop (v2sf)  }
0x21f: {  	s6 =	sadd.s32 s7, s5;
	s7 =	spop (v2sf)  }
0x220: {  	s21 =	sadd.s32 s6, s7  }
0x221: {  	s2 =	sand.u32 $0x7F, s21  }
0x222: {  	s9 =	sshra.s32 s21, $0x1F;
	p0 =	slt.s32 s21, $0x1;
	p1 =	sne.s32 s2, $0x0  }
0x223: {  	s17 =	sshrl.u32 s9, $0x19;
	p0 =	por !p0, !p1  }
0x224: {  	s7 =	simm.s32 $0x1;
	s2 =	sadd.s32 s17, s21;
	p0 =	por !p0, !p0  }
0x225: {  	s2 =	sshra.s32 s2, $0x7;
	s7 =	simm.s32 @!p0 $0x0  }
0x226: {  	s2 =	ssub.s32 s2, s7  }
0x227: {  	p0 =	slt.s32 s2, $0x1  }
.Ltmp13:
0x228: {  	_ = 	snop;
	(pc) =	sbr.rel @p0 .LBB2_20-.Ltmp13, $3  }
0x229: {  	_ =	sdelay $0x1  }
0x22a: {  	_, v6, _ =	vpop (xrf1)  }
0x22b: {  	[tilespmem:s6+$0x2400] =	vst v6  }
0x22c: {  	s5 =	sshll.u32 s14, $0x7;
	s6 =	rddreg [dreg:$0xf];
	p0 =	sne.s32 s2, $0x1  }
.Ltmp14:
0x22d: {  	s9 =	sadd.s32 s5, s6;
	(pc) =	sbr.rel @!p0 .LBB2_19-.Ltmp14, $4  }
0x22e: {  	s7 =	sshrl.u32 s9, $0x3  }
0x22f: {  	s5 =	simm.s32 $0x2400;
	s7 =	sadd.s32 s10, s7  }
0x230: {  	[hbm4b:s7+s4] =	stream.linear.scatter [tilespmem:s5], [sflag:$0x2], $0x80, $0x38;
	[tilespmem:$0x117A8] =	vst v63  }
0x231: {  	s17 =	sadd.s32 $0x80, s9;
	s7 =	sadd.s32 $0xFFFFFFFF, s2;
	_ =	swait.ge [sflag:s23], $0x80  }
.LBB2_18:
0x232: {  	s9 =	sshrl.u32 s17, $0x3  }
0x233: {  	[sflag:s23] =	ssyncset.done $0x0;
	s5 =	sadd.s32 $0x80, s5;
	p0 =	sne.s32 s7, $0x1  }
.Ltmp15:
0x234: {  	s9 =	sadd.s32 s10, s9;
	[sflag:s23] =	ssyncadd.s32 $0xFFFFFF80;
	(pc) =	sbr.rel @p0 .LBB2_18-.Ltmp15, $3  }
0x235: {  	[hbm4b:s9+s4] =	stream.linear.scatter [tilespmem:s5], [sflag:$0x2], $0x80, $0x38;
	[tilespmem:$0x117A8] =	vst v63  }
0x236: {  	s7 =	sadd.s32 $0xFFFFFFFF, s7;
	_ =	sdelay $0x1  }
0x237: {  	s17 =	sadd.s32 $0x80, s17;
	_ =	swait.ge [sflag:s23], $0x80  }
.LBB2_19:
0x238: {  	[sflag:s23] =	ssyncset.done $0x0  }
0x239: {  	[sflag:s23] =	ssyncadd.s32 $0xFFFFFF80  }
.LBB2_20:
0x23a: {  	s17 =	sshll.u32 s2, $0x7  }
0x23b: {  	v6 =	vld [tilespmem:s17+$0x2400];
	_ =	sdelay $0x4  }
0x23c: {  	[tilespmem:$0x2400] =	vst v6  }
0x23d: {  	v6 =	vld [tilespmem:s17+$0x2410];
	_ =	sdelay $0x4  }
0x23e: {  	[tilespmem:$0x2410] =	vst v6  }
0x23f: {  	v6 =	vld [tilespmem:s17+$0x2420];
	_ =	sdelay $0x4  }
0x240: {  	[tilespmem:$0x2420] =	vst v6  }
0x241: {  	v6 =	vld [tilespmem:s17+$0x2430];
	_ =	sdelay $0x4  }
0x242: {  	[tilespmem:$0x2430] =	vst v6  }
0x243: {  	v6 =	vld [tilespmem:s17+$0x2440];
	_ =	sdelay $0x4  }
0x244: {  	[tilespmem:$0x2440] =	vst v6  }
0x245: {  	v6 =	vld [tilespmem:s17+$0x2450];
	_ =	sdelay $0x4  }
0x246: {  	[tilespmem:$0x2450] =	vst v6  }
0x247: {  	v6 =	vld [tilespmem:s17+$0x2460];
	_ =	sdelay $0x4  }
0x248: {  	[tilespmem:$0x2460] =	vst v6  }
0x249: {  	v6 =	vld [tilespmem:s17+$0x2470];
	_ =	sdelay $0x4  }
0x24a: {  	s7 =	simm.s32 $0x820;
	[tilespmem:$0x2470] =	vst v6  }
0x24b: {  	v6 =	vld [tilespmem:s7+$0xFFFFFFE0]  }
0x24c: {  	s5 =	simm.s32 $0x20  }
0x24d: {  	v7 =	vld [tilespmem:s5+$0xFFFFFFE0];
	_ =	sdelay $0x2  }
0x24e: {  	v6 =	vsub.s32 v6, v3  }
0x24f: {  	vm0 =	vlt.u32 v6, $0x1900  }
0x250: {  	v7 =	vshll.u32 v7, $0xD;
	v6 =	vnsel vm0, $0x0, v6;
	v8 =	vsel vm0, $0x1, v4  }
0x251: {  	v6 =	vadd.s32 v7, v6;
	v7 =	vor.u32 $0x80000000, v8  }
0x252: {  	(xrf1) =	vsort.dscd.msk.u32 $0xffff, v7, v6;
	_ =	sdelay $0xd  }
0x253: {  	_, v6, _ =	vpop (xrf1)  }
0x254: {  	[tilespmem:s12+$0x2E00] =	vst v6  }
0x255: {  	v6 =	vld [tilespmem:s7+$0xFFFFFFF0];
	_ =	sdelay $0x1  }
0x256: {  	v7 =	vld [tilespmem:s5+$0xFFFFFFF0];
	_ =	sdelay $0x1  }
0x257: {  	v58 =	vmpcnt.ones.xlane vm0  }
0x258: {  	v6 =	vsub.s32 v6, v3  }
0x259: {  	(v2sf) =	vpush v58, $0x0;
	vm13 =	vlt.u32 v6, $0x1900  }
0x25a: {  	v7 =	vshll.u32 v7, $0xD;
	v6 =	vnsel vm13, $0x0, v6;
	v59 =	vsel vm13, $0x1, v4  }
0x25b: {  	v6 =	vadd.s32 v7, v6;
	v7 =	vor.u32 $0x80000000, v59  }
0x25c: {  	(xrf1) =	vsort.dscd.msk.u32 $0xffff, v7, v6;
	_ =	sdelay $0xc  }
0x25d: {  	s9 =	spop (v2sf)  }
0x25e: {  	s9 =	sadd.s32 s12, s9;
	_, v6, _ =	vpop (xrf1)  }
0x25f: {  	[tilespmem:s9+$0x2E00] =	vst v6  }
0x260: {  	v6 =	vld [tilespmem:s7+$0x0];
	_ =	sdelay $0x1  }
0x261: {  	v7 =	vld [tilespmem:s5+$0x0];
	_ =	sdelay $0x1  }
0x262: {  	v60 =	vmpcnt.ones.xlane vm13  }
0x263: {  	v6 =	vsub.s32 v6, v3  }
0x264: {  	(v2sf) =	vpush v60, $0x0;
	vm14 =	vlt.u32 v6, $0x1900  }
0x265: {  	v7 =	vshll.u32 v7, $0xD;
	v6 =	vnsel vm14, $0x0, v6;
	v61 =	vsel vm14, $0x1, v4  }
0x266: {  	v6 =	vadd.s32 v7, v6;
	v7 =	vor.u32 $0x80000000, v61  }
0x267: {  	(xrf1) =	vsort.dscd.msk.u32 $0xffff, v7, v6;
	_ =	sdelay $0xc  }
0x268: {  	s6 =	spop (v2sf)  }
0x269: {  	s9 =	sadd.s32 s9, s6;
	_, v6, _ =	vpop (xrf1)  }
0x26a: {  	[tilespmem:s9+$0x2E00] =	vst v6  }
0x26b: {  	v6 =	vld [tilespmem:s7+$0x10]  }
0x26c: {  	v7 =	vld [tilespmem:s5+$0x10];
	_ =	sdelay $0x2  }
0x26d: {  	v62 =	vmpcnt.ones.xlane vm14  }
0x26e: {  	v6 =	vsub.s32 v6, v3  }
0x26f: {  	(v2sf) =	vpush v62, $0x0;
	v7 =	vshll.u32 v7, $0xD;
	vm15 =	vlt.u32 v6, $0x1900  }
0x270: {  	v6 =	vnsel vm15, $0x0, v6;
	v63 =	vsel vm15, $0x1, v4;
	v9 =	vmpcnt.ones.xlane vm15  }
0x271: {  	v6 =	vadd.s32 v7, v6;
	v7 =	vor.u32 $0x80000000, v63  }
0x272: {  	(xrf1) =	vsort.dscd.msk.u32 $0xffff, v7, v6;
	(v2sf) =	vpush v9, $0x0;
	_ =	sdelay $0xc  }
0x273: {  	s12 =	spop (v2sf)  }
0x274: {  	s28 =	ssub.s32 s24, s28;
	s15 =	sadd.s32 s15, s22;
	s7 =	sadd.s32 s9, s12;
	_, v6, _ =	vpop (xrf1)  }
0x275: {  	s22 =	simm.s32 $0x4;
	s12 =	simm.s32 $0x860;
	[tilespmem:s7+$0x2E00] =	vst v6;
	s9 =	spop (v2sf)  }
.LBB2_21:
0x276: {  	s22 =	sadd.s32 $0x4, s22;
	v6 =	vld [tilespmem:s12+$0xFFFFFFE0];
	s7 =	sadd.s32 s7, s9;
	s5 =	sadd.s32 $0x40, s5  }
0x277: {  	p0 =	slt.u32 s22, $0x7C  }
0x278: {  	v7 =	vld [tilespmem:s5+$0xFFFFFFE0];
	_ =	sdelay $0x2  }
0x279: {  	v6 =	vsub.s32 v6, v3  }
0x27a: {  	vm0 =	vlt.u32 v6, $0x1900  }
0x27b: {  	v7 =	vshll.u32 v7, $0xD;
	v6 =	vnsel vm0, $0x0, v6;
	v8 =	vsel vm0, $0x1, v4  }
0x27c: {  	v6 =	vadd.s32 v7, v6;
	v7 =	vor.u32 $0x80000000, v8;
	v8 =	vmpcnt.ones.xlane vm0  }
0x27d: {  	(xrf1) =	vsort.dscd.msk.u32 $0xffff, v7, v6  }
0x27e: {  	(v2sf) =	vpush v8, $0x0;
	_ =	sdelay $0xc  }
0x27f: {  	_, v6, _ =	vpop (xrf1)  }
0x280: {  	[tilespmem:s7+$0x2E00] =	vst v6  }
0x281: {  	v6 =	vld [tilespmem:s12+$0xFFFFFFF0];
	s9 =	spop (v2sf);
	_ =	sdelay $0x1  }
0x282: {  	v7 =	vld [tilespmem:s5+$0xFFFFFFF0];
	_ =	sdelay $0x2  }
0x283: {  	v6 =	vsub.s32 v6, v3  }
0x284: {  	vm0 =	vlt.u32 v6, $0x1900  }
0x285: {  	v7 =	vshll.u32 v7, $0xD;
	v6 =	vnsel vm0, $0x0, v6;
	v8 =	vsel vm0, $0x1, v4  }
0x286: {  	v6 =	vadd.s32 v7, v6;
	v7 =	vor.u32 $0x80000000, v8;
	v8 =	vmpcnt.ones.xlane vm0  }
0x287: {  	(xrf1) =	vsort.dscd.msk.u32 $0xffff, v7, v6  }
0x288: {  	(v2sf) =	vpush v8, $0x0;
	_ =	sdelay $0xc  }
0x289: {  	s7 =	sadd.s32 s7, s9;
	_, v6, _ =	vpop (xrf1)  }
0x28a: {  	[tilespmem:s7+$0x2E00] =	vst v6  }
0x28b: {  	v6 =	vld [tilespmem:s12+$0x0];
	s9 =	spop (v2sf)  }
0x28c: {  	s7 =	sadd.s32 s7, s9  }
0x28d: {  	v7 =	vld [tilespmem:s5+$0x0];
	_ =	sdelay $0x2  }
0x28e: {  	v6 =	vsub.s32 v6, v3  }
0x28f: {  	vm0 =	vlt.u32 v6, $0x1900  }
0x290: {  	v7 =	vshll.u32 v7, $0xD;
	v6 =	vnsel vm0, $0x0, v6;
	v8 =	vsel vm0, $0x1, v4  }
0x291: {  	v6 =	vadd.s32 v7, v6;
	v7 =	vor.u32 $0x80000000, v8;
	v8 =	vmpcnt.ones.xlane vm0  }
0x292: {  	(xrf1) =	vsort.dscd.msk.u32 $0xffff, v7, v6  }
0x293: {  	(v2sf) =	vpush v8, $0x0;
	_ =	sdelay $0xc  }
0x294: {  	_, v6, _ =	vpop (xrf1)  }
0x295: {  	[tilespmem:s7+$0x2E00] =	vst v6  }
0x296: {  	v6 =	vld [tilespmem:s12+$0x10];
	s9 =	spop (v2sf)  }
0x297: {  	v7 =	vld [tilespmem:s5+$0x10];
	_ =	sdelay $0x3  }
0x298: {  	v6 =	vsub.s32 v6, v3  }
0x299: {  	vm0 =	vlt.u32 v6, $0x1900;
	v7 =	vshll.u32 v7, $0xD  }
0x29a: {  	v6 =	vnsel vm0, $0x0, v6;
	v8 =	vsel vm0, $0x1, v4;
	v9 =	vmpcnt.ones.xlane vm0  }
0x29b: {  	v6 =	vadd.s32 v7, v6;
	v7 =	vor.u32 $0x80000000, v8  }
0x29c: {  	(xrf1) =	vsort.dscd.msk.u32 $0xffff, v7, v6;
	(v2sf) =	vpush v9, $0x0;
	_ =	sdelay $0xa  }
.Ltmp16:
0x29d: {  	(pc) =	sbr.rel @p0 .LBB2_21-.Ltmp16, $3  }
0x29e: {  	_ =	sdelay $0x1  }
0x29f: {  	s7 =	sadd.s32 s7, s9;
	_, v6, _ =	vpop (xrf1)  }
0x2a0: {  	s12 =	sadd.s32 $0x40, s12;
	[tilespmem:s7+$0x2E00] =	vst v6;
	s9 =	spop (v2sf)  }
0x2a1: {  	v6 =	vld [tilespmem:s12+$0xFFFFFFE0]  }
0x2a2: {  	s5 =	sadd.s32 $0x40, s5  }
0x2a3: {  	v7 =	vld [tilespmem:s5+$0xFFFFFFE0];
	_ =	sdelay $0x2  }
0x2a4: {  	v6 =	vsub.s32 v6, v3  }
0x2a5: {  	vm0 =	vlt.u32 v6, $0x1900  }
0x2a6: {  	v7 =	vshll.u32 v7, $0xD;
	v6 =	vnsel vm0, $0x0, v6;
	v8 =	vsel vm0, $0x1, v4  }
0x2a7: {  	v6 =	vadd.s32 v7, v6;
	v7 =	vor.u32 $0x80000000, v8  }
0x2a8: {  	(xrf1) =	vsort.dscd.msk.u32 $0xffff, v7, v6;
	_ =	sdelay $0xd  }
0x2a9: {  	s7 =	sadd.s32 s7, s9;
	_, v6, _ =	vpop (xrf1)  }
0x2aa: {  	[tilespmem:s7+$0x2E00] =	vst v6  }
0x2ab: {  	v6 =	vld [tilespmem:s12+$0xFFFFFFF0];
	_ =	sdelay $0x1  }
0x2ac: {  	v7 =	vld [tilespmem:s5+$0xFFFFFFF0];
	_ =	sdelay $0x1  }
0x2ad: {  	v58 =	vmpcnt.ones.xlane vm0  }
0x2ae: {  	v6 =	vsub.s32 v6, v3  }
0x2af: {  	(v2sf) =	vpush v58, $0x0;
	vm13 =	vlt.u32 v6, $0x1900  }
0x2b0: {  	v7 =	vshll.u32 v7, $0xD;
	v6 =	vnsel vm13, $0x0, v6;
	v59 =	vsel vm13, $0x1, v4  }
0x2b1: {  	v6 =	vadd.s32 v7, v6;
	v7 =	vor.u32 $0x80000000, v59  }
0x2b2: {  	(xrf1) =	vsort.dscd.msk.u32 $0xffff, v7, v6;
	_ =	sdelay $0xc  }
0x2b3: {  	s22 =	spop (v2sf)  }
0x2b4: {  	s7 =	sadd.s32 s7, s22;
	_, v6, _ =	vpop (xrf1)  }
0x2b5: {  	[tilespmem:s7+$0x2E00] =	vst v6  }
0x2b6: {  	v6 =	vld [tilespmem:s12+$0x0];
	_ =	sdelay $0x1  }
0x2b7: {  	v7 =	vld [tilespmem:s5+$0x0];
	_ =	sdelay $0x1  }
0x2b8: {  	v60 =	vmpcnt.ones.xlane vm13  }
0x2b9: {  	v6 =	vsub.s32 v6, v3  }
0x2ba: {  	(v2sf) =	vpush v60, $0x0;
	vm14 =	vlt.u32 v6, $0x1900  }
0x2bb: {  	v7 =	vshll.u32 v7, $0xD;
	v6 =	vnsel vm14, $0x0, v6;
	v61 =	vsel vm14, $0x1, v4  }
0x2bc: {  	v6 =	vadd.s32 v7, v6;
	v7 =	vor.u32 $0x80000000, v61  }
0x2bd: {  	(xrf1) =	vsort.dscd.msk.u32 $0xffff, v7, v6;
	_ =	sdelay $0xc  }
0x2be: {  	s6 =	spop (v2sf)  }
0x2bf: {  	s7 =	sadd.s32 s7, s6;
	_, v6, _ =	vpop (xrf1)  }
0x2c0: {  	[tilespmem:s7+$0x2E00] =	vst v6  }
0x2c1: {  	v6 =	vld [tilespmem:s12+$0x10];
	_ =	sdelay $0x4  }
0x2c2: {  	v6 =	vsub.s32 v6, v3  }
0x2c3: {  	v7 =	vmpcnt.ones.xlane vm14;
	vm15 =	vlt.u32 v6, $0x1900  }
0x2c4: {  	v62 =	vmpcnt.ones.xlane vm15  }
0x2c5: {  	(v2sf) =	vpush v7, $0x0  }
0x2c6: {  	(v2sf) =	vpush v62, $0x0;
	_ =	sdelay $0x5  }
0x2c7: {  	v7 =	vld [tilespmem:s5+$0x10];
	_ =	sdelay $0x4  }
0x2c8: {  	v7 =	vshll.u32 v7, $0xD;
	v6 =	vnsel vm15, $0x0, v6;
	v63 =	vsel vm15, $0x1, v4  }
0x2c9: {  	v6 =	vadd.s32 v7, v6;
	v7 =	vor.u32 $0x80000000, v63  }
0x2ca: {  	(xrf1) =	vsort.dscd.msk.u32 $0xffff, v7, v6  }
0x2cb: {  	s12 =	spop (v2sf)  }
0x2cc: {  	s7 =	sadd.s32 s7, s12;
	s22 =	spop (v2sf)  }
0x2cd: {  	s22 =	sadd.s32 s7, s22  }
0x2ce: {  	s5 =	sand.u32 $0x7F, s22  }
0x2cf: {  	s6 =	sshra.s32 s22, $0x1F;
	p0 =	slt.s32 s22, $0x1;
	p1 =	sne.s32 s5, $0x0  }
0x2d0: {  	s12 =	sshrl.u32 s6, $0x19;
	p0 =	por !p0, !p1  }
0x2d1: {  	s9 =	simm.s32 $0x1;
	s5 =	sadd.s32 s12, s22;
	p0 =	por !p0, !p0  }
0x2d2: {  	s5 =	sshra.s32 s5, $0x7;
	s9 =	simm.s32 @!p0 $0x0  }
0x2d3: {  	s5 =	ssub.s32 s5, s9  }
0x2d4: {  	p0 =	slt.s32 s5, $0x1  }
.Ltmp17:
0x2d5: {  	_ = 	snop;
	(pc) =	sbr.rel @p0 .LBB2_26-.Ltmp17, $3  }
0x2d6: {  	_ =	sdelay $0x1  }
0x2d7: {  	_, v6, _ =	vpop (xrf1)  }
0x2d8: {  	[tilespmem:s7+$0x2E00] =	vst v6  }
0x2d9: {  	s7 =	sshll.u32 s13, $0x7;
	s6 =	rddreg [dreg:$0x10];
	p0 =	sne.s32 s5, $0x1  }
.Ltmp18:
0x2da: {  	s9 =	sadd.s32 s7, s6;
	(pc) =	sbr.rel @!p0 .LBB2_25-.Ltmp18, $4  }
0x2db: {  	s12 =	sshrl.u32 s9, $0x3  }
0x2dc: {  	s7 =	simm.s32 $0x2E00;
	s12 =	sadd.s32 s10, s12  }
0x2dd: {  	[hbm4b:s12+s4] =	stream.linear.scatter [tilespmem:s7], [sflag:$0x2], $0x80, $0x38;
	[tilespmem:$0x117A8] =	vst v63  }
0x2de: {  	s9 =	sadd.s32 $0x80, s9;
	s12 =	sadd.s32 $0xFFFFFFFF, s5;
	_ =	swait.ge [sflag:s23], $0x80  }
.LBB2_24:
0x2df: {  	s6 =	sshrl.u32 s9, $0x3  }
0x2e0: {  	[sflag:s23] =	ssyncset.done $0x0;
	s7 =	sadd.s32 $0x80, s7;
	p0 =	sne.s32 s12, $0x1  }
.Ltmp19:
0x2e1: {  	s6 =	sadd.s32 s10, s6;
	[sflag:s23] =	ssyncadd.s32 $0xFFFFFF80;
	(pc) =	sbr.rel @p0 .LBB2_24-.Ltmp19, $3  }
0x2e2: {  	[hbm4b:s6+s4] =	stream.linear.scatter [tilespmem:s7], [sflag:$0x2], $0x80, $0x38;
	[tilespmem:$0x117A8] =	vst v63  }
0x2e3: {  	s12 =	sadd.s32 $0xFFFFFFFF, s12;
	_ =	sdelay $0x1  }
0x2e4: {  	s9 =	sadd.s32 $0x80, s9;
	_ =	swait.ge [sflag:s23], $0x80  }
.Ltmp20:
0x2e5: {  	_ = 	snop;
	(pc) =	sbr.rel .LBB2_25-.Ltmp20, $1  }
0x2e6: {  	_ =	sdelay $0x3  }
.LBB2_27:
0x2e7: {  	s6 =	sand.u32 $0xFFFFFFF8, s20;
	s5 =	sshll.u32 s19, $0x7;
	s7 =	sadd.s32 $0x7F, s20  }
0x2e8: {  	s1 =	sand.u32 $0x7, s1;
	[tilespmem:s20+$0x1000] =	vst v5;
	s20 =	sadd.s32 s5, s7;
	s7 =	sand.u32 $0x7F, s7  }
0x2e9: {  	p0 =	sne.s32 s7, $0x0;
	s26 =	sshra.s32 s20, $0x1F;
	p1 =	slt.s32 s20, $0x1  }
0x2ea: {  	s6 =	sor.u32 s1, s6;
	s7 =	sshrl.u32 s26, $0x19;
	p0 =	por !p1, !p0  }
0x2eb: {  	s1 =	sadd.s32 s7, s20;
	p0 =	por !p0, !p0;
	s7 =	simm.s32 $0x1  }
0x2ec: {  	s1 =	sshra.s32 s1, $0x7;
	s7 =	simm.s32 @!p0 $0x0  }
0x2ed: {  	[tilespmem:s6+$0x1010] =	vst v5;
	s1 =	ssub.s32 s1, s7  }
0x2ee: {  	[tilespmem:s6+$0x1020] =	vst v5;
	s7 =	ssub.s32 s1, s19  }
0x2ef: {  	[tilespmem:s6+$0x1030] =	vst v5;
	p0 =	slt.s32 s7, $0x1  }
.Ltmp21:
0x2f0: {  	[tilespmem:s6+$0x1040] =	vst v5;
	(pc) =	sbr.rel @p0 .LBB2_31-.Ltmp21, $4  }
0x2f1: {  	[tilespmem:s6+$0x1050] =	vst v5  }
0x2f2: {  	[tilespmem:s6+$0x1060] =	vst v5  }
0x2f3: {  	[tilespmem:s6+$0x1070] =	vst v5  }
0x2f4: {  	[tilespmem:s6+$0x1080] =	vst v5;
	s26 =	rddreg [dreg:$0x7]  }
0x2f5: {  	s6 =	rddreg [dreg:$0xc];
	p0 =	sne.s32 s7, $0x1  }
.Ltmp22:
0x2f6: {  	s6 =	sadd.s32 s5, s6;
	(pc) =	sbr.rel @!p0 .LBB2_30-.Ltmp22, $4  }
0x2f7: {  	s9 =	sshrl.u32 s6, $0x3  }
0x2f8: {  	s5 =	simm.s32 $0x1000;
	s9 =	sadd.s32 s10, s9  }
0x2f9: {  	[hbm4b:s9+s4] =	stream.linear.scatter [tilespmem:s5], [sflag:$0x2], $0x80, $0x38;
	[tilespmem:$0x117A8] =	vst v63  }
0x2fa: {  	s7 =	sadd.s32 $0xFFFFFFFF, s7;
	s9 =	sadd.s32 $0x80, s6;
	_ =	swait.ge [sflag:s23], $0x80  }
.LBB2_29:
0x2fb: {  	s6 =	sshrl.u32 s9, $0x3  }
0x2fc: {  	[sflag:s23] =	ssyncset.done $0x0;
	s5 =	sadd.s32 $0x80, s5;
	p0 =	sne.s32 s7, $0x1  }
.Ltmp23:
0x2fd: {  	s6 =	sadd.s32 s10, s6;
	[sflag:s23] =	ssyncadd.s32 $0xFFFFFF80;
	(pc) =	sbr.rel @p0 .LBB2_29-.Ltmp23, $3  }
0x2fe: {  	[hbm4b:s6+s4] =	stream.linear.scatter [tilespmem:s5], [sflag:$0x2], $0x80, $0x38;
	[tilespmem:$0x117A8] =	vst v63  }
0x2ff: {  	s7 =	sadd.s32 $0xFFFFFFFF, s7;
	_ =	sdelay $0x1  }
0x300: {  	s9 =	sadd.s32 $0x80, s9;
	_ =	swait.ge [sflag:s23], $0x80  }
.LBB2_30:
0x301: {  	[sflag:s23] =	ssyncset.done $0x0  }
0x302: {  	[sflag:s23] =	ssyncadd.s32 $0xFFFFFF80  }
.LBB2_31:
0x303: {  	v6 =	vmov s1;
	s17 =	rddreg [dreg:$0x8]  }
0x304: {  	s5 =	simm.s32 $0x3800;
	s19 =	sand.u32 $0xFFFFFFF8, s28;
	s6 =	sand.u32 $0x7, s24;
	[tilespmem:$0x3800] =	vst v6  }
0x305: {  	[hbm4b:s17+s4] =	stream.linear.scatter [tilespmem:s5], [sflag:$0x2], $0x8, $0x38;
	[tilespmem:$0x117A8] =	vst v63  }
0x306: {  	s7 =	sadd.s32 $0x7F, s28;
	s5 =	sshll.u32 s15, $0x7;
	_ =	swait.ge [sflag:s23], $0x8  }
0x307: {  	s20 =	sadd.s32 s5, s7;
	s7 =	sand.u32 $0x7F, s7;
	[sflag:s23] =	ssyncset.done $0x0  }
0x308: {  	p0 =	sne.s32 s7, $0x0;
	s24 =	sshra.s32 s20, $0x1F;
	p1 =	slt.s32 s20, $0x1  }
0x309: {  	[sflag:s23] =	ssyncadd.s32 $0xFFFFFFF8;
	s7 =	sshrl.u32 s24, $0x19;
	p0 =	por !p1, !p0  }
0x30a: {  	s1 =	sadd.s32 s7, s20;
	p0 =	por !p0, !p0;
	s7 =	simm.s32 $0x1  }
0x30b: {  	s6 =	sor.u32 s6, s19;
	[tilespmem:s28+$0x1A00] =	vst v5;
	s1 =	sshra.s32 s1, $0x7;
	s7 =	simm.s32 @!p0 $0x0  }
0x30c: {  	[tilespmem:s6+$0x1A10] =	vst v5;
	s1 =	ssub.s32 s1, s7  }
0x30d: {  	[tilespmem:s6+$0x1A20] =	vst v5;
	s7 =	ssub.s32 s1, s15  }
0x30e: {  	[tilespmem:s6+$0x1A30] =	vst v5;
	p0 =	slt.s32 s7, $0x1  }
.Ltmp24:
0x30f: {  	[tilespmem:s6+$0x1A40] =	vst v5;
	(pc) =	sbr.rel @p0 .LBB2_35-.Ltmp24, $4  }
0x310: {  	[tilespmem:s6+$0x1A50] =	vst v5  }
0x311: {  	[tilespmem:s6+$0x1A60] =	vst v5  }
0x312: {  	[tilespmem:s6+$0x1A70] =	vst v5  }
0x313: {  	s24 =	rddreg [dreg:$0x5];
	s28 =	simm.s32 $0x11798;
	[tilespmem:s6+$0x1A80] =	vst v5  }
0x314: {  	s6 =	rddreg [dreg:$0xe];
	p0 =	sne.s32 s7, $0x1  }
.Ltmp25:
0x315: {  	s6 =	sadd.s32 s5, s6;
	(pc) =	sbr.rel @!p0 .LBB2_34-.Ltmp25, $4  }
0x316: {  	s9 =	sshrl.u32 s6, $0x3  }
0x317: {  	s5 =	simm.s32 $0x1A00;
	s9 =	sadd.s32 s10, s9  }
0x318: {  	[hbm4b:s9+s4] =	stream.linear.scatter [tilespmem:s5], [sflag:$0x2], $0x80, $0x38;
	[tilespmem:$0x117A8] =	vst v63  }
0x319: {  	s7 =	sadd.s32 $0xFFFFFFFF, s7;
	s9 =	sadd.s32 $0x80, s6;
	_ =	swait.ge [sflag:s23], $0x80  }
.LBB2_33:
0x31a: {  	s6 =	sshrl.u32 s9, $0x3  }
0x31b: {  	[sflag:s23] =	ssyncset.done $0x0;
	s5 =	sadd.s32 $0x80, s5;
	p0 =	sne.s32 s7, $0x1  }
.Ltmp26:
0x31c: {  	s6 =	sadd.s32 s10, s6;
	[sflag:s23] =	ssyncadd.s32 $0xFFFFFF80;
	(pc) =	sbr.rel @p0 .LBB2_33-.Ltmp26, $3  }
0x31d: {  	[hbm4b:s6+s4] =	stream.linear.scatter [tilespmem:s5], [sflag:$0x2], $0x80, $0x38;
	[tilespmem:$0x117A8] =	vst v63  }
0x31e: {  	s7 =	sadd.s32 $0xFFFFFFFF, s7;
	_ =	sdelay $0x1  }
0x31f: {  	s9 =	sadd.s32 $0x80, s9;
	_ =	swait.ge [sflag:s23], $0x80  }
.LBB2_34:
0x320: {  	[sflag:s23] =	ssyncset.done $0x0  }
0x321: {  	[sflag:s23] =	ssyncadd.s32 $0xFFFFFF80  }
.LBB2_35:
0x322: {  	v6 =	vmov s1;
	s7 =	rddreg [dreg:$0x9];
	s9 =	simm.s32 $0x3800  }
0x323: {  	s15 =	sand.u32 $0xFFFFFFF8, s2;
	s6 =	sand.u32 $0x7, s21;
	s5 =	sshll.u32 s14, $0x7;
	[tilespmem:$0x3800] =	vst v6  }
0x324: {  	[hbm4b:s7+s4] =	stream.linear.scatter [tilespmem:s9], [sflag:$0x2], $0x8, $0x38;
	[tilespmem:$0x117A8] =	vst v63  }
0x325: {  	s17 =	sor.u32 s6, s15;
	s7 =	sadd.s32 $0x7F, s2;
	_ =	swait.ge [sflag:s23], $0x8  }
0x326: {  	s19 =	sadd.s32 s5, s7;
	s20 =	sand.u32 $0x7F, s7;
	[sflag:s23] =	ssyncset.done $0x0  }
0x327: {  	p0 =	sne.s32 s20, $0x0;
	s21 =	sshra.s32 s19, $0x1F;
	p1 =	slt.s32 s19, $0x1  }
0x328: {  	[sflag:s23] =	ssyncadd.s32 $0xFFFFFFF8;
	s6 =	sshrl.u32 s21, $0x19;
	p0 =	por !p1, !p0  }
0x329: {  	s1 =	sadd.s32 s6, s19;
	p0 =	por !p0, !p0;
	s6 =	simm.s32 $0x1  }
0x32a: {  	[tilespmem:s2+$0x2400] =	vst v5;
	s1 =	sshra.s32 s1, $0x7;
	s6 =	simm.s32 @!p0 $0x0  }
0x32b: {  	[tilespmem:s17+$0x2410] =	vst v5;
	s1 =	ssub.s32 s1, s6  }
0x32c: {  	[tilespmem:s17+$0x2420] =	vst v5;
	s7 =	ssub.s32 s1, s14  }
0x32d: {  	[tilespmem:s17+$0x2430] =	vst v5;
	p0 =	slt.s32 s7, $0x1  }
.Ltmp27:
0x32e: {  	[tilespmem:s17+$0x2440] =	vst v5;
	(pc) =	sbr.rel @p0 .LBB2_39-.Ltmp27, $4  }
0x32f: {  	[tilespmem:s17+$0x2450] =	vst v5  }
0x330: {  	[tilespmem:s17+$0x2460] =	vst v5  }
0x331: {  	[tilespmem:s17+$0x2470] =	vst v5  }
0x332: {  	[tilespmem:s17+$0x2480] =	vst v5  }
0x333: {  	s2 =	rddreg [dreg:$0xf];
	p0 =	sne.s32 s7, $0x1  }
.Ltmp28:
0x334: {  	s6 =	sadd.s32 s5, s2;
	(pc) =	sbr.rel @!p0 .LBB2_38-.Ltmp28, $4  }
0x335: {  	s5 =	sshrl.u32 s6, $0x3  }
0x336: {  	s2 =	simm.s32 $0x2400;
	s5 =	sadd.s32 s10, s5  }
0x337: {  	[hbm4b:s5+s4] =	stream.linear.scatter [tilespmem:s2], [sflag:$0x2], $0x80, $0x38;
	[tilespmem:$0x117A8] =	vst v63  }
0x338: {  	s5 =	sadd.s32 $0xFFFFFFFF, s7;
	s7 =	sadd.s32 $0x80, s6;
	_ =	swait.ge [sflag:s23], $0x80  }
.LBB2_37:
0x339: {  	s6 =	sshrl.u32 s7, $0x3  }
0x33a: {  	[sflag:s23] =	ssyncset.done $0x0;
	s2 =	sadd.s32 $0x80, s2;
	p0 =	sne.s32 s5, $0x1  }
.Ltmp29:
0x33b: {  	s6 =	sadd.s32 s10, s6;
	[sflag:s23] =	ssyncadd.s32 $0xFFFFFF80;
	(pc) =	sbr.rel @p0 .LBB2_37-.Ltmp29, $3  }
0x33c: {  	[hbm4b:s6+s4] =	stream.linear.scatter [tilespmem:s2], [sflag:$0x2], $0x80, $0x38;
	[tilespmem:$0x117A8] =	vst v63  }
0x33d: {  	s5 =	sadd.s32 $0xFFFFFFFF, s5;
	_ =	sdelay $0x1  }
0x33e: {  	s7 =	sadd.s32 $0x80, s7;
	_ =	swait.ge [sflag:s23], $0x80  }
.LBB2_38:
0x33f: {  	[sflag:s23] =	ssyncset.done $0x0  }
0x340: {  	[sflag:s23] =	ssyncadd.s32 $0xFFFFFF80  }
.LBB2_39:
0x341: {  	s17 =	rddreg [dreg:$0xa]  }
0x342: {  	v6 =	vmov s1;
	s19 =	sand.u32 $0xFFFFFFF8, s12;
	s2 =	sshll.u32 s13, $0x7;
	s6 =	sadd.s32 $0x7F, s12  }
0x343: {  	s5 =	sand.u32 $0x7, s22;
	[tilespmem:$0x3800] =	vst v6;
	s20 =	sadd.s32 s2, s6;
	s21 =	sand.u32 $0x7F, s6  }
0x344: {  	[hbm4b:s17+s4] =	stream.linear.scatter [tilespmem:s9], [sflag:$0x2], $0x8, $0x38;
	[tilespmem:$0x117A8] =	vst v63  }
0x345: {  	s7 =	sor.u32 s5, s19;
	p0 =	sne.s32 s21, $0x0;
	s22 =	sshra.s32 s20, $0x1F  }
0x346: {  	p1 =	slt.s32 s20, $0x1;
	_ =	swait.ge [sflag:s23], $0x8;
	s5 =	sshrl.u32 s22, $0x19  }
0x347: {  	p0 =	por !p1, !p0;
	[sflag:s23] =	ssyncset.done $0x0;
	s1 =	sadd.s32 s5, s20  }
0x348: {  	p0 =	por !p0, !p0;
	s5 =	simm.s32 $0x1;
	[sflag:s23] =	ssyncadd.s32 $0xFFFFFFF8  }
0x349: {  	s1 =	sshra.s32 s1, $0x7;
	s5 =	simm.s32 @!p0 $0x0;
	[tilespmem:s12+$0x2E00] =	vst v5  }
0x34a: {  	s1 =	ssub.s32 s1, s5;
	[tilespmem:s7+$0x2E10] =	vst v5  }
0x34b: {  	[tilespmem:s7+$0x2E20] =	vst v5;
	s5 =	ssub.s32 s1, s13  }
0x34c: {  	[tilespmem:s7+$0x2E30] =	vst v5;
	p0 =	slt.s32 s5, $0x1  }
.Ltmp30:
0x34d: {  	[tilespmem:s7+$0x2E40] =	vst v5;
	(pc) =	sbr.rel @p0 .LBB2_43-.Ltmp30, $4  }
0x34e: {  	[tilespmem:s7+$0x2E50] =	vst v5  }
0x34f: {  	[tilespmem:s7+$0x2E60] =	vst v5  }
0x350: {  	[tilespmem:s7+$0x2E70] =	vst v5  }
0x351: {  	s22 =	stileid.u32;
	[tilespmem:s7+$0x2E80] =	vst v5  }
0x352: {  	s6 =	rddreg [dreg:$0x10];
	p0 =	sne.s32 s5, $0x1  }
.Ltmp31:
0x353: {  	s6 =	sadd.s32 s2, s6;
	(pc) =	sbr.rel @!p0 .LBB2_42-.Ltmp31, $4  }
0x354: {  	s7 =	sshrl.u32 s6, $0x3  }
0x355: {  	s2 =	simm.s32 $0x2E00;
	s7 =	sadd.s32 s10, s7  }
0x356: {  	[hbm4b:s7+s4] =	stream.linear.scatter [tilespmem:s2], [sflag:$0x2], $0x80, $0x38;
	[tilespmem:$0x117A8] =	vst v63  }
0x357: {  	s5 =	sadd.s32 $0xFFFFFFFF, s5;
	s7 =	sadd.s32 $0x80, s6;
	_ =	swait.ge [sflag:s23], $0x80  }
.LBB2_41:
0x358: {  	s6 =	sshrl.u32 s7, $0x3  }
0x359: {  	[sflag:s23] =	ssyncset.done $0x0;
	s2 =	sadd.s32 $0x80, s2;
	p0 =	sne.s32 s5, $0x1  }
.Ltmp32:
0x35a: {  	s6 =	sadd.s32 s10, s6;
	[sflag:s23] =	ssyncadd.s32 $0xFFFFFF80;
	(pc) =	sbr.rel @p0 .LBB2_41-.Ltmp32, $3  }
0x35b: {  	[hbm4b:s6+s4] =	stream.linear.scatter [tilespmem:s2], [sflag:$0x2], $0x80, $0x38;
	[tilespmem:$0x117A8] =	vst v63  }
0x35c: {  	s5 =	sadd.s32 $0xFFFFFFFF, s5;
	_ =	sdelay $0x1  }
0x35d: {  	s7 =	sadd.s32 $0x80, s7;
	_ =	swait.ge [sflag:s23], $0x80  }
.LBB2_42:
0x35e: {  	[sflag:s23] =	ssyncset.done $0x0  }
0x35f: {  	[sflag:s23] =	ssyncadd.s32 $0xFFFFFF80  }
.LBB2_43:
0x360: {  	v6 =	vmov s1  }
.Ltmp33:
0x361: {  	s1 =	simm.s32 $0x0;
	s2 =	rddreg [dreg:$0xb];
	[tilespmem:$0x3800] =	vst v6;
	(pc) =	sbr.rel .LBB2_44-.Ltmp33, $4  }
0x362: {  	[hbm4b:s2+s1] =	stream.linear.scatter [tilespmem:s9], [sflag:$0x2], $0x8, $0x38;
	[tilespmem:$0x117A8] =	vst v63  }
0x363: {  	_ =	swait.ge [sflag:s23], $0x8  }
0x364: {  	[sflag:s23] =	ssyncset.done $0x0  }
0x365: {  	s12 =	simm.s32 $0x0;
	s2 =	rddreg [dreg:$0xc];
	[sflag:s23] =	ssyncadd.s32 $0xFFFFFFF8  }
.LBB2_47:
0x366: {  	v7 =	vshra.s32 v6, $0xD  }
0x367: {  	v6 =	vand.u32 $0x1FFF, v6;
	[tilespmem:$0x4080] =	vst v7  }
0x368: {  	[tilespmem:$0x4100] =	vst v6  }
0x369: {  	[tilespmem:s31], [sflag:$0x1] =	stream.indirect.gather [hbm4b:s8+s29], $0x68, s30, s29, $0xb8;
	[tilespmem:$0x117A8] =	vst v63  }
0x36a: {  	_ =	swait.ge [sflag:s25], $0x3400  }
0x36b: {  	[sflag:s25] =	ssyncset.done $0x0  }
0x36c: {  	[sflag:s25] =	ssyncadd.s32 $0xFFFFCC00  }
0x36d: {  	[spmem:s3] =	stream.indirect.scatter.add.f32 [tilespmem:s31], [sflag:$0x2], $0x68, s0, s29, $0xb8;
	[tilespmem:$0x117A8] =	vst v63  }
0x36e: {  	_ =	swait.ge [sflag:s23], $0x3400  }
0x36f: {  	[sflag:s23] =	ssyncset.done $0x0  }
0x370: {  	[sflag:s23] =	ssyncadd.s32 $0xFFFFCC00  }
.LBB2_48:
0x371: {  	s5 =	smul.u32 $0x14500, s5;
	s12 =	sadd.s32 $0x1, s12  }
0x372: {  	p0 =	sne.s32 s12, $0x4  }
.Ltmp34:
0x373: {  	[bflag:$0x0] =	sbarrier.arrive $0xFFFF;
	s5 =	sadd.s32 s18, s5;
	(pc) =	sbr.rel @!p0 .LBB2_49-.Ltmp34, $4  }
0x374: {  	[hbm:s5], [sflag:s13] =	dma.local [spmem:s14], $0x1450  }
0x375: {  	_ =	swait.ge [sflag:s23], $0x1450  }
0x376: {  	[sflag:s23] =	ssyncset.done $0x0  }
0x377: {  	s2 =	sadd.s32 $0x1A0000, s2;
	[sflag:s23] =	ssyncadd.s32 $0xFFFFEBB0  }
.LBB2_44:
0x378: {  	s5 =	sshll.u32 s12, $0x1  }
0x379: {  	s5 =	sor.u32 s24, s5  }
0x37a: {  	s6 =	sshll.u32 s5, $0x4  }
0x37b: {  	s6 =	sadd.s32 s6, s11  }
0x37c: {  	[tilespmem:s28], [sflag:$0x2] =	stream.linear.gather [hbm4b:s6+s1], $0x8, $0x38;
	[tilespmem:$0x117A8] =	vst v63  }
0x37d: {  	_ =	swait.ge [sflag:s23], $0x8  }
0x37e: {  	[sflag:s23] =	ssyncset.done $0x0  }
0x37f: {  	[sflag:s23] =	ssyncadd.s32 $0xFFFFFFF8  }
0x380: {  	v6 =	vld [tilespmem:$0x11798];
	_ =	sdelay $0x4  }
0x381: {  	(v2sf) =	vpush v6, $0x0;
	_ =	sdelay $0xd  }
0x382: {  	s21 =	sshll.u32 s22, $0x6  }
0x383: {  	s14 =	sshrl.u32 s16, $0x3;
	s13 =	sor.u32 $0x1C02, s21;
	s15 =	spop (v2sf)  }
0x384: {  	[spmem:s14], [sflag:s13] =	dma.local [hbm:s26], $0x1450  }
0x385: {  	p0 =	slt.s32 s15, $0x1  }
.Ltmp35:
0x386: {  	_ =	swait.ge [sflag:s23], $0x1450;
	(pc) =	sbr.rel @p0 .LBB2_48-.Ltmp35, $3  }
0x387: {  	[sflag:s23] =	ssyncset.done $0x0  }
0x388: {  	[sflag:s23] =	ssyncadd.s32 $0xFFFFEBB0  }
0x389: {  	[bflag:$0x0] =	sbarrier.arrive $0xFFFF;
	_ =	sdelay $0x1  }
0x38a: {  	s6 =	sand.u32 $0xF, s1  }
0x38b: {  	p0 =	sne.s32 s6, $0x0  }
0x38c: {  	s7 =	sshrl.u32 @!p0 s2, $0x3;
	s9 =	simm.s32 @!p0 $0x3810  }
0x38d: {  	s17 =	simm.s32 @!p0 $0x2;
	s19 =	simm.s32 @!p0 $0x0;
	s7 =	sadd.s32 @!p0 s10, s7  }
0x38e: {  	[tilespmem:s9], [sflag:$0x2] =	stream.linear.gather @!p0 [hbm4b:s7+s19], $0x800, $0x38;
	[tilespmem:$0x117A8] =	vst v63  }
0x38f: {  	_ =	swait.ge @!p0 [sflag:s17], $0x800  }
0x390: {  	[sflag:s17] =	ssyncset.done @!p0 $0x0  }
0x391: {  	s6 =	sshll.u32 s6, $0x7;
	[sflag:s17] =	ssyncadd.s32 @!p0 $0xFFFFF800  }
0x392: {  	v6 =	vld [tilespmem:s6+$0x3810];
	_ =	sdelay $0x4  }
0x393: {  	v7 =	vand.u32 $0x1FFF, v6  }
0x394: {  	v6 =	vshra.s32 v6, $0xD;
	[tilespmem:$0x4090] =	vst v7  }
0x395: {  	[tilespmem:$0x4010] =	vst v6  }
0x396: {  	v6 =	vld [tilespmem:s6+$0x3820];
	_ =	sdelay $0x4  }
0x397: {  	v7 =	vshra.s32 v6, $0xD  }
0x398: {  	v6 =	vand.u32 $0x1FFF, v6;
	[tilespmem:$0x4020] =	vst v7  }
0x399: {  	[tilespmem:$0x40A0] =	vst v6  }
0x39a: {  	v6 =	vld [tilespmem:s6+$0x3830];
	_ =	sdelay $0x4  }
0x39b: {  	v7 =	vshra.s32 v6, $0xD  }
0x39c: {  	v6 =	vand.u32 $0x1FFF, v6;
	[tilespmem:$0x4030] =	vst v7  }
0x39d: {  	[tilespmem:$0x40B0] =	vst v6  }
0x39e: {  	v6 =	vld [tilespmem:s6+$0x3840];
	_ =	sdelay $0x4  }
0x39f: {  	v7 =	vshra.s32 v6, $0xD  }
0x3a0: {  	v6 =	vand.u32 $0x1FFF, v6;
	[tilespmem:$0x4040] =	vst v7  }
0x3a1: {  	[tilespmem:$0x40C0] =	vst v6  }
0x3a2: {  	v6 =	vld [tilespmem:s6+$0x3850];
	_ =	sdelay $0x4  }
0x3a3: {  	v7 =	vshra.s32 v6, $0xD  }
0x3a4: {  	v6 =	vand.u32 $0x1FFF, v6;
	[tilespmem:$0x4050] =	vst v7  }
0x3a5: {  	[tilespmem:$0x40D0] =	vst v6  }
0x3a6: {  	v6 =	vld [tilespmem:s6+$0x3860];
	_ =	sdelay $0x4  }
0x3a7: {  	v7 =	vshra.s32 v6, $0xD  }
0x3a8: {  	v6 =	vand.u32 $0x1FFF, v6;
	[tilespmem:$0x4060] =	vst v7  }
0x3a9: {  	[tilespmem:$0x40E0] =	vst v6  }
0x3aa: {  	v6 =	vld [tilespmem:s6+$0x3870];
	_ =	sdelay $0x4  }
0x3ab: {  	v7 =	vshra.s32 v6, $0xD  }
0x3ac: {  	v6 =	vand.u32 $0x1FFF, v6;
	[tilespmem:$0x4070] =	vst v7  }
0x3ad: {  	p0 =	sne.s32 s15, $0x1;
	[tilespmem:$0x40F0] =	vst v6  }
.Ltmp36:
0x3ae: {  	v6 =	vld [tilespmem:s6+$0x3880];
	(pc) =	sbr.rel @!p0 .LBB2_47-.Ltmp36, $2  }
0x3af: {  	_ =	sdelay $0x2  }
0x3b0: {  	s19 =	smov.u32 s2;
	s17 =	simm.s32 $0x1  }
.LBB2_46:
0x3b1: {  	s19 =	sadd.s32 $0x80, s19;
	s6 =	smov.u32 s17;
	s17 =	sadd.s32 $0x1, s17  }
0x3b2: {  	p0 =	sne.s32 s15, s17  }
0x3b3: {  	v7 =	vshra.s32 v6, $0xD;
	v6 =	vand.u32 $0x1FFF, v6  }
0x3b4: {  	[tilespmem:$0x4080] =	vst v7  }
0x3b5: {  	s6 =	sand.u32 $0xF, s6;
	[tilespmem:$0x4100] =	vst v6  }
0x3b6: {  	[tilespmem:s31], [sflag:$0x1] =	stream.indirect.gather [hbm4b:s8+s29], $0x68, s30, s29, $0xb8;
	[tilespmem:$0x117A8] =	vst v63  }
0x3b7: {  	p1 =	sne.s32 s6, $0x0;
	_ =	swait.ge [sflag:s25], $0x3400  }
0x3b8: {  	s7 =	sshrl.u32 @!p1 s19, $0x3;
	[sflag:s25] =	ssyncset.done $0x0  }
0x3b9: {  	s7 =	sadd.s32 @!p1 s10, s7;
	[sflag:s25] =	ssyncadd.s32 $0xFFFFCC00  }
0x3ba: {  	[spmem:s3] =	stream.indirect.scatter.add.f32 [tilespmem:s31], [sflag:$0x2], $0x68, s0, s29, $0xb8;
	[tilespmem:$0x117A8] =	vst v63  }
0x3bb: {  	s9 =	simm.s32 @!p1 $0x3810;
	s20 =	simm.s32 @!p1 $0x2;
	_ =	swait.ge [sflag:s23], $0x3400  }
0x3bc: {  	s21 =	simm.s32 @!p1 $0x0;
	[sflag:s23] =	ssyncset.done $0x0  }
0x3bd: {  	[sflag:s23] =	ssyncadd.s32 $0xFFFFCC00  }
0x3be: {  	[tilespmem:s9], [sflag:$0x2] =	stream.linear.gather @!p1 [hbm4b:s7+s21], $0x800, $0x38;
	[tilespmem:$0x117A8] =	vst v63  }
0x3bf: {  	_ =	swait.ge @!p1 [sflag:s20], $0x800  }
0x3c0: {  	[sflag:s20] =	ssyncset.done @!p1 $0x0  }
0x3c1: {  	[sflag:s20] =	ssyncadd.s32 @!p1 $0xFFFFF800;
	s20 =	sshll.u32 s6, $0x7  }
0x3c2: {  	v6 =	vld [tilespmem:s20+$0x3810];
	_ =	sdelay $0x4  }
0x3c3: {  	v7 =	vshra.s32 v6, $0xD;
	v6 =	vand.u32 $0x1FFF, v6  }
0x3c4: {  	[tilespmem:$0x4090] =	vst v6  }
0x3c5: {  	[tilespmem:$0x4010] =	vst v7  }
0x3c6: {  	v6 =	vld [tilespmem:s20+$0x3820];
	_ =	sdelay $0x4  }
0x3c7: {  	v7 =	vshra.s32 v6, $0xD;
	v6 =	vand.u32 $0x1FFF, v6  }
0x3c8: {  	[tilespmem:$0x4020] =	vst v7  }
0x3c9: {  	[tilespmem:$0x40A0] =	vst v6  }
0x3ca: {  	v6 =	vld [tilespmem:s20+$0x3830];
	_ =	sdelay $0x4  }
0x3cb: {  	v7 =	vshra.s32 v6, $0xD;
	v6 =	vand.u32 $0x1FFF, v6  }
0x3cc: {  	[tilespmem:$0x4030] =	vst v7  }
0x3cd: {  	[tilespmem:$0x40B0] =	vst v6  }
0x3ce: {  	v6 =	vld [tilespmem:s20+$0x3840];
	_ =	sdelay $0x4  }
0x3cf: {  	v7 =	vshra.s32 v6, $0xD;
	v6 =	vand.u32 $0x1FFF, v6  }
0x3d0: {  	[tilespmem:$0x4040] =	vst v7  }
0x3d1: {  	[tilespmem:$0x40C0] =	vst v6  }
0x3d2: {  	v6 =	vld [tilespmem:s20+$0x3850];
	_ =	sdelay $0x4  }
0x3d3: {  	v7 =	vshra.s32 v6, $0xD;
	v6 =	vand.u32 $0x1FFF, v6  }
0x3d4: {  	[tilespmem:$0x4050] =	vst v7  }
0x3d5: {  	[tilespmem:$0x40D0] =	vst v6  }
0x3d6: {  	v6 =	vld [tilespmem:s20+$0x3860];
	_ =	sdelay $0x4  }
0x3d7: {  	v7 =	vshra.s32 v6, $0xD;
	v6 =	vand.u32 $0x1FFF, v6  }
0x3d8: {  	[tilespmem:$0x4060] =	vst v7  }
0x3d9: {  	[tilespmem:$0x40E0] =	vst v6  }
0x3da: {  	v6 =	vld [tilespmem:s20+$0x3870];
	_ =	sdelay $0x3  }
.Ltmp37:
0x3db: {  	(pc) =	sbr.rel @p0 .LBB2_46-.Ltmp37, $4  }
0x3dc: {  	v7 =	vshra.s32 v6, $0xD;
	v6 =	vand.u32 $0x1FFF, v6  }
0x3dd: {  	[tilespmem:$0x4070] =	vst v7  }
0x3de: {  	[tilespmem:$0x40F0] =	vst v6  }
0x3df: {  	v6 =	vld [tilespmem:s20+$0x3880]  }
.Ltmp38:
0x3e0: {  	_ = 	snop;
	(pc) =	sbr.rel .LBB2_47-.Ltmp38, $1  }
0x3e1: {  	_ =	sdelay $0x3  }
.LBB2_50:
0x3e2: {  	_ =	sfence.sel $0x180000  }
0x3e3: {  	[bflag:$0x0] =	sbarrier.arrive $0xFFFF  }
0x3e4: {  	_ =	strace $0x90000047  }
0x3e5: {  	[bflag:$0x2] =	sbarrier.arrive $0xFFFF  }
0x3e6: {  	p0 =	sne.s32 s22, $0x0;
	s0 =	rddreg [dreg:$0x3]  }
0x3e7: {  	s0 =	sadd.s32 @!p0 $0x100000, s0  }
0x3e8: {  	[sflag:s0] =	ssyncadd.tile.s32 @!p0 $0x1;
	_ =	shalt  }
.Lfunc_end2:
_tile_overlayer_lowered:
.L_overlay_start_2:
0x3e9: {  	(tag) =	ssettag $0x2  }
0x3ea: {  	s0 =	rddreg [dreg:$0x0];
	s2 =	stileid.u32  }
0x3eb: {  	s1 =	rddreg [dreg:$0x1];
	p0 =	sne.s32 s2, $0x0  }
0x3ec: {  	s3 =	rddreg [dreg:$0x2];
	[bflag:$0x3] =	sbarrier.arrive $0xFFFF;
	s2 =	simm.s32 @!p0 $0x1C02  }
0x3ed: {  	[timem:s3], [sflag:s2] =	dma.local @!p0 [hbm:s0], s1  }
0x3ee: {  	s0 =	simm.s32 @!p0 $0x2  }
0x3ef: {  	_ =	swait.ge @!p0 [sflag:s0], s1  }
0x3f0: {  	s1 =	ssub.s32 @!p0 $0x0, s1;
	[sflag:s0] =	ssyncset.done @!p0 $0x0  }
0x3f1: {  	[sflag:s0] =	ssyncadd.s32 @!p0 s1  }
0x3f2: {  	[bflag:$0x3] =	sbarrier.arrive $0xFFFF  }
0x3f3: {  	_ =	shalt  }

</sc_bundles>
